<compile_context>
chip_gen: v7x
topology: tpu7x:2x2x1
jax: 0.10.2.dev20260603
libtpu: 0.0.44.dev20260713+nightly
codegen_flags: <defaults>
</compile_context>

<pallas_src>
import functools

import jax
import jax.numpy as jnp
from jax import lax
from jax.experimental import pallas as pl
from jax.experimental.pallas import tpu as pltpu
from jax.experimental.pallas import tpu_sc as plsc

N_NODES = 100000
N_EDGES = 3200000

NC, NS = 2, 16
NW = NC * NS
CH = 1024
SUB = CH // 128
NCHUNK_G = 98
E_PAD = NW * NCHUNK_G * CH
EW_G = E_PAD // NW
EW_S = E_PAD // NS
CHS = 256
SUBS = CHS // 128
NCHUNK_S = EW_S // CHS

HALFA = 50048
ROWS_T = 3128
TRASH = HALFA
TROWS = HALFA + 8
N_OUTPAD = NC * HALFA
EB = 2048
NSLICE = 2

def _gather_body(nchunk, tbl, src2, dst2, gs_out, gd_out, sidx_v, didx_v,
                 gs_v, gd_v, sem):
    wid = lax.axis_index("s") * NC + lax.axis_index("c")
    ew = nchunk * CH
    row0 = wid * (ew // 128)
    e0w = wid * ew

    def chunk(ci, carry):
        r0 = row0 + ci * SUB
        pltpu.sync_copy(src2.at[pl.ds(r0, SUB)], sidx_v)
        pltpu.sync_copy(dst2.at[pl.ds(r0, SUB)], didx_v)
        descs = []
        for j in range(SUB):
            descs.append(pltpu.async_copy(
                tbl.at[sidx_v.at[j]], gs_v.at[pl.ds(j * 128, 128)], sem))
            descs.append(pltpu.async_copy(
                tbl.at[didx_v.at[j]], gd_v.at[pl.ds(j * 128, 128)], sem))
        for d in descs:
            d.wait()
        e0 = e0w + ci * CH
        pltpu.sync_copy(gs_v, gs_out.at[pl.ds(e0, CH)])
        pltpu.sync_copy(gd_v, gd_out.at[pl.ds(e0, CH)])
        return carry

    lax.fori_loop(0, nchunk, chunk, 0)


@functools.cache
def _gather_call(e_pad):
    nchunk = e_pad // (NW * CH)
    return pl.kernel(
        functools.partial(_gather_body, nchunk),
        out_type=[jax.ShapeDtypeStruct((e_pad, 32), jnp.float32),
                  jax.ShapeDtypeStruct((e_pad, 32), jnp.float32)],
        mesh=plsc.VectorSubcoreMesh(core_axis_name="c", subcore_axis_name="s"),
        scratch_types=[pltpu.VMEM((SUB, 128), jnp.int32),
                       pltpu.VMEM((SUB, 128), jnp.int32),
                       pltpu.VMEM((CH, 32), jnp.float32),
                       pltpu.VMEM((CH, 32), jnp.float32),
                       pltpu.SemaphoreType.DMA],
        compiler_params=pltpu.CompilerParams(use_tc_tiling_on_sc=False),
    )


def _scatter_body(nchunk_s, msg, dst2, init, out, didx_a, didx_b, lidx_a,
                  lidx_b, msg_a, msg_b, acc_sh, sem_ca, sem_cb, sem_sa,
                  sem_sb):
    c = lax.axis_index("c")
    s = lax.axis_index("s")
    node_base = c * HALFA
    r0 = s * ROWS_T
    pltpu.sync_copy(init.at[pl.ds(node_base + r0, ROWS_T)],
                    acc_sh.at[pl.ds(r0, ROWS_T)])
    plsc.subcore_barrier()
    e_base = s * nchunk_s * CHS

    def start_copies(ci, didx, msgv, sem):
        e0 = e_base + ci * CHS
        pltpu.async_copy(dst2.at[pl.ds(e0 // 128, SUBS)], didx, sem)
        pltpu.async_copy(msg.at[pl.ds(e0, CHS)], msgv, sem)

    def wait_copies(ci, didx, msgv, sem):
        e0 = e_base + ci * CHS
        pltpu.make_async_copy(
            dst2.at[pl.ds(e0 // 128, SUBS)], didx, sem).wait()
        pltpu.make_async_copy(msg.at[pl.ds(e0, CHS)], msgv, sem).wait()

    def process(didx, lidx, msgv, sem_s):
        for j in range(SUBS):
            for k in range(8):
                d = didx[j, pl.ds(k * 16, 16)]
                inr = (d >= node_base) & (d < node_base + HALFA)
                lidx[j, pl.ds(k * 16, 16)] = jnp.where(
                    inr, d - node_base, TRASH)
        descs = [pltpu.async_copy(msgv.at[pl.ds(j * 128, 128)],
                                  acc_sh.at[lidx.at[j]], sem_s, add=True)
                 for j in range(SUBS)]
        for dd in descs:
            dd.wait()

    start_copies(0, didx_a, msg_a, sem_ca)

    def pair(k, carry):
        ca = 2 * k
        start_copies(ca + 1, didx_b, msg_b, sem_cb)
        wait_copies(ca, didx_a, msg_a, sem_ca)
        process(didx_a, lidx_a, msg_a, sem_sa)

        @pl.when(ca + 2 < nchunk_s)
        def _():
            start_copies(ca + 2, didx_a, msg_a, sem_ca)

        wait_copies(ca + 1, didx_b, msg_b, sem_cb)
        process(didx_b, lidx_b, msg_b, sem_sb)
        return carry

    lax.fori_loop(0, nchunk_s // 2, pair, 0)
    plsc.subcore_barrier()
    pltpu.sync_copy(acc_sh.at[pl.ds(r0, ROWS_T)],
                    out.at[pl.ds(node_base + r0, ROWS_T)])


@functools.cache
def _scatter_call(e_pad):
    nchunk_s = e_pad // (NS * CHS)
    return pl.kernel(
        functools.partial(_scatter_body, nchunk_s),
        out_type=jax.ShapeDtypeStruct((N_OUTPAD, 32), jnp.float32),
        mesh=plsc.VectorSubcoreMesh(core_axis_name="c", subcore_axis_name="s"),
        scratch_types=[pltpu.VMEM((SUBS, 128), jnp.int32),
                       pltpu.VMEM((SUBS, 128), jnp.int32),
                       pltpu.VMEM((SUBS, 128), jnp.int32),
                       pltpu.VMEM((SUBS, 128), jnp.int32),
                       pltpu.VMEM((CHS, 32), jnp.float32),
                       pltpu.VMEM((CHS, 32), jnp.float32),
                       pltpu.VMEM_SHARED((TROWS, 32), jnp.float32),
                       pltpu.SemaphoreType.DMA,
                       pltpu.SemaphoreType.DMA,
                       pltpu.SemaphoreType.DMA,
                       pltpu.SemaphoreType.DMA],
        compiler_params=pltpu.CompilerParams(use_tc_tiling_on_sc=False),
    )


def _mlp_body(gs_ref, gd_ref, w1st_ref, w1dt_ref, ub_ref, b2r_ref, w2c_ref,
              out_ref):
    f = jnp.float32
    gst = gs_ref[...].T
    gdt = gd_ref[...].T
    t3 = (jnp.dot(w1st_ref[...], gst, preferred_element_type=f)
          + jnp.dot(w1dt_ref[...], gdt, preferred_element_type=f))
    dx = gst[24:25] - gdt[24:25]
    dy = gst[25:26] - gdt[25:26]
    c2b = gst[26:27]
    s2b = gst[27:28]
    c2a = gdt[26:27]
    s2a = gdt[27:28]
    r2 = dx * dx + dy * dy
    dist = jnp.sqrt(r2) + 1e-6
    ok = r2 > 0.0
    inv = jnp.where(ok, 1.0 / jnp.where(ok, r2, 1.0), 0.0)
    c2p = jnp.where(ok, (dx * dx - dy * dy) * inv, 1.0)
    s2p = jnp.where(ok, (2.0 * dx * dy) * inv, 0.0)
    crot = c2b * c2a + s2b * s2a
    srot = s2b * c2a - c2b * s2a
    gcos = c2p * c2a + s2p * s2a
    gsin = s2p * c2a - c2p * s2a
    ub = ub_ref[...]
    h1 = (t3[0:32] + crot * t3[32:64] + srot * t3[64:96]
          + dist * ub[:, 0:1] + gcos * ub[:, 1:2] + gsin * ub[:, 2:3]
          + ub[:, 3:4])
    z = h1 * jax.nn.sigmoid(h1)
    raw = lax.dot_general(z, w2c_ref[...], (((0,), (0,)), ((), ())),
                          preferred_element_type=f)
    out_ref[...] = raw + b2r_ref[0:1]


def _mlp_call(gs, gd, w1st, w1dt, ub, b2r, w2c):
    e = gs.shape[0]
    grid = (e // EB,)
    return pl.pallas_call(
        _mlp_body,
        grid=grid,
        in_specs=[
            pl.BlockSpec((EB, 32), lambda i: (i, 0)),
            pl.BlockSpec((EB, 32), lambda i: (i, 0)),
            pl.BlockSpec((96, 32), lambda i: (0, 0)),
            pl.BlockSpec((96, 32), lambda i: (0, 0)),
            pl.BlockSpec((32, 128), lambda i: (0, 0)),
            pl.BlockSpec((8, 32), lambda i: (0, 0)),
            pl.BlockSpec((32, 32), lambda i: (0, 0)),
        ],
        out_specs=pl.BlockSpec((EB, 32), lambda i: (i, 0)),
        out_shape=jax.ShapeDtypeStruct((e, 32), jnp.float32),
        compiler_params=pltpu.CompilerParams(
            dimension_semantics=("arbitrary",)),
    )(gs, gd, w1st, w1dt, ub, b2r, w2c)


def _tbl_body(hs_ref, hv_ref, pos_ref, ori_ref, out_ref):
    two_o = 2.0 * ori_ref[...]
    out_ref[...] = jnp.concatenate(
        [hs_ref[...], hv_ref[...], pos_ref[...], jnp.cos(two_o),
         jnp.sin(two_o),
         jnp.zeros((ori_ref.shape[0], 4), jnp.float32)], axis=1)


def _tbl_call(hs, hv, pos, ori):
    n = hs.shape[0]
    bn = 1000
    return pl.pallas_call(
        _tbl_body,
        grid=(n // bn,),
        in_specs=[
            pl.BlockSpec((bn, 16), lambda i: (i, 0)),
            pl.BlockSpec((bn, 8), lambda i: (i, 0)),
            pl.BlockSpec((bn, 2), lambda i: (i, 0)),
            pl.BlockSpec((bn, 1), lambda i: (i, 0)),
        ],
        out_specs=pl.BlockSpec((bn, 32), lambda i: (i, 0)),
        out_shape=jax.ShapeDtypeStruct((n, 32), jnp.float32),
        compiler_params=pltpu.CompilerParams(
            dimension_semantics=("arbitrary",)),
    )(hs, hv, pos, ori)


def _prep_weights(W1, b1, W2, b2):
    f = jnp.float32
    w1st = jnp.zeros((96, 32), f)
    w1st = w1st.at[0:24, 0:16].set(W1[0:16].T)
    w1st = w1st.at[32:56, 16:24].set(W1[32:40].T)
    wv = W1[32:40].reshape(4, 2, 24)
    wq = jnp.stack([wv[:, 1, :], -wv[:, 0, :]], axis=1).reshape(8, 24)
    w1st = w1st.at[64:88, 16:24].set(wq.T)
    w1dt = jnp.zeros((96, 32), f)
    w1dt = w1dt.at[0:24, 0:16].set(W1[16:32].T)
    ub = jnp.zeros((32, 128), f)
    ub = ub.at[0:24, 0].set(W1[40])
    ub = ub.at[0:24, 1].set(W1[41])
    ub = ub.at[0:24, 2].set(W1[42])
    ub = ub.at[0:24, 3].set(b1)
    b2r = jnp.zeros((8, 32), f)
    b2r = b2r.at[0, 0:24].set(b2)
    w2c = jnp.zeros((32, 32), f)
    w2c = w2c.at[0:24, 0:24].set(W2)
    return w1st, w1dt, ub, b2r, w2c


def kernel(h_scalar, h_vector, edge_index, pos, orientation, W1, b1, W2, b2):
    n = h_scalar.shape[0]
    e = edge_index.shape[1]
    f = jnp.float32
    tbl = _tbl_call(h_scalar, h_vector, pos, orientation)
    src = edge_index[0]
    dst = edge_index[1]
    npad = E_PAD - e
    src_p = jnp.concatenate([src, jnp.zeros((npad,), jnp.int32)])
    dst_g = jnp.concatenate([dst, jnp.zeros((npad,), jnp.int32)])
    dst_s = jnp.concatenate([dst, jnp.full((npad,), 2_000_000, jnp.int32)])
    src2 = src_p.reshape(-1, 128)
    dstg2 = dst_g.reshape(-1, 128)
    dsts2 = dst_s.reshape(-1, 128)

    w1st, w1dt, ub, b2r, w2c = _prep_weights(W1, b1, W2, b2)
    init = jnp.concatenate([h_scalar, h_vector, jnp.zeros((n, 8), f)], axis=1)
    out32 = jnp.concatenate(
        [init, jnp.zeros((N_OUTPAD - n, 32), f)], axis=0)

    nsl = E_PAD // NSLICE
    rsl = nsl // 128
    msgs = []
    for k in range(NSLICE):
        gs, gd = _gather_call(nsl)(tbl, src2[k * rsl:(k + 1) * rsl],
                                   dstg2[k * rsl:(k + 1) * rsl])
        msgs.append(_mlp_call(gs, gd, w1st, w1dt, ub, b2r, w2c))
    for k in range(NSLICE):
        out32 = _scatter_call(nsl)(msgs[k], dsts2[k * rsl:(k + 1) * rsl],
                                   out32)
    return (out32[:n, 0:16], out32[:n, 16:24])

# --- scband reference (transcript-rebuilt; emitter-appended) ---
"""Pipeline reference for scband-sparse-local-frame-layer-18399639896488 (READ-ONLY COPY).

The authoritative reference and input builder live on the scoring server;
editing this copy changes nothing except your own understanding.
"""

import jax, jax.numpy as jnp
import numpy as np

SCALAR_DIM = 16
VECTOR_DIM = 8
SPIN = 2
N_NODES = 100000
N_EDGES = 3200000


def setup_inputs(seed: int = 0) -> dict:
    key = jax.random.key(seed)
    ks = jax.random.split(key, 9)
    h_scalar = jax.random.normal(ks[0], (N_NODES, SCALAR_DIM), dtype=jnp.float32)
    h_vector = jax.random.normal(ks[1], (N_NODES, VECTOR_DIM), dtype=jnp.float32)
    edge_index = jax.random.randint(ks[2], (2, N_EDGES), 0, N_NODES, dtype=jnp.int32)
    pos = jax.random.normal(ks[3], (N_NODES, 2), dtype=jnp.float32) * 10.0
    orientation = jax.random.uniform(ks[4], (N_NODES, 1), dtype=jnp.float32, minval=-np.pi, maxval=np.pi)
    in_dim = 2 * SCALAR_DIM + VECTOR_DIM + 3
    hid = SCALAR_DIM + VECTOR_DIM
    W1 = jax.random.normal(ks[5], (in_dim, hid), dtype=jnp.float32) / np.sqrt(in_dim)
    b1 = jnp.zeros((hid,), dtype=jnp.float32)
    W2 = jax.random.normal(ks[6], (hid, hid), dtype=jnp.float32) / np.sqrt(hid)
    b2 = jnp.zeros((hid,), dtype=jnp.float32)
    return {"h_scalar": h_scalar, "h_vector": h_vector, "edge_index": edge_index, "pos": pos, "orientation": orientation, "W1": W1, "b1": b1, "W2": W2, "b2": b2}


def reference(h_scalar, h_vector, edge_index, pos, orientation, W1, b1, W2, b2):
    src = edge_index[0]
    dst = edge_index[1]
    delta_pos = pos[src] - pos[dst]
    dist = jnp.linalg.norm(delta_pos, axis=1, keepdims=True) + 1e-06
    phi_global = jnp.arctan2(delta_pos[:, 1], delta_pos[:, 0])
    alpha_i = orientation[dst].squeeze(-1)
    delta_phi = phi_global - alpha_i
    geo_feat = jnp.concatenate([dist, jnp.cos(SPIN * delta_phi)[:, None], jnp.sin(SPIN * delta_phi)[:, None]], axis=-1)
    beta_j = orientation[src].squeeze(-1)
    rot_angle = (beta_j - alpha_i) * SPIN
    c = jnp.cos(rot_angle)
    s = jnp.sin(rot_angle)
    row1 = jnp.stack([c, -s], axis=-1)
    row2 = jnp.stack([s, c], axis=-1)
    R = jnp.stack([row1, row2], axis=-2)  # [E, 2, 2]
    v_j = h_vector[src]
    num_vecs = VECTOR_DIM // 2
    v_j_reshaped = v_j.reshape(-1, num_vecs, 2)[..., None]  # [E, num_vecs, 2, 1]
    v_j_rot = jnp.matmul(R[:, None], v_j_reshaped)  # [E, num_vecs, 2, 1]
    v_j_rot = v_j_rot.reshape(-1, VECTOR_DIM)
    msg_input = jnp.concatenate([h_scalar[src], h_scalar[dst], v_j_rot, geo_feat], axis=-1)
    h = msg_input @ W1 + b1
    h = h * jax.nn.sigmoid(h)  # SiLU
    raw_msg = h @ W2 + b2
    msg_scalar = raw_msg[:, :SCALAR_DIM]
    msg_vector = raw_msg[:, SCALAR_DIM:]
    out_scalar = jnp.zeros_like(h_scalar).at[dst].add(msg_scalar)
    out_vector = jnp.zeros_like(h_vector).at[dst].add(msg_vector)
    return (h_scalar + out_scalar, h_vector + out_vector)

if __name__ == "__main__":
    import jax
    _d = setup_inputs()
    print(jax.jit(kernel)(*tuple(_d.values())))

</pallas_src>

<mosaic_0001>
#map = affine_map<(d0, d1) -> (0, 0)>
module attributes {stable_mosaic.version = 14 : i64} {
  func.func @_scatter_body(%arg0: i32, %arg1: i32, %arg2: memref<1605632x32xf32, #tpu.memory_space<hbm>>, %arg3: memref<12544x128xi32, #tpu.memory_space<hbm>>, %arg4: memref<100096x32xf32, #tpu.memory_space<hbm>>, %arg5: memref<100096x32xf32, #tpu.memory_space<hbm>>, %arg6: memref<2x128xi32, #tpu.memory_space<vmem>>, %arg7: memref<2x128xi32, #tpu.memory_space<vmem>>, %arg8: memref<2x128xi32, #tpu.memory_space<vmem>>, %arg9: memref<2x128xi32, #tpu.memory_space<vmem>>, %arg10: memref<256x32xf32, #tpu.memory_space<vmem>>, %arg11: memref<256x32xf32, #tpu.memory_space<vmem>>, %arg12: memref<50056x32xf32, #tpu.memory_space<vmem_shared>>, %arg13: memref<!tpu.dma_semaphore, #tpu.memory_space<semaphore_mem>>, %arg14: memref<!tpu.dma_semaphore, #tpu.memory_space<semaphore_mem>>, %arg15: memref<!tpu.dma_semaphore, #tpu.memory_space<semaphore_mem>>, %arg16: memref<!tpu.dma_semaphore, #tpu.memory_space<semaphore_mem>>) attributes {dimension_semantics = [#tpu.dimension_semantics<core_parallel>, #tpu.dimension_semantics<subcore_parallel>], iteration_bounds = array<i64: 2, 16>, scalar_prefetch = 0 : i64, scratch_operands = 11 : i64, tpu.core_type = #tpu.core_type<sc_vector_subcore>, window_params = [{transform_indices = #map}, {transform_indices = #map}, {transform_indices = #map}, {transform_indices = #map}]} {
    %mul3A = arith.constant 50048 : i32
    %mul3A_0 = arith.muli %arg0, %mul3A : i32
    %mul3A_1 = arith.constant 3128 : i32
    %mul3A_2 = arith.muli %arg1, %mul3A_1 : i32
    %add3A = arith.addi %mul3A_0, %mul3A_2 : i32
    "tpu.region"() ({
      %run_scoped3A = tpu.sem_alloc : memref<!tpu.dma_semaphore, #tpu.memory_space<semaphore_mem>>
      %dma_start3A_39 = arith.constant 0 : i32
      %dma_start3A_40 = tpu.memref_slice %arg12[%mul3A_2, %dma_start3A_39] : memref<50056x32xf32, #tpu.memory_space<vmem_shared>> -> memref<3128x32xf32, #tpu.memory_space<vmem_shared>>
      %dma_start3A_41 = arith.constant 0 : i32
      %dma_start3A_42 = tpu.memref_slice %arg4[%add3A, %dma_start3A_41] : memref<100096x32xf32, #tpu.memory_space<hbm>> -> memref<3128x32xf32, #tpu.memory_space<hbm>>
      tpu.enqueue_dma source(%dma_start3A_42 : memref<3128x32xf32, #tpu.memory_space<hbm>>) target(%dma_start3A_40 : memref<3128x32xf32, #tpu.memory_space<vmem_shared>>) target_semaphore(%run_scoped3A : memref<!tpu.dma_semaphore, #tpu.memory_space<semaphore_mem>>)
      %dma_wait3A = arith.constant 0 : i32
      %dma_wait3A_43 = tpu.memref_slice %arg12[%mul3A_2, %dma_wait3A] : memref<50056x32xf32, #tpu.memory_space<vmem_shared>> -> memref<3128x32xf32, #tpu.memory_space<vmem_shared>>
      %dma_wait3A_44 = arith.constant 0 : i32
      %dma_wait3A_45 = tpu.memref_slice %arg4[%add3A, %dma_wait3A_44] : memref<100096x32xf32, #tpu.memory_space<hbm>> -> memref<3128x32xf32, #tpu.memory_space<hbm>>
      tpu.wait_dma2 semaphore(%run_scoped3A : memref<!tpu.dma_semaphore, #tpu.memory_space<semaphore_mem>>) src(%dma_wait3A_45 : memref<3128x32xf32, #tpu.memory_space<hbm>>) dst(%dma_wait3A_43 : memref<3128x32xf32, #tpu.memory_space<vmem_shared>>)
      tpu.yield
    }) : () -> ()
    %barrier3A = arith.constant 0 : index
    tpu.barrier barrier_id(%barrier3A)
    %mul3A_3 = arith.constant 392 : i32
    %mul3A_4 = arith.muli %arg1, %mul3A_3 : i32
    %mul3A_5 = arith.constant 256 : i32
    %mul3A_6 = arith.muli %mul3A_4, %mul3A_5 : i32
    %add3A_7 = arith.constant 0 : i32
    %add3A_8 = arith.addi %mul3A_6, %add3A_7 : i32
    %jit3A = arith.constant 128 : i32
    %div3A = arith.divsi %add3A_8, %jit3A : i32
    %sign3A = arith.constant 0 : i32
    %sign3A_9 = arith.cmpi sgt, %add3A_8, %sign3A : i32
    %sign3A_10 = arith.extui %sign3A_9 : i1 to i32
    %sign3A_11 = arith.constant 0 : i32
    %sign3A_12 = arith.cmpi slt, %add3A_8, %sign3A_11 : i32
    %sign3A_13 = arith.extui %sign3A_12 : i1 to i32
    %sign3A_14 = arith.subi %sign3A_10, %sign3A_13 : i32
    %sign3A_15 = arith.constant 0 : i32
    %sign3A_16 = arith.cmpi sgt, %jit3A, %sign3A_15 : i32
    %sign3A_17 = arith.extui %sign3A_16 : i1 to i32
    %sign3A_18 = arith.constant 0 : i32
    %sign3A_19 = arith.cmpi slt, %jit3A, %sign3A_18 : i32
    %sign3A_20 = arith.extui %sign3A_19 : i1 to i32
    %sign3A_21 = arith.subi %sign3A_17, %sign3A_20 : i32
    %ne3A = arith.cmpi ne, %sign3A_14, %sign3A_21 : i32
    %rem3A = arith.remsi %add3A_8, %jit3A : i32
    %ne3A_22 = arith.constant 0 : i32
    %ne3A_23 = arith.cmpi ne, %rem3A, %ne3A_22 : i32
    %and3A = arith.andi %ne3A, %ne3A_23 : i1
    %sub3A = arith.constant 1 : i32
    %sub3A_24 = arith.subi %div3A, %sub3A : i32
    %select_n3A = arith.select %and3A, %sub3A_24, %div3A : i32
    %dma_start3A = arith.constant 0 : i32
    %dma_start3A_25 = tpu.memref_slice %arg3[%select_n3A, %dma_start3A] : memref<12544x128xi32, #tpu.memory_space<hbm>> -> memref<2x128xi32, #tpu.memory_space<hbm>>
    %dma_start3A_26 = arith.constant 0 : i32
    %dma_start3A_27 = tpu.memref_slice %arg3[%select_n3A, %dma_start3A_26] : memref<12544x128xi32, #tpu.memory_space<hbm>> -> memref<2x128xi32, #tpu.memory_space<hbm>>
    tpu.enqueue_dma source(%dma_start3A_27 : memref<2x128xi32, #tpu.memory_space<hbm>>) target(%arg6 : memref<2x128xi32, #tpu.memory_space<vmem>>) target_semaphore(%arg13 : memref<!tpu.dma_semaphore, #tpu.memory_space<semaphore_mem>>)
    %dma_start3A_28 = arith.constant 0 : i32
    %dma_start3A_29 = tpu.memref_slice %arg2[%add3A_8, %dma_start3A_28] : memref<1605632x32xf32, #tpu.memory_space<hbm>> -> memref<256x32xf32, #tpu.memory_space<hbm>>
    %dma_start3A_30 = arith.constant 0 : i32
    %dma_start3A_31 = tpu.memref_slice %arg2[%add3A_8, %dma_start3A_30] : memref<1605632x32xf32, #tpu.memory_space<hbm>> -> memref<256x32xf32, #tpu.memory_space<hbm>>
    tpu.enqueue_dma source(%dma_start3A_31 : memref<256x32xf32, #tpu.memory_space<hbm>>) target(%arg10 : memref<256x32xf32, #tpu.memory_space<vmem>>) target_semaphore(%arg13 : memref<!tpu.dma_semaphore, #tpu.memory_space<semaphore_mem>>)
    %scan3A = arith.constant 0 : i32
    %scan3A_32 = arith.constant 0 : i32
    %scan3A_33 = arith.constant 196 : i32
    %scan3A_34 = arith.addi %scan3A_32, %scan3A_33 : i32
    %scan3A_35 = arith.constant 1 : i32
    scf.for %scan3A_39 = %scan3A_32 to %scan3A_34 step %scan3A_35  : i32 {
      %mul3A_40 = arith.constant 2 : i32
      %mul3A_41 = arith.muli %mul3A_40, %scan3A_39 : i32
      %add3A_42 = arith.constant 1 : i32
      %add3A_43 = arith.addi %mul3A_41, %add3A_42 : i32
      %mul3A_44 = arith.constant 256 : i32
      %mul3A_45 = arith.muli %add3A_43, %mul3A_44 : i32
      %add3A_46 = arith.addi %mul3A_6, %mul3A_45 : i32
      %jit3A_47 = arith.constant 128 : i32
      %div3A_48 = arith.divsi %add3A_46, %jit3A_47 : i32
      %sign3A_49 = arith.constant 0 : i32
      %sign3A_50 = arith.cmpi sgt, %add3A_46, %sign3A_49 : i32
      %sign3A_51 = arith.extui %sign3A_50 : i1 to i32
      %sign3A_52 = arith.constant 0 : i32
      %sign3A_53 = arith.cmpi slt, %add3A_46, %sign3A_52 : i32
      %sign3A_54 = arith.extui %sign3A_53 : i1 to i32
      %sign3A_55 = arith.subi %sign3A_51, %sign3A_54 : i32
      %sign3A_56 = arith.constant 0 : i32
      %sign3A_57 = arith.cmpi sgt, %jit3A_47, %sign3A_56 : i32
      %sign3A_58 = arith.extui %sign3A_57 : i1 to i32
      %sign3A_59 = arith.constant 0 : i32
      %sign3A_60 = arith.cmpi slt, %jit3A_47, %sign3A_59 : i32
      %sign3A_61 = arith.extui %sign3A_60 : i1 to i32
      %sign3A_62 = arith.subi %sign3A_58, %sign3A_61 : i32
      %ne3A_63 = arith.cmpi ne, %sign3A_55, %sign3A_62 : i32
      %rem3A_64 = arith.remsi %add3A_46, %jit3A_47 : i32
      %ne3A_65 = arith.constant 0 : i32
      %ne3A_66 = arith.cmpi ne, %rem3A_64, %ne3A_65 : i32
      %and3A_67 = arith.andi %ne3A_63, %ne3A_66 : i1
      %sub3A_68 = arith.constant 1 : i32
      %sub3A_69 = arith.subi %div3A_48, %sub3A_68 : i32
      %select_n3A_70 = arith.select %and3A_67, %sub3A_69, %div3A_48 : i32
      %dma_start3A_71 = arith.constant 0 : i32
      %dma_start3A_72 = tpu.memref_slice %arg3[%select_n3A_70, %dma_start3A_71] : memref<12544x128xi32, #tpu.memory_space<hbm>> -> memref<2x128xi32, #tpu.memory_space<hbm>>
      %dma_start3A_73 = arith.constant 0 : i32
      %dma_start3A_74 = tpu.memref_slice %arg3[%select_n3A_70, %dma_start3A_73] : memref<12544x128xi32, #tpu.memory_space<hbm>> -> memref<2x128xi32, #tpu.memory_space<hbm>>
      tpu.enqueue_dma source(%dma_start3A_74 : memref<2x128xi32, #tpu.memory_space<hbm>>) target(%arg7 : memref<2x128xi32, #tpu.memory_space<vmem>>) target_semaphore(%arg14 : memref<!tpu.dma_semaphore, #tpu.memory_space<semaphore_mem>>)
      %dma_start3A_75 = arith.constant 0 : i32
      %dma_start3A_76 = tpu.memref_slice %arg2[%add3A_46, %dma_start3A_75] : memref<1605632x32xf32, #tpu.memory_space<hbm>> -> memref<256x32xf32, #tpu.memory_space<hbm>>
      %dma_start3A_77 = arith.constant 0 : i32
      %dma_start3A_78 = tpu.memref_slice %arg2[%add3A_46, %dma_start3A_77] : memref<1605632x32xf32, #tpu.memory_space<hbm>> -> memref<256x32xf32, #tpu.memory_space<hbm>>
      tpu.enqueue_dma source(%dma_start3A_78 : memref<256x32xf32, #tpu.memory_space<hbm>>) target(%arg11 : memref<256x32xf32, #tpu.memory_space<vmem>>) target_semaphore(%arg14 : memref<!tpu.dma_semaphore, #tpu.memory_space<semaphore_mem>>)
      %mul3A_79 = arith.constant 256 : i32
      %mul3A_80 = arith.muli %mul3A_41, %mul3A_79 : i32
      %add3A_81 = arith.addi %mul3A_6, %mul3A_80 : i32
      %jit3A_82 = arith.constant 128 : i32
      %div3A_83 = arith.divsi %add3A_81, %jit3A_82 : i32
      %sign3A_84 = arith.constant 0 : i32
      %sign3A_85 = arith.cmpi sgt, %add3A_81, %sign3A_84 : i32
      %sign3A_86 = arith.extui %sign3A_85 : i1 to i32
      %sign3A_87 = arith.constant 0 : i32
      %sign3A_88 = arith.cmpi slt, %add3A_81, %sign3A_87 : i32
      %sign3A_89 = arith.extui %sign3A_88 : i1 to i32
      %sign3A_90 = arith.subi %sign3A_86, %sign3A_89 : i32
      %sign3A_91 = arith.constant 0 : i32
      %sign3A_92 = arith.cmpi sgt, %jit3A_82, %sign3A_91 : i32
      %sign3A_93 = arith.extui %sign3A_92 : i1 to i32
      %sign3A_94 = arith.constant 0 : i32
      %sign3A_95 = arith.cmpi slt, %jit3A_82, %sign3A_94 : i32
      %sign3A_96 = arith.extui %sign3A_95 : i1 to i32
      %sign3A_97 = arith.subi %sign3A_93, %sign3A_96 : i32
      %ne3A_98 = arith.cmpi ne, %sign3A_90, %sign3A_97 : i32
      %rem3A_99 = arith.remsi %add3A_81, %jit3A_82 : i32
      %ne3A_100 = arith.constant 0 : i32
      %ne3A_101 = arith.cmpi ne, %rem3A_99, %ne3A_100 : i32
      %and3A_102 = arith.andi %ne3A_98, %ne3A_101 : i1
      %sub3A_103 = arith.constant 1 : i32
      %sub3A_104 = arith.subi %div3A_83, %sub3A_103 : i32
      %select_n3A_105 = arith.select %and3A_102, %sub3A_104, %div3A_83 : i32
      %dma_wait3A = arith.constant 0 : i32
      %dma_wait3A_106 = tpu.memref_slice %arg3[%select_n3A_105, %dma_wait3A] : memref<12544x128xi32, #tpu.memory_space<hbm>> -> memref<2x128xi32, #tpu.memory_space<hbm>>
      %dma_wait3A_107 = arith.constant 0 : i32
      %dma_wait3A_108 = tpu.memref_slice %arg3[%select_n3A_105, %dma_wait3A_107] : memref<12544x128xi32, #tpu.memory_space<hbm>> -> memref<2x128xi32, #tpu.memory_space<hbm>>
      tpu.wait_dma2 semaphore(%arg13 : memref<!tpu.dma_semaphore, #tpu.memory_space<semaphore_mem>>) src(%dma_wait3A_108 : memref<2x128xi32, #tpu.memory_space<hbm>>) dst(%arg6 : memref<2x128xi32, #tpu.memory_space<vmem>>)
      %dma_wait3A_109 = arith.constant 0 : i32
      %dma_wait3A_110 = tpu.memref_slice %arg2[%add3A_81, %dma_wait3A_109] : memref<1605632x32xf32, #tpu.memory_space<hbm>> -> memref<256x32xf32, #tpu.memory_space<hbm>>
      %dma_wait3A_111 = arith.constant 0 : i32
      %dma_wait3A_112 = tpu.memref_slice %arg2[%add3A_81, %dma_wait3A_111] : memref<1605632x32xf32, #tpu.memory_space<hbm>> -> memref<256x32xf32, #tpu.memory_space<hbm>>
      tpu.wait_dma2 semaphore(%arg13 : memref<!tpu.dma_semaphore, #tpu.memory_space<semaphore_mem>>) src(%dma_wait3A_112 : memref<256x32xf32, #tpu.memory_space<hbm>>) dst(%arg10 : memref<256x32xf32, #tpu.memory_space<vmem>>)
      %get3A = arith.constant 0 : i32
      %get3A_113 = arith.index_cast %get3A : i32 to index
      %get3A_114 = arith.constant 0 : index
      %get3A_115 = tpu.vector_load %arg6[%get3A_113, %get3A_114] {strides = array<i32>} : memref<2x128xi32, #tpu.memory_space<vmem>>, vector<1x16xi32>,
      %get3A_116 = vector.shape_cast %get3A_115 : vector<1x16xi32> to vector<16xi32>
      %ge3A = vector.broadcast %mul3A_0 : i32 to vector<16xi32>
      %ge3A_117 = arith.cmpi sge, %get3A_116, %ge3A : vector<16xi32>
      %add3A_118 = arith.constant 50048 : i32
      %add3A_119 = arith.addi %mul3A_0, %add3A_118 : i32
      %lt3A = vector.broadcast %add3A_119 : i32 to vector<16xi32>
      %lt3A_120 = arith.cmpi slt, %get3A_116, %lt3A : vector<16xi32>
      %and3A_121 = arith.andi %ge3A_117, %lt3A_120 : vector<16xi1>
      %sub3A_122 = vector.broadcast %mul3A_0 : i32 to vector<16xi32>
      %sub3A_123 = arith.subi %get3A_116, %sub3A_122 : vector<16xi32>
      %jit3A_124 = arith.constant 50048 : i32
      %broadcast_in_dim3A = vector.broadcast %jit3A_124 : i32 to vector<16xi32>
      %select_n3A_125 = arith.select %and3A_121, %sub3A_123, %broadcast_in_dim3A : vector<16xi1>, vector<16xi32>
      %swap3A = arith.constant 0 : i32
      %swap3A_126 = arith.index_cast %swap3A : i32 to index
      %swap3A_127 = arith.constant 0 : index
      %swap3A_128 = tpu.vector_load %arg8[%swap3A_126, %swap3A_127] {strides = array<i32>} : memref<2x128xi32, #tpu.memory_space<vmem>>, vector<1x16xi32>,
      %swap3A_129 = vector.shape_cast %swap3A_128 : vector<1x16xi32> to vector<16xi32>
      %swap3A_130 = vector.shape_cast %select_n3A_125 : vector<16xi32> to vector<1x16xi32>
      tpu.vector_store %arg8[%swap3A_126, %swap3A_127], %swap3A_130 {strides = array<i32>} : memref<2x128xi32, #tpu.memory_space<vmem>>, vector<1x16xi32>,
      %get3A_131 = arith.constant 0 : i32
      %get3A_132 = arith.index_cast %get3A_131 : i32 to index
      %get3A_133 = arith.constant 16 : index
      %get3A_134 = tpu.vector_load %arg6[%get3A_132, %get3A_133] {strides = array<i32>} : memref<2x128xi32, #tpu.memory_space<vmem>>, vector<1x16xi32>,
      %get3A_135 = vector.shape_cast %get3A_134 : vector<1x16xi32> to vector<16xi32>
      %ge3A_136 = vector.broadcast %mul3A_0 : i32 to vector<16xi32>
      %ge3A_137 = arith.cmpi sge, %get3A_135, %ge3A_136 : vector<16xi32>
      %add3A_138 = arith.constant 50048 : i32
      %add3A_139 = arith.addi %mul3A_0, %add3A_138 : i32
      %lt3A_140 = vector.broadcast %add3A_139 : i32 to vector<16xi32>
      %lt3A_141 = arith.cmpi slt, %get3A_135, %lt3A_140 : vector<16xi32>
      %and3A_142 = arith.andi %ge3A_137, %lt3A_141 : vector<16xi1>
      %sub3A_143 = vector.broadcast %mul3A_0 : i32 to vector<16xi32>
      %sub3A_144 = arith.subi %get3A_135, %sub3A_143 : vector<16xi32>
      %jit3A_145 = arith.constant 50048 : i32
      %broadcast_in_dim3A_146 = vector.broadcast %jit3A_145 : i32 to vector<16xi32>
      %select_n3A_147 = arith.select %and3A_142, %sub3A_144, %broadcast_in_dim3A_146 : vector<16xi1>, vector<16xi32>
      %swap3A_148 = arith.constant 0 : i32
      %swap3A_149 = arith.index_cast %swap3A_148 : i32 to index
      %swap3A_150 = arith.constant 16 : index
      %swap3A_151 = tpu.vector_load %arg8[%swap3A_149, %swap3A_150] {strides = array<i32>} : memref<2x128xi32, #tpu.memory_space<vmem>>, vector<1x16xi32>,
      %swap3A_152 = vector.shape_cast %swap3A_151 : vector<1x16xi32> to vector<16xi32>
      %swap3A_153 = vector.shape_cast %select_n3A_147 : vector<16xi32> to vector<1x16xi32>
      tpu.vector_store %arg8[%swap3A_149, %swap3A_150], %swap3A_153 {strides = array<i32>} : memref<2x128xi32, #tpu.memory_space<vmem>>, vector<1x16xi32>,
      %get3A_154 = arith.constant 0 : i32
      %get3A_155 = arith.index_cast %get3A_154 : i32 to index
      %get3A_156 = arith.constant 32 : index
      %get3A_157 = tpu.vector_load %arg6[%get3A_155, %get3A_156] {strides = array<i32>} : memref<2x128xi32, #tpu.memory_space<vmem>>, vector<1x16xi32>,
      %get3A_158 = vector.shape_cast %get3A_157 : vector<1x16xi32> to vector<16xi32>
      %ge3A_159 = vector.broadcast %mul3A_0 : i32 to vector<16xi32>
      %ge3A_160 = arith.cmpi sge, %get3A_158, %ge3A_159 : vector<16xi32>
      %add3A_161 = arith.constant 50048 : i32
      %add3A_162 = arith.addi %mul3A_0, %add3A_161 : i32
      %lt3A_163 = vector.broadcast %add3A_162 : i32 to vector<16xi32>
      %lt3A_164 = arith.cmpi slt, %get3A_158, %lt3A_163 : vector<16xi32>
      %and3A_165 = arith.andi %ge3A_160, %lt3A_164 : vector<16xi1>
      %sub3A_166 = vector.broadcast %mul3A_0 : i32 to vector<16xi32>
      %sub3A_167 = arith.subi %get3A_158, %sub3A_166 : vector<16xi32>
      %jit3A_168 = arith.constant 50048 : i32
      %broadcast_in_dim3A_169 = vector.broadcast %jit3A_168 : i32 to vector<16xi32>
      %select_n3A_170 = arith.select %and3A_165, %sub3A_167, %broadcast_in_dim3A_169 : vector<16xi1>, vector<16xi32>
      %swap3A_171 = arith.constant 0 : i32
      %swap3A_172 = arith.index_cast %swap3A_171 : i32 to index
      %swap3A_173 = arith.constant 32 : index
      %swap3A_174 = tpu.vector_load %arg8[%swap3A_172, %swap3A_173] {strides = array<i32>} : memref<2x128xi32, #tpu.memory_space<vmem>>, vector<1x16xi32>,
      %swap3A_175 = vector.shape_cast %swap3A_174 : vector<1x16xi32> to vector<16xi32>
      %swap3A_176 = vector.shape_cast %select_n3A_170 : vector<16xi32> to vector<1x16xi32>
      tpu.vector_store %arg8[%swap3A_172, %swap3A_173], %swap3A_176 {strides = array<i32>} : memref<2x128xi32, #tpu.memory_space<vmem>>, vector<1x16xi32>,
      %get3A_177 = arith.constant 0 : i32
      %get3A_178 = arith.index_cast %get3A_177 : i32 to index
      %get3A_179 = arith.constant 48 : index
      %get3A_180 = tpu.vector_load %arg6[%get3A_178, %get3A_179] {strides = array<i32>} : memref<2x128xi32, #tpu.memory_space<vmem>>, vector<1x16xi32>,
      %get3A_181 = vector.shape_cast %get3A_180 : vector<1x16xi32> to vector<16xi32>
      %ge3A_182 = vector.broadcast %mul3A_0 : i32 to vector<16xi32>
      %ge3A_183 = arith.cmpi sge, %get3A_181, %ge3A_182 : vector<16xi32>
      %add3A_184 = arith.constant 50048 : i32
      %add3A_185 = arith.addi %mul3A_0, %add3A_184 : i32
      %lt3A_186 = vector.broadcast %add3A_185 : i32 to vector<16xi32>
      %lt3A_187 = arith.cmpi slt, %get3A_181, %lt3A_186 : vector<16xi32>
      %and3A_188 = arith.andi %ge3A_183, %lt3A_187 : vector<16xi1>
      %sub3A_189 = vector.broadcast %mul3A_0 : i32 to vector<16xi32>
      %sub3A_190 = arith.subi %get3A_181, %sub3A_189 : vector<16xi32>
      %jit3A_191 = arith.constant 50048 : i32
      %broadcast_in_dim3A_192 = vector.broadcast %jit3A_191 : i32 to vector<16xi32>
      %select_n3A_193 = arith.select %and3A_188, %sub3A_190, %broadcast_in_dim3A_192 : vector<16xi1>, vector<16xi32>
      %swap3A_194 = arith.constant 0 : i32
      %swap3A_195 = arith.index_cast %swap3A_194 : i32 to index
      %swap3A_196 = arith.constant 48 : index
      %swap3A_197 = tpu.vector_load %arg8[%swap3A_195, %swap3A_196] {strides = array<i32>} : memref<2x128xi32, #tpu.memory_space<vmem>>, vector<1x16xi32>,
      %swap3A_198 = vector.shape_cast %swap3A_197 : vector<1x16xi32> to vector<16xi32>
      %swap3A_199 = vector.shape_cast %select_n3A_193 : vector<16xi32> to vector<1x16xi32>
      tpu.vector_store %arg8[%swap3A_195, %swap3A_196], %swap3A_199 {strides = array<i32>} : memref<2x128xi32, #tpu.memory_space<vmem>>, vector<1x16xi32>,
      %get3A_200 = arith.constant 0 : i32
      %get3A_201 = arith.index_cast %get3A_200 : i32 to index
      %get3A_202 = arith.constant 64 : index
      %get3A_203 = tpu.vector_load %arg6[%get3A_201, %get3A_202] {strides = array<i32>} : memref<2x128xi32, #tpu.memory_space<vmem>>, vector<1x16xi32>,
      %get3A_204 = vector.shape_cast %get3A_203 : vector<1x16xi32> to vector<16xi32>
      %ge3A_205 = vector.broadcast %mul3A_0 : i32 to vector<16xi32>
      %ge3A_206 = arith.cmpi sge, %get3A_204, %ge3A_205 : vector<16xi32>
      %add3A_207 = arith.constant 50048 : i32
      %add3A_208 = arith.addi %mul3A_0, %add3A_207 : i32
      %lt3A_209 = vector.broadcast %add3A_208 : i32 to vector<16xi32>
      %lt3A_210 = arith.cmpi slt, %get3A_204, %lt3A_209 : vector<16xi32>
      %and3A_211 = arith.andi %ge3A_206, %lt3A_210 : vector<16xi1>
      %sub3A_212 = vector.broadcast %mul3A_0 : i32 to vector<16xi32>
      %sub3A_213 = arith.subi %get3A_204, %sub3A_212 : vector<16xi32>
      %jit3A_214 = arith.constant 50048 : i32
      %broadcast_in_dim3A_215 = vector.broadcast %jit3A_214 : i32 to vector<16xi32>
      %select_n3A_216 = arith.select %and3A_211, %sub3A_213, %broadcast_in_dim3A_215 : vector<16xi1>, vector<16xi32>
      %swap3A_217 = arith.constant 0 : i32
      %swap3A_218 = arith.index_cast %swap3A_217 : i32 to index
      %swap3A_219 = arith.constant 64 : index
      %swap3A_220 = tpu.vector_load %arg8[%swap3A_218, %swap3A_219] {strides = array<i32>} : memref<2x128xi32, #tpu.memory_space<vmem>>, vector<1x16xi32>,
      %swap3A_221 = vector.shape_cast %swap3A_220 : vector<1x16xi32> to vector<16xi32>
      %swap3A_222 = vector.shape_cast %select_n3A_216 : vector<16xi32> to vector<1x16xi32>
      tpu.vector_store %arg8[%swap3A_218, %swap3A_219], %swap3A_222 {strides = array<i32>} : memref<2x128xi32, #tpu.memory_space<vmem>>, vector<1x16xi32>,
      %get3A_223 = arith.constant 0 : i32
      %get3A_224 = arith.index_cast %get3A_223 : i32 to index
      %get3A_225 = arith.constant 80 : index
      %get3A_226 = tpu.vector_load %arg6[%get3A_224, %get3A_225] {strides = array<i32>} : memref<2x128xi32, #tpu.memory_space<vmem>>, vector<1x16xi32>,
      %get3A_227 = vector.shape_cast %get3A_226 : vector<1x16xi32> to vector<16xi32>
      %ge3A_228 = vector.broadcast %mul3A_0 : i32 to vector<16xi32>
      %ge3A_229 = arith.cmpi sge, %get3A_227, %ge3A_228 : vector<16xi32>
      %add3A_230 = arith.constant 50048 : i32
      %add3A_231 = arith.addi %mul3A_0, %add3A_230 : i32
      %lt3A_232 = vector.broadcast %add3A_231 : i32 to vector<16xi32>
      %lt3A_233 = arith.cmpi slt, %get3A_227, %lt3A_232 : vector<16xi32>
      %and3A_234 = arith.andi %ge3A_229, %lt3A_233 : vector<16xi1>
      %sub3A_235 = vector.broadcast %mul3A_0 : i32 to vector<16xi32>
      %sub3A_236 = arith.subi %get3A_227, %sub3A_235 : vector<16xi32>
      %jit3A_237 = arith.constant 50048 : i32
      %broadcast_in_dim3A_238 = vector.broadcast %jit3A_237 : i32 to vector<16xi32>
      %select_n3A_239 = arith.select %and3A_234, %sub3A_236, %broadcast_in_dim3A_238 : vector<16xi1>, vector<16xi32>
      %swap3A_240 = arith.constant 0 : i32
      %swap3A_241 = arith.index_cast %swap3A_240 : i32 to index
      %swap3A_242 = arith.constant 80 : index
      %swap3A_243 = tpu.vector_load %arg8[%swap3A_241, %swap3A_242] {strides = array<i32>} : memref<2x128xi32, #tpu.memory_space<vmem>>, vector<1x16xi32>,
      %swap3A_244 = vector.shape_cast %swap3A_243 : vector<1x16xi32> to vector<16xi32>
      %swap3A_245 = vector.shape_cast %select_n3A_239 : vector<16xi32> to vector<1x16xi32>
      tpu.vector_store %arg8[%swap3A_241, %swap3A_242], %swap3A_245 {strides = array<i32>} : memref<2x128xi32, #tpu.memory_space<vmem>>, vector<1x16xi32>,
      %get3A_246 = arith.constant 0 : i32
      %get3A_247 = arith.index_cast %get3A_246 : i32 to index
      %get3A_248 = arith.constant 96 : index
      %get3A_249 = tpu.vector_load %arg6[%get3A_247, %get3A_248] {strides = array<i32>} : memref<2x128xi32, #tpu.memory_space<vmem>>, vector<1x16xi32>,
      %get3A_250 = vector.shape_cast %get3A_249 : vector<1x16xi32> to vector<16xi32>
      %ge3A_251 = vector.broadcast %mul3A_0 : i32 to vector<16xi32>
      %ge3A_252 = arith.cmpi sge, %get3A_250, %ge3A_251 : vector<16xi32>
      %add3A_253 = arith.constant 50048 : i32
      %add3A_254 = arith.addi %mul3A_0, %add3A_253 : i32
      %lt3A_255 = vector.broadcast %add3A_254 : i32 to vector<16xi32>
      %lt3A_256 = arith.cmpi slt, %get3A_250, %lt3A_255 : vector<16xi32>
      %and3A_257 = arith.andi %ge3A_252, %lt3A_256 : vector<16xi1>
      %sub3A_258 = vector.broadcast %mul3A_0 : i32 to vector<16xi32>
      %sub3A_259 = arith.subi %get3A_250, %sub3A_258 : vector<16xi32>
      %jit3A_260 = arith.constant 50048 : i32
      %broadcast_in_dim3A_261 = vector.broadcast %jit3A_260 : i32 to vector<16xi32>
      %select_n3A_262 = arith.select %and3A_257, %sub3A_259, %broadcast_in_dim3A_261 : vector<16xi1>, vector<16xi32>
      %swap3A_263 = arith.constant 0 : i32
      %swap3A_264 = arith.index_cast %swap3A_263 : i32 to index
      %swap3A_265 = arith.constant 96 : index
      %swap3A_266 = tpu.vector_load %arg8[%swap3A_264, %swap3A_265] {strides = array<i32>} : memref<2x128xi32, #tpu.memory_space<vmem>>, vector<1x16xi32>,
      %swap3A_267 = vector.shape_cast %swap3A_266 : vector<1x16xi32> to vector<16xi32>
      %swap3A_268 = vector.shape_cast %select_n3A_262 : vector<16xi32> to vector<1x16xi32>
      tpu.vector_store %arg8[%swap3A_264, %swap3A_265], %swap3A_268 {strides = array<i32>} : memref<2x128xi32, #tpu.memory_space<vmem>>, vector<1x16xi32>,
      %get3A_269 = arith.constant 0 : i32
      %get3A_270 = arith.index_cast %get3A_269 : i32 to index
      %get3A_271 = arith.constant 112 : index
      %get3A_272 = tpu.vector_load %arg6[%get3A_270, %get3A_271] {strides = array<i32>} : memref<2x128xi32, #tpu.memory_space<vmem>>, vector<1x16xi32>,
      %get3A_273 = vector.shape_cast %get3A_272 : vector<1x16xi32> to vector<16xi32>
      %ge3A_274 = vector.broadcast %mul3A_0 : i32 to vector<16xi32>
      %ge3A_275 = arith.cmpi sge, %get3A_273, %ge3A_274 : vector<16xi32>
      %add3A_276 = arith.constant 50048 : i32
      %add3A_277 = arith.addi %mul3A_0, %add3A_276 : i32
      %lt3A_278 = vector.broadcast %add3A_277 : i32 to vector<16xi32>
      %lt3A_279 = arith.cmpi slt, %get3A_273, %lt3A_278 : vector<16xi32>
      %and3A_280 = arith.andi %ge3A_275, %lt3A_279 : vector<16xi1>
      %sub3A_281 = vector.broadcast %mul3A_0 : i32 to vector<16xi32>
      %sub3A_282 = arith.subi %get3A_273, %sub3A_281 : vector<16xi32>
      %jit3A_283 = arith.constant 50048 : i32
      %broadcast_in_dim3A_284 = vector.broadcast %jit3A_283 : i32 to vector<16xi32>
      %select_n3A_285 = arith.select %and3A_280, %sub3A_282, %broadcast_in_dim3A_284 : vector<16xi1>, vector<16xi32>
      %swap3A_286 = arith.constant 0 : i32
      %swap3A_287 = arith.index_cast %swap3A_286 : i32 to index
      %swap3A_288 = arith.constant 112 : index
      %swap3A_289 = tpu.vector_load %arg8[%swap3A_287, %swap3A_288] {strides = array<i32>} : memref<2x128xi32, #tpu.memory_space<vmem>>, vector<1x16xi32>,
      %swap3A_290 = vector.shape_cast %swap3A_289 : vector<1x16xi32> to vector<16xi32>
      %swap3A_291 = vector.shape_cast %select_n3A_285 : vector<16xi32> to vector<1x16xi32>
      tpu.vector_store %arg8[%swap3A_287, %swap3A_288], %swap3A_291 {strides = array<i32>} : memref<2x128xi32, #tpu.memory_space<vmem>>, vector<1x16xi32>,
      %get3A_292 = arith.constant 1 : i32
      %get3A_293 = arith.index_cast %get3A_292 : i32 to index
      %get3A_294 = arith.constant 0 : index
      %get3A_295 = tpu.vector_load %arg6[%get3A_293, %get3A_294] {strides = array<i32>} : memref<2x128xi32, #tpu.memory_space<vmem>>, vector<1x16xi32>,
      %get3A_296 = vector.shape_cast %get3A_295 : vector<1x16xi32> to vector<16xi32>
      %ge3A_297 = vector.broadcast %mul3A_0 : i32 to vector<16xi32>
      %ge3A_298 = arith.cmpi sge, %get3A_296, %ge3A_297 : vector<16xi32>
      %add3A_299 = arith.constant 50048 : i32
      %add3A_300 = arith.addi %mul3A_0, %add3A_299 : i32
      %lt3A_301 = vector.broadcast %add3A_300 : i32 to vector<16xi32>
      %lt3A_302 = arith.cmpi slt, %get3A_296, %lt3A_301 : vector<16xi32>
      %and3A_303 = arith.andi %ge3A_298, %lt3A_302 : vector<16xi1>
      %sub3A_304 = vector.broadcast %mul3A_0 : i32 to vector<16xi32>
      %sub3A_305 = arith.subi %get3A_296, %sub3A_304 : vector<16xi32>
      %jit3A_306 = arith.constant 50048 : i32
      %broadcast_in_dim3A_307 = vector.broadcast %jit3A_306 : i32 to vector<16xi32>
      %select_n3A_308 = arith.select %and3A_303, %sub3A_305, %broadcast_in_dim3A_307 : vector<16xi1>, vector<16xi32>
      %swap3A_309 = arith.constant 1 : i32
      %swap3A_310 = arith.index_cast %swap3A_309 : i32 to index
      %swap3A_311 = arith.constant 0 : index
      %swap3A_312 = tpu.vector_load %arg8[%swap3A_310, %swap3A_311] {strides = array<i32>} : memref<2x128xi32, #tpu.memory_space<vmem>>, vector<1x16xi32>,
      %swap3A_313 = vector.shape_cast %swap3A_312 : vector<1x16xi32> to vector<16xi32>
      %swap3A_314 = vector.shape_cast %select_n3A_308 : vector<16xi32> to vector<1x16xi32>
      tpu.vector_store %arg8[%swap3A_310, %swap3A_311], %swap3A_314 {strides = array<i32>} : memref<2x128xi32, #tpu.memory_space<vmem>>, vector<1x16xi32>,
      %get3A_315 = arith.constant 1 : i32
      %get3A_316 = arith.index_cast %get3A_315 : i32 to index
      %get3A_317 = arith.constant 16 : index
      %get3A_318 = tpu.vector_load %arg6[%get3A_316, %get3A_317] {strides = array<i32>} : memref<2x128xi32, #tpu.memory_space<vmem>>, vector<1x16xi32>,
      %get3A_319 = vector.shape_cast %get3A_318 : vector<1x16xi32> to vector<16xi32>
      %ge3A_320 = vector.broadcast %mul3A_0 : i32 to vector<16xi32>
      %ge3A_321 = arith.cmpi sge, %get3A_319, %ge3A_320 : vector<16xi32>
      %add3A_322 = arith.constant 50048 : i32
      %add3A_323 = arith.addi %mul3A_0, %add3A_322 : i32
      %lt3A_324 = vector.broadcast %add3A_323 : i32 to vector<16xi32>
      %lt3A_325 = arith.cmpi slt, %get3A_319, %lt3A_324 : vector<16xi32>
      %and3A_326 = arith.andi %ge3A_321, %lt3A_325 : vector<16xi1>
      %sub3A_327 = vector.broadcast %mul3A_0 : i32 to vector<16xi32>
      %sub3A_328 = arith.subi %get3A_319, %sub3A_327 : vector<16xi32>
      %jit3A_329 = arith.constant 50048 : i32
      %broadcast_in_dim3A_330 = vector.broadcast %jit3A_329 : i32 to vector<16xi32>
      %select_n3A_331 = arith.select %and3A_326, %sub3A_328, %broadcast_in_dim3A_330 : vector<16xi1>, vector<16xi32>
      %swap3A_332 = arith.constant 1 : i32
      %swap3A_333 = arith.index_cast %swap3A_332 : i32 to index
      %swap3A_334 = arith.constant 16 : index
      %swap3A_335 = tpu.vector_load %arg8[%swap3A_333, %swap3A_334] {strides = array<i32>} : memref<2x128xi32, #tpu.memory_space<vmem>>, vector<1x16xi32>,
      %swap3A_336 = vector.shape_cast %swap3A_335 : vector<1x16xi32> to vector<16xi32>
      %swap3A_337 = vector.shape_cast %select_n3A_331 : vector<16xi32> to vector<1x16xi32>
      tpu.vector_store %arg8[%swap3A_333, %swap3A_334], %swap3A_337 {strides = array<i32>} : memref<2x128xi32, #tpu.memory_space<vmem>>, vector<1x16xi32>,
      %get3A_338 = arith.constant 1 : i32
      %get3A_339 = arith.index_cast %get3A_338 : i32 to index
      %get3A_340 = arith.constant 32 : index
      %get3A_341 = tpu.vector_load %arg6[%get3A_339, %get3A_340] {strides = array<i32>} : memref<2x128xi32, #tpu.memory_space<vmem>>, vector<1x16xi32>,
      %get3A_342 = vector.shape_cast %get3A_341 : vector<1x16xi32> to vector<16xi32>
      %ge3A_343 = vector.broadcast %mul3A_0 : i32 to vector<16xi32>
      %ge3A_344 = arith.cmpi sge, %get3A_342, %ge3A_343 : vector<16xi32>
      %add3A_345 = arith.constant 50048 : i32
      %add3A_346 = arith.addi %mul3A_0, %add3A_345 : i32
      %lt3A_347 = vector.broadcast %add3A_346 : i32 to vector<16xi32>
      %lt3A_348 = arith.cmpi slt, %get3A_342, %lt3A_347 : vector<16xi32>
      %and3A_349 = arith.andi %ge3A_344, %lt3A_348 : vector<16xi1>
      %sub3A_350 = vector.broadcast %mul3A_0 : i32 to vector<16xi32>
      %sub3A_351 = arith.subi %get3A_342, %sub3A_350 : vector<16xi32>
      %jit3A_352 = arith.constant 50048 : i32
      %broadcast_in_dim3A_353 = vector.broadcast %jit3A_352 : i32 to vector<16xi32>
      %select_n3A_354 = arith.select %and3A_349, %sub3A_351, %broadcast_in_dim3A_353 : vector<16xi1>, vector<16xi32>
      %swap3A_355 = arith.constant 1 : i32
      %swap3A_356 = arith.index_cast %swap3A_355 : i32 to index
      %swap3A_357 = arith.constant 32 : index
      %swap3A_358 = tpu.vector_load %arg8[%swap3A_356, %swap3A_357] {strides = array<i32>} : memref<2x128xi32, #tpu.memory_space<vmem>>, vector<1x16xi32>,
      %swap3A_359 = vector.shape_cast %swap3A_358 : vector<1x16xi32> to vector<16xi32>
      %swap3A_360 = vector.shape_cast %select_n3A_354 : vector<16xi32> to vector<1x16xi32>
      tpu.vector_store %arg8[%swap3A_356, %swap3A_357], %swap3A_360 {strides = array<i32>} : memref<2x128xi32, #tpu.memory_space<vmem>>, vector<1x16xi32>,
      %get3A_361 = arith.constant 1 : i32
      %get3A_362 = arith.index_cast %get3A_361 : i32 to index
      %get3A_363 = arith.constant 48 : index
      %get3A_364 = tpu.vector_load %arg6[%get3A_362, %get3A_363] {strides = array<i32>} : memref<2x128xi32, #tpu.memory_space<vmem>>, vector<1x16xi32>,
      %get3A_365 = vector.shape_cast %get3A_364 : vector<1x16xi32> to vector<16xi32>
      %ge3A_366 = vector.broadcast %mul3A_0 : i32 to vector<16xi32>
      %ge3A_367 = arith.cmpi sge, %get3A_365, %ge3A_366 : vector<16xi32>
      %add3A_368 = arith.constant 50048 : i32
      %add3A_369 = arith.addi %mul3A_0, %add3A_368 : i32
      %lt3A_370 = vector.broadcast %add3A_369 : i32 to vector<16xi32>
      %lt3A_371 = arith.cmpi slt, %get3A_365, %lt3A_370 : vector<16xi32>
      %and3A_372 = arith.andi %ge3A_367, %lt3A_371 : vector<16xi1>
      %sub3A_373 = vector.broadcast %mul3A_0 : i32 to vector<16xi32>
      %sub3A_374 = arith.subi %get3A_365, %sub3A_373 : vector<16xi32>
      %jit3A_375 = arith.constant 50048 : i32
      %broadcast_in_dim3A_376 = vector.broadcast %jit3A_375 : i32 to vector<16xi32>
      %select_n3A_377 = arith.select %and3A_372, %sub3A_374, %broadcast_in_dim3A_376 : vector<16xi1>, vector<16xi32>
      %swap3A_378 = arith.constant 1 : i32
      %swap3A_379 = arith.index_cast %swap3A_378 : i32 to index
      %swap3A_380 = arith.constant 48 : index
      %swap3A_381 = tpu.vector_load %arg8[%swap3A_379, %swap3A_380] {strides = array<i32>} : memref<2x128xi32, #tpu.memory_space<vmem>>, vector<1x16xi32>,
      %swap3A_382 = vector.shape_cast %swap3A_381 : vector<1x16xi32> to vector<16xi32>
      %swap3A_383 = vector.shape_cast %select_n3A_377 : vector<16xi32> to vector<1x16xi32>
      tpu.vector_store %arg8[%swap3A_379, %swap3A_380], %swap3A_383 {strides = array<i32>} : memref<2x128xi32, #tpu.memory_space<vmem>>, vector<1x16xi32>,
      %get3A_384 = arith.constant 1 : i32
      %get3A_385 = arith.index_cast %get3A_384 : i32 to index
      %get3A_386 = arith.constant 64 : index
      %get3A_387 = tpu.vector_load %arg6[%get3A_385, %get3A_386] {strides = array<i32>} : memref<2x128xi32, #tpu.memory_space<vmem>>, vector<1x16xi32>,
      %get3A_388 = vector.shape_cast %get3A_387 : vector<1x16xi32> to vector<16xi32>
      %ge3A_389 = vector.broadcast %mul3A_0 : i32 to vector<16xi32>
      %ge3A_390 = arith.cmpi sge, %get3A_388, %ge3A_389 : vector<16xi32>
      %add3A_391 = arith.constant 50048 : i32
      %add3A_392 = arith.addi %mul3A_0, %add3A_391 : i32
      %lt3A_393 = vector.broadcast %add3A_392 : i32 to vector<16xi32>
      %lt3A_394 = arith.cmpi slt, %get3A_388, %lt3A_393 : vector<16xi32>
      %and3A_395 = arith.andi %ge3A_390, %lt3A_394 : vector<16xi1>
      %sub3A_396 = vector.broadcast %mul3A_0 : i32 to vector<16xi32>
      %sub3A_397 = arith.subi %get3A_388, %sub3A_396 : vector<16xi32>
      %jit3A_398 = arith.constant 50048 : i32
      %broadcast_in_dim3A_399 = vector.broadcast %jit3A_398 : i32 to vector<16xi32>
      %select_n3A_400 = arith.select %and3A_395, %sub3A_397, %broadcast_in_dim3A_399 : vector<16xi1>, vector<16xi32>
      %swap3A_401 = arith.constant 1 : i32
      %swap3A_402 = arith.index_cast %swap3A_401 : i32 to index
      %swap3A_403 = arith.constant 64 : index
      %swap3A_404 = tpu.vector_load %arg8[%swap3A_402, %swap3A_403] {strides = array<i32>} : memref<2x128xi32, #tpu.memory_space<vmem>>, vector<1x16xi32>,
      %swap3A_405 = vector.shape_cast %swap3A_404 : vector<1x16xi32> to vector<16xi32>
      %swap3A_406 = vector.shape_cast %select_n3A_400 : vector<16xi32> to vector<1x16xi32>
      tpu.vector_store %arg8[%swap3A_402, %swap3A_403], %swap3A_406 {strides = array<i32>} : memref<2x128xi32, #tpu.memory_space<vmem>>, vector<1x16xi32>,
      %get3A_407 = arith.constant 1 : i32
      %get3A_408 = arith.index_cast %get3A_407 : i32 to index
      %get3A_409 = arith.constant 80 : index
      %get3A_410 = tpu.vector_load %arg6[%get3A_408, %get3A_409] {strides = array<i32>} : memref<2x128xi32, #tpu.memory_space<vmem>>, vector<1x16xi32>,
      %get3A_411 = vector.shape_cast %get3A_410 : vector<1x16xi32> to vector<16xi32>
      %ge3A_412 = vector.broadcast %mul3A_0 : i32 to vector<16xi32>
      %ge3A_413 = arith.cmpi sge, %get3A_411, %ge3A_412 : vector<16xi32>
      %add3A_414 = arith.constant 50048 : i32
      %add3A_415 = arith.addi %mul3A_0, %add3A_414 : i32
      %lt3A_416 = vector.broadcast %add3A_415 : i32 to vector<16xi32>
      %lt3A_417 = arith.cmpi slt, %get3A_411, %lt3A_416 : vector<16xi32>
      %and3A_418 = arith.andi %ge3A_413, %lt3A_417 : vector<16xi1>
      %sub3A_419 = vector.broadcast %mul3A_0 : i32 to vector<16xi32>
      %sub3A_420 = arith.subi %get3A_411, %sub3A_419 : vector<16xi32>
      %jit3A_421 = arith.constant 50048 : i32
      %broadcast_in_dim3A_422 = vector.broadcast %jit3A_421 : i32 to vector<16xi32>
      %select_n3A_423 = arith.select %and3A_418, %sub3A_420, %broadcast_in_dim3A_422 : vector<16xi1>, vector<16xi32>
      %swap3A_424 = arith.constant 1 : i32
      %swap3A_425 = arith.index_cast %swap3A_424 : i32 to index
      %swap3A_426 = arith.constant 80 : index
      %swap3A_427 = tpu.vector_load %arg8[%swap3A_425, %swap3A_426] {strides = array<i32>} : memref<2x128xi32, #tpu.memory_space<vmem>>, vector<1x16xi32>,
      %swap3A_428 = vector.shape_cast %swap3A_427 : vector<1x16xi32> to vector<16xi32>
      %swap3A_429 = vector.shape_cast %select_n3A_423 : vector<16xi32> to vector<1x16xi32>
      tpu.vector_store %arg8[%swap3A_425, %swap3A_426], %swap3A_429 {strides = array<i32>} : memref<2x128xi32, #tpu.memory_space<vmem>>, vector<1x16xi32>,
      %get3A_430 = arith.constant 1 : i32
      %get3A_431 = arith.index_cast %get3A_430 : i32 to index
      %get3A_432 = arith.constant 96 : index
      %get3A_433 = tpu.vector_load %arg6[%get3A_431, %get3A_432] {strides = array<i32>} : memref<2x128xi32, #tpu.memory_space<vmem>>, vector<1x16xi32>,
      %get3A_434 = vector.shape_cast %get3A_433 : vector<1x16xi32> to vector<16xi32>
      %ge3A_435 = vector.broadcast %mul3A_0 : i32 to vector<16xi32>
      %ge3A_436 = arith.cmpi sge, %get3A_434, %ge3A_435 : vector<16xi32>
      %add3A_437 = arith.constant 50048 : i32
      %add3A_438 = arith.addi %mul3A_0, %add3A_437 : i32
      %lt3A_439 = vector.broadcast %add3A_438 : i32 to vector<16xi32>
      %lt3A_440 = arith.cmpi slt, %get3A_434, %lt3A_439 : vector<16xi32>
      %and3A_441 = arith.andi %ge3A_436, %lt3A_440 : vector<16xi1>
      %sub3A_442 = vector.broadcast %mul3A_0 : i32 to vector<16xi32>
      %sub3A_443 = arith.subi %get3A_434, %sub3A_442 : vector<16xi32>
      %jit3A_444 = arith.constant 50048 : i32
      %broadcast_in_dim3A_445 = vector.broadcast %jit3A_444 : i32 to vector<16xi32>
      %select_n3A_446 = arith.select %and3A_441, %sub3A_443, %broadcast_in_dim3A_445 : vector<16xi1>, vector<16xi32>
      %swap3A_447 = arith.constant 1 : i32
      %swap3A_448 = arith.index_cast %swap3A_447 : i32 to index
      %swap3A_449 = arith.constant 96 : index
      %swap3A_450 = tpu.vector_load %arg8[%swap3A_448, %swap3A_449] {strides = array<i32>} : memref<2x128xi32, #tpu.memory_space<vmem>>, vector<1x16xi32>,
      %swap3A_451 = vector.shape_cast %swap3A_450 : vector<1x16xi32> to vector<16xi32>
      %swap3A_452 = vector.shape_cast %select_n3A_446 : vector<16xi32> to vector<1x16xi32>
      tpu.vector_store %arg8[%swap3A_448, %swap3A_449], %swap3A_452 {strides = array<i32>} : memref<2x128xi32, #tpu.memory_space<vmem>>, vector<1x16xi32>,
      %get3A_453 = arith.constant 1 : i32
      %get3A_454 = arith.index_cast %get3A_453 : i32 to index
      %get3A_455 = arith.constant 112 : index
      %get3A_456 = tpu.vector_load %arg6[%get3A_454, %get3A_455] {strides = array<i32>} : memref<2x128xi32, #tpu.memory_space<vmem>>, vector<1x16xi32>,
      %get3A_457 = vector.shape_cast %get3A_456 : vector<1x16xi32> to vector<16xi32>
      %ge3A_458 = vector.broadcast %mul3A_0 : i32 to vector<16xi32>
      %ge3A_459 = arith.cmpi sge, %get3A_457, %ge3A_458 : vector<16xi32>
      %add3A_460 = arith.constant 50048 : i32
      %add3A_461 = arith.addi %mul3A_0, %add3A_460 : i32
      %lt3A_462 = vector.broadcast %add3A_461 : i32 to vector<16xi32>
      %lt3A_463 = arith.cmpi slt, %get3A_457, %lt3A_462 : vector<16xi32>
      %and3A_464 = arith.andi %ge3A_459, %lt3A_463 : vector<16xi1>
      %sub3A_465 = vector.broadcast %mul3A_0 : i32 to vector<16xi32>
      %sub3A_466 = arith.subi %get3A_457, %sub3A_465 : vector<16xi32>
      %jit3A_467 = arith.constant 50048 : i32
      %broadcast_in_dim3A_468 = vector.broadcast %jit3A_467 : i32 to vector<16xi32>
      %select_n3A_469 = arith.select %and3A_464, %sub3A_466, %broadcast_in_dim3A_468 : vector<16xi1>, vector<16xi32>
      %swap3A_470 = arith.constant 1 : i32
      %swap3A_471 = arith.index_cast %swap3A_470 : i32 to index
      %swap3A_472 = arith.constant 112 : index
      %swap3A_473 = tpu.vector_load %arg8[%swap3A_471, %swap3A_472] {strides = array<i32>} : memref<2x128xi32, #tpu.memory_space<vmem>>, vector<1x16xi32>,
      %swap3A_474 = vector.shape_cast %swap3A_473 : vector<1x16xi32> to vector<16xi32>
      %swap3A_475 = vector.shape_cast %select_n3A_469 : vector<16xi32> to vector<1x16xi32>
      tpu.vector_store %arg8[%swap3A_471, %swap3A_472], %swap3A_475 {strides = array<i32>} : memref<2x128xi32, #tpu.memory_space<vmem>>, vector<1x16xi32>,
      %dma_start3A_476 = arith.constant 0 : i32
      %dma_start3A_477 = arith.constant 0 : i32
      %dma_start3A_478 = arith.constant 0 : i32
      %dma_start3A_479 = tpu.memref_slice %arg10[%dma_start3A_477, %dma_start3A_478] : memref<256x32xf32, #tpu.memory_space<vmem>> -> memref<128x32xf32, #tpu.memory_space<vmem>>
      %dma_start3A_480 = arith.constant 0 : i32
      %dma_start3A_481 = tpu.memref_slice %arg8[%dma_start3A_476, %dma_start3A_480] : memref<2x128xi32, #tpu.memory_space<vmem>> -> memref<1x128xi32, #tpu.memory_space<vmem>>
      %dma_start3A_482 = tpu.memref_squeeze %dma_start3A_481 : memref<1x128xi32, #tpu.memory_space<vmem>> -> memref<128xi32, #tpu.memory_space<vmem>>
      %dma_start3A_483 = arith.constant 0 : i32
      %dma_start3A_484 = arith.constant 0 : i32
      %dma_start3A_485 = tpu.memref_slice %arg12[%dma_start3A_483, %dma_start3A_484] : memref<50056x32xf32, #tpu.memory_space<vmem_shared>> -> memref<50056x32xf32, #tpu.memory_space<vmem_shared>>
      tpu.enqueue_indirect_dma source(%dma_start3A_479 : memref<128x32xf32, #tpu.memory_space<vmem>>) target(%dma_start3A_485 : memref<50056x32xf32, #tpu.memory_space<vmem_shared>>) offsets(%dma_start3A_482 : memref<128xi32, #tpu.memory_space<vmem>>) semaphore(%arg15 : memref<!tpu.dma_semaphore, #tpu.memory_space<semaphore_mem>>) {add = true}
      %dma_start3A_486 = arith.constant 1 : i32
      %dma_start3A_487 = arith.constant 128 : i32
      %dma_start3A_488 = arith.constant 0 : i32
      %dma_start3A_489 = tpu.memref_slice %arg10[%dma_start3A_487, %dma_start3A_488] : memref<256x32xf32, #tpu.memory_space<vmem>> -> memref<128x32xf32, #tpu.memory_space<vmem>>
      %dma_start3A_490 = arith.constant 0 : i32
      %dma_start3A_491 = tpu.memref_slice %arg8[%dma_start3A_486, %dma_start3A_490] : memref<2x128xi32, #tpu.memory_space<vmem>> -> memref<1x128xi32, #tpu.memory_space<vmem>>
      %dma_start3A_492 = tpu.memref_squeeze %dma_start3A_491 : memref<1x128xi32, #tpu.memory_space<vmem>> -> memref<128xi32, #tpu.memory_space<vmem>>
      %dma_start3A_493 = arith.constant 0 : i32
      %dma_start3A_494 = arith.constant 0 : i32
      %dma_start3A_495 = tpu.memref_slice %arg12[%dma_start3A_493, %dma_start3A_494] : memref<50056x32xf32, #tpu.memory_space<vmem_shared>> -> memref<50056x32xf32, #tpu.memory_space<vmem_shared>>
      tpu.enqueue_indirect_dma source(%dma_start3A_489 : memref<128x32xf32, #tpu.memory_space<vmem>>) target(%dma_start3A_495 : memref<50056x32xf32, #tpu.memory_space<vmem_shared>>) offsets(%dma_start3A_492 : memref<128xi32, #tpu.memory_space<vmem>>) semaphore(%arg15 : memref<!tpu.dma_semaphore, #tpu.memory_space<semaphore_mem>>) {add = true}
      %dma_wait3A_496 = arith.constant 0 : i32
      %dma_wait3A_497 = arith.constant 0 : i32
      %dma_wait3A_498 = arith.constant 0 : i32
      %dma_wait3A_499 = tpu.memref_slice %arg10[%dma_wait3A_497, %dma_wait3A_498] : memref<256x32xf32, #tpu.memory_space<vmem>> -> memref<128x32xf32, #tpu.memory_space<vmem>>
      %dma_wait3A_500 = arith.constant 0 : i32
      %dma_wait3A_501 = tpu.memref_slice %arg8[%dma_wait3A_496, %dma_wait3A_500] : memref<2x128xi32, #tpu.memory_space<vmem>> -> memref<1x128xi32, #tpu.memory_space<vmem>>
      %dma_wait3A_502 = tpu.memref_squeeze %dma_wait3A_501 : memref<1x128xi32, #tpu.memory_space<vmem>> -> memref<128xi32, #tpu.memory_space<vmem>>
      %dma_wait3A_503 = arith.constant 0 : i32
      %dma_wait3A_504 = arith.constant 0 : i32
      %dma_wait3A_505 = tpu.memref_slice %arg12[%dma_wait3A_503, %dma_wait3A_504] : memref<50056x32xf32, #tpu.memory_space<vmem_shared>> -> memref<50056x32xf32, #tpu.memory_space<vmem_shared>>
      tpu.wait_indirect_dma semaphore(%arg15 : memref<!tpu.dma_semaphore, #tpu.memory_space<semaphore_mem>>) src(%dma_wait3A_499 : memref<128x32xf32, #tpu.memory_space<vmem>>) dst(%dma_wait3A_505 : memref<50056x32xf32, #tpu.memory_space<vmem_shared>>)
      %dma_wait3A_506 = arith.constant 1 : i32
      %dma_wait3A_507 = arith.constant 128 : i32
      %dma_wait3A_508 = arith.constant 0 : i32
      %dma_wait3A_509 = tpu.memref_slice %arg10[%dma_wait3A_507, %dma_wait3A_508] : memref<256x32xf32, #tpu.memory_space<vmem>> -> memref<128x32xf32, #tpu.memory_space<vmem>>
      %dma_wait3A_510 = arith.constant 0 : i32
      %dma_wait3A_511 = tpu.memref_slice %arg8[%dma_wait3A_506, %dma_wait3A_510] : memref<2x128xi32, #tpu.memory_space<vmem>> -> memref<1x128xi32, #tpu.memory_space<vmem>>
      %dma_wait3A_512 = tpu.memref_squeeze %dma_wait3A_511 : memref<1x128xi32, #tpu.memory_space<vmem>> -> memref<128xi32, #tpu.memory_space<vmem>>
      %dma_wait3A_513 = arith.constant 0 : i32
      %dma_wait3A_514 = arith.constant 0 : i32
      %dma_wait3A_515 = tpu.memref_slice %arg12[%dma_wait3A_513, %dma_wait3A_514] : memref<50056x32xf32, #tpu.memory_space<vmem_shared>> -> memref<50056x32xf32, #tpu.memory_space<vmem_shared>>
      tpu.wait_indirect_dma semaphore(%arg15 : memref<!tpu.dma_semaphore, #tpu.memory_space<semaphore_mem>>) src(%dma_wait3A_509 : memref<128x32xf32, #tpu.memory_space<vmem>>) dst(%dma_wait3A_515 : memref<50056x32xf32, #tpu.memory_space<vmem_shared>>)
      %add3A_516 = arith.constant 2 : i32
      %add3A_517 = arith.addi %mul3A_41, %add3A_516 : i32
      %lt3A_518 = arith.constant 392 : i32
      %lt3A_519 = arith.cmpi slt, %add3A_517, %lt3A_518 : i32
      %convert_element_type3A = arith.extui %lt3A_519 : i1 to i32
      %cond3A = arith.constant 0 : i32
      %cond3A_520 = arith.cmpi ne, %convert_element_type3A, %cond3A : i32
      scf.if %cond3A_520 {
        %add3A_966 = arith.constant 2 : i32
        %add3A_967 = arith.addi %mul3A_41, %add3A_966 : i32
        %mul3A_968 = arith.constant 256 : i32
        %mul3A_969 = arith.muli %add3A_967, %mul3A_968 : i32
        %add3A_970 = arith.addi %mul3A_6, %mul3A_969 : i32
        %jit3A_971 = arith.constant 128 : i32
        %div3A_972 = arith.divsi %add3A_970, %jit3A_971 : i32
        %sign3A_973 = arith.constant 0 : i32
        %sign3A_974 = arith.cmpi sgt, %add3A_970, %sign3A_973 : i32
        %sign3A_975 = arith.extui %sign3A_974 : i1 to i32
        %sign3A_976 = arith.constant 0 : i32
        %sign3A_977 = arith.cmpi slt, %add3A_970, %sign3A_976 : i32
        %sign3A_978 = arith.extui %sign3A_977 : i1 to i32
        %sign3A_979 = arith.subi %sign3A_975, %sign3A_978 : i32
        %sign3A_980 = arith.constant 0 : i32
        %sign3A_981 = arith.cmpi sgt, %jit3A_971, %sign3A_980 : i32
        %sign3A_982 = arith.extui %sign3A_981 : i1 to i32
        %sign3A_983 = arith.constant 0 : i32
        %sign3A_984 = arith.cmpi slt, %jit3A_971, %sign3A_983 : i32
        %sign3A_985 = arith.extui %sign3A_984 : i1 to i32
        %sign3A_986 = arith.subi %sign3A_982, %sign3A_985 : i32
        %ne3A_987 = arith.cmpi ne, %sign3A_979, %sign3A_986 : i32
        %rem3A_988 = arith.remsi %add3A_970, %jit3A_971 : i32
        %ne3A_989 = arith.constant 0 : i32
        %ne3A_990 = arith.cmpi ne, %rem3A_988, %ne3A_989 : i32
        %and3A_991 = arith.andi %ne3A_987, %ne3A_990 : i1
        %sub3A_992 = arith.constant 1 : i32
        %sub3A_993 = arith.subi %div3A_972, %sub3A_992 : i32
        %select_n3A_994 = arith.select %and3A_991, %sub3A_993, %div3A_972 : i32
        %dma_start3A_995 = arith.constant 0 : i32
        %dma_start3A_996 = tpu.memref_slice %arg3[%select_n3A_994, %dma_start3A_995] : memref<12544x128xi32, #tpu.memory_space<hbm>> -> memref<2x128xi32, #tpu.memory_space<hbm>>
        %dma_start3A_997 = arith.constant 0 : i32
        %dma_start3A_998 = tpu.memref_slice %arg3[%select_n3A_994, %dma_start3A_997] : memref<12544x128xi32, #tpu.memory_space<hbm>> -> memref<2x128xi32, #tpu.memory_space<hbm>>
        tpu.enqueue_dma source(%dma_start3A_998 : memref<2x128xi32, #tpu.memory_space<hbm>>) target(%arg6 : memref<2x128xi32, #tpu.memory_space<vmem>>) target_semaphore(%arg13 : memref<!tpu.dma_semaphore, #tpu.memory_space<semaphore_mem>>)
        %dma_start3A_999 = arith.constant 0 : i32
        %dma_start3A_1000 = tpu.memref_slice %arg2[%add3A_970, %dma_start3A_999] : memref<1605632x32xf32, #tpu.memory_space<hbm>> -> memref<256x32xf32, #tpu.memory_space<hbm>>
        %dma_start3A_1001 = arith.constant 0 : i32
        %dma_start3A_1002 = tpu.memref_slice %arg2[%add3A_970, %dma_start3A_1001] : memref<1605632x32xf32, #tpu.memory_space<hbm>> -> memref<256x32xf32, #tpu.memory_space<hbm>>
        tpu.enqueue_dma source(%dma_start3A_1002 : memref<256x32xf32, #tpu.memory_space<hbm>>) target(%arg10 : memref<256x32xf32, #tpu.memory_space<vmem>>) target_semaphore(%arg13 : memref<!tpu.dma_semaphore, #tpu.memory_space<semaphore_mem>>)
      } else {
      }
      %add3A_521 = arith.constant 1 : i32
      %add3A_522 = arith.addi %mul3A_41, %add3A_521 : i32
      %mul3A_523 = arith.constant 256 : i32
      %mul3A_524 = arith.muli %add3A_522, %mul3A_523 : i32
      %add3A_525 = arith.addi %mul3A_6, %mul3A_524 : i32
      %jit3A_526 = arith.constant 128 : i32
      %div3A_527 = arith.divsi %add3A_525, %jit3A_526 : i32
      %sign3A_528 = arith.constant 0 : i32
      %sign3A_529 = arith.cmpi sgt, %add3A_525, %sign3A_528 : i32
      %sign3A_530 = arith.extui %sign3A_529 : i1 to i32
      %sign3A_531 = arith.constant 0 : i32
      %sign3A_532 = arith.cmpi slt, %add3A_525, %sign3A_531 : i32
      %sign3A_533 = arith.extui %sign3A_532 : i1 to i32
      %sign3A_534 = arith.subi %sign3A_530, %sign3A_533 : i32
      %sign3A_535 = arith.constant 0 : i32
      %sign3A_536 = arith.cmpi sgt, %jit3A_526, %sign3A_535 : i32
      %sign3A_537 = arith.extui %sign3A_536 : i1 to i32
      %sign3A_538 = arith.constant 0 : i32
      %sign3A_539 = arith.cmpi slt, %jit3A_526, %sign3A_538 : i32
      %sign3A_540 = arith.extui %sign3A_539 : i1 to i32
      %sign3A_541 = arith.subi %sign3A_537, %sign3A_540 : i32
      %ne3A_542 = arith.cmpi ne, %sign3A_534, %sign3A_541 : i32
      %rem3A_543 = arith.remsi %add3A_525, %jit3A_526 : i32
      %ne3A_544 = arith.constant 0 : i32
      %ne3A_545 = arith.cmpi ne, %rem3A_543, %ne3A_544 : i32
      %and3A_546 = arith.andi %ne3A_542, %ne3A_545 : i1
      %sub3A_547 = arith.constant 1 : i32
      %sub3A_548 = arith.subi %div3A_527, %sub3A_547 : i32
      %select_n3A_549 = arith.select %and3A_546, %sub3A_548, %div3A_527 : i32
      %dma_wait3A_550 = arith.constant 0 : i32
      %dma_wait3A_551 = tpu.memref_slice %arg3[%select_n3A_549, %dma_wait3A_550] : memref<12544x128xi32, #tpu.memory_space<hbm>> -> memref<2x128xi32, #tpu.memory_space<hbm>>
      %dma_wait3A_552 = arith.constant 0 : i32
      %dma_wait3A_553 = tpu.memref_slice %arg3[%select_n3A_549, %dma_wait3A_552] : memref<12544x128xi32, #tpu.memory_space<hbm>> -> memref<2x128xi32, #tpu.memory_space<hbm>>
      tpu.wait_dma2 semaphore(%arg14 : memref<!tpu.dma_semaphore, #tpu.memory_space<semaphore_mem>>) src(%dma_wait3A_553 : memref<2x128xi32, #tpu.memory_space<hbm>>) dst(%arg7 : memref<2x128xi32, #tpu.memory_space<vmem>>)
      %dma_wait3A_554 = arith.constant 0 : i32
      %dma_wait3A_555 = tpu.memref_slice %arg2[%add3A_525, %dma_wait3A_554] : memref<1605632x32xf32, #tpu.memory_space<hbm>> -> memref<256x32xf32, #tpu.memory_space<hbm>>
      %dma_wait3A_556 = arith.constant 0 : i32
      %dma_wait3A_557 = tpu.memref_slice %arg2[%add3A_525, %dma_wait3A_556] : memref<1605632x32xf32, #tpu.memory_space<hbm>> -> memref<256x32xf32, #tpu.memory_space<hbm>>
      tpu.wait_dma2 semaphore(%arg14 : memref<!tpu.dma_semaphore, #tpu.memory_space<semaphore_mem>>) src(%dma_wait3A_557 : memref<256x32xf32, #tpu.memory_space<hbm>>) dst(%arg11 : memref<256x32xf32, #tpu.memory_space<vmem>>)
      %get3A_558 = arith.constant 0 : i32
      %get3A_559 = arith.index_cast %get3A_558 : i32 to index
      %get3A_560 = arith.constant 0 : index
      %get3A_561 = tpu.vector_load %arg7[%get3A_559, %get3A_560] {strides = array<i32>} : memref<2x128xi32, #tpu.memory_space<vmem>>, vector<1x16xi32>,
      %get3A_562 = vector.shape_cast %get3A_561 : vector<1x16xi32> to vector<16xi32>
      %ge3A_563 = vector.broadcast %mul3A_0 : i32 to vector<16xi32>
      %ge3A_564 = arith.cmpi sge, %get3A_562, %ge3A_563 : vector<16xi32>
      %add3A_565 = arith.constant 50048 : i32
      %add3A_566 = arith.addi %mul3A_0, %add3A_565 : i32
      %lt3A_567 = vector.broadcast %add3A_566 : i32 to vector<16xi32>
      %lt3A_568 = arith.cmpi slt, %get3A_562, %lt3A_567 : vector<16xi32>
      %and3A_569 = arith.andi %ge3A_564, %lt3A_568 : vector<16xi1>
      %sub3A_570 = vector.broadcast %mul3A_0 : i32 to vector<16xi32>
      %sub3A_571 = arith.subi %get3A_562, %sub3A_570 : vector<16xi32>
      %jit3A_572 = arith.constant 50048 : i32
      %broadcast_in_dim3A_573 = vector.broadcast %jit3A_572 : i32 to vector<16xi32>
      %select_n3A_574 = arith.select %and3A_569, %sub3A_571, %broadcast_in_dim3A_573 : vector<16xi1>, vector<16xi32>
      %swap3A_575 = arith.constant 0 : i32
      %swap3A_576 = arith.index_cast %swap3A_575 : i32 to index
      %swap3A_577 = arith.constant 0 : index
      %swap3A_578 = tpu.vector_load %arg9[%swap3A_576, %swap3A_577] {strides = array<i32>} : memref<2x128xi32, #tpu.memory_space<vmem>>, vector<1x16xi32>,
      %swap3A_579 = vector.shape_cast %swap3A_578 : vector<1x16xi32> to vector<16xi32>
      %swap3A_580 = vector.shape_cast %select_n3A_574 : vector<16xi32> to vector<1x16xi32>
      tpu.vector_store %arg9[%swap3A_576, %swap3A_577], %swap3A_580 {strides = array<i32>} : memref<2x128xi32, #tpu.memory_space<vmem>>, vector<1x16xi32>,
      %get3A_581 = arith.constant 0 : i32
      %get3A_582 = arith.index_cast %get3A_581 : i32 to index
      %get3A_583 = arith.constant 16 : index
      %get3A_584 = tpu.vector_load %arg7[%get3A_582, %get3A_583] {strides = array<i32>} : memref<2x128xi32, #tpu.memory_space<vmem>>, vector<1x16xi32>,
      %get3A_585 = vector.shape_cast %get3A_584 : vector<1x16xi32> to vector<16xi32>
      %ge3A_586 = vector.broadcast %mul3A_0 : i32 to vector<16xi32>
      %ge3A_587 = arith.cmpi sge, %get3A_585, %ge3A_586 : vector<16xi32>
      %add3A_588 = arith.constant 50048 : i32
      %add3A_589 = arith.addi %mul3A_0, %add3A_588 : i32
      %lt3A_590 = vector.broadcast %add3A_589 : i32 to vector<16xi32>
      %lt3A_591 = arith.cmpi slt, %get3A_585, %lt3A_590 : vector<16xi32>
      %and3A_592 = arith.andi %ge3A_587, %lt3A_591 : vector<16xi1>
      %sub3A_593 = vector.broadcast %mul3A_0 : i32 to vector<16xi32>
      %sub3A_594 = arith.subi %get3A_585, %sub3A_593 : vector<16xi32>
      %jit3A_595 = arith.constant 50048 : i32
      %broadcast_in_dim3A_596 = vector.broadcast %jit3A_595 : i32 to vector<16xi32>
      %select_n3A_597 = arith.select %and3A_592, %sub3A_594, %broadcast_in_dim3A_596 : vector<16xi1>, vector<16xi32>
      %swap3A_598 = arith.constant 0 : i32
      %swap3A_599 = arith.index_cast %swap3A_598 : i32 to index
      %swap3A_600 = arith.constant 16 : index
      %swap3A_601 = tpu.vector_load %arg9[%swap3A_599, %swap3A_600] {strides = array<i32>} : memref<2x128xi32, #tpu.memory_space<vmem>>, vector<1x16xi32>,
      %swap3A_602 = vector.shape_cast %swap3A_601 : vector<1x16xi32> to vector<16xi32>
      %swap3A_603 = vector.shape_cast %select_n3A_597 : vector<16xi32> to vector<1x16xi32>
      tpu.vector_store %arg9[%swap3A_599, %swap3A_600], %swap3A_603 {strides = array<i32>} : memref<2x128xi32, #tpu.memory_space<vmem>>, vector<1x16xi32>,
      %get3A_604 = arith.constant 0 : i32
      %get3A_605 = arith.index_cast %get3A_604 : i32 to index
      %get3A_606 = arith.constant 32 : index
      %get3A_607 = tpu.vector_load %arg7[%get3A_605, %get3A_606] {strides = array<i32>} : memref<2x128xi32, #tpu.memory_space<vmem>>, vector<1x16xi32>,
      %get3A_608 = vector.shape_cast %get3A_607 : vector<1x16xi32> to vector<16xi32>
      %ge3A_609 = vector.broadcast %mul3A_0 : i32 to vector<16xi32>
      %ge3A_610 = arith.cmpi sge, %get3A_608, %ge3A_609 : vector<16xi32>
      %add3A_611 = arith.constant 50048 : i32
      %add3A_612 = arith.addi %mul3A_0, %add3A_611 : i32
      %lt3A_613 = vector.broadcast %add3A_612 : i32 to vector<16xi32>
      %lt3A_614 = arith.cmpi slt, %get3A_608, %lt3A_613 : vector<16xi32>
      %and3A_615 = arith.andi %ge3A_610, %lt3A_614 : vector<16xi1>
      %sub3A_616 = vector.broadcast %mul3A_0 : i32 to vector<16xi32>
      %sub3A_617 = arith.subi %get3A_608, %sub3A_616 : vector<16xi32>
      %jit3A_618 = arith.constant 50048 : i32
      %broadcast_in_dim3A_619 = vector.broadcast %jit3A_618 : i32 to vector<16xi32>
      %select_n3A_620 = arith.select %and3A_615, %sub3A_617, %broadcast_in_dim3A_619 : vector<16xi1>, vector<16xi32>
      %swap3A_621 = arith.constant 0 : i32
      %swap3A_622 = arith.index_cast %swap3A_621 : i32 to index
      %swap3A_623 = arith.constant 32 : index
      %swap3A_624 = tpu.vector_load %arg9[%swap3A_622, %swap3A_623] {strides = array<i32>} : memref<2x128xi32, #tpu.memory_space<vmem>>, vector<1x16xi32>,
      %swap3A_625 = vector.shape_cast %swap3A_624 : vector<1x16xi32> to vector<16xi32>
      %swap3A_626 = vector.shape_cast %select_n3A_620 : vector<16xi32> to vector<1x16xi32>
      tpu.vector_store %arg9[%swap3A_622, %swap3A_623], %swap3A_626 {strides = array<i32>} : memref<2x128xi32, #tpu.memory_space<vmem>>, vector<1x16xi32>,
      %get3A_627 = arith.constant 0 : i32
      %get3A_628 = arith.index_cast %get3A_627 : i32 to index
      %get3A_629 = arith.constant 48 : index
      %get3A_630 = tpu.vector_load %arg7[%get3A_628, %get3A_629] {strides = array<i32>} : memref<2x128xi32, #tpu.memory_space<vmem>>, vector<1x16xi32>,
      %get3A_631 = vector.shape_cast %get3A_630 : vector<1x16xi32> to vector<16xi32>
      %ge3A_632 = vector.broadcast %mul3A_0 : i32 to vector<16xi32>
      %ge3A_633 = arith.cmpi sge, %get3A_631, %ge3A_632 : vector<16xi32>
      %add3A_634 = arith.constant 50048 : i32
      %add3A_635 = arith.addi %mul3A_0, %add3A_634 : i32
      %lt3A_636 = vector.broadcast %add3A_635 : i32 to vector<16xi32>
      %lt3A_637 = arith.cmpi slt, %get3A_631, %lt3A_636 : vector<16xi32>
      %and3A_638 = arith.andi %ge3A_633, %lt3A_637 : vector<16xi1>
      %sub3A_639 = vector.broadcast %mul3A_0 : i32 to vector<16xi32>
      %sub3A_640 = arith.subi %get3A_631, %sub3A_639 : vector<16xi32>
      %jit3A_641 = arith.constant 50048 : i32
      %broadcast_in_dim3A_642 = vector.broadcast %jit3A_641 : i32 to vector<16xi32>
      %select_n3A_643 = arith.select %and3A_638, %sub3A_640, %broadcast_in_dim3A_642 : vector<16xi1>, vector<16xi32>
      %swap3A_644 = arith.constant 0 : i32
      %swap3A_645 = arith.index_cast %swap3A_644 : i32 to index
      %swap3A_646 = arith.constant 48 : index
      %swap3A_647 = tpu.vector_load %arg9[%swap3A_645, %swap3A_646] {strides = array<i32>} : memref<2x128xi32, #tpu.memory_space<vmem>>, vector<1x16xi32>,
      %swap3A_648 = vector.shape_cast %swap3A_647 : vector<1x16xi32> to vector<16xi32>
      %swap3A_649 = vector.shape_cast %select_n3A_643 : vector<16xi32> to vector<1x16xi32>
      tpu.vector_store %arg9[%swap3A_645, %swap3A_646], %swap3A_649 {strides = array<i32>} : memref<2x128xi32, #tpu.memory_space<vmem>>, vector<1x16xi32>,
      %get3A_650 = arith.constant 0 : i32
      %get3A_651 = arith.index_cast %get3A_650 : i32 to index
      %get3A_652 = arith.constant 64 : index
      %get3A_653 = tpu.vector_load %arg7[%get3A_651, %get3A_652] {strides = array<i32>} : memref<2x128xi32, #tpu.memory_space<vmem>>, vector<1x16xi32>,
      %get3A_654 = vector.shape_cast %get3A_653 : vector<1x16xi32> to vector<16xi32>
      %ge3A_655 = vector.broadcast %mul3A_0 : i32 to vector<16xi32>
      %ge3A_656 = arith.cmpi sge, %get3A_654, %ge3A_655 : vector<16xi32>
      %add3A_657 = arith.constant 50048 : i32
      %add3A_658 = arith.addi %mul3A_0, %add3A_657 : i32
      %lt3A_659 = vector.broadcast %add3A_658 : i32 to vector<16xi32>
      %lt3A_660 = arith.cmpi slt, %get3A_654, %lt3A_659 : vector<16xi32>
      %and3A_661 = arith.andi %ge3A_656, %lt3A_660 : vector<16xi1>
      %sub3A_662 = vector.broadcast %mul3A_0 : i32 to vector<16xi32>
      %sub3A_663 = arith.subi %get3A_654, %sub3A_662 : vector<16xi32>
      %jit3A_664 = arith.constant 50048 : i32
      %broadcast_in_dim3A_665 = vector.broadcast %jit3A_664 : i32 to vector<16xi32>
      %select_n3A_666 = arith.select %and3A_661, %sub3A_663, %broadcast_in_dim3A_665 : vector<16xi1>, vector<16xi32>
      %swap3A_667 = arith.constant 0 : i32
      %swap3A_668 = arith.index_cast %swap3A_667 : i32 to index
      %swap3A_669 = arith.constant 64 : index
      %swap3A_670 = tpu.vector_load %arg9[%swap3A_668, %swap3A_669] {strides = array<i32>} : memref<2x128xi32, #tpu.memory_space<vmem>>, vector<1x16xi32>,
      %swap3A_671 = vector.shape_cast %swap3A_670 : vector<1x16xi32> to vector<16xi32>
      %swap3A_672 = vector.shape_cast %select_n3A_666 : vector<16xi32> to vector<1x16xi32>
      tpu.vector_store %arg9[%swap3A_668, %swap3A_669], %swap3A_672 {strides = array<i32>} : memref<2x128xi32, #tpu.memory_space<vmem>>, vector<1x16xi32>,
      %get3A_673 = arith.constant 0 : i32
      %get3A_674 = arith.index_cast %get3A_673 : i32 to index
      %get3A_675 = arith.constant 80 : index
      %get3A_676 = tpu.vector_load %arg7[%get3A_674, %get3A_675] {strides = array<i32>} : memref<2x128xi32, #tpu.memory_space<vmem>>, vector<1x16xi32>,
      %get3A_677 = vector.shape_cast %get3A_676 : vector<1x16xi32> to vector<16xi32>
      %ge3A_678 = vector.broadcast %mul3A_0 : i32 to vector<16xi32>
      %ge3A_679 = arith.cmpi sge, %get3A_677, %ge3A_678 : vector<16xi32>
      %add3A_680 = arith.constant 50048 : i32
      %add3A_681 = arith.addi %mul3A_0, %add3A_680 : i32
      %lt3A_682 = vector.broadcast %add3A_681 : i32 to vector<16xi32>
      %lt3A_683 = arith.cmpi slt, %get3A_677, %lt3A_682 : vector<16xi32>
      %and3A_684 = arith.andi %ge3A_679, %lt3A_683 : vector<16xi1>
      %sub3A_685 = vector.broadcast %mul3A_0 : i32 to vector<16xi32>
      %sub3A_686 = arith.subi %get3A_677, %sub3A_685 : vector<16xi32>
      %jit3A_687 = arith.constant 50048 : i32
      %broadcast_in_dim3A_688 = vector.broadcast %jit3A_687 : i32 to vector<16xi32>
      %select_n3A_689 = arith.select %and3A_684, %sub3A_686, %broadcast_in_dim3A_688 : vector<16xi1>, vector<16xi32>
      %swap3A_690 = arith.constant 0 : i32
      %swap3A_691 = arith.index_cast %swap3A_690 : i32 to index
      %swap3A_692 = arith.constant 80 : index
      %swap3A_693 = tpu.vector_load %arg9[%swap3A_691, %swap3A_692] {strides = array<i32>} : memref<2x128xi32, #tpu.memory_space<vmem>>, vector<1x16xi32>,
      %swap3A_694 = vector.shape_cast %swap3A_693 : vector<1x16xi32> to vector<16xi32>
      %swap3A_695 = vector.shape_cast %select_n3A_689 : vector<16xi32> to vector<1x16xi32>
      tpu.vector_store %arg9[%swap3A_691, %swap3A_692], %swap3A_695 {strides = array<i32>} : memref<2x128xi32, #tpu.memory_space<vmem>>, vector<1x16xi32>,
      %get3A_696 = arith.constant 0 : i32
      %get3A_697 = arith.index_cast %get3A_696 : i32 to index
      %get3A_698 = arith.constant 96 : index
      %get3A_699 = tpu.vector_load %arg7[%get3A_697, %get3A_698] {strides = array<i32>} : memref<2x128xi32, #tpu.memory_space<vmem>>, vector<1x16xi32>,
      %get3A_700 = vector.shape_cast %get3A_699 : vector<1x16xi32> to vector<16xi32>
      %ge3A_701 = vector.broadcast %mul3A_0 : i32 to vector<16xi32>
      %ge3A_702 = arith.cmpi sge, %get3A_700, %ge3A_701 : vector<16xi32>
      %add3A_703 = arith.constant 50048 : i32
      %add3A_704 = arith.addi %mul3A_0, %add3A_703 : i32
      %lt3A_705 = vector.broadcast %add3A_704 : i32 to vector<16xi32>
      %lt3A_706 = arith.cmpi slt, %get3A_700, %lt3A_705 : vector<16xi32>
      %and3A_707 = arith.andi %ge3A_702, %lt3A_706 : vector<16xi1>
      %sub3A_708 = vector.broadcast %mul3A_0 : i32 to vector<16xi32>
      %sub3A_709 = arith.subi %get3A_700, %sub3A_708 : vector<16xi32>
      %jit3A_710 = arith.constant 50048 : i32
      %broadcast_in_dim3A_711 = vector.broadcast %jit3A_710 : i32 to vector<16xi32>
      %select_n3A_712 = arith.select %and3A_707, %sub3A_709, %broadcast_in_dim3A_711 : vector<16xi1>, vector<16xi32>
      %swap3A_713 = arith.constant 0 : i32
      %swap3A_714 = arith.index_cast %swap3A_713 : i32 to index
      %swap3A_715 = arith.constant 96 : index
      %swap3A_716 = tpu.vector_load %arg9[%swap3A_714, %swap3A_715] {strides = array<i32>} : memref<2x128xi32, #tpu.memory_space<vmem>>, vector<1x16xi32>,
      %swap3A_717 = vector.shape_cast %swap3A_716 : vector<1x16xi32> to vector<16xi32>
      %swap3A_718 = vector.shape_cast %select_n3A_712 : vector<16xi32> to vector<1x16xi32>
      tpu.vector_store %arg9[%swap3A_714, %swap3A_715], %swap3A_718 {strides = array<i32>} : memref<2x128xi32, #tpu.memory_space<vmem>>, vector<1x16xi32>,
      %get3A_719 = arith.constant 0 : i32
      %get3A_720 = arith.index_cast %get3A_719 : i32 to index
      %get3A_721 = arith.constant 112 : index
      %get3A_722 = tpu.vector_load %arg7[%get3A_720, %get3A_721] {strides = array<i32>} : memref<2x128xi32, #tpu.memory_space<vmem>>, vector<1x16xi32>,
      %get3A_723 = vector.shape_cast %get3A_722 : vector<1x16xi32> to vector<16xi32>
      %ge3A_724 = vector.broadcast %mul3A_0 : i32 to vector<16xi32>
      %ge3A_725 = arith.cmpi sge, %get3A_723, %ge3A_724 : vector<16xi32>
      %add3A_726 = arith.constant 50048 : i32
      %add3A_727 = arith.addi %mul3A_0, %add3A_726 : i32
      %lt3A_728 = vector.broadcast %add3A_727 : i32 to vector<16xi32>
      %lt3A_729 = arith.cmpi slt, %get3A_723, %lt3A_728 : vector<16xi32>
      %and3A_730 = arith.andi %ge3A_725, %lt3A_729 : vector<16xi1>
      %sub3A_731 = vector.broadcast %mul3A_0 : i32 to vector<16xi32>
      %sub3A_732 = arith.subi %get3A_723, %sub3A_731 : vector<16xi32>
      %jit3A_733 = arith.constant 50048 : i32
      %broadcast_in_dim3A_734 = vector.broadcast %jit3A_733 : i32 to vector<16xi32>
      %select_n3A_735 = arith.select %and3A_730, %sub3A_732, %broadcast_in_dim3A_734 : vector<16xi1>, vector<16xi32>
      %swap3A_736 = arith.constant 0 : i32
      %swap3A_737 = arith.index_cast %swap3A_736 : i32 to index
      %swap3A_738 = arith.constant 112 : index
      %swap3A_739 = tpu.vector_load %arg9[%swap3A_737, %swap3A_738] {strides = array<i32>} : memref<2x128xi32, #tpu.memory_space<vmem>>, vector<1x16xi32>,
      %swap3A_740 = vector.shape_cast %swap3A_739 : vector<1x16xi32> to vector<16xi32>
      %swap3A_741 = vector.shape_cast %select_n3A_735 : vector<16xi32> to vector<1x16xi32>
      tpu.vector_store %arg9[%swap3A_737, %swap3A_738], %swap3A_741 {strides = array<i32>} : memref<2x128xi32, #tpu.memory_space<vmem>>, vector<1x16xi32>,
      %get3A_742 = arith.constant 1 : i32
      %get3A_743 = arith.index_cast %get3A_742 : i32 to index
      %get3A_744 = arith.constant 0 : index
      %get3A_745 = tpu.vector_load %arg7[%get3A_743, %get3A_744] {strides = array<i32>} : memref<2x128xi32, #tpu.memory_space<vmem>>, vector<1x16xi32>,
      %get3A_746 = vector.shape_cast %get3A_745 : vector<1x16xi32> to vector<16xi32>
      %ge3A_747 = vector.broadcast %mul3A_0 : i32 to vector<16xi32>
      %ge3A_748 = arith.cmpi sge, %get3A_746, %ge3A_747 : vector<16xi32>
      %add3A_749 = arith.constant 50048 : i32
      %add3A_750 = arith.addi %mul3A_0, %add3A_749 : i32
      %lt3A_751 = vector.broadcast %add3A_750 : i32 to vector<16xi32>
      %lt3A_752 = arith.cmpi slt, %get3A_746, %lt3A_751 : vector<16xi32>
      %and3A_753 = arith.andi %ge3A_748, %lt3A_752 : vector<16xi1>
      %sub3A_754 = vector.broadcast %mul3A_0 : i32 to vector<16xi32>
      %sub3A_755 = arith.subi %get3A_746, %sub3A_754 : vector<16xi32>
      %jit3A_756 = arith.constant 50048 : i32
      %broadcast_in_dim3A_757 = vector.broadcast %jit3A_756 : i32 to vector<16xi32>
      %select_n3A_758 = arith.select %and3A_753, %sub3A_755, %broadcast_in_dim3A_757 : vector<16xi1>, vector<16xi32>
      %swap3A_759 = arith.constant 1 : i32
      %swap3A_760 = arith.index_cast %swap3A_759 : i32 to index
      %swap3A_761 = arith.constant 0 : index
      %swap3A_762 = tpu.vector_load %arg9[%swap3A_760, %swap3A_761] {strides = array<i32>} : memref<2x128xi32, #tpu.memory_space<vmem>>, vector<1x16xi32>,
      %swap3A_763 = vector.shape_cast %swap3A_762 : vector<1x16xi32> to vector<16xi32>
      %swap3A_764 = vector.shape_cast %select_n3A_758 : vector<16xi32> to vector<1x16xi32>
      tpu.vector_store %arg9[%swap3A_760, %swap3A_761], %swap3A_764 {strides = array<i32>} : memref<2x128xi32, #tpu.memory_space<vmem>>, vector<1x16xi32>,
      %get3A_765 = arith.constant 1 : i32
      %get3A_766 = arith.index_cast %get3A_765 : i32 to index
      %get3A_767 = arith.constant 16 : index
      %get3A_768 = tpu.vector_load %arg7[%get3A_766, %get3A_767] {strides = array<i32>} : memref<2x128xi32, #tpu.memory_space<vmem>>, vector<1x16xi32>,
      %get3A_769 = vector.shape_cast %get3A_768 : vector<1x16xi32> to vector<16xi32>
      %ge3A_770 = vector.broadcast %mul3A_0 : i32 to vector<16xi32>
      %ge3A_771 = arith.cmpi sge, %get3A_769, %ge3A_770 : vector<16xi32>
      %add3A_772 = arith.constant 50048 : i32
      %add3A_773 = arith.addi %mul3A_0, %add3A_772 : i32
      %lt3A_774 = vector.broadcast %add3A_773 : i32 to vector<16xi32>
      %lt3A_775 = arith.cmpi slt, %get3A_769, %lt3A_774 : vector<16xi32>
      %and3A_776 = arith.andi %ge3A_771, %lt3A_775 : vector<16xi1>
      %sub3A_777 = vector.broadcast %mul3A_0 : i32 to vector<16xi32>
      %sub3A_778 = arith.subi %get3A_769, %sub3A_777 : vector<16xi32>
      %jit3A_779 = arith.constant 50048 : i32
      %broadcast_in_dim3A_780 = vector.broadcast %jit3A_779 : i32 to vector<16xi32>
      %select_n3A_781 = arith.select %and3A_776, %sub3A_778, %broadcast_in_dim3A_780 : vector<16xi1>, vector<16xi32>
      %swap3A_782 = arith.constant 1 : i32
      %swap3A_783 = arith.index_cast %swap3A_782 : i32 to index
      %swap3A_784 = arith.constant 16 : index
      %swap3A_785 = tpu.vector_load %arg9[%swap3A_783, %swap3A_784] {strides = array<i32>} : memref<2x128xi32, #tpu.memory_space<vmem>>, vector<1x16xi32>,
      %swap3A_786 = vector.shape_cast %swap3A_785 : vector<1x16xi32> to vector<16xi32>
      %swap3A_787 = vector.shape_cast %select_n3A_781 : vector<16xi32> to vector<1x16xi32>
      tpu.vector_store %arg9[%swap3A_783, %swap3A_784], %swap3A_787 {strides = array<i32>} : memref<2x128xi32, #tpu.memory_space<vmem>>, vector<1x16xi32>,
      %get3A_788 = arith.constant 1 : i32
      %get3A_789 = arith.index_cast %get3A_788 : i32 to index
      %get3A_790 = arith.constant 32 : index
      %get3A_791 = tpu.vector_load %arg7[%get3A_789, %get3A_790] {strides = array<i32>} : memref<2x128xi32, #tpu.memory_space<vmem>>, vector<1x16xi32>,
      %get3A_792 = vector.shape_cast %get3A_791 : vector<1x16xi32> to vector<16xi32>
      %ge3A_793 = vector.broadcast %mul3A_0 : i32 to vector<16xi32>
      %ge3A_794 = arith.cmpi sge, %get3A_792, %ge3A_793 : vector<16xi32>
      %add3A_795 = arith.constant 50048 : i32
      %add3A_796 = arith.addi %mul3A_0, %add3A_795 : i32
      %lt3A_797 = vector.broadcast %add3A_796 : i32 to vector<16xi32>
      %lt3A_798 = arith.cmpi slt, %get3A_792, %lt3A_797 : vector<16xi32>
      %and3A_799 = arith.andi %ge3A_794, %lt3A_798 : vector<16xi1>
      %sub3A_800 = vector.broadcast %mul3A_0 : i32 to vector<16xi32>
      %sub3A_801 = arith.subi %get3A_792, %sub3A_800 : vector<16xi32>
      %jit3A_802 = arith.constant 50048 : i32
      %broadcast_in_dim3A_803 = vector.broadcast %jit3A_802 : i32 to vector<16xi32>
      %select_n3A_804 = arith.select %and3A_799, %sub3A_801, %broadcast_in_dim3A_803 : vector<16xi1>, vector<16xi32>
      %swap3A_805 = arith.constant 1 : i32
      %swap3A_806 = arith.index_cast %swap3A_805 : i32 to index
      %swap3A_807 = arith.constant 32 : index
      %swap3A_808 = tpu.vector_load %arg9[%swap3A_806, %swap3A_807] {strides = array<i32>} : memref<2x128xi32, #tpu.memory_space<vmem>>, vector<1x16xi32>,
      %swap3A_809 = vector.shape_cast %swap3A_808 : vector<1x16xi32> to vector<16xi32>
      %swap3A_810 = vector.shape_cast %select_n3A_804 : vector<16xi32> to vector<1x16xi32>
      tpu.vector_store %arg9[%swap3A_806, %swap3A_807], %swap3A_810 {strides = array<i32>} : memref<2x128xi32, #tpu.memory_space<vmem>>, vector<1x16xi32>,
      %get3A_811 = arith.constant 1 : i32
      %get3A_812 = arith.index_cast %get3A_811 : i32 to index
      %get3A_813 = arith.constant 48 : index
      %get3A_814 = tpu.vector_load %arg7[%get3A_812, %get3A_813] {strides = array<i32>} : memref<2x128xi32, #tpu.memory_space<vmem>>, vector<1x16xi32>,
      %get3A_815 = vector.shape_cast %get3A_814 : vector<1x16xi32> to vector<16xi32>
      %ge3A_816 = vector.broadcast %mul3A_0 : i32 to vector<16xi32>
      %ge3A_817 = arith.cmpi sge, %get3A_815, %ge3A_816 : vector<16xi32>
      %add3A_818 = arith.constant 50048 : i32
      %add3A_819 = arith.addi %mul3A_0, %add3A_818 : i32
      %lt3A_820 = vector.broadcast %add3A_819 : i32 to vector<16xi32>
      %lt3A_821 = arith.cmpi slt, %get3A_815, %lt3A_820 : vector<16xi32>
      %and3A_822 = arith.andi %ge3A_817, %lt3A_821 : vector<16xi1>
      %sub3A_823 = vector.broadcast %mul3A_0 : i32 to vector<16xi32>
      %sub3A_824 = arith.subi %get3A_815, %sub3A_823 : vector<16xi32>
      %jit3A_825 = arith.constant 50048 : i32
      %broadcast_in_dim3A_826 = vector.broadcast %jit3A_825 : i32 to vector<16xi32>
      %select_n3A_827 = arith.select %and3A_822, %sub3A_824, %broadcast_in_dim3A_826 : vector<16xi1>, vector<16xi32>
      %swap3A_828 = arith.constant 1 : i32
      %swap3A_829 = arith.index_cast %swap3A_828 : i32 to index
      %swap3A_830 = arith.constant 48 : index
      %swap3A_831 = tpu.vector_load %arg9[%swap3A_829, %swap3A_830] {strides = array<i32>} : memref<2x128xi32, #tpu.memory_space<vmem>>, vector<1x16xi32>,
      %swap3A_832 = vector.shape_cast %swap3A_831 : vector<1x16xi32> to vector<16xi32>
      %swap3A_833 = vector.shape_cast %select_n3A_827 : vector<16xi32> to vector<1x16xi32>
      tpu.vector_store %arg9[%swap3A_829, %swap3A_830], %swap3A_833 {strides = array<i32>} : memref<2x128xi32, #tpu.memory_space<vmem>>, vector<1x16xi32>,
      %get3A_834 = arith.constant 1 : i32
      %get3A_835 = arith.index_cast %get3A_834 : i32 to index
      %get3A_836 = arith.constant 64 : index
      %get3A_837 = tpu.vector_load %arg7[%get3A_835, %get3A_836] {strides = array<i32>} : memref<2x128xi32, #tpu.memory_space<vmem>>, vector<1x16xi32>,
      %get3A_838 = vector.shape_cast %get3A_837 : vector<1x16xi32> to vector<16xi32>
      %ge3A_839 = vector.broadcast %mul3A_0 : i32 to vector<16xi32>
      %ge3A_840 = arith.cmpi sge, %get3A_838, %ge3A_839 : vector<16xi32>
      %add3A_841 = arith.constant 50048 : i32
      %add3A_842 = arith.addi %mul3A_0, %add3A_841 : i32
      %lt3A_843 = vector.broadcast %add3A_842 : i32 to vector<16xi32>
      %lt3A_844 = arith.cmpi slt, %get3A_838, %lt3A_843 : vector<16xi32>
      %and3A_845 = arith.andi %ge3A_840, %lt3A_844 : vector<16xi1>
      %sub3A_846 = vector.broadcast %mul3A_0 : i32 to vector<16xi32>
      %sub3A_847 = arith.subi %get3A_838, %sub3A_846 : vector<16xi32>
      %jit3A_848 = arith.constant 50048 : i32
      %broadcast_in_dim3A_849 = vector.broadcast %jit3A_848 : i32 to vector<16xi32>
      %select_n3A_850 = arith.select %and3A_845, %sub3A_847, %broadcast_in_dim3A_849 : vector<16xi1>, vector<16xi32>
      %swap3A_851 = arith.constant 1 : i32
      %swap3A_852 = arith.index_cast %swap3A_851 : i32 to index
      %swap3A_853 = arith.constant 64 : index
      %swap3A_854 = tpu.vector_load %arg9[%swap3A_852, %swap3A_853] {strides = array<i32>} : memref<2x128xi32, #tpu.memory_space<vmem>>, vector<1x16xi32>,
      %swap3A_855 = vector.shape_cast %swap3A_854 : vector<1x16xi32> to vector<16xi32>
      %swap3A_856 = vector.shape_cast %select_n3A_850 : vector<16xi32> to vector<1x16xi32>
      tpu.vector_store %arg9[%swap3A_852, %swap3A_853], %swap3A_856 {strides = array<i32>} : memref<2x128xi32, #tpu.memory_space<vmem>>, vector<1x16xi32>,
      %get3A_857 = arith.constant 1 : i32
      %get3A_858 = arith.index_cast %get3A_857 : i32 to index
      %get3A_859 = arith.constant 80 : index
      %get3A_860 = tpu.vector_load %arg7[%get3A_858, %get3A_859] {strides = array<i32>} : memref<2x128xi32, #tpu.memory_space<vmem>>, vector<1x16xi32>,
      %get3A_861 = vector.shape_cast %get3A_860 : vector<1x16xi32> to vector<16xi32>
      %ge3A_862 = vector.broadcast %mul3A_0 : i32 to vector<16xi32>
      %ge3A_863 = arith.cmpi sge, %get3A_861, %ge3A_862 : vector<16xi32>
      %add3A_864 = arith.constant 50048 : i32
      %add3A_865 = arith.addi %mul3A_0, %add3A_864 : i32
      %lt3A_866 = vector.broadcast %add3A_865 : i32 to vector<16xi32>
      %lt3A_867 = arith.cmpi slt, %get3A_861, %lt3A_866 : vector<16xi32>
      %and3A_868 = arith.andi %ge3A_863, %lt3A_867 : vector<16xi1>
      %sub3A_869 = vector.broadcast %mul3A_0 : i32 to vector<16xi32>
      %sub3A_870 = arith.subi %get3A_861, %sub3A_869 : vector<16xi32>
      %jit3A_871 = arith.constant 50048 : i32
      %broadcast_in_dim3A_872 = vector.broadcast %jit3A_871 : i32 to vector<16xi32>
      %select_n3A_873 = arith.select %and3A_868, %sub3A_870, %broadcast_in_dim3A_872 : vector<16xi1>, vector<16xi32>
      %swap3A_874 = arith.constant 1 : i32
      %swap3A_875 = arith.index_cast %swap3A_874 : i32 to index
      %swap3A_876 = arith.constant 80 : index
      %swap3A_877 = tpu.vector_load %arg9[%swap3A_875, %swap3A_876] {strides = array<i32>} : memref<2x128xi32, #tpu.memory_space<vmem>>, vector<1x16xi32>,
      %swap3A_878 = vector.shape_cast %swap3A_877 : vector<1x16xi32> to vector<16xi32>
      %swap3A_879 = vector.shape_cast %select_n3A_873 : vector<16xi32> to vector<1x16xi32>
      tpu.vector_store %arg9[%swap3A_875, %swap3A_876], %swap3A_879 {strides = array<i32>} : memref<2x128xi32, #tpu.memory_space<vmem>>, vector<1x16xi32>,
      %get3A_880 = arith.constant 1 : i32
      %get3A_881 = arith.index_cast %get3A_880 : i32 to index
      %get3A_882 = arith.constant 96 : index
      %get3A_883 = tpu.vector_load %arg7[%get3A_881, %get3A_882] {strides = array<i32>} : memref<2x128xi32, #tpu.memory_space<vmem>>, vector<1x16xi32>,
      %get3A_884 = vector.shape_cast %get3A_883 : vector<1x16xi32> to vector<16xi32>
      %ge3A_885 = vector.broadcast %mul3A_0 : i32 to vector<16xi32>
      %ge3A_886 = arith.cmpi sge, %get3A_884, %ge3A_885 : vector<16xi32>
      %add3A_887 = arith.constant 50048 : i32
      %add3A_888 = arith.addi %mul3A_0, %add3A_887 : i32
      %lt3A_889 = vector.broadcast %add3A_888 : i32 to vector<16xi32>
      %lt3A_890 = arith.cmpi slt, %get3A_884, %lt3A_889 : vector<16xi32>
      %and3A_891 = arith.andi %ge3A_886, %lt3A_890 : vector<16xi1>
      %sub3A_892 = vector.broadcast %mul3A_0 : i32 to vector<16xi32>
      %sub3A_893 = arith.subi %get3A_884, %sub3A_892 : vector<16xi32>
      %jit3A_894 = arith.constant 50048 : i32
      %broadcast_in_dim3A_895 = vector.broadcast %jit3A_894 : i32 to vector<16xi32>
      %select_n3A_896 = arith.select %and3A_891, %sub3A_893, %broadcast_in_dim3A_895 : vector<16xi1>, vector<16xi32>
      %swap3A_897 = arith.constant 1 : i32
      %swap3A_898 = arith.index_cast %swap3A_897 : i32 to index
      %swap3A_899 = arith.constant 96 : index
      %swap3A_900 = tpu.vector_load %arg9[%swap3A_898, %swap3A_899] {strides = array<i32>} : memref<2x128xi32, #tpu.memory_space<vmem>>, vector<1x16xi32>,
      %swap3A_901 = vector.shape_cast %swap3A_900 : vector<1x16xi32> to vector<16xi32>
      %swap3A_902 = vector.shape_cast %select_n3A_896 : vector<16xi32> to vector<1x16xi32>
      tpu.vector_store %arg9[%swap3A_898, %swap3A_899], %swap3A_902 {strides = array<i32>} : memref<2x128xi32, #tpu.memory_space<vmem>>, vector<1x16xi32>,
      %get3A_903 = arith.constant 1 : i32
      %get3A_904 = arith.index_cast %get3A_903 : i32 to index
      %get3A_905 = arith.constant 112 : index
      %get3A_906 = tpu.vector_load %arg7[%get3A_904, %get3A_905] {strides = array<i32>} : memref<2x128xi32, #tpu.memory_space<vmem>>, vector<1x16xi32>,
      %get3A_907 = vector.shape_cast %get3A_906 : vector<1x16xi32> to vector<16xi32>
      %ge3A_908 = vector.broadcast %mul3A_0 : i32 to vector<16xi32>
      %ge3A_909 = arith.cmpi sge, %get3A_907, %ge3A_908 : vector<16xi32>
      %add3A_910 = arith.constant 50048 : i32
      %add3A_911 = arith.addi %mul3A_0, %add3A_910 : i32
      %lt3A_912 = vector.broadcast %add3A_911 : i32 to vector<16xi32>
      %lt3A_913 = arith.cmpi slt, %get3A_907, %lt3A_912 : vector<16xi32>
      %and3A_914 = arith.andi %ge3A_909, %lt3A_913 : vector<16xi1>
      %sub3A_915 = vector.broadcast %mul3A_0 : i32 to vector<16xi32>
      %sub3A_916 = arith.subi %get3A_907, %sub3A_915 : vector<16xi32>
      %jit3A_917 = arith.constant 50048 : i32
      %broadcast_in_dim3A_918 = vector.broadcast %jit3A_917 : i32 to vector<16xi32>
      %select_n3A_919 = arith.select %and3A_914, %sub3A_916, %broadcast_in_dim3A_918 : vector<16xi1>, vector<16xi32>
      %swap3A_920 = arith.constant 1 : i32
      %swap3A_921 = arith.index_cast %swap3A_920 : i32 to index
      %swap3A_922 = arith.constant 112 : index
      %swap3A_923 = tpu.vector_load %arg9[%swap3A_921, %swap3A_922] {strides = array<i32>} : memref<2x128xi32, #tpu.memory_space<vmem>>, vector<1x16xi32>,
      %swap3A_924 = vector.shape_cast %swap3A_923 : vector<1x16xi32> to vector<16xi32>
      %swap3A_925 = vector.shape_cast %select_n3A_919 : vector<16xi32> to vector<1x16xi32>
      tpu.vector_store %arg9[%swap3A_921, %swap3A_922], %swap3A_925 {strides = array<i32>} : memref<2x128xi32, #tpu.memory_space<vmem>>, vector<1x16xi32>,
      %dma_start3A_926 = arith.constant 0 : i32
      %dma_start3A_927 = arith.constant 0 : i32
      %dma_start3A_928 = arith.constant 0 : i32
      %dma_start3A_929 = tpu.memref_slice %arg11[%dma_start3A_927, %dma_start3A_928] : memref<256x32xf32, #tpu.memory_space<vmem>> -> memref<128x32xf32, #tpu.memory_space<vmem>>
      %dma_start3A_930 = arith.constant 0 : i32
      %dma_start3A_931 = tpu.memref_slice %arg9[%dma_start3A_926, %dma_start3A_930] : memref<2x128xi32, #tpu.memory_space<vmem>> -> memref<1x128xi32, #tpu.memory_space<vmem>>
      %dma_start3A_932 = tpu.memref_squeeze %dma_start3A_931 : memref<1x128xi32, #tpu.memory_space<vmem>> -> memref<128xi32, #tpu.memory_space<vmem>>
      %dma_start3A_933 = arith.constant 0 : i32
      %dma_start3A_934 = arith.constant 0 : i32
      %dma_start3A_935 = tpu.memref_slice %arg12[%dma_start3A_933, %dma_start3A_934] : memref<50056x32xf32, #tpu.memory_space<vmem_shared>> -> memref<50056x32xf32, #tpu.memory_space<vmem_shared>>
      tpu.enqueue_indirect_dma source(%dma_start3A_929 : memref<128x32xf32, #tpu.memory_space<vmem>>) target(%dma_start3A_935 : memref<50056x32xf32, #tpu.memory_space<vmem_shared>>) offsets(%dma_start3A_932 : memref<128xi32, #tpu.memory_space<vmem>>) semaphore(%arg16 : memref<!tpu.dma_semaphore, #tpu.memory_space<semaphore_mem>>) {add = true}
      %dma_start3A_936 = arith.constant 1 : i32
      %dma_start3A_937 = arith.constant 128 : i32
      %dma_start3A_938 = arith.constant 0 : i32
      %dma_start3A_939 = tpu.memref_slice %arg11[%dma_start3A_937, %dma_start3A_938] : memref<256x32xf32, #tpu.memory_space<vmem>> -> memref<128x32xf32, #tpu.memory_space<vmem>>
      %dma_start3A_940 = arith.constant 0 : i32
      %dma_start3A_941 = tpu.memref_slice %arg9[%dma_start3A_936, %dma_start3A_940] : memref<2x128xi32, #tpu.memory_space<vmem>> -> memref<1x128xi32, #tpu.memory_space<vmem>>
      %dma_start3A_942 = tpu.memref_squeeze %dma_start3A_941 : memref<1x128xi32, #tpu.memory_space<vmem>> -> memref<128xi32, #tpu.memory_space<vmem>>
      %dma_start3A_943 = arith.constant 0 : i32
      %dma_start3A_944 = arith.constant 0 : i32
      %dma_start3A_945 = tpu.memref_slice %arg12[%dma_start3A_943, %dma_start3A_944] : memref<50056x32xf32, #tpu.memory_space<vmem_shared>> -> memref<50056x32xf32, #tpu.memory_space<vmem_shared>>
      tpu.enqueue_indirect_dma source(%dma_start3A_939 : memref<128x32xf32, #tpu.memory_space<vmem>>) target(%dma_start3A_945 : memref<50056x32xf32, #tpu.memory_space<vmem_shared>>) offsets(%dma_start3A_942 : memref<128xi32, #tpu.memory_space<vmem>>) semaphore(%arg16 : memref<!tpu.dma_semaphore, #tpu.memory_space<semaphore_mem>>) {add = true}
      %dma_wait3A_946 = arith.constant 0 : i32
      %dma_wait3A_947 = arith.constant 0 : i32
      %dma_wait3A_948 = arith.constant 0 : i32
      %dma_wait3A_949 = tpu.memref_slice %arg11[%dma_wait3A_947, %dma_wait3A_948] : memref<256x32xf32, #tpu.memory_space<vmem>> -> memref<128x32xf32, #tpu.memory_space<vmem>>
      %dma_wait3A_950 = arith.constant 0 : i32
      %dma_wait3A_951 = tpu.memref_slice %arg9[%dma_wait3A_946, %dma_wait3A_950] : memref<2x128xi32, #tpu.memory_space<vmem>> -> memref<1x128xi32, #tpu.memory_space<vmem>>
      %dma_wait3A_952 = tpu.memref_squeeze %dma_wait3A_951 : memref<1x128xi32, #tpu.memory_space<vmem>> -> memref<128xi32, #tpu.memory_space<vmem>>
      %dma_wait3A_953 = arith.constant 0 : i32
      %dma_wait3A_954 = arith.constant 0 : i32
      %dma_wait3A_955 = tpu.memref_slice %arg12[%dma_wait3A_953, %dma_wait3A_954] : memref<50056x32xf32, #tpu.memory_space<vmem_shared>> -> memref<50056x32xf32, #tpu.memory_space<vmem_shared>>
      tpu.wait_indirect_dma semaphore(%arg16 : memref<!tpu.dma_semaphore, #tpu.memory_space<semaphore_mem>>) src(%dma_wait3A_949 : memref<128x32xf32, #tpu.memory_space<vmem>>) dst(%dma_wait3A_955 : memref<50056x32xf32, #tpu.memory_space<vmem_shared>>)
      %dma_wait3A_956 = arith.constant 1 : i32
      %dma_wait3A_957 = arith.constant 128 : i32
      %dma_wait3A_958 = arith.constant 0 : i32
      %dma_wait3A_959 = tpu.memref_slice %arg11[%dma_wait3A_957, %dma_wait3A_958] : memref<256x32xf32, #tpu.memory_space<vmem>> -> memref<128x32xf32, #tpu.memory_space<vmem>>
      %dma_wait3A_960 = arith.constant 0 : i32
      %dma_wait3A_961 = tpu.memref_slice %arg9[%dma_wait3A_956, %dma_wait3A_960] : memref<2x128xi32, #tpu.memory_space<vmem>> -> memref<1x128xi32, #tpu.memory_space<vmem>>
      %dma_wait3A_962 = tpu.memref_squeeze %dma_wait3A_961 : memref<1x128xi32, #tpu.memory_space<vmem>> -> memref<128xi32, #tpu.memory_space<vmem>>
      %dma_wait3A_963 = arith.constant 0 : i32
      %dma_wait3A_964 = arith.constant 0 : i32
      %dma_wait3A_965 = tpu.memref_slice %arg12[%dma_wait3A_963, %dma_wait3A_964] : memref<50056x32xf32, #tpu.memory_space<vmem_shared>> -> memref<50056x32xf32, #tpu.memory_space<vmem_shared>>
      tpu.wait_indirect_dma semaphore(%arg16 : memref<!tpu.dma_semaphore, #tpu.memory_space<semaphore_mem>>) src(%dma_wait3A_959 : memref<128x32xf32, #tpu.memory_space<vmem>>) dst(%dma_wait3A_965 : memref<50056x32xf32, #tpu.memory_space<vmem_shared>>)
    }
    %scan3A_36 = arith.constant 196 : i32
    %barrier3A_37 = arith.constant 0 : index
    tpu.barrier barrier_id(%barrier3A_37)
    %add3A_38 = arith.addi %mul3A_0, %mul3A_2 : i32
    "tpu.region"() ({
      %run_scoped3A = tpu.sem_alloc : memref<!tpu.dma_semaphore, #tpu.memory_space<semaphore_mem>>
      %dma_start3A_39 = arith.constant 0 : i32
      %dma_start3A_40 = tpu.memref_slice %arg5[%add3A_38, %dma_start3A_39] : memref<100096x32xf32, #tpu.memory_space<hbm>> -> memref<3128x32xf32, #tpu.memory_space<hbm>>
      %dma_start3A_41 = arith.constant 0 : i32
      %dma_start3A_42 = tpu.memref_slice %arg12[%mul3A_2, %dma_start3A_41] : memref<50056x32xf32, #tpu.memory_space<vmem_shared>> -> memref<3128x32xf32, #tpu.memory_space<vmem_shared>>
      tpu.enqueue_dma source(%dma_start3A_42 : memref<3128x32xf32, #tpu.memory_space<vmem_shared>>) target(%dma_start3A_40 : memref<3128x32xf32, #tpu.memory_space<hbm>>) target_semaphore(%run_scoped3A : memref<!tpu.dma_semaphore, #tpu.memory_space<semaphore_mem>>)
      %dma_wait3A = arith.constant 0 : i32
      %dma_wait3A_43 = tpu.memref_slice %arg5[%add3A_38, %dma_wait3A] : memref<100096x32xf32, #tpu.memory_space<hbm>> -> memref<3128x32xf32, #tpu.memory_space<hbm>>
      %dma_wait3A_44 = arith.constant 0 : i32
      %dma_wait3A_45 = tpu.memref_slice %arg12[%mul3A_2, %dma_wait3A_44] : memref<50056x32xf32, #tpu.memory_space<vmem_shared>> -> memref<3128x32xf32, #tpu.memory_space<vmem_shared>>
      tpu.wait_dma2 semaphore(%run_scoped3A : memref<!tpu.dma_semaphore, #tpu.memory_space<semaphore_mem>>) src(%dma_wait3A_45 : memref<3128x32xf32, #tpu.memory_space<vmem_shared>>) dst(%dma_wait3A_43 : memref<3128x32xf32, #tpu.memory_space<hbm>>)
      tpu.yield
    }) : () -> ()
    return
  }
}

#map = affine_map<(d0, d1) -> (0, 0)>
module attributes {stable_mosaic.version = 14 : i64} {
  func.func @_gather_body(%arg0: i32, %arg1: i32, %arg2: memref<100000x32xf32, #tpu.memory_space<hbm>>, %arg3: memref<12544x128xi32, #tpu.memory_space<hbm>>, %arg4: memref<12544x128xi32, #tpu.memory_space<hbm>>, %arg5: memref<1605632x32xf32, #tpu.memory_space<hbm>>, %arg6: memref<1605632x32xf32, #tpu.memory_space<hbm>>, %arg7: memref<8x128xi32, #tpu.memory_space<vmem>>, %arg8: memref<8x128xi32, #tpu.memory_space<vmem>>, %arg9: memref<1024x32xf32, #tpu.memory_space<vmem>>, %arg10: memref<1024x32xf32, #tpu.memory_space<vmem>>, %arg11: memref<!tpu.dma_semaphore, #tpu.memory_space<semaphore_mem>>) attributes {dimension_semantics = [#tpu.dimension_semantics<core_parallel>, #tpu.dimension_semantics<subcore_parallel>], iteration_bounds = array<i64: 2, 16>, scalar_prefetch = 0 : i64, scratch_operands = 5 : i64, tpu.core_type = #tpu.core_type<sc_vector_subcore>, window_params = [{transform_indices = #map}, {transform_indices = #map}, {transform_indices = #map}, {transform_indices = #map}, {transform_indices = #map}]} {
    %mul3A = arith.constant 2 : i32
    %mul3A_0 = arith.muli %arg1, %mul3A : i32
    %add3A = arith.addi %mul3A_0, %arg0 : i32
    %mul3A_1 = arith.constant 392 : i32
    %mul3A_2 = arith.muli %add3A, %mul3A_1 : i32
    %mul3A_3 = arith.constant 50176 : i32
    %mul3A_4 = arith.muli %add3A, %mul3A_3 : i32
    %scan3A = arith.constant 0 : i32
    %scan3A_5 = arith.constant 0 : i32
    %scan3A_6 = arith.constant 49 : i32
    %scan3A_7 = arith.addi %scan3A_5, %scan3A_6 : i32
    %scan3A_8 = arith.constant 1 : i32
    scf.for %scan3A_10 = %scan3A_5 to %scan3A_7 step %scan3A_8  : i32 {
      %mul3A_11 = arith.constant 8 : i32
      %mul3A_12 = arith.muli %scan3A_10, %mul3A_11 : i32
      %add3A_13 = arith.addi %mul3A_2, %mul3A_12 : i32
      "tpu.region"() ({
        %run_scoped3A = tpu.sem_alloc : memref<!tpu.dma_semaphore, #tpu.memory_space<semaphore_mem>>
        %dma_start3A_335 = arith.constant 0 : i32
        %dma_start3A_336 = tpu.memref_slice %arg3[%add3A_13, %dma_start3A_335] : memref<12544x128xi32, #tpu.memory_space<hbm>> -> memref<8x128xi32, #tpu.memory_space<hbm>>
        %dma_start3A_337 = arith.constant 0 : i32
        %dma_start3A_338 = tpu.memref_slice %arg3[%add3A_13, %dma_start3A_337] : memref<12544x128xi32, #tpu.memory_space<hbm>> -> memref<8x128xi32, #tpu.memory_space<hbm>>
        tpu.enqueue_dma source(%dma_start3A_338 : memref<8x128xi32, #tpu.memory_space<hbm>>) target(%arg7 : memref<8x128xi32, #tpu.memory_space<vmem>>) target_semaphore(%run_scoped3A : memref<!tpu.dma_semaphore, #tpu.memory_space<semaphore_mem>>)
        %dma_wait3A_339 = arith.constant 0 : i32
        %dma_wait3A_340 = tpu.memref_slice %arg3[%add3A_13, %dma_wait3A_339] : memref<12544x128xi32, #tpu.memory_space<hbm>> -> memref<8x128xi32, #tpu.memory_space<hbm>>
        %dma_wait3A_341 = arith.constant 0 : i32
        %dma_wait3A_342 = tpu.memref_slice %arg3[%add3A_13, %dma_wait3A_341] : memref<12544x128xi32, #tpu.memory_space<hbm>> -> memref<8x128xi32, #tpu.memory_space<hbm>>
        tpu.wait_dma2 semaphore(%run_scoped3A : memref<!tpu.dma_semaphore, #tpu.memory_space<semaphore_mem>>) src(%dma_wait3A_342 : memref<8x128xi32, #tpu.memory_space<hbm>>) dst(%arg7 : memref<8x128xi32, #tpu.memory_space<vmem>>)
        tpu.yield
      }) : () -> ()
      "tpu.region"() ({
        %run_scoped3A = tpu.sem_alloc : memref<!tpu.dma_semaphore, #tpu.memory_space<semaphore_mem>>
        %dma_start3A_335 = arith.constant 0 : i32
        %dma_start3A_336 = tpu.memref_slice %arg4[%add3A_13, %dma_start3A_335] : memref<12544x128xi32, #tpu.memory_space<hbm>> -> memref<8x128xi32, #tpu.memory_space<hbm>>
        %dma_start3A_337 = arith.constant 0 : i32
        %dma_start3A_338 = tpu.memref_slice %arg4[%add3A_13, %dma_start3A_337] : memref<12544x128xi32, #tpu.memory_space<hbm>> -> memref<8x128xi32, #tpu.memory_space<hbm>>
        tpu.enqueue_dma source(%dma_start3A_338 : memref<8x128xi32, #tpu.memory_space<hbm>>) target(%arg8 : memref<8x128xi32, #tpu.memory_space<vmem>>) target_semaphore(%run_scoped3A : memref<!tpu.dma_semaphore, #tpu.memory_space<semaphore_mem>>)
        %dma_wait3A_339 = arith.constant 0 : i32
        %dma_wait3A_340 = tpu.memref_slice %arg4[%add3A_13, %dma_wait3A_339] : memref<12544x128xi32, #tpu.memory_space<hbm>> -> memref<8x128xi32, #tpu.memory_space<hbm>>
        %dma_wait3A_341 = arith.constant 0 : i32
        %dma_wait3A_342 = tpu.memref_slice %arg4[%add3A_13, %dma_wait3A_341] : memref<12544x128xi32, #tpu.memory_space<hbm>> -> memref<8x128xi32, #tpu.memory_space<hbm>>
        tpu.wait_dma2 semaphore(%run_scoped3A : memref<!tpu.dma_semaphore, #tpu.memory_space<semaphore_mem>>) src(%dma_wait3A_342 : memref<8x128xi32, #tpu.memory_space<hbm>>) dst(%arg8 : memref<8x128xi32, #tpu.memory_space<vmem>>)
        tpu.yield
      }) : () -> ()
      %dma_start3A = arith.constant 0 : i32
      %dma_start3A_14 = arith.constant 0 : i32
      %dma_start3A_15 = arith.constant 0 : i32
      %dma_start3A_16 = tpu.memref_slice %arg9[%dma_start3A_14, %dma_start3A_15] : memref<1024x32xf32, #tpu.memory_space<vmem>> -> memref<128x32xf32, #tpu.memory_space<vmem>>
      %dma_start3A_17 = arith.constant 0 : i32
      %dma_start3A_18 = tpu.memref_slice %arg7[%dma_start3A, %dma_start3A_17] : memref<8x128xi32, #tpu.memory_space<vmem>> -> memref<1x128xi32, #tpu.memory_space<vmem>>
      %dma_start3A_19 = tpu.memref_squeeze %dma_start3A_18 : memref<1x128xi32, #tpu.memory_space<vmem>> -> memref<128xi32, #tpu.memory_space<vmem>>
      %dma_start3A_20 = arith.constant 0 : i32
      %dma_start3A_21 = arith.constant 0 : i32
      %dma_start3A_22 = tpu.memref_slice %arg2[%dma_start3A_20, %dma_start3A_21] : memref<100000x32xf32, #tpu.memory_space<hbm>> -> memref<100000x32xf32, #tpu.memory_space<hbm>>
      tpu.enqueue_indirect_dma source(%dma_start3A_22 : memref<100000x32xf32, #tpu.memory_space<hbm>>) target(%dma_start3A_16 : memref<128x32xf32, #tpu.memory_space<vmem>>) offsets(%dma_start3A_19 : memref<128xi32, #tpu.memory_space<vmem>>) semaphore(%arg11 : memref<!tpu.dma_semaphore, #tpu.memory_space<semaphore_mem>>)
      %dma_start3A_23 = arith.constant 0 : i32
      %dma_start3A_24 = arith.constant 0 : i32
      %dma_start3A_25 = arith.constant 0 : i32
      %dma_start3A_26 = tpu.memref_slice %arg10[%dma_start3A_24, %dma_start3A_25] : memref<1024x32xf32, #tpu.memory_space<vmem>> -> memref<128x32xf32, #tpu.memory_space<vmem>>
      %dma_start3A_27 = arith.constant 0 : i32
      %dma_start3A_28 = tpu.memref_slice %arg8[%dma_start3A_23, %dma_start3A_27] : memref<8x128xi32, #tpu.memory_space<vmem>> -> memref<1x128xi32, #tpu.memory_space<vmem>>
      %dma_start3A_29 = tpu.memref_squeeze %dma_start3A_28 : memref<1x128xi32, #tpu.memory_space<vmem>> -> memref<128xi32, #tpu.memory_space<vmem>>
      %dma_start3A_30 = arith.constant 0 : i32
      %dma_start3A_31 = arith.constant 0 : i32
      %dma_start3A_32 = tpu.memref_slice %arg2[%dma_start3A_30, %dma_start3A_31] : memref<100000x32xf32, #tpu.memory_space<hbm>> -> memref<100000x32xf32, #tpu.memory_space<hbm>>
      tpu.enqueue_indirect_dma source(%dma_start3A_32 : memref<100000x32xf32, #tpu.memory_space<hbm>>) target(%dma_start3A_26 : memref<128x32xf32, #tpu.memory_space<vmem>>) offsets(%dma_start3A_29 : memref<128xi32, #tpu.memory_space<vmem>>) semaphore(%arg11 : memref<!tpu.dma_semaphore, #tpu.memory_space<semaphore_mem>>)
      %dma_start3A_33 = arith.constant 1 : i32
      %dma_start3A_34 = arith.constant 128 : i32
      %dma_start3A_35 = arith.constant 0 : i32
      %dma_start3A_36 = tpu.memref_slice %arg9[%dma_start3A_34, %dma_start3A_35] : memref<1024x32xf32, #tpu.memory_space<vmem>> -> memref<128x32xf32, #tpu.memory_space<vmem>>
      %dma_start3A_37 = arith.constant 0 : i32
      %dma_start3A_38 = tpu.memref_slice %arg7[%dma_start3A_33, %dma_start3A_37] : memref<8x128xi32, #tpu.memory_space<vmem>> -> memref<1x128xi32, #tpu.memory_space<vmem>>
      %dma_start3A_39 = tpu.memref_squeeze %dma_start3A_38 : memref<1x128xi32, #tpu.memory_space<vmem>> -> memref<128xi32, #tpu.memory_space<vmem>>
      %dma_start3A_40 = arith.constant 0 : i32
      %dma_start3A_41 = arith.constant 0 : i32
      %dma_start3A_42 = tpu.memref_slice %arg2[%dma_start3A_40, %dma_start3A_41] : memref<100000x32xf32, #tpu.memory_space<hbm>> -> memref<100000x32xf32, #tpu.memory_space<hbm>>
      tpu.enqueue_indirect_dma source(%dma_start3A_42 : memref<100000x32xf32, #tpu.memory_space<hbm>>) target(%dma_start3A_36 : memref<128x32xf32, #tpu.memory_space<vmem>>) offsets(%dma_start3A_39 : memref<128xi32, #tpu.memory_space<vmem>>) semaphore(%arg11 : memref<!tpu.dma_semaphore, #tpu.memory_space<semaphore_mem>>)
      %dma_start3A_43 = arith.constant 1 : i32
      %dma_start3A_44 = arith.constant 128 : i32
      %dma_start3A_45 = arith.constant 0 : i32
      %dma_start3A_46 = tpu.memref_slice %arg10[%dma_start3A_44, %dma_start3A_45] : memref<1024x32xf32, #tpu.memory_space<vmem>> -> memref<128x32xf32, #tpu.memory_space<vmem>>
      %dma_start3A_47 = arith.constant 0 : i32
      %dma_start3A_48 = tpu.memref_slice %arg8[%dma_start3A_43, %dma_start3A_47] : memref<8x128xi32, #tpu.memory_space<vmem>> -> memref<1x128xi32, #tpu.memory_space<vmem>>
      %dma_start3A_49 = tpu.memref_squeeze %dma_start3A_48 : memref<1x128xi32, #tpu.memory_space<vmem>> -> memref<128xi32, #tpu.memory_space<vmem>>
      %dma_start3A_50 = arith.constant 0 : i32
      %dma_start3A_51 = arith.constant 0 : i32
      %dma_start3A_52 = tpu.memref_slice %arg2[%dma_start3A_50, %dma_start3A_51] : memref<100000x32xf32, #tpu.memory_space<hbm>> -> memref<100000x32xf32, #tpu.memory_space<hbm>>
      tpu.enqueue_indirect_dma source(%dma_start3A_52 : memref<100000x32xf32, #tpu.memory_space<hbm>>) target(%dma_start3A_46 : memref<128x32xf32, #tpu.memory_space<vmem>>) offsets(%dma_start3A_49 : memref<128xi32, #tpu.memory_space<vmem>>) semaphore(%arg11 : memref<!tpu.dma_semaphore, #tpu.memory_space<semaphore_mem>>)
      %dma_start3A_53 = arith.constant 2 : i32
      %dma_start3A_54 = arith.constant 256 : i32
      %dma_start3A_55 = arith.constant 0 : i32
      %dma_start3A_56 = tpu.memref_slice %arg9[%dma_start3A_54, %dma_start3A_55] : memref<1024x32xf32, #tpu.memory_space<vmem>> -> memref<128x32xf32, #tpu.memory_space<vmem>>
      %dma_start3A_57 = arith.constant 0 : i32
      %dma_start3A_58 = tpu.memref_slice %arg7[%dma_start3A_53, %dma_start3A_57] : memref<8x128xi32, #tpu.memory_space<vmem>> -> memref<1x128xi32, #tpu.memory_space<vmem>>
      %dma_start3A_59 = tpu.memref_squeeze %dma_start3A_58 : memref<1x128xi32, #tpu.memory_space<vmem>> -> memref<128xi32, #tpu.memory_space<vmem>>
      %dma_start3A_60 = arith.constant 0 : i32
      %dma_start3A_61 = arith.constant 0 : i32
      %dma_start3A_62 = tpu.memref_slice %arg2[%dma_start3A_60, %dma_start3A_61] : memref<100000x32xf32, #tpu.memory_space<hbm>> -> memref<100000x32xf32, #tpu.memory_space<hbm>>
      tpu.enqueue_indirect_dma source(%dma_start3A_62 : memref<100000x32xf32, #tpu.memory_space<hbm>>) target(%dma_start3A_56 : memref<128x32xf32, #tpu.memory_space<vmem>>) offsets(%dma_start3A_59 : memref<128xi32, #tpu.memory_space<vmem>>) semaphore(%arg11 : memref<!tpu.dma_semaphore, #tpu.memory_space<semaphore_mem>>)
      %dma_start3A_63 = arith.constant 2 : i32
      %dma_start3A_64 = arith.constant 256 : i32
      %dma_start3A_65 = arith.constant 0 : i32
      %dma_start3A_66 = tpu.memref_slice %arg10[%dma_start3A_64, %dma_start3A_65] : memref<1024x32xf32, #tpu.memory_space<vmem>> -> memref<128x32xf32, #tpu.memory_space<vmem>>
      %dma_start3A_67 = arith.constant 0 : i32
      %dma_start3A_68 = tpu.memref_slice %arg8[%dma_start3A_63, %dma_start3A_67] : memref<8x128xi32, #tpu.memory_space<vmem>> -> memref<1x128xi32, #tpu.memory_space<vmem>>
      %dma_start3A_69 = tpu.memref_squeeze %dma_start3A_68 : memref<1x128xi32, #tpu.memory_space<vmem>> -> memref<128xi32, #tpu.memory_space<vmem>>
      %dma_start3A_70 = arith.constant 0 : i32
      %dma_start3A_71 = arith.constant 0 : i32
      %dma_start3A_72 = tpu.memref_slice %arg2[%dma_start3A_70, %dma_start3A_71] : memref<100000x32xf32, #tpu.memory_space<hbm>> -> memref<100000x32xf32, #tpu.memory_space<hbm>>
      tpu.enqueue_indirect_dma source(%dma_start3A_72 : memref<100000x32xf32, #tpu.memory_space<hbm>>) target(%dma_start3A_66 : memref<128x32xf32, #tpu.memory_space<vmem>>) offsets(%dma_start3A_69 : memref<128xi32, #tpu.memory_space<vmem>>) semaphore(%arg11 : memref<!tpu.dma_semaphore, #tpu.memory_space<semaphore_mem>>)
      %dma_start3A_73 = arith.constant 3 : i32
      %dma_start3A_74 = arith.constant 384 : i32
      %dma_start3A_75 = arith.constant 0 : i32
      %dma_start3A_76 = tpu.memref_slice %arg9[%dma_start3A_74, %dma_start3A_75] : memref<1024x32xf32, #tpu.memory_space<vmem>> -> memref<128x32xf32, #tpu.memory_space<vmem>>
      %dma_start3A_77 = arith.constant 0 : i32
      %dma_start3A_78 = tpu.memref_slice %arg7[%dma_start3A_73, %dma_start3A_77] : memref<8x128xi32, #tpu.memory_space<vmem>> -> memref<1x128xi32, #tpu.memory_space<vmem>>
      %dma_start3A_79 = tpu.memref_squeeze %dma_start3A_78 : memref<1x128xi32, #tpu.memory_space<vmem>> -> memref<128xi32, #tpu.memory_space<vmem>>
      %dma_start3A_80 = arith.constant 0 : i32
      %dma_start3A_81 = arith.constant 0 : i32
      %dma_start3A_82 = tpu.memref_slice %arg2[%dma_start3A_80, %dma_start3A_81] : memref<100000x32xf32, #tpu.memory_space<hbm>> -> memref<100000x32xf32, #tpu.memory_space<hbm>>
      tpu.enqueue_indirect_dma source(%dma_start3A_82 : memref<100000x32xf32, #tpu.memory_space<hbm>>) target(%dma_start3A_76 : memref<128x32xf32, #tpu.memory_space<vmem>>) offsets(%dma_start3A_79 : memref<128xi32, #tpu.memory_space<vmem>>) semaphore(%arg11 : memref<!tpu.dma_semaphore, #tpu.memory_space<semaphore_mem>>)
      %dma_start3A_83 = arith.constant 3 : i32
      %dma_start3A_84 = arith.constant 384 : i32
      %dma_start3A_85 = arith.constant 0 : i32
      %dma_start3A_86 = tpu.memref_slice %arg10[%dma_start3A_84, %dma_start3A_85] : memref<1024x32xf32, #tpu.memory_space<vmem>> -> memref<128x32xf32, #tpu.memory_space<vmem>>
      %dma_start3A_87 = arith.constant 0 : i32
      %dma_start3A_88 = tpu.memref_slice %arg8[%dma_start3A_83, %dma_start3A_87] : memref<8x128xi32, #tpu.memory_space<vmem>> -> memref<1x128xi32, #tpu.memory_space<vmem>>
      %dma_start3A_89 = tpu.memref_squeeze %dma_start3A_88 : memref<1x128xi32, #tpu.memory_space<vmem>> -> memref<128xi32, #tpu.memory_space<vmem>>
      %dma_start3A_90 = arith.constant 0 : i32
      %dma_start3A_91 = arith.constant 0 : i32
      %dma_start3A_92 = tpu.memref_slice %arg2[%dma_start3A_90, %dma_start3A_91] : memref<100000x32xf32, #tpu.memory_space<hbm>> -> memref<100000x32xf32, #tpu.memory_space<hbm>>
      tpu.enqueue_indirect_dma source(%dma_start3A_92 : memref<100000x32xf32, #tpu.memory_space<hbm>>) target(%dma_start3A_86 : memref<128x32xf32, #tpu.memory_space<vmem>>) offsets(%dma_start3A_89 : memref<128xi32, #tpu.memory_space<vmem>>) semaphore(%arg11 : memref<!tpu.dma_semaphore, #tpu.memory_space<semaphore_mem>>)
      %dma_start3A_93 = arith.constant 4 : i32
      %dma_start3A_94 = arith.constant 512 : i32
      %dma_start3A_95 = arith.constant 0 : i32
      %dma_start3A_96 = tpu.memref_slice %arg9[%dma_start3A_94, %dma_start3A_95] : memref<1024x32xf32, #tpu.memory_space<vmem>> -> memref<128x32xf32, #tpu.memory_space<vmem>>
      %dma_start3A_97 = arith.constant 0 : i32
      %dma_start3A_98 = tpu.memref_slice %arg7[%dma_start3A_93, %dma_start3A_97] : memref<8x128xi32, #tpu.memory_space<vmem>> -> memref<1x128xi32, #tpu.memory_space<vmem>>
      %dma_start3A_99 = tpu.memref_squeeze %dma_start3A_98 : memref<1x128xi32, #tpu.memory_space<vmem>> -> memref<128xi32, #tpu.memory_space<vmem>>
      %dma_start3A_100 = arith.constant 0 : i32
      %dma_start3A_101 = arith.constant 0 : i32
      %dma_start3A_102 = tpu.memref_slice %arg2[%dma_start3A_100, %dma_start3A_101] : memref<100000x32xf32, #tpu.memory_space<hbm>> -> memref<100000x32xf32, #tpu.memory_space<hbm>>
      tpu.enqueue_indirect_dma source(%dma_start3A_102 : memref<100000x32xf32, #tpu.memory_space<hbm>>) target(%dma_start3A_96 : memref<128x32xf32, #tpu.memory_space<vmem>>) offsets(%dma_start3A_99 : memref<128xi32, #tpu.memory_space<vmem>>) semaphore(%arg11 : memref<!tpu.dma_semaphore, #tpu.memory_space<semaphore_mem>>)
      %dma_start3A_103 = arith.constant 4 : i32
      %dma_start3A_104 = arith.constant 512 : i32
      %dma_start3A_105 = arith.constant 0 : i32
      %dma_start3A_106 = tpu.memref_slice %arg10[%dma_start3A_104, %dma_start3A_105] : memref<1024x32xf32, #tpu.memory_space<vmem>> -> memref<128x32xf32, #tpu.memory_space<vmem>>
      %dma_start3A_107 = arith.constant 0 : i32
      %dma_start3A_108 = tpu.memref_slice %arg8[%dma_start3A_103, %dma_start3A_107] : memref<8x128xi32, #tpu.memory_space<vmem>> -> memref<1x128xi32, #tpu.memory_space<vmem>>
      %dma_start3A_109 = tpu.memref_squeeze %dma_start3A_108 : memref<1x128xi32, #tpu.memory_space<vmem>> -> memref<128xi32, #tpu.memory_space<vmem>>
      %dma_start3A_110 = arith.constant 0 : i32
      %dma_start3A_111 = arith.constant 0 : i32
      %dma_start3A_112 = tpu.memref_slice %arg2[%dma_start3A_110, %dma_start3A_111] : memref<100000x32xf32, #tpu.memory_space<hbm>> -> memref<100000x32xf32, #tpu.memory_space<hbm>>
      tpu.enqueue_indirect_dma source(%dma_start3A_112 : memref<100000x32xf32, #tpu.memory_space<hbm>>) target(%dma_start3A_106 : memref<128x32xf32, #tpu.memory_space<vmem>>) offsets(%dma_start3A_109 : memref<128xi32, #tpu.memory_space<vmem>>) semaphore(%arg11 : memref<!tpu.dma_semaphore, #tpu.memory_space<semaphore_mem>>)
      %dma_start3A_113 = arith.constant 5 : i32
      %dma_start3A_114 = arith.constant 640 : i32
      %dma_start3A_115 = arith.constant 0 : i32
      %dma_start3A_116 = tpu.memref_slice %arg9[%dma_start3A_114, %dma_start3A_115] : memref<1024x32xf32, #tpu.memory_space<vmem>> -> memref<128x32xf32, #tpu.memory_space<vmem>>
      %dma_start3A_117 = arith.constant 0 : i32
      %dma_start3A_118 = tpu.memref_slice %arg7[%dma_start3A_113, %dma_start3A_117] : memref<8x128xi32, #tpu.memory_space<vmem>> -> memref<1x128xi32, #tpu.memory_space<vmem>>
      %dma_start3A_119 = tpu.memref_squeeze %dma_start3A_118 : memref<1x128xi32, #tpu.memory_space<vmem>> -> memref<128xi32, #tpu.memory_space<vmem>>
      %dma_start3A_120 = arith.constant 0 : i32
      %dma_start3A_121 = arith.constant 0 : i32
      %dma_start3A_122 = tpu.memref_slice %arg2[%dma_start3A_120, %dma_start3A_121] : memref<100000x32xf32, #tpu.memory_space<hbm>> -> memref<100000x32xf32, #tpu.memory_space<hbm>>
      tpu.enqueue_indirect_dma source(%dma_start3A_122 : memref<100000x32xf32, #tpu.memory_space<hbm>>) target(%dma_start3A_116 : memref<128x32xf32, #tpu.memory_space<vmem>>) offsets(%dma_start3A_119 : memref<128xi32, #tpu.memory_space<vmem>>) semaphore(%arg11 : memref<!tpu.dma_semaphore, #tpu.memory_space<semaphore_mem>>)
      %dma_start3A_123 = arith.constant 5 : i32
      %dma_start3A_124 = arith.constant 640 : i32
      %dma_start3A_125 = arith.constant 0 : i32
      %dma_start3A_126 = tpu.memref_slice %arg10[%dma_start3A_124, %dma_start3A_125] : memref<1024x32xf32, #tpu.memory_space<vmem>> -> memref<128x32xf32, #tpu.memory_space<vmem>>
      %dma_start3A_127 = arith.constant 0 : i32
      %dma_start3A_128 = tpu.memref_slice %arg8[%dma_start3A_123, %dma_start3A_127] : memref<8x128xi32, #tpu.memory_space<vmem>> -> memref<1x128xi32, #tpu.memory_space<vmem>>
      %dma_start3A_129 = tpu.memref_squeeze %dma_start3A_128 : memref<1x128xi32, #tpu.memory_space<vmem>> -> memref<128xi32, #tpu.memory_space<vmem>>
      %dma_start3A_130 = arith.constant 0 : i32
      %dma_start3A_131 = arith.constant 0 : i32
      %dma_start3A_132 = tpu.memref_slice %arg2[%dma_start3A_130, %dma_start3A_131] : memref<100000x32xf32, #tpu.memory_space<hbm>> -> memref<100000x32xf32, #tpu.memory_space<hbm>>
      tpu.enqueue_indirect_dma source(%dma_start3A_132 : memref<100000x32xf32, #tpu.memory_space<hbm>>) target(%dma_start3A_126 : memref<128x32xf32, #tpu.memory_space<vmem>>) offsets(%dma_start3A_129 : memref<128xi32, #tpu.memory_space<vmem>>) semaphore(%arg11 : memref<!tpu.dma_semaphore, #tpu.memory_space<semaphore_mem>>)
      %dma_start3A_133 = arith.constant 6 : i32
      %dma_start3A_134 = arith.constant 768 : i32
      %dma_start3A_135 = arith.constant 0 : i32
      %dma_start3A_136 = tpu.memref_slice %arg9[%dma_start3A_134, %dma_start3A_135] : memref<1024x32xf32, #tpu.memory_space<vmem>> -> memref<128x32xf32, #tpu.memory_space<vmem>>
      %dma_start3A_137 = arith.constant 0 : i32
      %dma_start3A_138 = tpu.memref_slice %arg7[%dma_start3A_133, %dma_start3A_137] : memref<8x128xi32, #tpu.memory_space<vmem>> -> memref<1x128xi32, #tpu.memory_space<vmem>>
      %dma_start3A_139 = tpu.memref_squeeze %dma_start3A_138 : memref<1x128xi32, #tpu.memory_space<vmem>> -> memref<128xi32, #tpu.memory_space<vmem>>
      %dma_start3A_140 = arith.constant 0 : i32
      %dma_start3A_141 = arith.constant 0 : i32
      %dma_start3A_142 = tpu.memref_slice %arg2[%dma_start3A_140, %dma_start3A_141] : memref<100000x32xf32, #tpu.memory_space<hbm>> -> memref<100000x32xf32, #tpu.memory_space<hbm>>
      tpu.enqueue_indirect_dma source(%dma_start3A_142 : memref<100000x32xf32, #tpu.memory_space<hbm>>) target(%dma_start3A_136 : memref<128x32xf32, #tpu.memory_space<vmem>>) offsets(%dma_start3A_139 : memref<128xi32, #tpu.memory_space<vmem>>) semaphore(%arg11 : memref<!tpu.dma_semaphore, #tpu.memory_space<semaphore_mem>>)
      %dma_start3A_143 = arith.constant 6 : i32
      %dma_start3A_144 = arith.constant 768 : i32
      %dma_start3A_145 = arith.constant 0 : i32
      %dma_start3A_146 = tpu.memref_slice %arg10[%dma_start3A_144, %dma_start3A_145] : memref<1024x32xf32, #tpu.memory_space<vmem>> -> memref<128x32xf32, #tpu.memory_space<vmem>>
      %dma_start3A_147 = arith.constant 0 : i32
      %dma_start3A_148 = tpu.memref_slice %arg8[%dma_start3A_143, %dma_start3A_147] : memref<8x128xi32, #tpu.memory_space<vmem>> -> memref<1x128xi32, #tpu.memory_space<vmem>>
      %dma_start3A_149 = tpu.memref_squeeze %dma_start3A_148 : memref<1x128xi32, #tpu.memory_space<vmem>> -> memref<128xi32, #tpu.memory_space<vmem>>
      %dma_start3A_150 = arith.constant 0 : i32
      %dma_start3A_151 = arith.constant 0 : i32
      %dma_start3A_152 = tpu.memref_slice %arg2[%dma_start3A_150, %dma_start3A_151] : memref<100000x32xf32, #tpu.memory_space<hbm>> -> memref<100000x32xf32, #tpu.memory_space<hbm>>
      tpu.enqueue_indirect_dma source(%dma_start3A_152 : memref<100000x32xf32, #tpu.memory_space<hbm>>) target(%dma_start3A_146 : memref<128x32xf32, #tpu.memory_space<vmem>>) offsets(%dma_start3A_149 : memref<128xi32, #tpu.memory_space<vmem>>) semaphore(%arg11 : memref<!tpu.dma_semaphore, #tpu.memory_space<semaphore_mem>>)
      %dma_start3A_153 = arith.constant 7 : i32
      %dma_start3A_154 = arith.constant 896 : i32
      %dma_start3A_155 = arith.constant 0 : i32
      %dma_start3A_156 = tpu.memref_slice %arg9[%dma_start3A_154, %dma_start3A_155] : memref<1024x32xf32, #tpu.memory_space<vmem>> -> memref<128x32xf32, #tpu.memory_space<vmem>>
      %dma_start3A_157 = arith.constant 0 : i32
      %dma_start3A_158 = tpu.memref_slice %arg7[%dma_start3A_153, %dma_start3A_157] : memref<8x128xi32, #tpu.memory_space<vmem>> -> memref<1x128xi32, #tpu.memory_space<vmem>>
      %dma_start3A_159 = tpu.memref_squeeze %dma_start3A_158 : memref<1x128xi32, #tpu.memory_space<vmem>> -> memref<128xi32, #tpu.memory_space<vmem>>
      %dma_start3A_160 = arith.constant 0 : i32
      %dma_start3A_161 = arith.constant 0 : i32
      %dma_start3A_162 = tpu.memref_slice %arg2[%dma_start3A_160, %dma_start3A_161] : memref<100000x32xf32, #tpu.memory_space<hbm>> -> memref<100000x32xf32, #tpu.memory_space<hbm>>
      tpu.enqueue_indirect_dma source(%dma_start3A_162 : memref<100000x32xf32, #tpu.memory_space<hbm>>) target(%dma_start3A_156 : memref<128x32xf32, #tpu.memory_space<vmem>>) offsets(%dma_start3A_159 : memref<128xi32, #tpu.memory_space<vmem>>) semaphore(%arg11 : memref<!tpu.dma_semaphore, #tpu.memory_space<semaphore_mem>>)
      %dma_start3A_163 = arith.constant 7 : i32
      %dma_start3A_164 = arith.constant 896 : i32
      %dma_start3A_165 = arith.constant 0 : i32
      %dma_start3A_166 = tpu.memref_slice %arg10[%dma_start3A_164, %dma_start3A_165] : memref<1024x32xf32, #tpu.memory_space<vmem>> -> memref<128x32xf32, #tpu.memory_space<vmem>>
      %dma_start3A_167 = arith.constant 0 : i32
      %dma_start3A_168 = tpu.memref_slice %arg8[%dma_start3A_163, %dma_start3A_167] : memref<8x128xi32, #tpu.memory_space<vmem>> -> memref<1x128xi32, #tpu.memory_space<vmem>>
      %dma_start3A_169 = tpu.memref_squeeze %dma_start3A_168 : memref<1x128xi32, #tpu.memory_space<vmem>> -> memref<128xi32, #tpu.memory_space<vmem>>
      %dma_start3A_170 = arith.constant 0 : i32
      %dma_start3A_171 = arith.constant 0 : i32
      %dma_start3A_172 = tpu.memref_slice %arg2[%dma_start3A_170, %dma_start3A_171] : memref<100000x32xf32, #tpu.memory_space<hbm>> -> memref<100000x32xf32, #tpu.memory_space<hbm>>
      tpu.enqueue_indirect_dma source(%dma_start3A_172 : memref<100000x32xf32, #tpu.memory_space<hbm>>) target(%dma_start3A_166 : memref<128x32xf32, #tpu.memory_space<vmem>>) offsets(%dma_start3A_169 : memref<128xi32, #tpu.memory_space<vmem>>) semaphore(%arg11 : memref<!tpu.dma_semaphore, #tpu.memory_space<semaphore_mem>>)
      %dma_wait3A = arith.constant 0 : i32
      %dma_wait3A_173 = arith.constant 0 : i32
      %dma_wait3A_174 = arith.constant 0 : i32
      %dma_wait3A_175 = tpu.memref_slice %arg9[%dma_wait3A_173, %dma_wait3A_174] : memref<1024x32xf32, #tpu.memory_space<vmem>> -> memref<128x32xf32, #tpu.memory_space<vmem>>
      %dma_wait3A_176 = arith.constant 0 : i32
      %dma_wait3A_177 = tpu.memref_slice %arg7[%dma_wait3A, %dma_wait3A_176] : memref<8x128xi32, #tpu.memory_space<vmem>> -> memref<1x128xi32, #tpu.memory_space<vmem>>
      %dma_wait3A_178 = tpu.memref_squeeze %dma_wait3A_177 : memref<1x128xi32, #tpu.memory_space<vmem>> -> memref<128xi32, #tpu.memory_space<vmem>>
      %dma_wait3A_179 = arith.constant 0 : i32
      %dma_wait3A_180 = arith.constant 0 : i32
      %dma_wait3A_181 = tpu.memref_slice %arg2[%dma_wait3A_179, %dma_wait3A_180] : memref<100000x32xf32, #tpu.memory_space<hbm>> -> memref<100000x32xf32, #tpu.memory_space<hbm>>
      tpu.wait_indirect_dma semaphore(%arg11 : memref<!tpu.dma_semaphore, #tpu.memory_space<semaphore_mem>>) src(%dma_wait3A_181 : memref<100000x32xf32, #tpu.memory_space<hbm>>) dst(%dma_wait3A_175 : memref<128x32xf32, #tpu.memory_space<vmem>>)
      %dma_wait3A_182 = arith.constant 0 : i32
      %dma_wait3A_183 = arith.constant 0 : i32
      %dma_wait3A_184 = arith.constant 0 : i32
      %dma_wait3A_185 = tpu.memref_slice %arg10[%dma_wait3A_183, %dma_wait3A_184] : memref<1024x32xf32, #tpu.memory_space<vmem>> -> memref<128x32xf32, #tpu.memory_space<vmem>>
      %dma_wait3A_186 = arith.constant 0 : i32
      %dma_wait3A_187 = tpu.memref_slice %arg8[%dma_wait3A_182, %dma_wait3A_186] : memref<8x128xi32, #tpu.memory_space<vmem>> -> memref<1x128xi32, #tpu.memory_space<vmem>>
      %dma_wait3A_188 = tpu.memref_squeeze %dma_wait3A_187 : memref<1x128xi32, #tpu.memory_space<vmem>> -> memref<128xi32, #tpu.memory_space<vmem>>
      %dma_wait3A_189 = arith.constant 0 : i32
      %dma_wait3A_190 = arith.constant 0 : i32
      %dma_wait3A_191 = tpu.memref_slice %arg2[%dma_wait3A_189, %dma_wait3A_190] : memref<100000x32xf32, #tpu.memory_space<hbm>> -> memref<100000x32xf32, #tpu.memory_space<hbm>>
      tpu.wait_indirect_dma semaphore(%arg11 : memref<!tpu.dma_semaphore, #tpu.memory_space<semaphore_mem>>) src(%dma_wait3A_191 : memref<100000x32xf32, #tpu.memory_space<hbm>>) dst(%dma_wait3A_185 : memref<128x32xf32, #tpu.memory_space<vmem>>)
      %dma_wait3A_192 = arith.constant 1 : i32
      %dma_wait3A_193 = arith.constant 128 : i32
      %dma_wait3A_194 = arith.constant 0 : i32
      %dma_wait3A_195 = tpu.memref_slice %arg9[%dma_wait3A_193, %dma_wait3A_194] : memref<1024x32xf32, #tpu.memory_space<vmem>> -> memref<128x32xf32, #tpu.memory_space<vmem>>
      %dma_wait3A_196 = arith.constant 0 : i32
      %dma_wait3A_197 = tpu.memref_slice %arg7[%dma_wait3A_192, %dma_wait3A_196] : memref<8x128xi32, #tpu.memory_space<vmem>> -> memref<1x128xi32, #tpu.memory_space<vmem>>
      %dma_wait3A_198 = tpu.memref_squeeze %dma_wait3A_197 : memref<1x128xi32, #tpu.memory_space<vmem>> -> memref<128xi32, #tpu.memory_space<vmem>>
      %dma_wait3A_199 = arith.constant 0 : i32
      %dma_wait3A_200 = arith.constant 0 : i32
      %dma_wait3A_201 = tpu.memref_slice %arg2[%dma_wait3A_199, %dma_wait3A_200] : memref<100000x32xf32, #tpu.memory_space<hbm>> -> memref<100000x32xf32, #tpu.memory_space<hbm>>
      tpu.wait_indirect_dma semaphore(%arg11 : memref<!tpu.dma_semaphore, #tpu.memory_space<semaphore_mem>>) src(%dma_wait3A_201 : memref<100000x32xf32, #tpu.memory_space<hbm>>) dst(%dma_wait3A_195 : memref<128x32xf32, #tpu.memory_space<vmem>>)
      %dma_wait3A_202 = arith.constant 1 : i32
      %dma_wait3A_203 = arith.constant 128 : i32
      %dma_wait3A_204 = arith.constant 0 : i32
      %dma_wait3A_205 = tpu.memref_slice %arg10[%dma_wait3A_203, %dma_wait3A_204] : memref<1024x32xf32, #tpu.memory_space<vmem>> -> memref<128x32xf32, #tpu.memory_space<vmem>>
      %dma_wait3A_206 = arith.constant 0 : i32
      %dma_wait3A_207 = tpu.memref_slice %arg8[%dma_wait3A_202, %dma_wait3A_206] : memref<8x128xi32, #tpu.memory_space<vmem>> -> memref<1x128xi32, #tpu.memory_space<vmem>>
      %dma_wait3A_208 = tpu.memref_squeeze %dma_wait3A_207 : memref<1x128xi32, #tpu.memory_space<vmem>> -> memref<128xi32, #tpu.memory_space<vmem>>
      %dma_wait3A_209 = arith.constant 0 : i32
      %dma_wait3A_210 = arith.constant 0 : i32
      %dma_wait3A_211 = tpu.memref_slice %arg2[%dma_wait3A_209, %dma_wait3A_210] : memref<100000x32xf32, #tpu.memory_space<hbm>> -> memref<100000x32xf32, #tpu.memory_space<hbm>>
      tpu.wait_indirect_dma semaphore(%arg11 : memref<!tpu.dma_semaphore, #tpu.memory_space<semaphore_mem>>) src(%dma_wait3A_211 : memref<100000x32xf32, #tpu.memory_space<hbm>>) dst(%dma_wait3A_205 : memref<128x32xf32, #tpu.memory_space<vmem>>)
      %dma_wait3A_212 = arith.constant 2 : i32
      %dma_wait3A_213 = arith.constant 256 : i32
      %dma_wait3A_214 = arith.constant 0 : i32
      %dma_wait3A_215 = tpu.memref_slice %arg9[%dma_wait3A_213, %dma_wait3A_214] : memref<1024x32xf32, #tpu.memory_space<vmem>> -> memref<128x32xf32, #tpu.memory_space<vmem>>
      %dma_wait3A_216 = arith.constant 0 : i32
      %dma_wait3A_217 = tpu.memref_slice %arg7[%dma_wait3A_212, %dma_wait3A_216] : memref<8x128xi32, #tpu.memory_space<vmem>> -> memref<1x128xi32, #tpu.memory_space<vmem>>
      %dma_wait3A_218 = tpu.memref_squeeze %dma_wait3A_217 : memref<1x128xi32, #tpu.memory_space<vmem>> -> memref<128xi32, #tpu.memory_space<vmem>>
      %dma_wait3A_219 = arith.constant 0 : i32
      %dma_wait3A_220 = arith.constant 0 : i32
      %dma_wait3A_221 = tpu.memref_slice %arg2[%dma_wait3A_219, %dma_wait3A_220] : memref<100000x32xf32, #tpu.memory_space<hbm>> -> memref<100000x32xf32, #tpu.memory_space<hbm>>
      tpu.wait_indirect_dma semaphore(%arg11 : memref<!tpu.dma_semaphore, #tpu.memory_space<semaphore_mem>>) src(%dma_wait3A_221 : memref<100000x32xf32, #tpu.memory_space<hbm>>) dst(%dma_wait3A_215 : memref<128x32xf32, #tpu.memory_space<vmem>>)
      %dma_wait3A_222 = arith.constant 2 : i32
      %dma_wait3A_223 = arith.constant 256 : i32
      %dma_wait3A_224 = arith.constant 0 : i32
      %dma_wait3A_225 = tpu.memref_slice %arg10[%dma_wait3A_223, %dma_wait3A_224] : memref<1024x32xf32, #tpu.memory_space<vmem>> -> memref<128x32xf32, #tpu.memory_space<vmem>>
      %dma_wait3A_226 = arith.constant 0 : i32
      %dma_wait3A_227 = tpu.memref_slice %arg8[%dma_wait3A_222, %dma_wait3A_226] : memref<8x128xi32, #tpu.memory_space<vmem>> -> memref<1x128xi32, #tpu.memory_space<vmem>>
      %dma_wait3A_228 = tpu.memref_squeeze %dma_wait3A_227 : memref<1x128xi32, #tpu.memory_space<vmem>> -> memref<128xi32, #tpu.memory_space<vmem>>
      %dma_wait3A_229 = arith.constant 0 : i32
      %dma_wait3A_230 = arith.constant 0 : i32
      %dma_wait3A_231 = tpu.memref_slice %arg2[%dma_wait3A_229, %dma_wait3A_230] : memref<100000x32xf32, #tpu.memory_space<hbm>> -> memref<100000x32xf32, #tpu.memory_space<hbm>>
      tpu.wait_indirect_dma semaphore(%arg11 : memref<!tpu.dma_semaphore, #tpu.memory_space<semaphore_mem>>) src(%dma_wait3A_231 : memref<100000x32xf32, #tpu.memory_space<hbm>>) dst(%dma_wait3A_225 : memref<128x32xf32, #tpu.memory_space<vmem>>)
      %dma_wait3A_232 = arith.constant 3 : i32
      %dma_wait3A_233 = arith.constant 384 : i32
      %dma_wait3A_234 = arith.constant 0 : i32
      %dma_wait3A_235 = tpu.memref_slice %arg9[%dma_wait3A_233, %dma_wait3A_234] : memref<1024x32xf32, #tpu.memory_space<vmem>> -> memref<128x32xf32, #tpu.memory_space<vmem>>
      %dma_wait3A_236 = arith.constant 0 : i32
      %dma_wait3A_237 = tpu.memref_slice %arg7[%dma_wait3A_232, %dma_wait3A_236] : memref<8x128xi32, #tpu.memory_space<vmem>> -> memref<1x128xi32, #tpu.memory_space<vmem>>
      %dma_wait3A_238 = tpu.memref_squeeze %dma_wait3A_237 : memref<1x128xi32, #tpu.memory_space<vmem>> -> memref<128xi32, #tpu.memory_space<vmem>>
      %dma_wait3A_239 = arith.constant 0 : i32
      %dma_wait3A_240 = arith.constant 0 : i32
      %dma_wait3A_241 = tpu.memref_slice %arg2[%dma_wait3A_239, %dma_wait3A_240] : memref<100000x32xf32, #tpu.memory_space<hbm>> -> memref<100000x32xf32, #tpu.memory_space<hbm>>
      tpu.wait_indirect_dma semaphore(%arg11 : memref<!tpu.dma_semaphore, #tpu.memory_space<semaphore_mem>>) src(%dma_wait3A_241 : memref<100000x32xf32, #tpu.memory_space<hbm>>) dst(%dma_wait3A_235 : memref<128x32xf32, #tpu.memory_space<vmem>>)
      %dma_wait3A_242 = arith.constant 3 : i32
      %dma_wait3A_243 = arith.constant 384 : i32
      %dma_wait3A_244 = arith.constant 0 : i32
      %dma_wait3A_245 = tpu.memref_slice %arg10[%dma_wait3A_243, %dma_wait3A_244] : memref<1024x32xf32, #tpu.memory_space<vmem>> -> memref<128x32xf32, #tpu.memory_space<vmem>>
      %dma_wait3A_246 = arith.constant 0 : i32
      %dma_wait3A_247 = tpu.memref_slice %arg8[%dma_wait3A_242, %dma_wait3A_246] : memref<8x128xi32, #tpu.memory_space<vmem>> -> memref<1x128xi32, #tpu.memory_space<vmem>>
      %dma_wait3A_248 = tpu.memref_squeeze %dma_wait3A_247 : memref<1x128xi32, #tpu.memory_space<vmem>> -> memref<128xi32, #tpu.memory_space<vmem>>
      %dma_wait3A_249 = arith.constant 0 : i32
      %dma_wait3A_250 = arith.constant 0 : i32
      %dma_wait3A_251 = tpu.memref_slice %arg2[%dma_wait3A_249, %dma_wait3A_250] : memref<100000x32xf32, #tpu.memory_space<hbm>> -> memref<100000x32xf32, #tpu.memory_space<hbm>>
      tpu.wait_indirect_dma semaphore(%arg11 : memref<!tpu.dma_semaphore, #tpu.memory_space<semaphore_mem>>) src(%dma_wait3A_251 : memref<100000x32xf32, #tpu.memory_space<hbm>>) dst(%dma_wait3A_245 : memref<128x32xf32, #tpu.memory_space<vmem>>)
      %dma_wait3A_252 = arith.constant 4 : i32
      %dma_wait3A_253 = arith.constant 512 : i32
      %dma_wait3A_254 = arith.constant 0 : i32
      %dma_wait3A_255 = tpu.memref_slice %arg9[%dma_wait3A_253, %dma_wait3A_254] : memref<1024x32xf32, #tpu.memory_space<vmem>> -> memref<128x32xf32, #tpu.memory_space<vmem>>
      %dma_wait3A_256 = arith.constant 0 : i32
      %dma_wait3A_257 = tpu.memref_slice %arg7[%dma_wait3A_252, %dma_wait3A_256] : memref<8x128xi32, #tpu.memory_space<vmem>> -> memref<1x128xi32, #tpu.memory_space<vmem>>
      %dma_wait3A_258 = tpu.memref_squeeze %dma_wait3A_257 : memref<1x128xi32, #tpu.memory_space<vmem>> -> memref<128xi32, #tpu.memory_space<vmem>>
      %dma_wait3A_259 = arith.constant 0 : i32
      %dma_wait3A_260 = arith.constant 0 : i32
      %dma_wait3A_261 = tpu.memref_slice %arg2[%dma_wait3A_259, %dma_wait3A_260] : memref<100000x32xf32, #tpu.memory_space<hbm>> -> memref<100000x32xf32, #tpu.memory_space<hbm>>
      tpu.wait_indirect_dma semaphore(%arg11 : memref<!tpu.dma_semaphore, #tpu.memory_space<semaphore_mem>>) src(%dma_wait3A_261 : memref<100000x32xf32, #tpu.memory_space<hbm>>) dst(%dma_wait3A_255 : memref<128x32xf32, #tpu.memory_space<vmem>>)
      %dma_wait3A_262 = arith.constant 4 : i32
      %dma_wait3A_263 = arith.constant 512 : i32
      %dma_wait3A_264 = arith.constant 0 : i32
      %dma_wait3A_265 = tpu.memref_slice %arg10[%dma_wait3A_263, %dma_wait3A_264] : memref<1024x32xf32, #tpu.memory_space<vmem>> -> memref<128x32xf32, #tpu.memory_space<vmem>>
      %dma_wait3A_266 = arith.constant 0 : i32
      %dma_wait3A_267 = tpu.memref_slice %arg8[%dma_wait3A_262, %dma_wait3A_266] : memref<8x128xi32, #tpu.memory_space<vmem>> -> memref<1x128xi32, #tpu.memory_space<vmem>>
      %dma_wait3A_268 = tpu.memref_squeeze %dma_wait3A_267 : memref<1x128xi32, #tpu.memory_space<vmem>> -> memref<128xi32, #tpu.memory_space<vmem>>
      %dma_wait3A_269 = arith.constant 0 : i32
      %dma_wait3A_270 = arith.constant 0 : i32
      %dma_wait3A_271 = tpu.memref_slice %arg2[%dma_wait3A_269, %dma_wait3A_270] : memref<100000x32xf32, #tpu.memory_space<hbm>> -> memref<100000x32xf32, #tpu.memory_space<hbm>>
      tpu.wait_indirect_dma semaphore(%arg11 : memref<!tpu.dma_semaphore, #tpu.memory_space<semaphore_mem>>) src(%dma_wait3A_271 : memref<100000x32xf32, #tpu.memory_space<hbm>>) dst(%dma_wait3A_265 : memref<128x32xf32, #tpu.memory_space<vmem>>)
      %dma_wait3A_272 = arith.constant 5 : i32
      %dma_wait3A_273 = arith.constant 640 : i32
      %dma_wait3A_274 = arith.constant 0 : i32
      %dma_wait3A_275 = tpu.memref_slice %arg9[%dma_wait3A_273, %dma_wait3A_274] : memref<1024x32xf32, #tpu.memory_space<vmem>> -> memref<128x32xf32, #tpu.memory_space<vmem>>
      %dma_wait3A_276 = arith.constant 0 : i32
      %dma_wait3A_277 = tpu.memref_slice %arg7[%dma_wait3A_272, %dma_wait3A_276] : memref<8x128xi32, #tpu.memory_space<vmem>> -> memref<1x128xi32, #tpu.memory_space<vmem>>
      %dma_wait3A_278 = tpu.memref_squeeze %dma_wait3A_277 : memref<1x128xi32, #tpu.memory_space<vmem>> -> memref<128xi32, #tpu.memory_space<vmem>>
      %dma_wait3A_279 = arith.constant 0 : i32
      %dma_wait3A_280 = arith.constant 0 : i32
      %dma_wait3A_281 = tpu.memref_slice %arg2[%dma_wait3A_279, %dma_wait3A_280] : memref<100000x32xf32, #tpu.memory_space<hbm>> -> memref<100000x32xf32, #tpu.memory_space<hbm>>
      tpu.wait_indirect_dma semaphore(%arg11 : memref<!tpu.dma_semaphore, #tpu.memory_space<semaphore_mem>>) src(%dma_wait3A_281 : memref<100000x32xf32, #tpu.memory_space<hbm>>) dst(%dma_wait3A_275 : memref<128x32xf32, #tpu.memory_space<vmem>>)
      %dma_wait3A_282 = arith.constant 5 : i32
      %dma_wait3A_283 = arith.constant 640 : i32
      %dma_wait3A_284 = arith.constant 0 : i32
      %dma_wait3A_285 = tpu.memref_slice %arg10[%dma_wait3A_283, %dma_wait3A_284] : memref<1024x32xf32, #tpu.memory_space<vmem>> -> memref<128x32xf32, #tpu.memory_space<vmem>>
      %dma_wait3A_286 = arith.constant 0 : i32
      %dma_wait3A_287 = tpu.memref_slice %arg8[%dma_wait3A_282, %dma_wait3A_286] : memref<8x128xi32, #tpu.memory_space<vmem>> -> memref<1x128xi32, #tpu.memory_space<vmem>>
      %dma_wait3A_288 = tpu.memref_squeeze %dma_wait3A_287 : memref<1x128xi32, #tpu.memory_space<vmem>> -> memref<128xi32, #tpu.memory_space<vmem>>
      %dma_wait3A_289 = arith.constant 0 : i32
      %dma_wait3A_290 = arith.constant 0 : i32
      %dma_wait3A_291 = tpu.memref_slice %arg2[%dma_wait3A_289, %dma_wait3A_290] : memref<100000x32xf32, #tpu.memory_space<hbm>> -> memref<100000x32xf32, #tpu.memory_space<hbm>>
      tpu.wait_indirect_dma semaphore(%arg11 : memref<!tpu.dma_semaphore, #tpu.memory_space<semaphore_mem>>) src(%dma_wait3A_291 : memref<100000x32xf32, #tpu.memory_space<hbm>>) dst(%dma_wait3A_285 : memref<128x32xf32, #tpu.memory_space<vmem>>)
      %dma_wait3A_292 = arith.constant 6 : i32
      %dma_wait3A_293 = arith.constant 768 : i32
      %dma_wait3A_294 = arith.constant 0 : i32
      %dma_wait3A_295 = tpu.memref_slice %arg9[%dma_wait3A_293, %dma_wait3A_294] : memref<1024x32xf32, #tpu.memory_space<vmem>> -> memref<128x32xf32, #tpu.memory_space<vmem>>
      %dma_wait3A_296 = arith.constant 0 : i32
      %dma_wait3A_297 = tpu.memref_slice %arg7[%dma_wait3A_292, %dma_wait3A_296] : memref<8x128xi32, #tpu.memory_space<vmem>> -> memref<1x128xi32, #tpu.memory_space<vmem>>
      %dma_wait3A_298 = tpu.memref_squeeze %dma_wait3A_297 : memref<1x128xi32, #tpu.memory_space<vmem>> -> memref<128xi32, #tpu.memory_space<vmem>>
      %dma_wait3A_299 = arith.constant 0 : i32
      %dma_wait3A_300 = arith.constant 0 : i32
      %dma_wait3A_301 = tpu.memref_slice %arg2[%dma_wait3A_299, %dma_wait3A_300] : memref<100000x32xf32, #tpu.memory_space<hbm>> -> memref<100000x32xf32, #tpu.memory_space<hbm>>
      tpu.wait_indirect_dma semaphore(%arg11 : memref<!tpu.dma_semaphore, #tpu.memory_space<semaphore_mem>>) src(%dma_wait3A_301 : memref<100000x32xf32, #tpu.memory_space<hbm>>) dst(%dma_wait3A_295 : memref<128x32xf32, #tpu.memory_space<vmem>>)
      %dma_wait3A_302 = arith.constant 6 : i32
      %dma_wait3A_303 = arith.constant 768 : i32
      %dma_wait3A_304 = arith.constant 0 : i32
      %dma_wait3A_305 = tpu.memref_slice %arg10[%dma_wait3A_303, %dma_wait3A_304] : memref<1024x32xf32, #tpu.memory_space<vmem>> -> memref<128x32xf32, #tpu.memory_space<vmem>>
      %dma_wait3A_306 = arith.constant 0 : i32
      %dma_wait3A_307 = tpu.memref_slice %arg8[%dma_wait3A_302, %dma_wait3A_306] : memref<8x128xi32, #tpu.memory_space<vmem>> -> memref<1x128xi32, #tpu.memory_space<vmem>>
      %dma_wait3A_308 = tpu.memref_squeeze %dma_wait3A_307 : memref<1x128xi32, #tpu.memory_space<vmem>> -> memref<128xi32, #tpu.memory_space<vmem>>
      %dma_wait3A_309 = arith.constant 0 : i32
      %dma_wait3A_310 = arith.constant 0 : i32
      %dma_wait3A_311 = tpu.memref_slice %arg2[%dma_wait3A_309, %dma_wait3A_310] : memref<100000x32xf32, #tpu.memory_space<hbm>> -> memref<100000x32xf32, #tpu.memory_space<hbm>>
      tpu.wait_indirect_dma semaphore(%arg11 : memref<!tpu.dma_semaphore, #tpu.memory_space<semaphore_mem>>) src(%dma_wait3A_311 : memref<100000x32xf32, #tpu.memory_space<hbm>>) dst(%dma_wait3A_305 : memref<128x32xf32, #tpu.memory_space<vmem>>)
      %dma_wait3A_312 = arith.constant 7 : i32
      %dma_wait3A_313 = arith.constant 896 : i32
      %dma_wait3A_314 = arith.constant 0 : i32
      %dma_wait3A_315 = tpu.memref_slice %arg9[%dma_wait3A_313, %dma_wait3A_314] : memref<1024x32xf32, #tpu.memory_space<vmem>> -> memref<128x32xf32, #tpu.memory_space<vmem>>
      %dma_wait3A_316 = arith.constant 0 : i32
      %dma_wait3A_317 = tpu.memref_slice %arg7[%dma_wait3A_312, %dma_wait3A_316] : memref<8x128xi32, #tpu.memory_space<vmem>> -> memref<1x128xi32, #tpu.memory_space<vmem>>
      %dma_wait3A_318 = tpu.memref_squeeze %dma_wait3A_317 : memref<1x128xi32, #tpu.memory_space<vmem>> -> memref<128xi32, #tpu.memory_space<vmem>>
      %dma_wait3A_319 = arith.constant 0 : i32
      %dma_wait3A_320 = arith.constant 0 : i32
      %dma_wait3A_321 = tpu.memref_slice %arg2[%dma_wait3A_319, %dma_wait3A_320] : memref<100000x32xf32, #tpu.memory_space<hbm>> -> memref<100000x32xf32, #tpu.memory_space<hbm>>
      tpu.wait_indirect_dma semaphore(%arg11 : memref<!tpu.dma_semaphore, #tpu.memory_space<semaphore_mem>>) src(%dma_wait3A_321 : memref<100000x32xf32, #tpu.memory_space<hbm>>) dst(%dma_wait3A_315 : memref<128x32xf32, #tpu.memory_space<vmem>>)
      %dma_wait3A_322 = arith.constant 7 : i32
      %dma_wait3A_323 = arith.constant 896 : i32
      %dma_wait3A_324 = arith.constant 0 : i32
      %dma_wait3A_325 = tpu.memref_slice %arg10[%dma_wait3A_323, %dma_wait3A_324] : memref<1024x32xf32, #tpu.memory_space<vmem>> -> memref<128x32xf32, #tpu.memory_space<vmem>>
      %dma_wait3A_326 = arith.constant 0 : i32
      %dma_wait3A_327 = tpu.memref_slice %arg8[%dma_wait3A_322, %dma_wait3A_326] : memref<8x128xi32, #tpu.memory_space<vmem>> -> memref<1x128xi32, #tpu.memory_space<vmem>>
      %dma_wait3A_328 = tpu.memref_squeeze %dma_wait3A_327 : memref<1x128xi32, #tpu.memory_space<vmem>> -> memref<128xi32, #tpu.memory_space<vmem>>
      %dma_wait3A_329 = arith.constant 0 : i32
      %dma_wait3A_330 = arith.constant 0 : i32
      %dma_wait3A_331 = tpu.memref_slice %arg2[%dma_wait3A_329, %dma_wait3A_330] : memref<100000x32xf32, #tpu.memory_space<hbm>> -> memref<100000x32xf32, #tpu.memory_space<hbm>>
      tpu.wait_indirect_dma semaphore(%arg11 : memref<!tpu.dma_semaphore, #tpu.memory_space<semaphore_mem>>) src(%dma_wait3A_331 : memref<100000x32xf32, #tpu.memory_space<hbm>>) dst(%dma_wait3A_325 : memref<128x32xf32, #tpu.memory_space<vmem>>)
      %mul3A_332 = arith.constant 1024 : i32
      %mul3A_333 = arith.muli %scan3A_10, %mul3A_332 : i32
      %add3A_334 = arith.addi %mul3A_4, %mul3A_333 : i32
      "tpu.region"() ({
        %run_scoped3A = tpu.sem_alloc : memref<!tpu.dma_semaphore, #tpu.memory_space<semaphore_mem>>
        %dma_start3A_335 = arith.constant 0 : i32
        %dma_start3A_336 = tpu.memref_slice %arg5[%add3A_334, %dma_start3A_335] : memref<1605632x32xf32, #tpu.memory_space<hbm>> -> memref<1024x32xf32, #tpu.memory_space<hbm>>
        %dma_start3A_337 = arith.constant 0 : i32
        %dma_start3A_338 = tpu.memref_slice %arg5[%add3A_334, %dma_start3A_337] : memref<1605632x32xf32, #tpu.memory_space<hbm>> -> memref<1024x32xf32, #tpu.memory_space<hbm>>
        tpu.enqueue_dma source(%arg9 : memref<1024x32xf32, #tpu.memory_space<vmem>>) target(%dma_start3A_338 : memref<1024x32xf32, #tpu.memory_space<hbm>>) target_semaphore(%run_scoped3A : memref<!tpu.dma_semaphore, #tpu.memory_space<semaphore_mem>>)
        %dma_wait3A_339 = arith.constant 0 : i32
        %dma_wait3A_340 = tpu.memref_slice %arg5[%add3A_334, %dma_wait3A_339] : memref<1605632x32xf32, #tpu.memory_space<hbm>> -> memref<1024x32xf32, #tpu.memory_space<hbm>>
        %dma_wait3A_341 = arith.constant 0 : i32
        %dma_wait3A_342 = tpu.memref_slice %arg5[%add3A_334, %dma_wait3A_341] : memref<1605632x32xf32, #tpu.memory_space<hbm>> -> memref<1024x32xf32, #tpu.memory_space<hbm>>
        tpu.wait_dma2 semaphore(%run_scoped3A : memref<!tpu.dma_semaphore, #tpu.memory_space<semaphore_mem>>) src(%arg9 : memref<1024x32xf32, #tpu.memory_space<vmem>>) dst(%dma_wait3A_342 : memref<1024x32xf32, #tpu.memory_space<hbm>>)
        tpu.yield
      }) : () -> ()
      "tpu.region"() ({
        %run_scoped3A = tpu.sem_alloc : memref<!tpu.dma_semaphore, #tpu.memory_space<semaphore_mem>>
        %dma_start3A_335 = arith.constant 0 : i32
        %dma_start3A_336 = tpu.memref_slice %arg6[%add3A_334, %dma_start3A_335] : memref<1605632x32xf32, #tpu.memory_space<hbm>> -> memref<1024x32xf32, #tpu.memory_space<hbm>>
        %dma_start3A_337 = arith.constant 0 : i32
        %dma_start3A_338 = tpu.memref_slice %arg6[%add3A_334, %dma_start3A_337] : memref<1605632x32xf32, #tpu.memory_space<hbm>> -> memref<1024x32xf32, #tpu.memory_space<hbm>>
        tpu.enqueue_dma source(%arg10 : memref<1024x32xf32, #tpu.memory_space<vmem>>) target(%dma_start3A_338 : memref<1024x32xf32, #tpu.memory_space<hbm>>) target_semaphore(%run_scoped3A : memref<!tpu.dma_semaphore, #tpu.memory_space<semaphore_mem>>)
        %dma_wait3A_339 = arith.constant 0 : i32
        %dma_wait3A_340 = tpu.memref_slice %arg6[%add3A_334, %dma_wait3A_339] : memref<1605632x32xf32, #tpu.memory_space<hbm>> -> memref<1024x32xf32, #tpu.memory_space<hbm>>
        %dma_wait3A_341 = arith.constant 0 : i32
        %dma_wait3A_342 = tpu.memref_slice %arg6[%add3A_334, %dma_wait3A_341] : memref<1605632x32xf32, #tpu.memory_space<hbm>> -> memref<1024x32xf32, #tpu.memory_space<hbm>>
        tpu.wait_dma2 semaphore(%run_scoped3A : memref<!tpu.dma_semaphore, #tpu.memory_space<semaphore_mem>>) src(%arg10 : memref<1024x32xf32, #tpu.memory_space<vmem>>) dst(%dma_wait3A_342 : memref<1024x32xf32, #tpu.memory_space<hbm>>)
        tpu.yield
      }) : () -> ()
    }
    %scan3A_9 = arith.constant 49 : i32
    return
  }
}

#map = affine_map<(d0, d1) -> (0, 0)>
module attributes {stable_mosaic.version = 14 : i64} {
  func.func @_scatter_body(%arg0: i32, %arg1: i32, %arg2: memref<1605632x32xf32, #tpu.memory_space<hbm>>, %arg3: memref<12544x128xi32, #tpu.memory_space<hbm>>, %arg4: memref<100096x32xf32, #tpu.memory_space<hbm>>, %arg5: memref<100096x32xf32, #tpu.memory_space<hbm>>, %arg6: memref<2x128xi32, #tpu.memory_space<vmem>>, %arg7: memref<2x128xi32, #tpu.memory_space<vmem>>, %arg8: memref<2x128xi32, #tpu.memory_space<vmem>>, %arg9: memref<2x128xi32, #tpu.memory_space<vmem>>, %arg10: memref<256x32xf32, #tpu.memory_space<vmem>>, %arg11: memref<256x32xf32, #tpu.memory_space<vmem>>, %arg12: memref<50056x32xf32, #tpu.memory_space<vmem_shared>>, %arg13: memref<!tpu.dma_semaphore, #tpu.memory_space<semaphore_mem>>, %arg14: memref<!tpu.dma_semaphore, #tpu.memory_space<semaphore_mem>>, %arg15: memref<!tpu.dma_semaphore, #tpu.memory_space<semaphore_mem>>, %arg16: memref<!tpu.dma_semaphore, #tpu.memory_space<semaphore_mem>>) attributes {dimension_semantics = [#tpu.dimension_semantics<core_parallel>, #tpu.dimension_semantics<subcore_parallel>], iteration_bounds = array<i64: 2, 16>, scalar_prefetch = 0 : i64, scratch_operands = 11 : i64, tpu.core_type = #tpu.core_type<sc_vector_subcore>, window_params = [{transform_indices = #map}, {transform_indices = #map}, {transform_indices = #map}, {transform_indices = #map}]} {
    %mul3A = arith.constant 50048 : i32
    %mul3A_0 = arith.muli %arg0, %mul3A : i32
    %mul3A_1 = arith.constant 3128 : i32
    %mul3A_2 = arith.muli %arg1, %mul3A_1 : i32
    %add3A = arith.addi %mul3A_0, %mul3A_2 : i32
    "tpu.region"() ({
      %run_scoped3A = tpu.sem_alloc : memref<!tpu.dma_semaphore, #tpu.memory_space<semaphore_mem>>
      %dma_start3A_39 = arith.constant 0 : i32
      %dma_start3A_40 = tpu.memref_slice %arg12[%mul3A_2, %dma_start3A_39] : memref<50056x32xf32, #tpu.memory_space<vmem_shared>> -> memref<3128x32xf32, #tpu.memory_space<vmem_shared>>
      %dma_start3A_41 = arith.constant 0 : i32
      %dma_start3A_42 = tpu.memref_slice %arg4[%add3A, %dma_start3A_41] : memref<100096x32xf32, #tpu.memory_space<hbm>> -> memref<3128x32xf32, #tpu.memory_space<hbm>>
      tpu.enqueue_dma source(%dma_start3A_42 : memref<3128x32xf32, #tpu.memory_space<hbm>>) target(%dma_start3A_40 : memref<3128x32xf32, #tpu.memory_space<vmem_shared>>) target_semaphore(%run_scoped3A : memref<!tpu.dma_semaphore, #tpu.memory_space<semaphore_mem>>)
      %dma_wait3A = arith.constant 0 : i32
      %dma_wait3A_43 = tpu.memref_slice %arg12[%mul3A_2, %dma_wait3A] : memref<50056x32xf32, #tpu.memory_space<vmem_shared>> -> memref<3128x32xf32, #tpu.memory_space<vmem_shared>>
      %dma_wait3A_44 = arith.constant 0 : i32
      %dma_wait3A_45 = tpu.memref_slice %arg4[%add3A, %dma_wait3A_44] : memref<100096x32xf32, #tpu.memory_space<hbm>> -> memref<3128x32xf32, #tpu.memory_space<hbm>>
      tpu.wait_dma2 semaphore(%run_scoped3A : memref<!tpu.dma_semaphore, #tpu.memory_space<semaphore_mem>>) src(%dma_wait3A_45 : memref<3128x32xf32, #tpu.memory_space<hbm>>) dst(%dma_wait3A_43 : memref<3128x32xf32, #tpu.memory_space<vmem_shared>>)
      tpu.yield
    }) : () -> ()
    %barrier3A = arith.constant 0 : index
    tpu.barrier barrier_id(%barrier3A)
    %mul3A_3 = arith.constant 392 : i32
    %mul3A_4 = arith.muli %arg1, %mul3A_3 : i32
    %mul3A_5 = arith.constant 256 : i32
    %mul3A_6 = arith.muli %mul3A_4, %mul3A_5 : i32
    %add3A_7 = arith.constant 0 : i32
    %add3A_8 = arith.addi %mul3A_6, %add3A_7 : i32
    %jit3A = arith.constant 128 : i32
    %div3A = arith.divsi %add3A_8, %jit3A : i32
    %sign3A = arith.constant 0 : i32
    %sign3A_9 = arith.cmpi sgt, %add3A_8, %sign3A : i32
    %sign3A_10 = arith.extui %sign3A_9 : i1 to i32
    %sign3A_11 = arith.constant 0 : i32
    %sign3A_12 = arith.cmpi slt, %add3A_8, %sign3A_11 : i32
    %sign3A_13 = arith.extui %sign3A_12 : i1 to i32
    %sign3A_14 = arith.subi %sign3A_10, %sign3A_13 : i32
    %sign3A_15 = arith.constant 0 : i32
    %sign3A_16 = arith.cmpi sgt, %jit3A, %sign3A_15 : i32
    %sign3A_17 = arith.extui %sign3A_16 : i1 to i32
    %sign3A_18 = arith.constant 0 : i32
    %sign3A_19 = arith.cmpi slt, %jit3A, %sign3A_18 : i32
    %sign3A_20 = arith.extui %sign3A_19 : i1 to i32
    %sign3A_21 = arith.subi %sign3A_17, %sign3A_20 : i32
    %ne3A = arith.cmpi ne, %sign3A_14, %sign3A_21 : i32
    %rem3A = arith.remsi %add3A_8, %jit3A : i32
    %ne3A_22 = arith.constant 0 : i32
    %ne3A_23 = arith.cmpi ne, %rem3A, %ne3A_22 : i32
    %and3A = arith.andi %ne3A, %ne3A_23 : i1
    %sub3A = arith.constant 1 : i32
    %sub3A_24 = arith.subi %div3A, %sub3A : i32
    %select_n3A = arith.select %and3A, %sub3A_24, %div3A : i32
    %dma_start3A = arith.constant 0 : i32
    %dma_start3A_25 = tpu.memref_slice %arg3[%select_n3A, %dma_start3A] : memref<12544x128xi32, #tpu.memory_space<hbm>> -> memref<2x128xi32, #tpu.memory_space<hbm>>
    %dma_start3A_26 = arith.constant 0 : i32
    %dma_start3A_27 = tpu.memref_slice %arg3[%select_n3A, %dma_start3A_26] : memref<12544x128xi32, #tpu.memory_space<hbm>> -> memref<2x128xi32, #tpu.memory_space<hbm>>
    tpu.enqueue_dma source(%dma_start3A_27 : memref<2x128xi32, #tpu.memory_space<hbm>>) target(%arg6 : memref<2x128xi32, #tpu.memory_space<vmem>>) target_semaphore(%arg13 : memref<!tpu.dma_semaphore, #tpu.memory_space<semaphore_mem>>)
    %dma_start3A_28 = arith.constant 0 : i32
    %dma_start3A_29 = tpu.memref_slice %arg2[%add3A_8, %dma_start3A_28] : memref<1605632x32xf32, #tpu.memory_space<hbm>> -> memref<256x32xf32, #tpu.memory_space<hbm>>
    %dma_start3A_30 = arith.constant 0 : i32
    %dma_start3A_31 = tpu.memref_slice %arg2[%add3A_8, %dma_start3A_30] : memref<1605632x32xf32, #tpu.memory_space<hbm>> -> memref<256x32xf32, #tpu.memory_space<hbm>>
    tpu.enqueue_dma source(%dma_start3A_31 : memref<256x32xf32, #tpu.memory_space<hbm>>) target(%arg10 : memref<256x32xf32, #tpu.memory_space<vmem>>) target_semaphore(%arg13 : memref<!tpu.dma_semaphore, #tpu.memory_space<semaphore_mem>>)
    %scan3A = arith.constant 0 : i32
    %scan3A_32 = arith.constant 0 : i32
    %scan3A_33 = arith.constant 196 : i32
    %scan3A_34 = arith.addi %scan3A_32, %scan3A_33 : i32
    %scan3A_35 = arith.constant 1 : i32
    scf.for %scan3A_39 = %scan3A_32 to %scan3A_34 step %scan3A_35  : i32 {
      %mul3A_40 = arith.constant 2 : i32
      %mul3A_41 = arith.muli %mul3A_40, %scan3A_39 : i32
      %add3A_42 = arith.constant 1 : i32
      %add3A_43 = arith.addi %mul3A_41, %add3A_42 : i32
      %mul3A_44 = arith.constant 256 : i32
      %mul3A_45 = arith.muli %add3A_43, %mul3A_44 : i32
      %add3A_46 = arith.addi %mul3A_6, %mul3A_45 : i32
      %jit3A_47 = arith.constant 128 : i32
      %div3A_48 = arith.divsi %add3A_46, %jit3A_47 : i32
      %sign3A_49 = arith.constant 0 : i32
      %sign3A_50 = arith.cmpi sgt, %add3A_46, %sign3A_49 : i32
      %sign3A_51 = arith.extui %sign3A_50 : i1 to i32
      %sign3A_52 = arith.constant 0 : i32
      %sign3A_53 = arith.cmpi slt, %add3A_46, %sign3A_52 : i32
      %sign3A_54 = arith.extui %sign3A_53 : i1 to i32
      %sign3A_55 = arith.subi %sign3A_51, %sign3A_54 : i32
      %sign3A_56 = arith.constant 0 : i32
      %sign3A_57 = arith.cmpi sgt, %jit3A_47, %sign3A_56 : i32
      %sign3A_58 = arith.extui %sign3A_57 : i1 to i32
      %sign3A_59 = arith.constant 0 : i32
      %sign3A_60 = arith.cmpi slt, %jit3A_47, %sign3A_59 : i32
      %sign3A_61 = arith.extui %sign3A_60 : i1 to i32
      %sign3A_62 = arith.subi %sign3A_58, %sign3A_61 : i32
      %ne3A_63 = arith.cmpi ne, %sign3A_55, %sign3A_62 : i32
      %rem3A_64 = arith.remsi %add3A_46, %jit3A_47 : i32
      %ne3A_65 = arith.constant 0 : i32
      %ne3A_66 = arith.cmpi ne, %rem3A_64, %ne3A_65 : i32
      %and3A_67 = arith.andi %ne3A_63, %ne3A_66 : i1
      %sub3A_68 = arith.constant 1 : i32
      %sub3A_69 = arith.subi %div3A_48, %sub3A_68 : i32
      %select_n3A_70 = arith.select %and3A_67, %sub3A_69, %div3A_48 : i32
      %dma_start3A_71 = arith.constant 0 : i32
      %dma_start3A_72 = tpu.memref_slice %arg3[%select_n3A_70, %dma_start3A_71] : memref<12544x128xi32, #tpu.memory_space<hbm>> -> memref<2x128xi32, #tpu.memory_space<hbm>>
      %dma_start3A_73 = arith.constant 0 : i32
      %dma_start3A_74 = tpu.memref_slice %arg3[%select_n3A_70, %dma_start3A_73] : memref<12544x128xi32, #tpu.memory_space<hbm>> -> memref<2x128xi32, #tpu.memory_space<hbm>>
      tpu.enqueue_dma source(%dma_start3A_74 : memref<2x128xi32, #tpu.memory_space<hbm>>) target(%arg7 : memref<2x128xi32, #tpu.memory_space<vmem>>) target_semaphore(%arg14 : memref<!tpu.dma_semaphore, #tpu.memory_space<semaphore_mem>>)
      %dma_start3A_75 = arith.constant 0 : i32
      %dma_start3A_76 = tpu.memref_slice %arg2[%add3A_46, %dma_start3A_75] : memref<1605632x32xf32, #tpu.memory_space<hbm>> -> memref<256x32xf32, #tpu.memory_space<hbm>>
      %dma_start3A_77 = arith.constant 0 : i32
      %dma_start3A_78 = tpu.memref_slice %arg2[%add3A_46, %dma_start3A_77] : memref<1605632x32xf32, #tpu.memory_space<hbm>> -> memref<256x32xf32, #tpu.memory_space<hbm>>
      tpu.enqueue_dma source(%dma_start3A_78 : memref<256x32xf32, #tpu.memory_space<hbm>>) target(%arg11 : memref<256x32xf32, #tpu.memory_space<vmem>>) target_semaphore(%arg14 : memref<!tpu.dma_semaphore, #tpu.memory_space<semaphore_mem>>)
      %mul3A_79 = arith.constant 256 : i32
      %mul3A_80 = arith.muli %mul3A_41, %mul3A_79 : i32
      %add3A_81 = arith.addi %mul3A_6, %mul3A_80 : i32
      %jit3A_82 = arith.constant 128 : i32
      %div3A_83 = arith.divsi %add3A_81, %jit3A_82 : i32
      %sign3A_84 = arith.constant 0 : i32
      %sign3A_85 = arith.cmpi sgt, %add3A_81, %sign3A_84 : i32
      %sign3A_86 = arith.extui %sign3A_85 : i1 to i32
      %sign3A_87 = arith.constant 0 : i32
      %sign3A_88 = arith.cmpi slt, %add3A_81, %sign3A_87 : i32
      %sign3A_89 = arith.extui %sign3A_88 : i1 to i32
      %sign3A_90 = arith.subi %sign3A_86, %sign3A_89 : i32
      %sign3A_91 = arith.constant 0 : i32
      %sign3A_92 = arith.cmpi sgt, %jit3A_82, %sign3A_91 : i32
      %sign3A_93 = arith.extui %sign3A_92 : i1 to i32
      %sign3A_94 = arith.constant 0 : i32
      %sign3A_95 = arith.cmpi slt, %jit3A_82, %sign3A_94 : i32
      %sign3A_96 = arith.extui %sign3A_95 : i1 to i32
      %sign3A_97 = arith.subi %sign3A_93, %sign3A_96 : i32
      %ne3A_98 = arith.cmpi ne, %sign3A_90, %sign3A_97 : i32
      %rem3A_99 = arith.remsi %add3A_81, %jit3A_82 : i32
      %ne3A_100 = arith.constant 0 : i32
      %ne3A_101 = arith.cmpi ne, %rem3A_99, %ne3A_100 : i32
      %and3A_102 = arith.andi %ne3A_98, %ne3A_101 : i1
      %sub3A_103 = arith.constant 1 : i32
      %sub3A_104 = arith.subi %div3A_83, %sub3A_103 : i32
      %select_n3A_105 = arith.select %and3A_102, %sub3A_104, %div3A_83 : i32
      %dma_wait3A = arith.constant 0 : i32
      %dma_wait3A_106 = tpu.memref_slice %arg3[%select_n3A_105, %dma_wait3A] : memref<12544x128xi32, #tpu.memory_space<hbm>> -> memref<2x128xi32, #tpu.memory_space<hbm>>
      %dma_wait3A_107 = arith.constant 0 : i32
      %dma_wait3A_108 = tpu.memref_slice %arg3[%select_n3A_105, %dma_wait3A_107] : memref<12544x128xi32, #tpu.memory_space<hbm>> -> memref<2x128xi32, #tpu.memory_space<hbm>>
      tpu.wait_dma2 semaphore(%arg13 : memref<!tpu.dma_semaphore, #tpu.memory_space<semaphore_mem>>) src(%dma_wait3A_108 : memref<2x128xi32, #tpu.memory_space<hbm>>) dst(%arg6 : memref<2x128xi32, #tpu.memory_space<vmem>>)
      %dma_wait3A_109 = arith.constant 0 : i32
      %dma_wait3A_110 = tpu.memref_slice %arg2[%add3A_81, %dma_wait3A_109] : memref<1605632x32xf32, #tpu.memory_space<hbm>> -> memref<256x32xf32, #tpu.memory_space<hbm>>
      %dma_wait3A_111 = arith.constant 0 : i32
      %dma_wait3A_112 = tpu.memref_slice %arg2[%add3A_81, %dma_wait3A_111] : memref<1605632x32xf32, #tpu.memory_space<hbm>> -> memref<256x32xf32, #tpu.memory_space<hbm>>
      tpu.wait_dma2 semaphore(%arg13 : memref<!tpu.dma_semaphore, #tpu.memory_space<semaphore_mem>>) src(%dma_wait3A_112 : memref<256x32xf32, #tpu.memory_space<hbm>>) dst(%arg10 : memref<256x32xf32, #tpu.memory_space<vmem>>)
      %get3A = arith.constant 0 : i32
      %get3A_113 = arith.index_cast %get3A : i32 to index
      %get3A_114 = arith.constant 0 : index
      %get3A_115 = tpu.vector_load %arg6[%get3A_113, %get3A_114] {strides = array<i32>} : memref<2x128xi32, #tpu.memory_space<vmem>>, vector<1x16xi32>,
      %get3A_116 = vector.shape_cast %get3A_115 : vector<1x16xi32> to vector<16xi32>
      %ge3A = vector.broadcast %mul3A_0 : i32 to vector<16xi32>
      %ge3A_117 = arith.cmpi sge, %get3A_116, %ge3A : vector<16xi32>
      %add3A_118 = arith.constant 50048 : i32
      %add3A_119 = arith.addi %mul3A_0, %add3A_118 : i32
      %lt3A = vector.broadcast %add3A_119 : i32 to vector<16xi32>
      %lt3A_120 = arith.cmpi slt, %get3A_116, %lt3A : vector<16xi32>
      %and3A_121 = arith.andi %ge3A_117, %lt3A_120 : vector<16xi1>
      %sub3A_122 = vector.broadcast %mul3A_0 : i32 to vector<16xi32>
      %sub3A_123 = arith.subi %get3A_116, %sub3A_122 : vector<16xi32>
      %jit3A_124 = arith.constant 50048 : i32
      %broadcast_in_dim3A = vector.broadcast %jit3A_124 : i32 to vector<16xi32>
      %select_n3A_125 = arith.select %and3A_121, %sub3A_123, %broadcast_in_dim3A : vector<16xi1>, vector<16xi32>
      %swap3A = arith.constant 0 : i32
      %swap3A_126 = arith.index_cast %swap3A : i32 to index
      %swap3A_127 = arith.constant 0 : index
      %swap3A_128 = tpu.vector_load %arg8[%swap3A_126, %swap3A_127] {strides = array<i32>} : memref<2x128xi32, #tpu.memory_space<vmem>>, vector<1x16xi32>,
      %swap3A_129 = vector.shape_cast %swap3A_128 : vector<1x16xi32> to vector<16xi32>
      %swap3A_130 = vector.shape_cast %select_n3A_125 : vector<16xi32> to vector<1x16xi32>
      tpu.vector_store %arg8[%swap3A_126, %swap3A_127], %swap3A_130 {strides = array<i32>} : memref<2x128xi32, #tpu.memory_space<vmem>>, vector<1x16xi32>,
      %get3A_131 = arith.constant 0 : i32
      %get3A_132 = arith.index_cast %get3A_131 : i32 to index
      %get3A_133 = arith.constant 16 : index
      %get3A_134 = tpu.vector_load %arg6[%get3A_132, %get3A_133] {strides = array<i32>} : memref<2x128xi32, #tpu.memory_space<vmem>>, vector<1x16xi32>,
      %get3A_135 = vector.shape_cast %get3A_134 : vector<1x16xi32> to vector<16xi32>
      %ge3A_136 = vector.broadcast %mul3A_0 : i32 to vector<16xi32>
      %ge3A_137 = arith.cmpi sge, %get3A_135, %ge3A_136 : vector<16xi32>
      %add3A_138 = arith.constant 50048 : i32
      %add3A_139 = arith.addi %mul3A_0, %add3A_138 : i32
      %lt3A_140 = vector.broadcast %add3A_139 : i32 to vector<16xi32>
      %lt3A_141 = arith.cmpi slt, %get3A_135, %lt3A_140 : vector<16xi32>
      %and3A_142 = arith.andi %ge3A_137, %lt3A_141 : vector<16xi1>
      %sub3A_143 = vector.broadcast %mul3A_0 : i32 to vector<16xi32>
      %sub3A_144 = arith.subi %get3A_135, %sub3A_143 : vector<16xi32>
      %jit3A_145 = arith.constant 50048 : i32
      %broadcast_in_dim3A_146 = vector.broadcast %jit3A_145 : i32 to vector<16xi32>
      %select_n3A_147 = arith.select %and3A_142, %sub3A_144, %broadcast_in_dim3A_146 : vector<16xi1>, vector<16xi32>
      %swap3A_148 = arith.constant 0 : i32
      %swap3A_149 = arith.index_cast %swap3A_148 : i32 to index
      %swap3A_150 = arith.constant 16 : index
      %swap3A_151 = tpu.vector_load %arg8[%swap3A_149, %swap3A_150] {strides = array<i32>} : memref<2x128xi32, #tpu.memory_space<vmem>>, vector<1x16xi32>,
      %swap3A_152 = vector.shape_cast %swap3A_151 : vector<1x16xi32> to vector<16xi32>
      %swap3A_153 = vector.shape_cast %select_n3A_147 : vector<16xi32> to vector<1x16xi32>
      tpu.vector_store %arg8[%swap3A_149, %swap3A_150], %swap3A_153 {strides = array<i32>} : memref<2x128xi32, #tpu.memory_space<vmem>>, vector<1x16xi32>,
      %get3A_154 = arith.constant 0 : i32
      %get3A_155 = arith.index_cast %get3A_154 : i32 to index
      %get3A_156 = arith.constant 32 : index
      %get3A_157 = tpu.vector_load %arg6[%get3A_155, %get3A_156] {strides = array<i32>} : memref<2x128xi32, #tpu.memory_space<vmem>>, vector<1x16xi32>,
      %get3A_158 = vector.shape_cast %get3A_157 : vector<1x16xi32> to vector<16xi32>
      %ge3A_159 = vector.broadcast %mul3A_0 : i32 to vector<16xi32>
      %ge3A_160 = arith.cmpi sge, %get3A_158, %ge3A_159 : vector<16xi32>
      %add3A_161 = arith.constant 50048 : i32
      %add3A_162 = arith.addi %mul3A_0, %add3A_161 : i32
      %lt3A_163 = vector.broadcast %add3A_162 : i32 to vector<16xi32>
      %lt3A_164 = arith.cmpi slt, %get3A_158, %lt3A_163 : vector<16xi32>
      %and3A_165 = arith.andi %ge3A_160, %lt3A_164 : vector<16xi1>
      %sub3A_166 = vector.broadcast %mul3A_0 : i32 to vector<16xi32>
      %sub3A_167 = arith.subi %get3A_158, %sub3A_166 : vector<16xi32>
      %jit3A_168 = arith.constant 50048 : i32
      %broadcast_in_dim3A_169 = vector.broadcast %jit3A_168 : i32 to vector<16xi32>
      %select_n3A_170 = arith.select %and3A_165, %sub3A_167, %broadcast_in_dim3A_169 : vector<16xi1>, vector<16xi32>
      %swap3A_171 = arith.constant 0 : i32
      %swap3A_172 = arith.index_cast %swap3A_171 : i32 to index
      %swap3A_173 = arith.constant 32 : index
      %swap3A_174 = tpu.vector_load %arg8[%swap3A_172, %swap3A_173] {strides = array<i32>} : memref<2x128xi32, #tpu.memory_space<vmem>>, vector<1x16xi32>,
      %swap3A_175 = vector.shape_cast %swap3A_174 : vector<1x16xi32> to vector<16xi32>
      %swap3A_176 = vector.shape_cast %select_n3A_170 : vector<16xi32> to vector<1x16xi32>
      tpu.vector_store %arg8[%swap3A_172, %swap3A_173], %swap3A_176 {strides = array<i32>} : memref<2x128xi32, #tpu.memory_space<vmem>>, vector<1x16xi32>,
      %get3A_177 = arith.constant 0 : i32
      %get3A_178 = arith.index_cast %get3A_177 : i32 to index
      %get3A_179 = arith.constant 48 : index
      %get3A_180 = tpu.vector_load %arg6[%get3A_178, %get3A_179] {strides = array<i32>} : memref<2x128xi32, #tpu.memory_space<vmem>>, vector<1x16xi32>,
      %get3A_181 = vector.shape_cast %get3A_180 : vector<1x16xi32> to vector<16xi32>
      %ge3A_182 = vector.broadcast %mul3A_0 : i32 to vector<16xi32>
      %ge3A_183 = arith.cmpi sge, %get3A_181, %ge3A_182 : vector<16xi32>
      %add3A_184 = arith.constant 50048 : i32
      %add3A_185 = arith.addi %mul3A_0, %add3A_184 : i32
      %lt3A_186 = vector.broadcast %add3A_185 : i32 to vector<16xi32>
      %lt3A_187 = arith.cmpi slt, %get3A_181, %lt3A_186 : vector<16xi32>
      %and3A_188 = arith.andi %ge3A_183, %lt3A_187 : vector<16xi1>
      %sub3A_189 = vector.broadcast %mul3A_0 : i32 to vector<16xi32>
      %sub3A_190 = arith.subi %get3A_181, %sub3A_189 : vector<16xi32>
      %jit3A_191 = arith.constant 50048 : i32
      %broadcast_in_dim3A_192 = vector.broadcast %jit3A_191 : i32 to vector<16xi32>
      %select_n3A_193 = arith.select %and3A_188, %sub3A_190, %broadcast_in_dim3A_192 : vector<16xi1>, vector<16xi32>
      %swap3A_194 = arith.constant 0 : i32
      %swap3A_195 = arith.index_cast %swap3A_194 : i32 to index
      %swap3A_196 = arith.constant 48 : index
      %swap3A_197 = tpu.vector_load %arg8[%swap3A_195, %swap3A_196] {strides = array<i32>} : memref<2x128xi32, #tpu.memory_space<vmem>>, vector<1x16xi32>,
      %swap3A_198 = vector.shape_cast %swap3A_197 : vector<1x16xi32> to vector<16xi32>
      %swap3A_199 = vector.shape_cast %select_n3A_193 : vector<16xi32> to vector<1x16xi32>
      tpu.vector_store %arg8[%swap3A_195, %swap3A_196], %swap3A_199 {strides = array<i32>} : memref<2x128xi32, #tpu.memory_space<vmem>>, vector<1x16xi32>,
      %get3A_200 = arith.constant 0 : i32
      %get3A_201 = arith.index_cast %get3A_200 : i32 to index
      %get3A_202 = arith.constant 64 : index
      %get3A_203 = tpu.vector_load %arg6[%get3A_201, %get3A_202] {strides = array<i32>} : memref<2x128xi32, #tpu.memory_space<vmem>>, vector<1x16xi32>,
      %get3A_204 = vector.shape_cast %get3A_203 : vector<1x16xi32> to vector<16xi32>
      %ge3A_205 = vector.broadcast %mul3A_0 : i32 to vector<16xi32>
      %ge3A_206 = arith.cmpi sge, %get3A_204, %ge3A_205 : vector<16xi32>
      %add3A_207 = arith.constant 50048 : i32
      %add3A_208 = arith.addi %mul3A_0, %add3A_207 : i32
      %lt3A_209 = vector.broadcast %add3A_208 : i32 to vector<16xi32>
      %lt3A_210 = arith.cmpi slt, %get3A_204, %lt3A_209 : vector<16xi32>
      %and3A_211 = arith.andi %ge3A_206, %lt3A_210 : vector<16xi1>
      %sub3A_212 = vector.broadcast %mul3A_0 : i32 to vector<16xi32>
      %sub3A_213 = arith.subi %get3A_204, %sub3A_212 : vector<16xi32>
      %jit3A_214 = arith.constant 50048 : i32
      %broadcast_in_dim3A_215 = vector.broadcast %jit3A_214 : i32 to vector<16xi32>
      %select_n3A_216 = arith.select %and3A_211, %sub3A_213, %broadcast_in_dim3A_215 : vector<16xi1>, vector<16xi32>
      %swap3A_217 = arith.constant 0 : i32
      %swap3A_218 = arith.index_cast %swap3A_217 : i32 to index
      %swap3A_219 = arith.constant 64 : index
      %swap3A_220 = tpu.vector_load %arg8[%swap3A_218, %swap3A_219] {strides = array<i32>} : memref<2x128xi32, #tpu.memory_space<vmem>>, vector<1x16xi32>,
      %swap3A_221 = vector.shape_cast %swap3A_220 : vector<1x16xi32> to vector<16xi32>
      %swap3A_222 = vector.shape_cast %select_n3A_216 : vector<16xi32> to vector<1x16xi32>
      tpu.vector_store %arg8[%swap3A_218, %swap3A_219], %swap3A_222 {strides = array<i32>} : memref<2x128xi32, #tpu.memory_space<vmem>>, vector<1x16xi32>,
      %get3A_223 = arith.constant 0 : i32
      %get3A_224 = arith.index_cast %get3A_223 : i32 to index
      %get3A_225 = arith.constant 80 : index
      %get3A_226 = tpu.vector_load %arg6[%get3A_224, %get3A_225] {strides = array<i32>} : memref<2x128xi32, #tpu.memory_space<vmem>>, vector<1x16xi32>,
      %get3A_227 = vector.shape_cast %get3A_226 : vector<1x16xi32> to vector<16xi32>
      %ge3A_228 = vector.broadcast %mul3A_0 : i32 to vector<16xi32>
      %ge3A_229 = arith.cmpi sge, %get3A_227, %ge3A_228 : vector<16xi32>
      %add3A_230 = arith.constant 50048 : i32
      %add3A_231 = arith.addi %mul3A_0, %add3A_230 : i32
      %lt3A_232 = vector.broadcast %add3A_231 : i32 to vector<16xi32>
      %lt3A_233 = arith.cmpi slt, %get3A_227, %lt3A_232 : vector<16xi32>
      %and3A_234 = arith.andi %ge3A_229, %lt3A_233 : vector<16xi1>
      %sub3A_235 = vector.broadcast %mul3A_0 : i32 to vector<16xi32>
      %sub3A_236 = arith.subi %get3A_227, %sub3A_235 : vector<16xi32>
      %jit3A_237 = arith.constant 50048 : i32
      %broadcast_in_dim3A_238 = vector.broadcast %jit3A_237 : i32 to vector<16xi32>
      %select_n3A_239 = arith.select %and3A_234, %sub3A_236, %broadcast_in_dim3A_238 : vector<16xi1>, vector<16xi32>
      %swap3A_240 = arith.constant 0 : i32
      %swap3A_241 = arith.index_cast %swap3A_240 : i32 to index
      %swap3A_242 = arith.constant 80 : index
      %swap3A_243 = tpu.vector_load %arg8[%swap3A_241, %swap3A_242] {strides = array<i32>} : memref<2x128xi32, #tpu.memory_space<vmem>>, vector<1x16xi32>,
      %swap3A_244 = vector.shape_cast %swap3A_243 : vector<1x16xi32> to vector<16xi32>
      %swap3A_245 = vector.shape_cast %select_n3A_239 : vector<16xi32> to vector<1x16xi32>
      tpu.vector_store %arg8[%swap3A_241, %swap3A_242], %swap3A_245 {strides = array<i32>} : memref<2x128xi32, #tpu.memory_space<vmem>>, vector<1x16xi32>,
      %get3A_246 = arith.constant 0 : i32
      %get3A_247 = arith.index_cast %get3A_246 : i32 to index
      %get3A_248 = arith.constant 96 : index
      %get3A_249 = tpu.vector_load %arg6[%get3A_247, %get3A_248] {strides = array<i32>} : memref<2x128xi32, #tpu.memory_space<vmem>>, vector<1x16xi32>,
      %get3A_250 = vector.shape_cast %get3A_249 : vector<1x16xi32> to vector<16xi32>
      %ge3A_251 = vector.broadcast %mul3A_0 : i32 to vector<16xi32>
      %ge3A_252 = arith.cmpi sge, %get3A_250, %ge3A_251 : vector<16xi32>
      %add3A_253 = arith.constant 50048 : i32
      %add3A_254 = arith.addi %mul3A_0, %add3A_253 : i32
      %lt3A_255 = vector.broadcast %add3A_254 : i32 to vector<16xi32>
      %lt3A_256 = arith.cmpi slt, %get3A_250, %lt3A_255 : vector<16xi32>
      %and3A_257 = arith.andi %ge3A_252, %lt3A_256 : vector<16xi1>
      %sub3A_258 = vector.broadcast %mul3A_0 : i32 to vector<16xi32>
      %sub3A_259 = arith.subi %get3A_250, %sub3A_258 : vector<16xi32>
      %jit3A_260 = arith.constant 50048 : i32
      %broadcast_in_dim3A_261 = vector.broadcast %jit3A_260 : i32 to vector<16xi32>
      %select_n3A_262 = arith.select %and3A_257, %sub3A_259, %broadcast_in_dim3A_261 : vector<16xi1>, vector<16xi32>
      %swap3A_263 = arith.constant 0 : i32
      %swap3A_264 = arith.index_cast %swap3A_263 : i32 to index
      %swap3A_265 = arith.constant 96 : index
      %swap3A_266 = tpu.vector_load %arg8[%swap3A_264, %swap3A_265] {strides = array<i32>} : memref<2x128xi32, #tpu.memory_space<vmem>>, vector<1x16xi32>,
      %swap3A_267 = vector.shape_cast %swap3A_266 : vector<1x16xi32> to vector<16xi32>
      %swap3A_268 = vector.shape_cast %select_n3A_262 : vector<16xi32> to vector<1x16xi32>
      tpu.vector_store %arg8[%swap3A_264, %swap3A_265], %swap3A_268 {strides = array<i32>} : memref<2x128xi32, #tpu.memory_space<vmem>>, vector<1x16xi32>,
      %get3A_269 = arith.constant 0 : i32
      %get3A_270 = arith.index_cast %get3A_269 : i32 to index
      %get3A_271 = arith.constant 112 : index
      %get3A_272 = tpu.vector_load %arg6[%get3A_270, %get3A_271] {strides = array<i32>} : memref<2x128xi32, #tpu.memory_space<vmem>>, vector<1x16xi32>,
      %get3A_273 = vector.shape_cast %get3A_272 : vector<1x16xi32> to vector<16xi32>
      %ge3A_274 = vector.broadcast %mul3A_0 : i32 to vector<16xi32>
      %ge3A_275 = arith.cmpi sge, %get3A_273, %ge3A_274 : vector<16xi32>
      %add3A_276 = arith.constant 50048 : i32
      %add3A_277 = arith.addi %mul3A_0, %add3A_276 : i32
      %lt3A_278 = vector.broadcast %add3A_277 : i32 to vector<16xi32>
      %lt3A_279 = arith.cmpi slt, %get3A_273, %lt3A_278 : vector<16xi32>
      %and3A_280 = arith.andi %ge3A_275, %lt3A_279 : vector<16xi1>
      %sub3A_281 = vector.broadcast %mul3A_0 : i32 to vector<16xi32>
      %sub3A_282 = arith.subi %get3A_273, %sub3A_281 : vector<16xi32>
      %jit3A_283 = arith.constant 50048 : i32
      %broadcast_in_dim3A_284 = vector.broadcast %jit3A_283 : i32 to vector<16xi32>
      %select_n3A_285 = arith.select %and3A_280, %sub3A_282, %broadcast_in_dim3A_284 : vector<16xi1>, vector<16xi32>
      %swap3A_286 = arith.constant 0 : i32
      %swap3A_287 = arith.index_cast %swap3A_286 : i32 to index
      %swap3A_288 = arith.constant 112 : index
      %swap3A_289 = tpu.vector_load %arg8[%swap3A_287, %swap3A_288] {strides = array<i32>} : memref<2x128xi32, #tpu.memory_space<vmem>>, vector<1x16xi32>,
      %swap3A_290 = vector.shape_cast %swap3A_289 : vector<1x16xi32> to vector<16xi32>
      %swap3A_291 = vector.shape_cast %select_n3A_285 : vector<16xi32> to vector<1x16xi32>
      tpu.vector_store %arg8[%swap3A_287, %swap3A_288], %swap3A_291 {strides = array<i32>} : memref<2x128xi32, #tpu.memory_space<vmem>>, vector<1x16xi32>,
      %get3A_292 = arith.constant 1 : i32
      %get3A_293 = arith.index_cast %get3A_292 : i32 to index
      %get3A_294 = arith.constant 0 : index
      %get3A_295 = tpu.vector_load %arg6[%get3A_293, %get3A_294] {strides = array<i32>} : memref<2x128xi32, #tpu.memory_space<vmem>>, vector<1x16xi32>,
      %get3A_296 = vector.shape_cast %get3A_295 : vector<1x16xi32> to vector<16xi32>
      %ge3A_297 = vector.broadcast %mul3A_0 : i32 to vector<16xi32>
      %ge3A_298 = arith.cmpi sge, %get3A_296, %ge3A_297 : vector<16xi32>
      %add3A_299 = arith.constant 50048 : i32
      %add3A_300 = arith.addi %mul3A_0, %add3A_299 : i32
      %lt3A_301 = vector.broadcast %add3A_300 : i32 to vector<16xi32>
      %lt3A_302 = arith.cmpi slt, %get3A_296, %lt3A_301 : vector<16xi32>
      %and3A_303 = arith.andi %ge3A_298, %lt3A_302 : vector<16xi1>
      %sub3A_304 = vector.broadcast %mul3A_0 : i32 to vector<16xi32>
      %sub3A_305 = arith.subi %get3A_296, %sub3A_304 : vector<16xi32>
      %jit3A_306 = arith.constant 50048 : i32
      %broadcast_in_dim3A_307 = vector.broadcast %jit3A_306 : i32 to vector<16xi32>
      %select_n3A_308 = arith.select %and3A_303, %sub3A_305, %broadcast_in_dim3A_307 : vector<16xi1>, vector<16xi32>
      %swap3A_309 = arith.constant 1 : i32
      %swap3A_310 = arith.index_cast %swap3A_309 : i32 to index
      %swap3A_311 = arith.constant 0 : index
      %swap3A_312 = tpu.vector_load %arg8[%swap3A_310, %swap3A_311] {strides = array<i32>} : memref<2x128xi32, #tpu.memory_space<vmem>>, vector<1x16xi32>,
      %swap3A_313 = vector.shape_cast %swap3A_312 : vector<1x16xi32> to vector<16xi32>
      %swap3A_314 = vector.shape_cast %select_n3A_308 : vector<16xi32> to vector<1x16xi32>
      tpu.vector_store %arg8[%swap3A_310, %swap3A_311], %swap3A_314 {strides = array<i32>} : memref<2x128xi32, #tpu.memory_space<vmem>>, vector<1x16xi32>,
      %get3A_315 = arith.constant 1 : i32
      %get3A_316 = arith.index_cast %get3A_315 : i32 to index
      %get3A_317 = arith.constant 16 : index
      %get3A_318 = tpu.vector_load %arg6[%get3A_316, %get3A_317] {strides = array<i32>} : memref<2x128xi32, #tpu.memory_space<vmem>>, vector<1x16xi32>,
      %get3A_319 = vector.shape_cast %get3A_318 : vector<1x16xi32> to vector<16xi32>
      %ge3A_320 = vector.broadcast %mul3A_0 : i32 to vector<16xi32>
      %ge3A_321 = arith.cmpi sge, %get3A_319, %ge3A_320 : vector<16xi32>
      %add3A_322 = arith.constant 50048 : i32
      %add3A_323 = arith.addi %mul3A_0, %add3A_322 : i32
      %lt3A_324 = vector.broadcast %add3A_323 : i32 to vector<16xi32>
      %lt3A_325 = arith.cmpi slt, %get3A_319, %lt3A_324 : vector<16xi32>
      %and3A_326 = arith.andi %ge3A_321, %lt3A_325 : vector<16xi1>
      %sub3A_327 = vector.broadcast %mul3A_0 : i32 to vector<16xi32>
      %sub3A_328 = arith.subi %get3A_319, %sub3A_327 : vector<16xi32>
      %jit3A_329 = arith.constant 50048 : i32
      %broadcast_in_dim3A_330 = vector.broadcast %jit3A_329 : i32 to vector<16xi32>
      %select_n3A_331 = arith.select %and3A_326, %sub3A_328, %broadcast_in_dim3A_330 : vector<16xi1>, vector<16xi32>
      %swap3A_332 = arith.constant 1 : i32
      %swap3A_333 = arith.index_cast %swap3A_332 : i32 to index
      %swap3A_334 = arith.constant 16 : index
      %swap3A_335 = tpu.vector_load %arg8[%swap3A_333, %swap3A_334] {strides = array<i32>} : memref<2x128xi32, #tpu.memory_space<vmem>>, vector<1x16xi32>,
      %swap3A_336 = vector.shape_cast %swap3A_335 : vector<1x16xi32> to vector<16xi32>
      %swap3A_337 = vector.shape_cast %select_n3A_331 : vector<16xi32> to vector<1x16xi32>
      tpu.vector_store %arg8[%swap3A_333, %swap3A_334], %swap3A_337 {strides = array<i32>} : memref<2x128xi32, #tpu.memory_space<vmem>>, vector<1x16xi32>,
      %get3A_338 = arith.constant 1 : i32
      %get3A_339 = arith.index_cast %get3A_338 : i32 to index
      %get3A_340 = arith.constant 32 : index
      %get3A_341 = tpu.vector_load %arg6[%get3A_339, %get3A_340] {strides = array<i32>} : memref<2x128xi32, #tpu.memory_space<vmem>>, vector<1x16xi32>,
      %get3A_342 = vector.shape_cast %get3A_341 : vector<1x16xi32> to vector<16xi32>
      %ge3A_343 = vector.broadcast %mul3A_0 : i32 to vector<16xi32>
      %ge3A_344 = arith.cmpi sge, %get3A_342, %ge3A_343 : vector<16xi32>
      %add3A_345 = arith.constant 50048 : i32
      %add3A_346 = arith.addi %mul3A_0, %add3A_345 : i32
      %lt3A_347 = vector.broadcast %add3A_346 : i32 to vector<16xi32>
      %lt3A_348 = arith.cmpi slt, %get3A_342, %lt3A_347 : vector<16xi32>
      %and3A_349 = arith.andi %ge3A_344, %lt3A_348 : vector<16xi1>
      %sub3A_350 = vector.broadcast %mul3A_0 : i32 to vector<16xi32>
      %sub3A_351 = arith.subi %get3A_342, %sub3A_350 : vector<16xi32>
      %jit3A_352 = arith.constant 50048 : i32
      %broadcast_in_dim3A_353 = vector.broadcast %jit3A_352 : i32 to vector<16xi32>
      %select_n3A_354 = arith.select %and3A_349, %sub3A_351, %broadcast_in_dim3A_353 : vector<16xi1>, vector<16xi32>
      %swap3A_355 = arith.constant 1 : i32
      %swap3A_356 = arith.index_cast %swap3A_355 : i32 to index
      %swap3A_357 = arith.constant 32 : index
      %swap3A_358 = tpu.vector_load %arg8[%swap3A_356, %swap3A_357] {strides = array<i32>} : memref<2x128xi32, #tpu.memory_space<vmem>>, vector<1x16xi32>,
      %swap3A_359 = vector.shape_cast %swap3A_358 : vector<1x16xi32> to vector<16xi32>
      %swap3A_360 = vector.shape_cast %select_n3A_354 : vector<16xi32> to vector<1x16xi32>
      tpu.vector_store %arg8[%swap3A_356, %swap3A_357], %swap3A_360 {strides = array<i32>} : memref<2x128xi32, #tpu.memory_space<vmem>>, vector<1x16xi32>,
      %get3A_361 = arith.constant 1 : i32
      %get3A_362 = arith.index_cast %get3A_361 : i32 to index
      %get3A_363 = arith.constant 48 : index
      %get3A_364 = tpu.vector_load %arg6[%get3A_362, %get3A_363] {strides = array<i32>} : memref<2x128xi32, #tpu.memory_space<vmem>>, vector<1x16xi32>,
      %get3A_365 = vector.shape_cast %get3A_364 : vector<1x16xi32> to vector<16xi32>
      %ge3A_366 = vector.broadcast %mul3A_0 : i32 to vector<16xi32>
      %ge3A_367 = arith.cmpi sge, %get3A_365, %ge3A_366 : vector<16xi32>
      %add3A_368 = arith.constant 50048 : i32
      %add3A_369 = arith.addi %mul3A_0, %add3A_368 : i32
      %lt3A_370 = vector.broadcast %add3A_369 : i32 to vector<16xi32>
      %lt3A_371 = arith.cmpi slt, %get3A_365, %lt3A_370 : vector<16xi32>
      %and3A_372 = arith.andi %ge3A_367, %lt3A_371 : vector<16xi1>
      %sub3A_373 = vector.broadcast %mul3A_0 : i32 to vector<16xi32>
      %sub3A_374 = arith.subi %get3A_365, %sub3A_373 : vector<16xi32>
      %jit3A_375 = arith.constant 50048 : i32
      %broadcast_in_dim3A_376 = vector.broadcast %jit3A_375 : i32 to vector<16xi32>
      %select_n3A_377 = arith.select %and3A_372, %sub3A_374, %broadcast_in_dim3A_376 : vector<16xi1>, vector<16xi32>
      %swap3A_378 = arith.constant 1 : i32
      %swap3A_379 = arith.index_cast %swap3A_378 : i32 to index
      %swap3A_380 = arith.constant 48 : index
      %swap3A_381 = tpu.vector_load %arg8[%swap3A_379, %swap3A_380] {strides = array<i32>} : memref<2x128xi32, #tpu.memory_space<vmem>>, vector<1x16xi32>,
      %swap3A_382 = vector.shape_cast %swap3A_381 : vector<1x16xi32> to vector<16xi32>
      %swap3A_383 = vector.shape_cast %select_n3A_377 : vector<16xi32> to vector<1x16xi32>
      tpu.vector_store %arg8[%swap3A_379, %swap3A_380], %swap3A_383 {strides = array<i32>} : memref<2x128xi32, #tpu.memory_space<vmem>>, vector<1x16xi32>,
      %get3A_384 = arith.constant 1 : i32
      %get3A_385 = arith.index_cast %get3A_384 : i32 to index
      %get3A_386 = arith.constant 64 : index
      %get3A_387 = tpu.vector_load %arg6[%get3A_385, %get3A_386] {strides = array<i32>} : memref<2x128xi32, #tpu.memory_space<vmem>>, vector<1x16xi32>,
      %get3A_388 = vector.shape_cast %get3A_387 : vector<1x16xi32> to vector<16xi32>
      %ge3A_389 = vector.broadcast %mul3A_0 : i32 to vector<16xi32>
      %ge3A_390 = arith.cmpi sge, %get3A_388, %ge3A_389 : vector<16xi32>
      %add3A_391 = arith.constant 50048 : i32
      %add3A_392 = arith.addi %mul3A_0, %add3A_391 : i32
      %lt3A_393 = vector.broadcast %add3A_392 : i32 to vector<16xi32>
      %lt3A_394 = arith.cmpi slt, %get3A_388, %lt3A_393 : vector<16xi32>
      %and3A_395 = arith.andi %ge3A_390, %lt3A_394 : vector<16xi1>
      %sub3A_396 = vector.broadcast %mul3A_0 : i32 to vector<16xi32>
      %sub3A_397 = arith.subi %get3A_388, %sub3A_396 : vector<16xi32>
      %jit3A_398 = arith.constant 50048 : i32
      %broadcast_in_dim3A_399 = vector.broadcast %jit3A_398 : i32 to vector<16xi32>
      %select_n3A_400 = arith.select %and3A_395, %sub3A_397, %broadcast_in_dim3A_399 : vector<16xi1>, vector<16xi32>
      %swap3A_401 = arith.constant 1 : i32
      %swap3A_402 = arith.index_cast %swap3A_401 : i32 to index
      %swap3A_403 = arith.constant 64 : index
      %swap3A_404 = tpu.vector_load %arg8[%swap3A_402, %swap3A_403] {strides = array<i32>} : memref<2x128xi32, #tpu.memory_space<vmem>>, vector<1x16xi32>,
      %swap3A_405 = vector.shape_cast %swap3A_404 : vector<1x16xi32> to vector<16xi32>
      %swap3A_406 = vector.shape_cast %select_n3A_400 : vector<16xi32> to vector<1x16xi32>
      tpu.vector_store %arg8[%swap3A_402, %swap3A_403], %swap3A_406 {strides = array<i32>} : memref<2x128xi32, #tpu.memory_space<vmem>>, vector<1x16xi32>,
      %get3A_407 = arith.constant 1 : i32
      %get3A_408 = arith.index_cast %get3A_407 : i32 to index
      %get3A_409 = arith.constant 80 : index
      %get3A_410 = tpu.vector_load %arg6[%get3A_408, %get3A_409] {strides = array<i32>} : memref<2x128xi32, #tpu.memory_space<vmem>>, vector<1x16xi32>,
      %get3A_411 = vector.shape_cast %get3A_410 : vector<1x16xi32> to vector<16xi32>
      %ge3A_412 = vector.broadcast %mul3A_0 : i32 to vector<16xi32>
      %ge3A_413 = arith.cmpi sge, %get3A_411, %ge3A_412 : vector<16xi32>
      %add3A_414 = arith.constant 50048 : i32
      %add3A_415 = arith.addi %mul3A_0, %add3A_414 : i32
      %lt3A_416 = vector.broadcast %add3A_415 : i32 to vector<16xi32>
      %lt3A_417 = arith.cmpi slt, %get3A_411, %lt3A_416 : vector<16xi32>
      %and3A_418 = arith.andi %ge3A_413, %lt3A_417 : vector<16xi1>
      %sub3A_419 = vector.broadcast %mul3A_0 : i32 to vector<16xi32>
      %sub3A_420 = arith.subi %get3A_411, %sub3A_419 : vector<16xi32>
      %jit3A_421 = arith.constant 50048 : i32
      %broadcast_in_dim3A_422 = vector.broadcast %jit3A_421 : i32 to vector<16xi32>
      %select_n3A_423 = arith.select %and3A_418, %sub3A_420, %broadcast_in_dim3A_422 : vector<16xi1>, vector<16xi32>
      %swap3A_424 = arith.constant 1 : i32
      %swap3A_425 = arith.index_cast %swap3A_424 : i32 to index
      %swap3A_426 = arith.constant 80 : index
      %swap3A_427 = tpu.vector_load %arg8[%swap3A_425, %swap3A_426] {strides = array<i32>} : memref<2x128xi32, #tpu.memory_space<vmem>>, vector<1x16xi32>,
      %swap3A_428 = vector.shape_cast %swap3A_427 : vector<1x16xi32> to vector<16xi32>
      %swap3A_429 = vector.shape_cast %select_n3A_423 : vector<16xi32> to vector<1x16xi32>
      tpu.vector_store %arg8[%swap3A_425, %swap3A_426], %swap3A_429 {strides = array<i32>} : memref<2x128xi32, #tpu.memory_space<vmem>>, vector<1x16xi32>,
      %get3A_430 = arith.constant 1 : i32
      %get3A_431 = arith.index_cast %get3A_430 : i32 to index
      %get3A_432 = arith.constant 96 : index
      %get3A_433 = tpu.vector_load %arg6[%get3A_431, %get3A_432] {strides = array<i32>} : memref<2x128xi32, #tpu.memory_space<vmem>>, vector<1x16xi32>,
      %get3A_434 = vector.shape_cast %get3A_433 : vector<1x16xi32> to vector<16xi32>
      %ge3A_435 = vector.broadcast %mul3A_0 : i32 to vector<16xi32>
      %ge3A_436 = arith.cmpi sge, %get3A_434, %ge3A_435 : vector<16xi32>
      %add3A_437 = arith.constant 50048 : i32
      %add3A_438 = arith.addi %mul3A_0, %add3A_437 : i32
      %lt3A_439 = vector.broadcast %add3A_438 : i32 to vector<16xi32>
      %lt3A_440 = arith.cmpi slt, %get3A_434, %lt3A_439 : vector<16xi32>
      %and3A_441 = arith.andi %ge3A_436, %lt3A_440 : vector<16xi1>
      %sub3A_442 = vector.broadcast %mul3A_0 : i32 to vector<16xi32>
      %sub3A_443 = arith.subi %get3A_434, %sub3A_442 : vector<16xi32>
      %jit3A_444 = arith.constant 50048 : i32
      %broadcast_in_dim3A_445 = vector.broadcast %jit3A_444 : i32 to vector<16xi32>
      %select_n3A_446 = arith.select %and3A_441, %sub3A_443, %broadcast_in_dim3A_445 : vector<16xi1>, vector<16xi32>
      %swap3A_447 = arith.constant 1 : i32
      %swap3A_448 = arith.index_cast %swap3A_447 : i32 to index
      %swap3A_449 = arith.constant 96 : index
      %swap3A_450 = tpu.vector_load %arg8[%swap3A_448, %swap3A_449] {strides = array<i32>} : memref<2x128xi32, #tpu.memory_space<vmem>>, vector<1x16xi32>,
      %swap3A_451 = vector.shape_cast %swap3A_450 : vector<1x16xi32> to vector<16xi32>
      %swap3A_452 = vector.shape_cast %select_n3A_446 : vector<16xi32> to vector<1x16xi32>
      tpu.vector_store %arg8[%swap3A_448, %swap3A_449], %swap3A_452 {strides = array<i32>} : memref<2x128xi32, #tpu.memory_space<vmem>>, vector<1x16xi32>,
      %get3A_453 = arith.constant 1 : i32
      %get3A_454 = arith.index_cast %get3A_453 : i32 to index
      %get3A_455 = arith.constant 112 : index
      %get3A_456 = tpu.vector_load %arg6[%get3A_454, %get3A_455] {strides = array<i32>} : memref<2x128xi32, #tpu.memory_space<vmem>>, vector<1x16xi32>,
      %get3A_457 = vector.shape_cast %get3A_456 : vector<1x16xi32> to vector<16xi32>
      %ge3A_458 = vector.broadcast %mul3A_0 : i32 to vector<16xi32>
      %ge3A_459 = arith.cmpi sge, %get3A_457, %ge3A_458 : vector<16xi32>
      %add3A_460 = arith.constant 50048 : i32
      %add3A_461 = arith.addi %mul3A_0, %add3A_460 : i32
      %lt3A_462 = vector.broadcast %add3A_461 : i32 to vector<16xi32>
      %lt3A_463 = arith.cmpi slt, %get3A_457, %lt3A_462 : vector<16xi32>
      %and3A_464 = arith.andi %ge3A_459, %lt3A_463 : vector<16xi1>
      %sub3A_465 = vector.broadcast %mul3A_0 : i32 to vector<16xi32>
      %sub3A_466 = arith.subi %get3A_457, %sub3A_465 : vector<16xi32>
      %jit3A_467 = arith.constant 50048 : i32
      %broadcast_in_dim3A_468 = vector.broadcast %jit3A_467 : i32 to vector<16xi32>
      %select_n3A_469 = arith.select %and3A_464, %sub3A_466, %broadcast_in_dim3A_468 : vector<16xi1>, vector<16xi32>
      %swap3A_470 = arith.constant 1 : i32
      %swap3A_471 = arith.index_cast %swap3A_470 : i32 to index
      %swap3A_472 = arith.constant 112 : index
      %swap3A_473 = tpu.vector_load %arg8[%swap3A_471, %swap3A_472] {strides = array<i32>} : memref<2x128xi32, #tpu.memory_space<vmem>>, vector<1x16xi32>,
      %swap3A_474 = vector.shape_cast %swap3A_473 : vector<1x16xi32> to vector<16xi32>
      %swap3A_475 = vector.shape_cast %select_n3A_469 : vector<16xi32> to vector<1x16xi32>
      tpu.vector_store %arg8[%swap3A_471, %swap3A_472], %swap3A_475 {strides = array<i32>} : memref<2x128xi32, #tpu.memory_space<vmem>>, vector<1x16xi32>,
      %dma_start3A_476 = arith.constant 0 : i32
      %dma_start3A_477 = arith.constant 0 : i32
      %dma_start3A_478 = arith.constant 0 : i32
      %dma_start3A_479 = tpu.memref_slice %arg10[%dma_start3A_477, %dma_start3A_478] : memref<256x32xf32, #tpu.memory_space<vmem>> -> memref<128x32xf32, #tpu.memory_space<vmem>>
      %dma_start3A_480 = arith.constant 0 : i32
      %dma_start3A_481 = tpu.memref_slice %arg8[%dma_start3A_476, %dma_start3A_480] : memref<2x128xi32, #tpu.memory_space<vmem>> -> memref<1x128xi32, #tpu.memory_space<vmem>>
      %dma_start3A_482 = tpu.memref_squeeze %dma_start3A_481 : memref<1x128xi32, #tpu.memory_space<vmem>> -> memref<128xi32, #tpu.memory_space<vmem>>
      %dma_start3A_483 = arith.constant 0 : i32
      %dma_start3A_484 = arith.constant 0 : i32
      %dma_start3A_485 = tpu.memref_slice %arg12[%dma_start3A_483, %dma_start3A_484] : memref<50056x32xf32, #tpu.memory_space<vmem_shared>> -> memref<50056x32xf32, #tpu.memory_space<vmem_shared>>
      tpu.enqueue_indirect_dma source(%dma_start3A_479 : memref<128x32xf32, #tpu.memory_space<vmem>>) target(%dma_start3A_485 : memref<50056x32xf32, #tpu.memory_space<vmem_shared>>) offsets(%dma_start3A_482 : memref<128xi32, #tpu.memory_space<vmem>>) semaphore(%arg15 : memref<!tpu.dma_semaphore, #tpu.memory_space<semaphore_mem>>) {add = true}
      %dma_start3A_486 = arith.constant 1 : i32
      %dma_start3A_487 = arith.constant 128 : i32
      %dma_start3A_488 = arith.constant 0 : i32
      %dma_start3A_489 = tpu.memref_slice %arg10[%dma_start3A_487, %dma_start3A_488] : memref<256x32xf32, #tpu.memory_space<vmem>> -> memref<128x32xf32, #tpu.memory_space<vmem>>
      %dma_start3A_490 = arith.constant 0 : i32
      %dma_start3A_491 = tpu.memref_slice %arg8[%dma_start3A_486, %dma_start3A_490] : memref<2x128xi32, #tpu.memory_space<vmem>> -> memref<1x128xi32, #tpu.memory_space<vmem>>
      %dma_start3A_492 = tpu.memref_squeeze %dma_start3A_491 : memref<1x128xi32, #tpu.memory_space<vmem>> -> memref<128xi32, #tpu.memory_space<vmem>>
      %dma_start3A_493 = arith.constant 0 : i32
      %dma_start3A_494 = arith.constant 0 : i32
      %dma_start3A_495 = tpu.memref_slice %arg12[%dma_start3A_493, %dma_start3A_494] : memref<50056x32xf32, #tpu.memory_space<vmem_shared>> -> memref<50056x32xf32, #tpu.memory_space<vmem_shared>>
      tpu.enqueue_indirect_dma source(%dma_start3A_489 : memref<128x32xf32, #tpu.memory_space<vmem>>) target(%dma_start3A_495 : memref<50056x32xf32, #tpu.memory_space<vmem_shared>>) offsets(%dma_start3A_492 : memref<128xi32, #tpu.memory_space<vmem>>) semaphore(%arg15 : memref<!tpu.dma_semaphore, #tpu.memory_space<semaphore_mem>>) {add = true}
      %dma_wait3A_496 = arith.constant 0 : i32
      %dma_wait3A_497 = arith.constant 0 : i32
      %dma_wait3A_498 = arith.constant 0 : i32
      %dma_wait3A_499 = tpu.memref_slice %arg10[%dma_wait3A_497, %dma_wait3A_498] : memref<256x32xf32, #tpu.memory_space<vmem>> -> memref<128x32xf32, #tpu.memory_space<vmem>>
      %dma_wait3A_500 = arith.constant 0 : i32
      %dma_wait3A_501 = tpu.memref_slice %arg8[%dma_wait3A_496, %dma_wait3A_500] : memref<2x128xi32, #tpu.memory_space<vmem>> -> memref<1x128xi32, #tpu.memory_space<vmem>>
      %dma_wait3A_502 = tpu.memref_squeeze %dma_wait3A_501 : memref<1x128xi32, #tpu.memory_space<vmem>> -> memref<128xi32, #tpu.memory_space<vmem>>
      %dma_wait3A_503 = arith.constant 0 : i32
      %dma_wait3A_504 = arith.constant 0 : i32
      %dma_wait3A_505 = tpu.memref_slice %arg12[%dma_wait3A_503, %dma_wait3A_504] : memref<50056x32xf32, #tpu.memory_space<vmem_shared>> -> memref<50056x32xf32, #tpu.memory_space<vmem_shared>>
      tpu.wait_indirect_dma semaphore(%arg15 : memref<!tpu.dma_semaphore, #tpu.memory_space<semaphore_mem>>) src(%dma_wait3A_499 : memref<128x32xf32, #tpu.memory_space<vmem>>) dst(%dma_wait3A_505 : memref<50056x32xf32, #tpu.memory_space<vmem_shared>>)
      %dma_wait3A_506 = arith.constant 1 : i32
      %dma_wait3A_507 = arith.constant 128 : i32
      %dma_wait3A_508 = arith.constant 0 : i32
      %dma_wait3A_509 = tpu.memref_slice %arg10[%dma_wait3A_507, %dma_wait3A_508] : memref<256x32xf32, #tpu.memory_space<vmem>> -> memref<128x32xf32, #tpu.memory_space<vmem>>
      %dma_wait3A_510 = arith.constant 0 : i32
      %dma_wait3A_511 = tpu.memref_slice %arg8[%dma_wait3A_506, %dma_wait3A_510] : memref<2x128xi32, #tpu.memory_space<vmem>> -> memref<1x128xi32, #tpu.memory_space<vmem>>
      %dma_wait3A_512 = tpu.memref_squeeze %dma_wait3A_511 : memref<1x128xi32, #tpu.memory_space<vmem>> -> memref<128xi32, #tpu.memory_space<vmem>>
      %dma_wait3A_513 = arith.constant 0 : i32
      %dma_wait3A_514 = arith.constant 0 : i32
      %dma_wait3A_515 = tpu.memref_slice %arg12[%dma_wait3A_513, %dma_wait3A_514] : memref<50056x32xf32, #tpu.memory_space<vmem_shared>> -> memref<50056x32xf32, #tpu.memory_space<vmem_shared>>
      tpu.wait_indirect_dma semaphore(%arg15 : memref<!tpu.dma_semaphore, #tpu.memory_space<semaphore_mem>>) src(%dma_wait3A_509 : memref<128x32xf32, #tpu.memory_space<vmem>>) dst(%dma_wait3A_515 : memref<50056x32xf32, #tpu.memory_space<vmem_shared>>)
      %add3A_516 = arith.constant 2 : i32
      %add3A_517 = arith.addi %mul3A_41, %add3A_516 : i32
      %lt3A_518 = arith.constant 392 : i32
      %lt3A_519 = arith.cmpi slt, %add3A_517, %lt3A_518 : i32
      %convert_element_type3A = arith.extui %lt3A_519 : i1 to i32
      %cond3A = arith.constant 0 : i32
      %cond3A_520 = arith.cmpi ne, %convert_element_type3A, %cond3A : i32
      scf.if %cond3A_520 {
        %add3A_966 = arith.constant 2 : i32
        %add3A_967 = arith.addi %mul3A_41, %add3A_966 : i32
        %mul3A_968 = arith.constant 256 : i32
        %mul3A_969 = arith.muli %add3A_967, %mul3A_968 : i32
        %add3A_970 = arith.addi %mul3A_6, %mul3A_969 : i32
        %jit3A_971 = arith.constant 128 : i32
        %div3A_972 = arith.divsi %add3A_970, %jit3A_971 : i32
        %sign3A_973 = arith.constant 0 : i32
        %sign3A_974 = arith.cmpi sgt, %add3A_970, %sign3A_973 : i32
        %sign3A_975 = arith.extui %sign3A_974 : i1 to i32
        %sign3A_976 = arith.constant 0 : i32
        %sign3A_977 = arith.cmpi slt, %add3A_970, %sign3A_976 : i32
        %sign3A_978 = arith.extui %sign3A_977 : i1 to i32
        %sign3A_979 = arith.subi %sign3A_975, %sign3A_978 : i32
        %sign3A_980 = arith.constant 0 : i32
        %sign3A_981 = arith.cmpi sgt, %jit3A_971, %sign3A_980 : i32
        %sign3A_982 = arith.extui %sign3A_981 : i1 to i32
        %sign3A_983 = arith.constant 0 : i32
        %sign3A_984 = arith.cmpi slt, %jit3A_971, %sign3A_983 : i32
        %sign3A_985 = arith.extui %sign3A_984 : i1 to i32
        %sign3A_986 = arith.subi %sign3A_982, %sign3A_985 : i32
        %ne3A_987 = arith.cmpi ne, %sign3A_979, %sign3A_986 : i32
        %rem3A_988 = arith.remsi %add3A_970, %jit3A_971 : i32
        %ne3A_989 = arith.constant 0 : i32
        %ne3A_990 = arith.cmpi ne, %rem3A_988, %ne3A_989 : i32
        %and3A_991 = arith.andi %ne3A_987, %ne3A_990 : i1
        %sub3A_992 = arith.constant 1 : i32
        %sub3A_993 = arith.subi %div3A_972, %sub3A_992 : i32
        %select_n3A_994 = arith.select %and3A_991, %sub3A_993, %div3A_972 : i32
        %dma_start3A_995 = arith.constant 0 : i32
        %dma_start3A_996 = tpu.memref_slice %arg3[%select_n3A_994, %dma_start3A_995] : memref<12544x128xi32, #tpu.memory_space<hbm>> -> memref<2x128xi32, #tpu.memory_space<hbm>>
        %dma_start3A_997 = arith.constant 0 : i32
        %dma_start3A_998 = tpu.memref_slice %arg3[%select_n3A_994, %dma_start3A_997] : memref<12544x128xi32, #tpu.memory_space<hbm>> -> memref<2x128xi32, #tpu.memory_space<hbm>>
        tpu.enqueue_dma source(%dma_start3A_998 : memref<2x128xi32, #tpu.memory_space<hbm>>) target(%arg6 : memref<2x128xi32, #tpu.memory_space<vmem>>) target_semaphore(%arg13 : memref<!tpu.dma_semaphore, #tpu.memory_space<semaphore_mem>>)
        %dma_start3A_999 = arith.constant 0 : i32
        %dma_start3A_1000 = tpu.memref_slice %arg2[%add3A_970, %dma_start3A_999] : memref<1605632x32xf32, #tpu.memory_space<hbm>> -> memref<256x32xf32, #tpu.memory_space<hbm>>
        %dma_start3A_1001 = arith.constant 0 : i32
        %dma_start3A_1002 = tpu.memref_slice %arg2[%add3A_970, %dma_start3A_1001] : memref<1605632x32xf32, #tpu.memory_space<hbm>> -> memref<256x32xf32, #tpu.memory_space<hbm>>
        tpu.enqueue_dma source(%dma_start3A_1002 : memref<256x32xf32, #tpu.memory_space<hbm>>) target(%arg10 : memref<256x32xf32, #tpu.memory_space<vmem>>) target_semaphore(%arg13 : memref<!tpu.dma_semaphore, #tpu.memory_space<semaphore_mem>>)
      } else {
      }
      %add3A_521 = arith.constant 1 : i32
      %add3A_522 = arith.addi %mul3A_41, %add3A_521 : i32
      %mul3A_523 = arith.constant 256 : i32
      %mul3A_524 = arith.muli %add3A_522, %mul3A_523 : i32
      %add3A_525 = arith.addi %mul3A_6, %mul3A_524 : i32
      %jit3A_526 = arith.constant 128 : i32
      %div3A_527 = arith.divsi %add3A_525, %jit3A_526 : i32
      %sign3A_528 = arith.constant 0 : i32
      %sign3A_529 = arith.cmpi sgt, %add3A_525, %sign3A_528 : i32
      %sign3A_530 = arith.extui %sign3A_529 : i1 to i32
      %sign3A_531 = arith.constant 0 : i32
      %sign3A_532 = arith.cmpi slt, %add3A_525, %sign3A_531 : i32
      %sign3A_533 = arith.extui %sign3A_532 : i1 to i32
      %sign3A_534 = arith.subi %sign3A_530, %sign3A_533 : i32
      %sign3A_535 = arith.constant 0 : i32
      %sign3A_536 = arith.cmpi sgt, %jit3A_526, %sign3A_535 : i32
      %sign3A_537 = arith.extui %sign3A_536 : i1 to i32
      %sign3A_538 = arith.constant 0 : i32
      %sign3A_539 = arith.cmpi slt, %jit3A_526, %sign3A_538 : i32
      %sign3A_540 = arith.extui %sign3A_539 : i1 to i32
      %sign3A_541 = arith.subi %sign3A_537, %sign3A_540 : i32
      %ne3A_542 = arith.cmpi ne, %sign3A_534, %sign3A_541 : i32
      %rem3A_543 = arith.remsi %add3A_525, %jit3A_526 : i32
      %ne3A_544 = arith.constant 0 : i32
      %ne3A_545 = arith.cmpi ne, %rem3A_543, %ne3A_544 : i32
      %and3A_546 = arith.andi %ne3A_542, %ne3A_545 : i1
      %sub3A_547 = arith.constant 1 : i32
      %sub3A_548 = arith.subi %div3A_527, %sub3A_547 : i32
      %select_n3A_549 = arith.select %and3A_546, %sub3A_548, %div3A_527 : i32
      %dma_wait3A_550 = arith.constant 0 : i32
      %dma_wait3A_551 = tpu.memref_slice %arg3[%select_n3A_549, %dma_wait3A_550] : memref<12544x128xi32, #tpu.memory_space<hbm>> -> memref<2x128xi32, #tpu.memory_space<hbm>>
      %dma_wait3A_552 = arith.constant 0 : i32
      %dma_wait3A_553 = tpu.memref_slice %arg3[%select_n3A_549, %dma_wait3A_552] : memref<12544x128xi32, #tpu.memory_space<hbm>> -> memref<2x128xi32, #tpu.memory_space<hbm>>
      tpu.wait_dma2 semaphore(%arg14 : memref<!tpu.dma_semaphore, #tpu.memory_space<semaphore_mem>>) src(%dma_wait3A_553 : memref<2x128xi32, #tpu.memory_space<hbm>>) dst(%arg7 : memref<2x128xi32, #tpu.memory_space<vmem>>)
      %dma_wait3A_554 = arith.constant 0 : i32
      %dma_wait3A_555 = tpu.memref_slice %arg2[%add3A_525, %dma_wait3A_554] : memref<1605632x32xf32, #tpu.memory_space<hbm>> -> memref<256x32xf32, #tpu.memory_space<hbm>>
      %dma_wait3A_556 = arith.constant 0 : i32
      %dma_wait3A_557 = tpu.memref_slice %arg2[%add3A_525, %dma_wait3A_556] : memref<1605632x32xf32, #tpu.memory_space<hbm>> -> memref<256x32xf32, #tpu.memory_space<hbm>>
      tpu.wait_dma2 semaphore(%arg14 : memref<!tpu.dma_semaphore, #tpu.memory_space<semaphore_mem>>) src(%dma_wait3A_557 : memref<256x32xf32, #tpu.memory_space<hbm>>) dst(%arg11 : memref<256x32xf32, #tpu.memory_space<vmem>>)
      %get3A_558 = arith.constant 0 : i32
      %get3A_559 = arith.index_cast %get3A_558 : i32 to index
      %get3A_560 = arith.constant 0 : index
      %get3A_561 = tpu.vector_load %arg7[%get3A_559, %get3A_560] {strides = array<i32>} : memref<2x128xi32, #tpu.memory_space<vmem>>, vector<1x16xi32>,
      %get3A_562 = vector.shape_cast %get3A_561 : vector<1x16xi32> to vector<16xi32>
      %ge3A_563 = vector.broadcast %mul3A_0 : i32 to vector<16xi32>
      %ge3A_564 = arith.cmpi sge, %get3A_562, %ge3A_563 : vector<16xi32>
      %add3A_565 = arith.constant 50048 : i32
      %add3A_566 = arith.addi %mul3A_0, %add3A_565 : i32
      %lt3A_567 = vector.broadcast %add3A_566 : i32 to vector<16xi32>
      %lt3A_568 = arith.cmpi slt, %get3A_562, %lt3A_567 : vector<16xi32>
      %and3A_569 = arith.andi %ge3A_564, %lt3A_568 : vector<16xi1>
      %sub3A_570 = vector.broadcast %mul3A_0 : i32 to vector<16xi32>
      %sub3A_571 = arith.subi %get3A_562, %sub3A_570 : vector<16xi32>
      %jit3A_572 = arith.constant 50048 : i32
      %broadcast_in_dim3A_573 = vector.broadcast %jit3A_572 : i32 to vector<16xi32>
      %select_n3A_574 = arith.select %and3A_569, %sub3A_571, %broadcast_in_dim3A_573 : vector<16xi1>, vector<16xi32>
      %swap3A_575 = arith.constant 0 : i32
      %swap3A_576 = arith.index_cast %swap3A_575 : i32 to index
      %swap3A_577 = arith.constant 0 : index
      %swap3A_578 = tpu.vector_load %arg9[%swap3A_576, %swap3A_577] {strides = array<i32>} : memref<2x128xi32, #tpu.memory_space<vmem>>, vector<1x16xi32>,
      %swap3A_579 = vector.shape_cast %swap3A_578 : vector<1x16xi32> to vector<16xi32>
      %swap3A_580 = vector.shape_cast %select_n3A_574 : vector<16xi32> to vector<1x16xi32>
      tpu.vector_store %arg9[%swap3A_576, %swap3A_577], %swap3A_580 {strides = array<i32>} : memref<2x128xi32, #tpu.memory_space<vmem>>, vector<1x16xi32>,
      %get3A_581 = arith.constant 0 : i32
      %get3A_582 = arith.index_cast %get3A_581 : i32 to index
      %get3A_583 = arith.constant 16 : index
      %get3A_584 = tpu.vector_load %arg7[%get3A_582, %get3A_583] {strides = array<i32>} : memref<2x128xi32, #tpu.memory_space<vmem>>, vector<1x16xi32>,
      %get3A_585 = vector.shape_cast %get3A_584 : vector<1x16xi32> to vector<16xi32>
      %ge3A_586 = vector.broadcast %mul3A_0 : i32 to vector<16xi32>
      %ge3A_587 = arith.cmpi sge, %get3A_585, %ge3A_586 : vector<16xi32>
      %add3A_588 = arith.constant 50048 : i32
      %add3A_589 = arith.addi %mul3A_0, %add3A_588 : i32
      %lt3A_590 = vector.broadcast %add3A_589 : i32 to vector<16xi32>
      %lt3A_591 = arith.cmpi slt, %get3A_585, %lt3A_590 : vector<16xi32>
      %and3A_592 = arith.andi %ge3A_587, %lt3A_591 : vector<16xi1>
      %sub3A_593 = vector.broadcast %mul3A_0 : i32 to vector<16xi32>
      %sub3A_594 = arith.subi %get3A_585, %sub3A_593 : vector<16xi32>
      %jit3A_595 = arith.constant 50048 : i32
      %broadcast_in_dim3A_596 = vector.broadcast %jit3A_595 : i32 to vector<16xi32>
      %select_n3A_597 = arith.select %and3A_592, %sub3A_594, %broadcast_in_dim3A_596 : vector<16xi1>, vector<16xi32>
      %swap3A_598 = arith.constant 0 : i32
      %swap3A_599 = arith.index_cast %swap3A_598 : i32 to index
      %swap3A_600 = arith.constant 16 : index
      %swap3A_601 = tpu.vector_load %arg9[%swap3A_599, %swap3A_600] {strides = array<i32>} : memref<2x128xi32, #tpu.memory_space<vmem>>, vector<1x16xi32>,
      %swap3A_602 = vector.shape_cast %swap3A_601 : vector<1x16xi32> to vector<16xi32>
      %swap3A_603 = vector.shape_cast %select_n3A_597 : vector<16xi32> to vector<1x16xi32>
      tpu.vector_store %arg9[%swap3A_599, %swap3A_600], %swap3A_603 {strides = array<i32>} : memref<2x128xi32, #tpu.memory_space<vmem>>, vector<1x16xi32>,
      %get3A_604 = arith.constant 0 : i32
      %get3A_605 = arith.index_cast %get3A_604 : i32 to index
      %get3A_606 = arith.constant 32 : index
      %get3A_607 = tpu.vector_load %arg7[%get3A_605, %get3A_606] {strides = array<i32>} : memref<2x128xi32, #tpu.memory_space<vmem>>, vector<1x16xi32>,
      %get3A_608 = vector.shape_cast %get3A_607 : vector<1x16xi32> to vector<16xi32>
      %ge3A_609 = vector.broadcast %mul3A_0 : i32 to vector<16xi32>
      %ge3A_610 = arith.cmpi sge, %get3A_608, %ge3A_609 : vector<16xi32>
      %add3A_611 = arith.constant 50048 : i32
      %add3A_612 = arith.addi %mul3A_0, %add3A_611 : i32
      %lt3A_613 = vector.broadcast %add3A_612 : i32 to vector<16xi32>
      %lt3A_614 = arith.cmpi slt, %get3A_608, %lt3A_613 : vector<16xi32>
      %and3A_615 = arith.andi %ge3A_610, %lt3A_614 : vector<16xi1>
      %sub3A_616 = vector.broadcast %mul3A_0 : i32 to vector<16xi32>
      %sub3A_617 = arith.subi %get3A_608, %sub3A_616 : vector<16xi32>
      %jit3A_618 = arith.constant 50048 : i32
      %broadcast_in_dim3A_619 = vector.broadcast %jit3A_618 : i32 to vector<16xi32>
      %select_n3A_620 = arith.select %and3A_615, %sub3A_617, %broadcast_in_dim3A_619 : vector<16xi1>, vector<16xi32>
      %swap3A_621 = arith.constant 0 : i32
      %swap3A_622 = arith.index_cast %swap3A_621 : i32 to index
      %swap3A_623 = arith.constant 32 : index
      %swap3A_624 = tpu.vector_load %arg9[%swap3A_622, %swap3A_623] {strides = array<i32>} : memref<2x128xi32, #tpu.memory_space<vmem>>, vector<1x16xi32>,
      %swap3A_625 = vector.shape_cast %swap3A_624 : vector<1x16xi32> to vector<16xi32>
      %swap3A_626 = vector.shape_cast %select_n3A_620 : vector<16xi32> to vector<1x16xi32>
      tpu.vector_store %arg9[%swap3A_622, %swap3A_623], %swap3A_626 {strides = array<i32>} : memref<2x128xi32, #tpu.memory_space<vmem>>, vector<1x16xi32>,
      %get3A_627 = arith.constant 0 : i32
      %get3A_628 = arith.index_cast %get3A_627 : i32 to index
      %get3A_629 = arith.constant 48 : index
      %get3A_630 = tpu.vector_load %arg7[%get3A_628, %get3A_629] {strides = array<i32>} : memref<2x128xi32, #tpu.memory_space<vmem>>, vector<1x16xi32>,
      %get3A_631 = vector.shape_cast %get3A_630 : vector<1x16xi32> to vector<16xi32>
      %ge3A_632 = vector.broadcast %mul3A_0 : i32 to vector<16xi32>
      %ge3A_633 = arith.cmpi sge, %get3A_631, %ge3A_632 : vector<16xi32>
      %add3A_634 = arith.constant 50048 : i32
      %add3A_635 = arith.addi %mul3A_0, %add3A_634 : i32
      %lt3A_636 = vector.broadcast %add3A_635 : i32 to vector<16xi32>
      %lt3A_637 = arith.cmpi slt, %get3A_631, %lt3A_636 : vector<16xi32>
      %and3A_638 = arith.andi %ge3A_633, %lt3A_637 : vector<16xi1>
      %sub3A_639 = vector.broadcast %mul3A_0 : i32 to vector<16xi32>
      %sub3A_640 = arith.subi %get3A_631, %sub3A_639 : vector<16xi32>
      %jit3A_641 = arith.constant 50048 : i32
      %broadcast_in_dim3A_642 = vector.broadcast %jit3A_641 : i32 to vector<16xi32>
      %select_n3A_643 = arith.select %and3A_638, %sub3A_640, %broadcast_in_dim3A_642 : vector<16xi1>, vector<16xi32>
      %swap3A_644 = arith.constant 0 : i32
      %swap3A_645 = arith.index_cast %swap3A_644 : i32 to index
      %swap3A_646 = arith.constant 48 : index
      %swap3A_647 = tpu.vector_load %arg9[%swap3A_645, %swap3A_646] {strides = array<i32>} : memref<2x128xi32, #tpu.memory_space<vmem>>, vector<1x16xi32>,
      %swap3A_648 = vector.shape_cast %swap3A_647 : vector<1x16xi32> to vector<16xi32>
      %swap3A_649 = vector.shape_cast %select_n3A_643 : vector<16xi32> to vector<1x16xi32>
      tpu.vector_store %arg9[%swap3A_645, %swap3A_646], %swap3A_649 {strides = array<i32>} : memref<2x128xi32, #tpu.memory_space<vmem>>, vector<1x16xi32>,
      %get3A_650 = arith.constant 0 : i32
      %get3A_651 = arith.index_cast %get3A_650 : i32 to index
      %get3A_652 = arith.constant 64 : index
      %get3A_653 = tpu.vector_load %arg7[%get3A_651, %get3A_652] {strides = array<i32>} : memref<2x128xi32, #tpu.memory_space<vmem>>, vector<1x16xi32>,
      %get3A_654 = vector.shape_cast %get3A_653 : vector<1x16xi32> to vector<16xi32>
      %ge3A_655 = vector.broadcast %mul3A_0 : i32 to vector<16xi32>
      %ge3A_656 = arith.cmpi sge, %get3A_654, %ge3A_655 : vector<16xi32>
      %add3A_657 = arith.constant 50048 : i32
      %add3A_658 = arith.addi %mul3A_0, %add3A_657 : i32
      %lt3A_659 = vector.broadcast %add3A_658 : i32 to vector<16xi32>
      %lt3A_660 = arith.cmpi slt, %get3A_654, %lt3A_659 : vector<16xi32>
      %and3A_661 = arith.andi %ge3A_656, %lt3A_660 : vector<16xi1>
      %sub3A_662 = vector.broadcast %mul3A_0 : i32 to vector<16xi32>
      %sub3A_663 = arith.subi %get3A_654, %sub3A_662 : vector<16xi32>
      %jit3A_664 = arith.constant 50048 : i32
      %broadcast_in_dim3A_665 = vector.broadcast %jit3A_664 : i32 to vector<16xi32>
      %select_n3A_666 = arith.select %and3A_661, %sub3A_663, %broadcast_in_dim3A_665 : vector<16xi1>, vector<16xi32>
      %swap3A_667 = arith.constant 0 : i32
      %swap3A_668 = arith.index_cast %swap3A_667 : i32 to index
      %swap3A_669 = arith.constant 64 : index
      %swap3A_670 = tpu.vector_load %arg9[%swap3A_668, %swap3A_669] {strides = array<i32>} : memref<2x128xi32, #tpu.memory_space<vmem>>, vector<1x16xi32>,
      %swap3A_671 = vector.shape_cast %swap3A_670 : vector<1x16xi32> to vector<16xi32>
      %swap3A_672 = vector.shape_cast %select_n3A_666 : vector<16xi32> to vector<1x16xi32>
      tpu.vector_store %arg9[%swap3A_668, %swap3A_669], %swap3A_672 {strides = array<i32>} : memref<2x128xi32, #tpu.memory_space<vmem>>, vector<1x16xi32>,
      %get3A_673 = arith.constant 0 : i32
      %get3A_674 = arith.index_cast %get3A_673 : i32 to index
      %get3A_675 = arith.constant 80 : index
      %get3A_676 = tpu.vector_load %arg7[%get3A_674, %get3A_675] {strides = array<i32>} : memref<2x128xi32, #tpu.memory_space<vmem>>, vector<1x16xi32>,
      %get3A_677 = vector.shape_cast %get3A_676 : vector<1x16xi32> to vector<16xi32>
      %ge3A_678 = vector.broadcast %mul3A_0 : i32 to vector<16xi32>
      %ge3A_679 = arith.cmpi sge, %get3A_677, %ge3A_678 : vector<16xi32>
      %add3A_680 = arith.constant 50048 : i32
      %add3A_681 = arith.addi %mul3A_0, %add3A_680 : i32
      %lt3A_682 = vector.broadcast %add3A_681 : i32 to vector<16xi32>
      %lt3A_683 = arith.cmpi slt, %get3A_677, %lt3A_682 : vector<16xi32>
      %and3A_684 = arith.andi %ge3A_679, %lt3A_683 : vector<16xi1>
      %sub3A_685 = vector.broadcast %mul3A_0 : i32 to vector<16xi32>
      %sub3A_686 = arith.subi %get3A_677, %sub3A_685 : vector<16xi32>
      %jit3A_687 = arith.constant 50048 : i32
      %broadcast_in_dim3A_688 = vector.broadcast %jit3A_687 : i32 to vector<16xi32>
      %select_n3A_689 = arith.select %and3A_684, %sub3A_686, %broadcast_in_dim3A_688 : vector<16xi1>, vector<16xi32>
      %swap3A_690 = arith.constant 0 : i32
      %swap3A_691 = arith.index_cast %swap3A_690 : i32 to index
      %swap3A_692 = arith.constant 80 : index
      %swap3A_693 = tpu.vector_load %arg9[%swap3A_691, %swap3A_692] {strides = array<i32>} : memref<2x128xi32, #tpu.memory_space<vmem>>, vector<1x16xi32>,
      %swap3A_694 = vector.shape_cast %swap3A_693 : vector<1x16xi32> to vector<16xi32>
      %swap3A_695 = vector.shape_cast %select_n3A_689 : vector<16xi32> to vector<1x16xi32>
      tpu.vector_store %arg9[%swap3A_691, %swap3A_692], %swap3A_695 {strides = array<i32>} : memref<2x128xi32, #tpu.memory_space<vmem>>, vector<1x16xi32>,
      %get3A_696 = arith.constant 0 : i32
      %get3A_697 = arith.index_cast %get3A_696 : i32 to index
      %get3A_698 = arith.constant 96 : index
      %get3A_699 = tpu.vector_load %arg7[%get3A_697, %get3A_698] {strides = array<i32>} : memref<2x128xi32, #tpu.memory_space<vmem>>, vector<1x16xi32>,
      %get3A_700 = vector.shape_cast %get3A_699 : vector<1x16xi32> to vector<16xi32>
      %ge3A_701 = vector.broadcast %mul3A_0 : i32 to vector<16xi32>
      %ge3A_702 = arith.cmpi sge, %get3A_700, %ge3A_701 : vector<16xi32>
      %add3A_703 = arith.constant 50048 : i32
      %add3A_704 = arith.addi %mul3A_0, %add3A_703 : i32
      %lt3A_705 = vector.broadcast %add3A_704 : i32 to vector<16xi32>
      %lt3A_706 = arith.cmpi slt, %get3A_700, %lt3A_705 : vector<16xi32>
      %and3A_707 = arith.andi %ge3A_702, %lt3A_706 : vector<16xi1>
      %sub3A_708 = vector.broadcast %mul3A_0 : i32 to vector<16xi32>
      %sub3A_709 = arith.subi %get3A_700, %sub3A_708 : vector<16xi32>
      %jit3A_710 = arith.constant 50048 : i32
      %broadcast_in_dim3A_711 = vector.broadcast %jit3A_710 : i32 to vector<16xi32>
      %select_n3A_712 = arith.select %and3A_707, %sub3A_709, %broadcast_in_dim3A_711 : vector<16xi1>, vector<16xi32>
      %swap3A_713 = arith.constant 0 : i32
      %swap3A_714 = arith.index_cast %swap3A_713 : i32 to index
      %swap3A_715 = arith.constant 96 : index
      %swap3A_716 = tpu.vector_load %arg9[%swap3A_714, %swap3A_715] {strides = array<i32>} : memref<2x128xi32, #tpu.memory_space<vmem>>, vector<1x16xi32>,
      %swap3A_717 = vector.shape_cast %swap3A_716 : vector<1x16xi32> to vector<16xi32>
      %swap3A_718 = vector.shape_cast %select_n3A_712 : vector<16xi32> to vector<1x16xi32>
      tpu.vector_store %arg9[%swap3A_714, %swap3A_715], %swap3A_718 {strides = array<i32>} : memref<2x128xi32, #tpu.memory_space<vmem>>, vector<1x16xi32>,
      %get3A_719 = arith.constant 0 : i32
      %get3A_720 = arith.index_cast %get3A_719 : i32 to index
      %get3A_721 = arith.constant 112 : index
      %get3A_722 = tpu.vector_load %arg7[%get3A_720, %get3A_721] {strides = array<i32>} : memref<2x128xi32, #tpu.memory_space<vmem>>, vector<1x16xi32>,
      %get3A_723 = vector.shape_cast %get3A_722 : vector<1x16xi32> to vector<16xi32>
      %ge3A_724 = vector.broadcast %mul3A_0 : i32 to vector<16xi32>
      %ge3A_725 = arith.cmpi sge, %get3A_723, %ge3A_724 : vector<16xi32>
      %add3A_726 = arith.constant 50048 : i32
      %add3A_727 = arith.addi %mul3A_0, %add3A_726 : i32
      %lt3A_728 = vector.broadcast %add3A_727 : i32 to vector<16xi32>
      %lt3A_729 = arith.cmpi slt, %get3A_723, %lt3A_728 : vector<16xi32>
      %and3A_730 = arith.andi %ge3A_725, %lt3A_729 : vector<16xi1>
      %sub3A_731 = vector.broadcast %mul3A_0 : i32 to vector<16xi32>
      %sub3A_732 = arith.subi %get3A_723, %sub3A_731 : vector<16xi32>
      %jit3A_733 = arith.constant 50048 : i32
      %broadcast_in_dim3A_734 = vector.broadcast %jit3A_733 : i32 to vector<16xi32>
      %select_n3A_735 = arith.select %and3A_730, %sub3A_732, %broadcast_in_dim3A_734 : vector<16xi1>, vector<16xi32>
      %swap3A_736 = arith.constant 0 : i32
      %swap3A_737 = arith.index_cast %swap3A_736 : i32 to index
      %swap3A_738 = arith.constant 112 : index
      %swap3A_739 = tpu.vector_load %arg9[%swap3A_737, %swap3A_738] {strides = array<i32>} : memref<2x128xi32, #tpu.memory_space<vmem>>, vector<1x16xi32>,
      %swap3A_740 = vector.shape_cast %swap3A_739 : vector<1x16xi32> to vector<16xi32>
      %swap3A_741 = vector.shape_cast %select_n3A_735 : vector<16xi32> to vector<1x16xi32>
      tpu.vector_store %arg9[%swap3A_737, %swap3A_738], %swap3A_741 {strides = array<i32>} : memref<2x128xi32, #tpu.memory_space<vmem>>, vector<1x16xi32>,
      %get3A_742 = arith.constant 1 : i32
      %get3A_743 = arith.index_cast %get3A_742 : i32 to index
      %get3A_744 = arith.constant 0 : index
      %get3A_745 = tpu.vector_load %arg7[%get3A_743, %get3A_744] {strides = array<i32>} : memref<2x128xi32, #tpu.memory_space<vmem>>, vector<1x16xi32>,
      %get3A_746 = vector.shape_cast %get3A_745 : vector<1x16xi32> to vector<16xi32>
      %ge3A_747 = vector.broadcast %mul3A_0 : i32 to vector<16xi32>
      %ge3A_748 = arith.cmpi sge, %get3A_746, %ge3A_747 : vector<16xi32>
      %add3A_749 = arith.constant 50048 : i32
      %add3A_750 = arith.addi %mul3A_0, %add3A_749 : i32
      %lt3A_751 = vector.broadcast %add3A_750 : i32 to vector<16xi32>
      %lt3A_752 = arith.cmpi slt, %get3A_746, %lt3A_751 : vector<16xi32>
      %and3A_753 = arith.andi %ge3A_748, %lt3A_752 : vector<16xi1>
      %sub3A_754 = vector.broadcast %mul3A_0 : i32 to vector<16xi32>
      %sub3A_755 = arith.subi %get3A_746, %sub3A_754 : vector<16xi32>
      %jit3A_756 = arith.constant 50048 : i32
      %broadcast_in_dim3A_757 = vector.broadcast %jit3A_756 : i32 to vector<16xi32>
      %select_n3A_758 = arith.select %and3A_753, %sub3A_755, %broadcast_in_dim3A_757 : vector<16xi1>, vector<16xi32>
      %swap3A_759 = arith.constant 1 : i32
      %swap3A_760 = arith.index_cast %swap3A_759 : i32 to index
      %swap3A_761 = arith.constant 0 : index
      %swap3A_762 = tpu.vector_load %arg9[%swap3A_760, %swap3A_761] {strides = array<i32>} : memref<2x128xi32, #tpu.memory_space<vmem>>, vector<1x16xi32>,
      %swap3A_763 = vector.shape_cast %swap3A_762 : vector<1x16xi32> to vector<16xi32>
      %swap3A_764 = vector.shape_cast %select_n3A_758 : vector<16xi32> to vector<1x16xi32>
      tpu.vector_store %arg9[%swap3A_760, %swap3A_761], %swap3A_764 {strides = array<i32>} : memref<2x128xi32, #tpu.memory_space<vmem>>, vector<1x16xi32>,
      %get3A_765 = arith.constant 1 : i32
      %get3A_766 = arith.index_cast %get3A_765 : i32 to index
      %get3A_767 = arith.constant 16 : index
      %get3A_768 = tpu.vector_load %arg7[%get3A_766, %get3A_767] {strides = array<i32>} : memref<2x128xi32, #tpu.memory_space<vmem>>, vector<1x16xi32>,
      %get3A_769 = vector.shape_cast %get3A_768 : vector<1x16xi32> to vector<16xi32>
      %ge3A_770 = vector.broadcast %mul3A_0 : i32 to vector<16xi32>
      %ge3A_771 = arith.cmpi sge, %get3A_769, %ge3A_770 : vector<16xi32>
      %add3A_772 = arith.constant 50048 : i32
      %add3A_773 = arith.addi %mul3A_0, %add3A_772 : i32
      %lt3A_774 = vector.broadcast %add3A_773 : i32 to vector<16xi32>
      %lt3A_775 = arith.cmpi slt, %get3A_769, %lt3A_774 : vector<16xi32>
      %and3A_776 = arith.andi %ge3A_771, %lt3A_775 : vector<16xi1>
      %sub3A_777 = vector.broadcast %mul3A_0 : i32 to vector<16xi32>
      %sub3A_778 = arith.subi %get3A_769, %sub3A_777 : vector<16xi32>
      %jit3A_779 = arith.constant 50048 : i32
      %broadcast_in_dim3A_780 = vector.broadcast %jit3A_779 : i32 to vector<16xi32>
      %select_n3A_781 = arith.select %and3A_776, %sub3A_778, %broadcast_in_dim3A_780 : vector<16xi1>, vector<16xi32>
      %swap3A_782 = arith.constant 1 : i32
      %swap3A_783 = arith.index_cast %swap3A_782 : i32 to index
      %swap3A_784 = arith.constant 16 : index
      %swap3A_785 = tpu.vector_load %arg9[%swap3A_783, %swap3A_784] {strides = array<i32>} : memref<2x128xi32, #tpu.memory_space<vmem>>, vector<1x16xi32>,
      %swap3A_786 = vector.shape_cast %swap3A_785 : vector<1x16xi32> to vector<16xi32>
      %swap3A_787 = vector.shape_cast %select_n3A_781 : vector<16xi32> to vector<1x16xi32>
      tpu.vector_store %arg9[%swap3A_783, %swap3A_784], %swap3A_787 {strides = array<i32>} : memref<2x128xi32, #tpu.memory_space<vmem>>, vector<1x16xi32>,
      %get3A_788 = arith.constant 1 : i32
      %get3A_789 = arith.index_cast %get3A_788 : i32 to index
      %get3A_790 = arith.constant 32 : index
      %get3A_791 = tpu.vector_load %arg7[%get3A_789, %get3A_790] {strides = array<i32>} : memref<2x128xi32, #tpu.memory_space<vmem>>, vector<1x16xi32>,
      %get3A_792 = vector.shape_cast %get3A_791 : vector<1x16xi32> to vector<16xi32>
      %ge3A_793 = vector.broadcast %mul3A_0 : i32 to vector<16xi32>
      %ge3A_794 = arith.cmpi sge, %get3A_792, %ge3A_793 : vector<16xi32>
      %add3A_795 = arith.constant 50048 : i32
      %add3A_796 = arith.addi %mul3A_0, %add3A_795 : i32
      %lt3A_797 = vector.broadcast %add3A_796 : i32 to vector<16xi32>
      %lt3A_798 = arith.cmpi slt, %get3A_792, %lt3A_797 : vector<16xi32>
      %and3A_799 = arith.andi %ge3A_794, %lt3A_798 : vector<16xi1>
      %sub3A_800 = vector.broadcast %mul3A_0 : i32 to vector<16xi32>
      %sub3A_801 = arith.subi %get3A_792, %sub3A_800 : vector<16xi32>
      %jit3A_802 = arith.constant 50048 : i32
      %broadcast_in_dim3A_803 = vector.broadcast %jit3A_802 : i32 to vector<16xi32>
      %select_n3A_804 = arith.select %and3A_799, %sub3A_801, %broadcast_in_dim3A_803 : vector<16xi1>, vector<16xi32>
      %swap3A_805 = arith.constant 1 : i32
      %swap3A_806 = arith.index_cast %swap3A_805 : i32 to index
      %swap3A_807 = arith.constant 32 : index
      %swap3A_808 = tpu.vector_load %arg9[%swap3A_806, %swap3A_807] {strides = array<i32>} : memref<2x128xi32, #tpu.memory_space<vmem>>, vector<1x16xi32>,
      %swap3A_809 = vector.shape_cast %swap3A_808 : vector<1x16xi32> to vector<16xi32>
      %swap3A_810 = vector.shape_cast %select_n3A_804 : vector<16xi32> to vector<1x16xi32>
      tpu.vector_store %arg9[%swap3A_806, %swap3A_807], %swap3A_810 {strides = array<i32>} : memref<2x128xi32, #tpu.memory_space<vmem>>, vector<1x16xi32>,
      %get3A_811 = arith.constant 1 : i32
      %get3A_812 = arith.index_cast %get3A_811 : i32 to index
      %get3A_813 = arith.constant 48 : index
      %get3A_814 = tpu.vector_load %arg7[%get3A_812, %get3A_813] {strides = array<i32>} : memref<2x128xi32, #tpu.memory_space<vmem>>, vector<1x16xi32>,
      %get3A_815 = vector.shape_cast %get3A_814 : vector<1x16xi32> to vector<16xi32>
      %ge3A_816 = vector.broadcast %mul3A_0 : i32 to vector<16xi32>
      %ge3A_817 = arith.cmpi sge, %get3A_815, %ge3A_816 : vector<16xi32>
      %add3A_818 = arith.constant 50048 : i32
      %add3A_819 = arith.addi %mul3A_0, %add3A_818 : i32
      %lt3A_820 = vector.broadcast %add3A_819 : i32 to vector<16xi32>
      %lt3A_821 = arith.cmpi slt, %get3A_815, %lt3A_820 : vector<16xi32>
      %and3A_822 = arith.andi %ge3A_817, %lt3A_821 : vector<16xi1>
      %sub3A_823 = vector.broadcast %mul3A_0 : i32 to vector<16xi32>
      %sub3A_824 = arith.subi %get3A_815, %sub3A_823 : vector<16xi32>
      %jit3A_825 = arith.constant 50048 : i32
      %broadcast_in_dim3A_826 = vector.broadcast %jit3A_825 : i32 to vector<16xi32>
      %select_n3A_827 = arith.select %and3A_822, %sub3A_824, %broadcast_in_dim3A_826 : vector<16xi1>, vector<16xi32>
      %swap3A_828 = arith.constant 1 : i32
      %swap3A_829 = arith.index_cast %swap3A_828 : i32 to index
      %swap3A_830 = arith.constant 48 : index
      %swap3A_831 = tpu.vector_load %arg9[%swap3A_829, %swap3A_830] {strides = array<i32>} : memref<2x128xi32, #tpu.memory_space<vmem>>, vector<1x16xi32>,
      %swap3A_832 = vector.shape_cast %swap3A_831 : vector<1x16xi32> to vector<16xi32>
      %swap3A_833 = vector.shape_cast %select_n3A_827 : vector<16xi32> to vector<1x16xi32>
      tpu.vector_store %arg9[%swap3A_829, %swap3A_830], %swap3A_833 {strides = array<i32>} : memref<2x128xi32, #tpu.memory_space<vmem>>, vector<1x16xi32>,
      %get3A_834 = arith.constant 1 : i32
      %get3A_835 = arith.index_cast %get3A_834 : i32 to index
      %get3A_836 = arith.constant 64 : index
      %get3A_837 = tpu.vector_load %arg7[%get3A_835, %get3A_836] {strides = array<i32>} : memref<2x128xi32, #tpu.memory_space<vmem>>, vector<1x16xi32>,
      %get3A_838 = vector.shape_cast %get3A_837 : vector<1x16xi32> to vector<16xi32>
      %ge3A_839 = vector.broadcast %mul3A_0 : i32 to vector<16xi32>
      %ge3A_840 = arith.cmpi sge, %get3A_838, %ge3A_839 : vector<16xi32>
      %add3A_841 = arith.constant 50048 : i32
      %add3A_842 = arith.addi %mul3A_0, %add3A_841 : i32
      %lt3A_843 = vector.broadcast %add3A_842 : i32 to vector<16xi32>
      %lt3A_844 = arith.cmpi slt, %get3A_838, %lt3A_843 : vector<16xi32>
      %and3A_845 = arith.andi %ge3A_840, %lt3A_844 : vector<16xi1>
      %sub3A_846 = vector.broadcast %mul3A_0 : i32 to vector<16xi32>
      %sub3A_847 = arith.subi %get3A_838, %sub3A_846 : vector<16xi32>
      %jit3A_848 = arith.constant 50048 : i32
      %broadcast_in_dim3A_849 = vector.broadcast %jit3A_848 : i32 to vector<16xi32>
      %select_n3A_850 = arith.select %and3A_845, %sub3A_847, %broadcast_in_dim3A_849 : vector<16xi1>, vector<16xi32>
      %swap3A_851 = arith.constant 1 : i32
      %swap3A_852 = arith.index_cast %swap3A_851 : i32 to index
      %swap3A_853 = arith.constant 64 : index
      %swap3A_854 = tpu.vector_load %arg9[%swap3A_852, %swap3A_853] {strides = array<i32>} : memref<2x128xi32, #tpu.memory_space<vmem>>, vector<1x16xi32>,
      %swap3A_855 = vector.shape_cast %swap3A_854 : vector<1x16xi32> to vector<16xi32>
      %swap3A_856 = vector.shape_cast %select_n3A_850 : vector<16xi32> to vector<1x16xi32>
      tpu.vector_store %arg9[%swap3A_852, %swap3A_853], %swap3A_856 {strides = array<i32>} : memref<2x128xi32, #tpu.memory_space<vmem>>, vector<1x16xi32>,
      %get3A_857 = arith.constant 1 : i32
      %get3A_858 = arith.index_cast %get3A_857 : i32 to index
      %get3A_859 = arith.constant 80 : index
      %get3A_860 = tpu.vector_load %arg7[%get3A_858, %get3A_859] {strides = array<i32>} : memref<2x128xi32, #tpu.memory_space<vmem>>, vector<1x16xi32>,
      %get3A_861 = vector.shape_cast %get3A_860 : vector<1x16xi32> to vector<16xi32>
      %ge3A_862 = vector.broadcast %mul3A_0 : i32 to vector<16xi32>
      %ge3A_863 = arith.cmpi sge, %get3A_861, %ge3A_862 : vector<16xi32>
      %add3A_864 = arith.constant 50048 : i32
      %add3A_865 = arith.addi %mul3A_0, %add3A_864 : i32
      %lt3A_866 = vector.broadcast %add3A_865 : i32 to vector<16xi32>
      %lt3A_867 = arith.cmpi slt, %get3A_861, %lt3A_866 : vector<16xi32>
      %and3A_868 = arith.andi %ge3A_863, %lt3A_867 : vector<16xi1>
      %sub3A_869 = vector.broadcast %mul3A_0 : i32 to vector<16xi32>
      %sub3A_870 = arith.subi %get3A_861, %sub3A_869 : vector<16xi32>
      %jit3A_871 = arith.constant 50048 : i32
      %broadcast_in_dim3A_872 = vector.broadcast %jit3A_871 : i32 to vector<16xi32>
      %select_n3A_873 = arith.select %and3A_868, %sub3A_870, %broadcast_in_dim3A_872 : vector<16xi1>, vector<16xi32>
      %swap3A_874 = arith.constant 1 : i32
      %swap3A_875 = arith.index_cast %swap3A_874 : i32 to index
      %swap3A_876 = arith.constant 80 : index
      %swap3A_877 = tpu.vector_load %arg9[%swap3A_875, %swap3A_876] {strides = array<i32>} : memref<2x128xi32, #tpu.memory_space<vmem>>, vector<1x16xi32>,
      %swap3A_878 = vector.shape_cast %swap3A_877 : vector<1x16xi32> to vector<16xi32>
      %swap3A_879 = vector.shape_cast %select_n3A_873 : vector<16xi32> to vector<1x16xi32>
      tpu.vector_store %arg9[%swap3A_875, %swap3A_876], %swap3A_879 {strides = array<i32>} : memref<2x128xi32, #tpu.memory_space<vmem>>, vector<1x16xi32>,
      %get3A_880 = arith.constant 1 : i32
      %get3A_881 = arith.index_cast %get3A_880 : i32 to index
      %get3A_882 = arith.constant 96 : index
      %get3A_883 = tpu.vector_load %arg7[%get3A_881, %get3A_882] {strides = array<i32>} : memref<2x128xi32, #tpu.memory_space<vmem>>, vector<1x16xi32>,
      %get3A_884 = vector.shape_cast %get3A_883 : vector<1x16xi32> to vector<16xi32>
      %ge3A_885 = vector.broadcast %mul3A_0 : i32 to vector<16xi32>
      %ge3A_886 = arith.cmpi sge, %get3A_884, %ge3A_885 : vector<16xi32>
      %add3A_887 = arith.constant 50048 : i32
      %add3A_888 = arith.addi %mul3A_0, %add3A_887 : i32
      %lt3A_889 = vector.broadcast %add3A_888 : i32 to vector<16xi32>
      %lt3A_890 = arith.cmpi slt, %get3A_884, %lt3A_889 : vector<16xi32>
      %and3A_891 = arith.andi %ge3A_886, %lt3A_890 : vector<16xi1>
      %sub3A_892 = vector.broadcast %mul3A_0 : i32 to vector<16xi32>
      %sub3A_893 = arith.subi %get3A_884, %sub3A_892 : vector<16xi32>
      %jit3A_894 = arith.constant 50048 : i32
      %broadcast_in_dim3A_895 = vector.broadcast %jit3A_894 : i32 to vector<16xi32>
      %select_n3A_896 = arith.select %and3A_891, %sub3A_893, %broadcast_in_dim3A_895 : vector<16xi1>, vector<16xi32>
      %swap3A_897 = arith.constant 1 : i32
      %swap3A_898 = arith.index_cast %swap3A_897 : i32 to index
      %swap3A_899 = arith.constant 96 : index
      %swap3A_900 = tpu.vector_load %arg9[%swap3A_898, %swap3A_899] {strides = array<i32>} : memref<2x128xi32, #tpu.memory_space<vmem>>, vector<1x16xi32>,
      %swap3A_901 = vector.shape_cast %swap3A_900 : vector<1x16xi32> to vector<16xi32>
      %swap3A_902 = vector.shape_cast %select_n3A_896 : vector<16xi32> to vector<1x16xi32>
      tpu.vector_store %arg9[%swap3A_898, %swap3A_899], %swap3A_902 {strides = array<i32>} : memref<2x128xi32, #tpu.memory_space<vmem>>, vector<1x16xi32>,
      %get3A_903 = arith.constant 1 : i32
      %get3A_904 = arith.index_cast %get3A_903 : i32 to index
      %get3A_905 = arith.constant 112 : index
      %get3A_906 = tpu.vector_load %arg7[%get3A_904, %get3A_905] {strides = array<i32>} : memref<2x128xi32, #tpu.memory_space<vmem>>, vector<1x16xi32>,
      %get3A_907 = vector.shape_cast %get3A_906 : vector<1x16xi32> to vector<16xi32>
      %ge3A_908 = vector.broadcast %mul3A_0 : i32 to vector<16xi32>
      %ge3A_909 = arith.cmpi sge, %get3A_907, %ge3A_908 : vector<16xi32>
      %add3A_910 = arith.constant 50048 : i32
      %add3A_911 = arith.addi %mul3A_0, %add3A_910 : i32
      %lt3A_912 = vector.broadcast %add3A_911 : i32 to vector<16xi32>
      %lt3A_913 = arith.cmpi slt, %get3A_907, %lt3A_912 : vector<16xi32>
      %and3A_914 = arith.andi %ge3A_909, %lt3A_913 : vector<16xi1>
      %sub3A_915 = vector.broadcast %mul3A_0 : i32 to vector<16xi32>
      %sub3A_916 = arith.subi %get3A_907, %sub3A_915 : vector<16xi32>
      %jit3A_917 = arith.constant 50048 : i32
      %broadcast_in_dim3A_918 = vector.broadcast %jit3A_917 : i32 to vector<16xi32>
      %select_n3A_919 = arith.select %and3A_914, %sub3A_916, %broadcast_in_dim3A_918 : vector<16xi1>, vector<16xi32>
      %swap3A_920 = arith.constant 1 : i32
      %swap3A_921 = arith.index_cast %swap3A_920 : i32 to index
      %swap3A_922 = arith.constant 112 : index
      %swap3A_923 = tpu.vector_load %arg9[%swap3A_921, %swap3A_922] {strides = array<i32>} : memref<2x128xi32, #tpu.memory_space<vmem>>, vector<1x16xi32>,
      %swap3A_924 = vector.shape_cast %swap3A_923 : vector<1x16xi32> to vector<16xi32>
      %swap3A_925 = vector.shape_cast %select_n3A_919 : vector<16xi32> to vector<1x16xi32>
      tpu.vector_store %arg9[%swap3A_921, %swap3A_922], %swap3A_925 {strides = array<i32>} : memref<2x128xi32, #tpu.memory_space<vmem>>, vector<1x16xi32>,
      %dma_start3A_926 = arith.constant 0 : i32
      %dma_start3A_927 = arith.constant 0 : i32
      %dma_start3A_928 = arith.constant 0 : i32
      %dma_start3A_929 = tpu.memref_slice %arg11[%dma_start3A_927, %dma_start3A_928] : memref<256x32xf32, #tpu.memory_space<vmem>> -> memref<128x32xf32, #tpu.memory_space<vmem>>
      %dma_start3A_930 = arith.constant 0 : i32
      %dma_start3A_931 = tpu.memref_slice %arg9[%dma_start3A_926, %dma_start3A_930] : memref<2x128xi32, #tpu.memory_space<vmem>> -> memref<1x128xi32, #tpu.memory_space<vmem>>
      %dma_start3A_932 = tpu.memref_squeeze %dma_start3A_931 : memref<1x128xi32, #tpu.memory_space<vmem>> -> memref<128xi32, #tpu.memory_space<vmem>>
      %dma_start3A_933 = arith.constant 0 : i32
      %dma_start3A_934 = arith.constant 0 : i32
      %dma_start3A_935 = tpu.memref_slice %arg12[%dma_start3A_933, %dma_start3A_934] : memref<50056x32xf32, #tpu.memory_space<vmem_shared>> -> memref<50056x32xf32, #tpu.memory_space<vmem_shared>>
      tpu.enqueue_indirect_dma source(%dma_start3A_929 : memref<128x32xf32, #tpu.memory_space<vmem>>) target(%dma_start3A_935 : memref<50056x32xf32, #tpu.memory_space<vmem_shared>>) offsets(%dma_start3A_932 : memref<128xi32, #tpu.memory_space<vmem>>) semaphore(%arg16 : memref<!tpu.dma_semaphore, #tpu.memory_space<semaphore_mem>>) {add = true}
      %dma_start3A_936 = arith.constant 1 : i32
      %dma_start3A_937 = arith.constant 128 : i32
      %dma_start3A_938 = arith.constant 0 : i32
      %dma_start3A_939 = tpu.memref_slice %arg11[%dma_start3A_937, %dma_start3A_938] : memref<256x32xf32, #tpu.memory_space<vmem>> -> memref<128x32xf32, #tpu.memory_space<vmem>>
      %dma_start3A_940 = arith.constant 0 : i32
      %dma_start3A_941 = tpu.memref_slice %arg9[%dma_start3A_936, %dma_start3A_940] : memref<2x128xi32, #tpu.memory_space<vmem>> -> memref<1x128xi32, #tpu.memory_space<vmem>>
      %dma_start3A_942 = tpu.memref_squeeze %dma_start3A_941 : memref<1x128xi32, #tpu.memory_space<vmem>> -> memref<128xi32, #tpu.memory_space<vmem>>
      %dma_start3A_943 = arith.constant 0 : i32
      %dma_start3A_944 = arith.constant 0 : i32
      %dma_start3A_945 = tpu.memref_slice %arg12[%dma_start3A_943, %dma_start3A_944] : memref<50056x32xf32, #tpu.memory_space<vmem_shared>> -> memref<50056x32xf32, #tpu.memory_space<vmem_shared>>
      tpu.enqueue_indirect_dma source(%dma_start3A_939 : memref<128x32xf32, #tpu.memory_space<vmem>>) target(%dma_start3A_945 : memref<50056x32xf32, #tpu.memory_space<vmem_shared>>) offsets(%dma_start3A_942 : memref<128xi32, #tpu.memory_space<vmem>>) semaphore(%arg16 : memref<!tpu.dma_semaphore, #tpu.memory_space<semaphore_mem>>) {add = true}
      %dma_wait3A_946 = arith.constant 0 : i32
      %dma_wait3A_947 = arith.constant 0 : i32
      %dma_wait3A_948 = arith.constant 0 : i32
      %dma_wait3A_949 = tpu.memref_slice %arg11[%dma_wait3A_947, %dma_wait3A_948] : memref<256x32xf32, #tpu.memory_space<vmem>> -> memref<128x32xf32, #tpu.memory_space<vmem>>
      %dma_wait3A_950 = arith.constant 0 : i32
      %dma_wait3A_951 = tpu.memref_slice %arg9[%dma_wait3A_946, %dma_wait3A_950] : memref<2x128xi32, #tpu.memory_space<vmem>> -> memref<1x128xi32, #tpu.memory_space<vmem>>
      %dma_wait3A_952 = tpu.memref_squeeze %dma_wait3A_951 : memref<1x128xi32, #tpu.memory_space<vmem>> -> memref<128xi32, #tpu.memory_space<vmem>>
      %dma_wait3A_953 = arith.constant 0 : i32
      %dma_wait3A_954 = arith.constant 0 : i32
      %dma_wait3A_955 = tpu.memref_slice %arg12[%dma_wait3A_953, %dma_wait3A_954] : memref<50056x32xf32, #tpu.memory_space<vmem_shared>> -> memref<50056x32xf32, #tpu.memory_space<vmem_shared>>
      tpu.wait_indirect_dma semaphore(%arg16 : memref<!tpu.dma_semaphore, #tpu.memory_space<semaphore_mem>>) src(%dma_wait3A_949 : memref<128x32xf32, #tpu.memory_space<vmem>>) dst(%dma_wait3A_955 : memref<50056x32xf32, #tpu.memory_space<vmem_shared>>)
      %dma_wait3A_956 = arith.constant 1 : i32
      %dma_wait3A_957 = arith.constant 128 : i32
      %dma_wait3A_958 = arith.constant 0 : i32
      %dma_wait3A_959 = tpu.memref_slice %arg11[%dma_wait3A_957, %dma_wait3A_958] : memref<256x32xf32, #tpu.memory_space<vmem>> -> memref<128x32xf32, #tpu.memory_space<vmem>>
      %dma_wait3A_960 = arith.constant 0 : i32
      %dma_wait3A_961 = tpu.memref_slice %arg9[%dma_wait3A_956, %dma_wait3A_960] : memref<2x128xi32, #tpu.memory_space<vmem>> -> memref<1x128xi32, #tpu.memory_space<vmem>>
      %dma_wait3A_962 = tpu.memref_squeeze %dma_wait3A_961 : memref<1x128xi32, #tpu.memory_space<vmem>> -> memref<128xi32, #tpu.memory_space<vmem>>
      %dma_wait3A_963 = arith.constant 0 : i32
      %dma_wait3A_964 = arith.constant 0 : i32
      %dma_wait3A_965 = tpu.memref_slice %arg12[%dma_wait3A_963, %dma_wait3A_964] : memref<50056x32xf32, #tpu.memory_space<vmem_shared>> -> memref<50056x32xf32, #tpu.memory_space<vmem_shared>>
      tpu.wait_indirect_dma semaphore(%arg16 : memref<!tpu.dma_semaphore, #tpu.memory_space<semaphore_mem>>) src(%dma_wait3A_959 : memref<128x32xf32, #tpu.memory_space<vmem>>) dst(%dma_wait3A_965 : memref<50056x32xf32, #tpu.memory_space<vmem_shared>>)
    }
    %scan3A_36 = arith.constant 196 : i32
    %barrier3A_37 = arith.constant 0 : index
    tpu.barrier barrier_id(%barrier3A_37)
    %add3A_38 = arith.addi %mul3A_0, %mul3A_2 : i32
    "tpu.region"() ({
      %run_scoped3A = tpu.sem_alloc : memref<!tpu.dma_semaphore, #tpu.memory_space<semaphore_mem>>
      %dma_start3A_39 = arith.constant 0 : i32
      %dma_start3A_40 = tpu.memref_slice %arg5[%add3A_38, %dma_start3A_39] : memref<100096x32xf32, #tpu.memory_space<hbm>> -> memref<3128x32xf32, #tpu.memory_space<hbm>>
      %dma_start3A_41 = arith.constant 0 : i32
      %dma_start3A_42 = tpu.memref_slice %arg12[%mul3A_2, %dma_start3A_41] : memref<50056x32xf32, #tpu.memory_space<vmem_shared>> -> memref<3128x32xf32, #tpu.memory_space<vmem_shared>>
      tpu.enqueue_dma source(%dma_start3A_42 : memref<3128x32xf32, #tpu.memory_space<vmem_shared>>) target(%dma_start3A_40 : memref<3128x32xf32, #tpu.memory_space<hbm>>) target_semaphore(%run_scoped3A : memref<!tpu.dma_semaphore, #tpu.memory_space<semaphore_mem>>)
      %dma_wait3A = arith.constant 0 : i32
      %dma_wait3A_43 = tpu.memref_slice %arg5[%add3A_38, %dma_wait3A] : memref<100096x32xf32, #tpu.memory_space<hbm>> -> memref<3128x32xf32, #tpu.memory_space<hbm>>
      %dma_wait3A_44 = arith.constant 0 : i32
      %dma_wait3A_45 = tpu.memref_slice %arg12[%mul3A_2, %dma_wait3A_44] : memref<50056x32xf32, #tpu.memory_space<vmem_shared>> -> memref<3128x32xf32, #tpu.memory_space<vmem_shared>>
      tpu.wait_dma2 semaphore(%run_scoped3A : memref<!tpu.dma_semaphore, #tpu.memory_space<semaphore_mem>>) src(%dma_wait3A_45 : memref<3128x32xf32, #tpu.memory_space<vmem_shared>>) dst(%dma_wait3A_43 : memref<3128x32xf32, #tpu.memory_space<hbm>>)
      tpu.yield
    }) : () -> ()
    return
  }
}

#map = affine_map<(d0, d1) -> (0, 0)>
module attributes {stable_mosaic.version = 14 : i64} {
  func.func @_gather_body(%arg0: i32, %arg1: i32, %arg2: memref<100000x32xf32, #tpu.memory_space<hbm>>, %arg3: memref<12544x128xi32, #tpu.memory_space<hbm>>, %arg4: memref<12544x128xi32, #tpu.memory_space<hbm>>, %arg5: memref<1605632x32xf32, #tpu.memory_space<hbm>>, %arg6: memref<1605632x32xf32, #tpu.memory_space<hbm>>, %arg7: memref<8x128xi32, #tpu.memory_space<vmem>>, %arg8: memref<8x128xi32, #tpu.memory_space<vmem>>, %arg9: memref<1024x32xf32, #tpu.memory_space<vmem>>, %arg10: memref<1024x32xf32, #tpu.memory_space<vmem>>, %arg11: memref<!tpu.dma_semaphore, #tpu.memory_space<semaphore_mem>>) attributes {dimension_semantics = [#tpu.dimension_semantics<core_parallel>, #tpu.dimension_semantics<subcore_parallel>], iteration_bounds = array<i64: 2, 16>, scalar_prefetch = 0 : i64, scratch_operands = 5 : i64, tpu.core_type = #tpu.core_type<sc_vector_subcore>, window_params = [{transform_indices = #map}, {transform_indices = #map}, {transform_indices = #map}, {transform_indices = #map}, {transform_indices = #map}]} {
    %mul3A = arith.constant 2 : i32
    %mul3A_0 = arith.muli %arg1, %mul3A : i32
    %add3A = arith.addi %mul3A_0, %arg0 : i32
    %mul3A_1 = arith.constant 392 : i32
    %mul3A_2 = arith.muli %add3A, %mul3A_1 : i32
    %mul3A_3 = arith.constant 50176 : i32
    %mul3A_4 = arith.muli %add3A, %mul3A_3 : i32
    %scan3A = arith.constant 0 : i32
    %scan3A_5 = arith.constant 0 : i32
    %scan3A_6 = arith.constant 49 : i32
    %scan3A_7 = arith.addi %scan3A_5, %scan3A_6 : i32
    %scan3A_8 = arith.constant 1 : i32
    scf.for %scan3A_10 = %scan3A_5 to %scan3A_7 step %scan3A_8  : i32 {
      %mul3A_11 = arith.constant 8 : i32
      %mul3A_12 = arith.muli %scan3A_10, %mul3A_11 : i32
      %add3A_13 = arith.addi %mul3A_2, %mul3A_12 : i32
      "tpu.region"() ({
        %run_scoped3A = tpu.sem_alloc : memref<!tpu.dma_semaphore, #tpu.memory_space<semaphore_mem>>
        %dma_start3A_335 = arith.constant 0 : i32
        %dma_start3A_336 = tpu.memref_slice %arg3[%add3A_13, %dma_start3A_335] : memref<12544x128xi32, #tpu.memory_space<hbm>> -> memref<8x128xi32, #tpu.memory_space<hbm>>
        %dma_start3A_337 = arith.constant 0 : i32
        %dma_start3A_338 = tpu.memref_slice %arg3[%add3A_13, %dma_start3A_337] : memref<12544x128xi32, #tpu.memory_space<hbm>> -> memref<8x128xi32, #tpu.memory_space<hbm>>
        tpu.enqueue_dma source(%dma_start3A_338 : memref<8x128xi32, #tpu.memory_space<hbm>>) target(%arg7 : memref<8x128xi32, #tpu.memory_space<vmem>>) target_semaphore(%run_scoped3A : memref<!tpu.dma_semaphore, #tpu.memory_space<semaphore_mem>>)
        %dma_wait3A_339 = arith.constant 0 : i32
        %dma_wait3A_340 = tpu.memref_slice %arg3[%add3A_13, %dma_wait3A_339] : memref<12544x128xi32, #tpu.memory_space<hbm>> -> memref<8x128xi32, #tpu.memory_space<hbm>>
        %dma_wait3A_341 = arith.constant 0 : i32
        %dma_wait3A_342 = tpu.memref_slice %arg3[%add3A_13, %dma_wait3A_341] : memref<12544x128xi32, #tpu.memory_space<hbm>> -> memref<8x128xi32, #tpu.memory_space<hbm>>
        tpu.wait_dma2 semaphore(%run_scoped3A : memref<!tpu.dma_semaphore, #tpu.memory_space<semaphore_mem>>) src(%dma_wait3A_342 : memref<8x128xi32, #tpu.memory_space<hbm>>) dst(%arg7 : memref<8x128xi32, #tpu.memory_space<vmem>>)
        tpu.yield
      }) : () -> ()
      "tpu.region"() ({
        %run_scoped3A = tpu.sem_alloc : memref<!tpu.dma_semaphore, #tpu.memory_space<semaphore_mem>>
        %dma_start3A_335 = arith.constant 0 : i32
        %dma_start3A_336 = tpu.memref_slice %arg4[%add3A_13, %dma_start3A_335] : memref<12544x128xi32, #tpu.memory_space<hbm>> -> memref<8x128xi32, #tpu.memory_space<hbm>>
        %dma_start3A_337 = arith.constant 0 : i32
        %dma_start3A_338 = tpu.memref_slice %arg4[%add3A_13, %dma_start3A_337] : memref<12544x128xi32, #tpu.memory_space<hbm>> -> memref<8x128xi32, #tpu.memory_space<hbm>>
        tpu.enqueue_dma source(%dma_start3A_338 : memref<8x128xi32, #tpu.memory_space<hbm>>) target(%arg8 : memref<8x128xi32, #tpu.memory_space<vmem>>) target_semaphore(%run_scoped3A : memref<!tpu.dma_semaphore, #tpu.memory_space<semaphore_mem>>)
        %dma_wait3A_339 = arith.constant 0 : i32
        %dma_wait3A_340 = tpu.memref_slice %arg4[%add3A_13, %dma_wait3A_339] : memref<12544x128xi32, #tpu.memory_space<hbm>> -> memref<8x128xi32, #tpu.memory_space<hbm>>
        %dma_wait3A_341 = arith.constant 0 : i32
        %dma_wait3A_342 = tpu.memref_slice %arg4[%add3A_13, %dma_wait3A_341] : memref<12544x128xi32, #tpu.memory_space<hbm>> -> memref<8x128xi32, #tpu.memory_space<hbm>>
        tpu.wait_dma2 semaphore(%run_scoped3A : memref<!tpu.dma_semaphore, #tpu.memory_space<semaphore_mem>>) src(%dma_wait3A_342 : memref<8x128xi32, #tpu.memory_space<hbm>>) dst(%arg8 : memref<8x128xi32, #tpu.memory_space<vmem>>)
        tpu.yield
      }) : () -> ()
      %dma_start3A = arith.constant 0 : i32
      %dma_start3A_14 = arith.constant 0 : i32
      %dma_start3A_15 = arith.constant 0 : i32
      %dma_start3A_16 = tpu.memref_slice %arg9[%dma_start3A_14, %dma_start3A_15] : memref<1024x32xf32, #tpu.memory_space<vmem>> -> memref<128x32xf32, #tpu.memory_space<vmem>>
      %dma_start3A_17 = arith.constant 0 : i32
      %dma_start3A_18 = tpu.memref_slice %arg7[%dma_start3A, %dma_start3A_17] : memref<8x128xi32, #tpu.memory_space<vmem>> -> memref<1x128xi32, #tpu.memory_space<vmem>>
      %dma_start3A_19 = tpu.memref_squeeze %dma_start3A_18 : memref<1x128xi32, #tpu.memory_space<vmem>> -> memref<128xi32, #tpu.memory_space<vmem>>
      %dma_start3A_20 = arith.constant 0 : i32
      %dma_start3A_21 = arith.constant 0 : i32
      %dma_start3A_22 = tpu.memref_slice %arg2[%dma_start3A_20, %dma_start3A_21] : memref<100000x32xf32, #tpu.memory_space<hbm>> -> memref<100000x32xf32, #tpu.memory_space<hbm>>
      tpu.enqueue_indirect_dma source(%dma_start3A_22 : memref<100000x32xf32, #tpu.memory_space<hbm>>) target(%dma_start3A_16 : memref<128x32xf32, #tpu.memory_space<vmem>>) offsets(%dma_start3A_19 : memref<128xi32, #tpu.memory_space<vmem>>) semaphore(%arg11 : memref<!tpu.dma_semaphore, #tpu.memory_space<semaphore_mem>>)
      %dma_start3A_23 = arith.constant 0 : i32
      %dma_start3A_24 = arith.constant 0 : i32
      %dma_start3A_25 = arith.constant 0 : i32
      %dma_start3A_26 = tpu.memref_slice %arg10[%dma_start3A_24, %dma_start3A_25] : memref<1024x32xf32, #tpu.memory_space<vmem>> -> memref<128x32xf32, #tpu.memory_space<vmem>>
      %dma_start3A_27 = arith.constant 0 : i32
      %dma_start3A_28 = tpu.memref_slice %arg8[%dma_start3A_23, %dma_start3A_27] : memref<8x128xi32, #tpu.memory_space<vmem>> -> memref<1x128xi32, #tpu.memory_space<vmem>>
      %dma_start3A_29 = tpu.memref_squeeze %dma_start3A_28 : memref<1x128xi32, #tpu.memory_space<vmem>> -> memref<128xi32, #tpu.memory_space<vmem>>
      %dma_start3A_30 = arith.constant 0 : i32
      %dma_start3A_31 = arith.constant 0 : i32
      %dma_start3A_32 = tpu.memref_slice %arg2[%dma_start3A_30, %dma_start3A_31] : memref<100000x32xf32, #tpu.memory_space<hbm>> -> memref<100000x32xf32, #tpu.memory_space<hbm>>
      tpu.enqueue_indirect_dma source(%dma_start3A_32 : memref<100000x32xf32, #tpu.memory_space<hbm>>) target(%dma_start3A_26 : memref<128x32xf32, #tpu.memory_space<vmem>>) offsets(%dma_start3A_29 : memref<128xi32, #tpu.memory_space<vmem>>) semaphore(%arg11 : memref<!tpu.dma_semaphore, #tpu.memory_space<semaphore_mem>>)
      %dma_start3A_33 = arith.constant 1 : i32
      %dma_start3A_34 = arith.constant 128 : i32
      %dma_start3A_35 = arith.constant 0 : i32
      %dma_start3A_36 = tpu.memref_slice %arg9[%dma_start3A_34, %dma_start3A_35] : memref<1024x32xf32, #tpu.memory_space<vmem>> -> memref<128x32xf32, #tpu.memory_space<vmem>>
      %dma_start3A_37 = arith.constant 0 : i32
      %dma_start3A_38 = tpu.memref_slice %arg7[%dma_start3A_33, %dma_start3A_37] : memref<8x128xi32, #tpu.memory_space<vmem>> -> memref<1x128xi32, #tpu.memory_space<vmem>>
      %dma_start3A_39 = tpu.memref_squeeze %dma_start3A_38 : memref<1x128xi32, #tpu.memory_space<vmem>> -> memref<128xi32, #tpu.memory_space<vmem>>
      %dma_start3A_40 = arith.constant 0 : i32
      %dma_start3A_41 = arith.constant 0 : i32
      %dma_start3A_42 = tpu.memref_slice %arg2[%dma_start3A_40, %dma_start3A_41] : memref<100000x32xf32, #tpu.memory_space<hbm>> -> memref<100000x32xf32, #tpu.memory_space<hbm>>
      tpu.enqueue_indirect_dma source(%dma_start3A_42 : memref<100000x32xf32, #tpu.memory_space<hbm>>) target(%dma_start3A_36 : memref<128x32xf32, #tpu.memory_space<vmem>>) offsets(%dma_start3A_39 : memref<128xi32, #tpu.memory_space<vmem>>) semaphore(%arg11 : memref<!tpu.dma_semaphore, #tpu.memory_space<semaphore_mem>>)
      %dma_start3A_43 = arith.constant 1 : i32
      %dma_start3A_44 = arith.constant 128 : i32
      %dma_start3A_45 = arith.constant 0 : i32
      %dma_start3A_46 = tpu.memref_slice %arg10[%dma_start3A_44, %dma_start3A_45] : memref<1024x32xf32, #tpu.memory_space<vmem>> -> memref<128x32xf32, #tpu.memory_space<vmem>>
      %dma_start3A_47 = arith.constant 0 : i32
      %dma_start3A_48 = tpu.memref_slice %arg8[%dma_start3A_43, %dma_start3A_47] : memref<8x128xi32, #tpu.memory_space<vmem>> -> memref<1x128xi32, #tpu.memory_space<vmem>>
      %dma_start3A_49 = tpu.memref_squeeze %dma_start3A_48 : memref<1x128xi32, #tpu.memory_space<vmem>> -> memref<128xi32, #tpu.memory_space<vmem>>
      %dma_start3A_50 = arith.constant 0 : i32
      %dma_start3A_51 = arith.constant 0 : i32
      %dma_start3A_52 = tpu.memref_slice %arg2[%dma_start3A_50, %dma_start3A_51] : memref<100000x32xf32, #tpu.memory_space<hbm>> -> memref<100000x32xf32, #tpu.memory_space<hbm>>
      tpu.enqueue_indirect_dma source(%dma_start3A_52 : memref<100000x32xf32, #tpu.memory_space<hbm>>) target(%dma_start3A_46 : memref<128x32xf32, #tpu.memory_space<vmem>>) offsets(%dma_start3A_49 : memref<128xi32, #tpu.memory_space<vmem>>) semaphore(%arg11 : memref<!tpu.dma_semaphore, #tpu.memory_space<semaphore_mem>>)
      %dma_start3A_53 = arith.constant 2 : i32
      %dma_start3A_54 = arith.constant 256 : i32
      %dma_start3A_55 = arith.constant 0 : i32
      %dma_start3A_56 = tpu.memref_slice %arg9[%dma_start3A_54, %dma_start3A_55] : memref<1024x32xf32, #tpu.memory_space<vmem>> -> memref<128x32xf32, #tpu.memory_space<vmem>>
      %dma_start3A_57 = arith.constant 0 : i32
      %dma_start3A_58 = tpu.memref_slice %arg7[%dma_start3A_53, %dma_start3A_57] : memref<8x128xi32, #tpu.memory_space<vmem>> -> memref<1x128xi32, #tpu.memory_space<vmem>>
      %dma_start3A_59 = tpu.memref_squeeze %dma_start3A_58 : memref<1x128xi32, #tpu.memory_space<vmem>> -> memref<128xi32, #tpu.memory_space<vmem>>
      %dma_start3A_60 = arith.constant 0 : i32
      %dma_start3A_61 = arith.constant 0 : i32
      %dma_start3A_62 = tpu.memref_slice %arg2[%dma_start3A_60, %dma_start3A_61] : memref<100000x32xf32, #tpu.memory_space<hbm>> -> memref<100000x32xf32, #tpu.memory_space<hbm>>
      tpu.enqueue_indirect_dma source(%dma_start3A_62 : memref<100000x32xf32, #tpu.memory_space<hbm>>) target(%dma_start3A_56 : memref<128x32xf32, #tpu.memory_space<vmem>>) offsets(%dma_start3A_59 : memref<128xi32, #tpu.memory_space<vmem>>) semaphore(%arg11 : memref<!tpu.dma_semaphore, #tpu.memory_space<semaphore_mem>>)
      %dma_start3A_63 = arith.constant 2 : i32
      %dma_start3A_64 = arith.constant 256 : i32
      %dma_start3A_65 = arith.constant 0 : i32
      %dma_start3A_66 = tpu.memref_slice %arg10[%dma_start3A_64, %dma_start3A_65] : memref<1024x32xf32, #tpu.memory_space<vmem>> -> memref<128x32xf32, #tpu.memory_space<vmem>>
      %dma_start3A_67 = arith.constant 0 : i32
      %dma_start3A_68 = tpu.memref_slice %arg8[%dma_start3A_63, %dma_start3A_67] : memref<8x128xi32, #tpu.memory_space<vmem>> -> memref<1x128xi32, #tpu.memory_space<vmem>>
      %dma_start3A_69 = tpu.memref_squeeze %dma_start3A_68 : memref<1x128xi32, #tpu.memory_space<vmem>> -> memref<128xi32, #tpu.memory_space<vmem>>
      %dma_start3A_70 = arith.constant 0 : i32
      %dma_start3A_71 = arith.constant 0 : i32
      %dma_start3A_72 = tpu.memref_slice %arg2[%dma_start3A_70, %dma_start3A_71] : memref<100000x32xf32, #tpu.memory_space<hbm>> -> memref<100000x32xf32, #tpu.memory_space<hbm>>
      tpu.enqueue_indirect_dma source(%dma_start3A_72 : memref<100000x32xf32, #tpu.memory_space<hbm>>) target(%dma_start3A_66 : memref<128x32xf32, #tpu.memory_space<vmem>>) offsets(%dma_start3A_69 : memref<128xi32, #tpu.memory_space<vmem>>) semaphore(%arg11 : memref<!tpu.dma_semaphore, #tpu.memory_space<semaphore_mem>>)
      %dma_start3A_73 = arith.constant 3 : i32
      %dma_start3A_74 = arith.constant 384 : i32
      %dma_start3A_75 = arith.constant 0 : i32
      %dma_start3A_76 = tpu.memref_slice %arg9[%dma_start3A_74, %dma_start3A_75] : memref<1024x32xf32, #tpu.memory_space<vmem>> -> memref<128x32xf32, #tpu.memory_space<vmem>>
      %dma_start3A_77 = arith.constant 0 : i32
      %dma_start3A_78 = tpu.memref_slice %arg7[%dma_start3A_73, %dma_start3A_77] : memref<8x128xi32, #tpu.memory_space<vmem>> -> memref<1x128xi32, #tpu.memory_space<vmem>>
      %dma_start3A_79 = tpu.memref_squeeze %dma_start3A_78 : memref<1x128xi32, #tpu.memory_space<vmem>> -> memref<128xi32, #tpu.memory_space<vmem>>
      %dma_start3A_80 = arith.constant 0 : i32
      %dma_start3A_81 = arith.constant 0 : i32
      %dma_start3A_82 = tpu.memref_slice %arg2[%dma_start3A_80, %dma_start3A_81] : memref<100000x32xf32, #tpu.memory_space<hbm>> -> memref<100000x32xf32, #tpu.memory_space<hbm>>
      tpu.enqueue_indirect_dma source(%dma_start3A_82 : memref<100000x32xf32, #tpu.memory_space<hbm>>) target(%dma_start3A_76 : memref<128x32xf32, #tpu.memory_space<vmem>>) offsets(%dma_start3A_79 : memref<128xi32, #tpu.memory_space<vmem>>) semaphore(%arg11 : memref<!tpu.dma_semaphore, #tpu.memory_space<semaphore_mem>>)
      %dma_start3A_83 = arith.constant 3 : i32
      %dma_start3A_84 = arith.constant 384 : i32
      %dma_start3A_85 = arith.constant 0 : i32
      %dma_start3A_86 = tpu.memref_slice %arg10[%dma_start3A_84, %dma_start3A_85] : memref<1024x32xf32, #tpu.memory_space<vmem>> -> memref<128x32xf32, #tpu.memory_space<vmem>>
      %dma_start3A_87 = arith.constant 0 : i32
      %dma_start3A_88 = tpu.memref_slice %arg8[%dma_start3A_83, %dma_start3A_87] : memref<8x128xi32, #tpu.memory_space<vmem>> -> memref<1x128xi32, #tpu.memory_space<vmem>>
      %dma_start3A_89 = tpu.memref_squeeze %dma_start3A_88 : memref<1x128xi32, #tpu.memory_space<vmem>> -> memref<128xi32, #tpu.memory_space<vmem>>
      %dma_start3A_90 = arith.constant 0 : i32
      %dma_start3A_91 = arith.constant 0 : i32
      %dma_start3A_92 = tpu.memref_slice %arg2[%dma_start3A_90, %dma_start3A_91] : memref<100000x32xf32, #tpu.memory_space<hbm>> -> memref<100000x32xf32, #tpu.memory_space<hbm>>
      tpu.enqueue_indirect_dma source(%dma_start3A_92 : memref<100000x32xf32, #tpu.memory_space<hbm>>) target(%dma_start3A_86 : memref<128x32xf32, #tpu.memory_space<vmem>>) offsets(%dma_start3A_89 : memref<128xi32, #tpu.memory_space<vmem>>) semaphore(%arg11 : memref<!tpu.dma_semaphore, #tpu.memory_space<semaphore_mem>>)
      %dma_start3A_93 = arith.constant 4 : i32
      %dma_start3A_94 = arith.constant 512 : i32
      %dma_start3A_95 = arith.constant 0 : i32
      %dma_start3A_96 = tpu.memref_slice %arg9[%dma_start3A_94, %dma_start3A_95] : memref<1024x32xf32, #tpu.memory_space<vmem>> -> memref<128x32xf32, #tpu.memory_space<vmem>>
      %dma_start3A_97 = arith.constant 0 : i32
      %dma_start3A_98 = tpu.memref_slice %arg7[%dma_start3A_93, %dma_start3A_97] : memref<8x128xi32, #tpu.memory_space<vmem>> -> memref<1x128xi32, #tpu.memory_space<vmem>>
      %dma_start3A_99 = tpu.memref_squeeze %dma_start3A_98 : memref<1x128xi32, #tpu.memory_space<vmem>> -> memref<128xi32, #tpu.memory_space<vmem>>
      %dma_start3A_100 = arith.constant 0 : i32
      %dma_start3A_101 = arith.constant 0 : i32
      %dma_start3A_102 = tpu.memref_slice %arg2[%dma_start3A_100, %dma_start3A_101] : memref<100000x32xf32, #tpu.memory_space<hbm>> -> memref<100000x32xf32, #tpu.memory_space<hbm>>
      tpu.enqueue_indirect_dma source(%dma_start3A_102 : memref<100000x32xf32, #tpu.memory_space<hbm>>) target(%dma_start3A_96 : memref<128x32xf32, #tpu.memory_space<vmem>>) offsets(%dma_start3A_99 : memref<128xi32, #tpu.memory_space<vmem>>) semaphore(%arg11 : memref<!tpu.dma_semaphore, #tpu.memory_space<semaphore_mem>>)
      %dma_start3A_103 = arith.constant 4 : i32
      %dma_start3A_104 = arith.constant 512 : i32
      %dma_start3A_105 = arith.constant 0 : i32
      %dma_start3A_106 = tpu.memref_slice %arg10[%dma_start3A_104, %dma_start3A_105] : memref<1024x32xf32, #tpu.memory_space<vmem>> -> memref<128x32xf32, #tpu.memory_space<vmem>>
      %dma_start3A_107 = arith.constant 0 : i32
      %dma_start3A_108 = tpu.memref_slice %arg8[%dma_start3A_103, %dma_start3A_107] : memref<8x128xi32, #tpu.memory_space<vmem>> -> memref<1x128xi32, #tpu.memory_space<vmem>>
      %dma_start3A_109 = tpu.memref_squeeze %dma_start3A_108 : memref<1x128xi32, #tpu.memory_space<vmem>> -> memref<128xi32, #tpu.memory_space<vmem>>
      %dma_start3A_110 = arith.constant 0 : i32
      %dma_start3A_111 = arith.constant 0 : i32
      %dma_start3A_112 = tpu.memref_slice %arg2[%dma_start3A_110, %dma_start3A_111] : memref<100000x32xf32, #tpu.memory_space<hbm>> -> memref<100000x32xf32, #tpu.memory_space<hbm>>
      tpu.enqueue_indirect_dma source(%dma_start3A_112 : memref<100000x32xf32, #tpu.memory_space<hbm>>) target(%dma_start3A_106 : memref<128x32xf32, #tpu.memory_space<vmem>>) offsets(%dma_start3A_109 : memref<128xi32, #tpu.memory_space<vmem>>) semaphore(%arg11 : memref<!tpu.dma_semaphore, #tpu.memory_space<semaphore_mem>>)
      %dma_start3A_113 = arith.constant 5 : i32
      %dma_start3A_114 = arith.constant 640 : i32
      %dma_start3A_115 = arith.constant 0 : i32
      %dma_start3A_116 = tpu.memref_slice %arg9[%dma_start3A_114, %dma_start3A_115] : memref<1024x32xf32, #tpu.memory_space<vmem>> -> memref<128x32xf32, #tpu.memory_space<vmem>>
      %dma_start3A_117 = arith.constant 0 : i32
      %dma_start3A_118 = tpu.memref_slice %arg7[%dma_start3A_113, %dma_start3A_117] : memref<8x128xi32, #tpu.memory_space<vmem>> -> memref<1x128xi32, #tpu.memory_space<vmem>>
      %dma_start3A_119 = tpu.memref_squeeze %dma_start3A_118 : memref<1x128xi32, #tpu.memory_space<vmem>> -> memref<128xi32, #tpu.memory_space<vmem>>
      %dma_start3A_120 = arith.constant 0 : i32
      %dma_start3A_121 = arith.constant 0 : i32
      %dma_start3A_122 = tpu.memref_slice %arg2[%dma_start3A_120, %dma_start3A_121] : memref<100000x32xf32, #tpu.memory_space<hbm>> -> memref<100000x32xf32, #tpu.memory_space<hbm>>
      tpu.enqueue_indirect_dma source(%dma_start3A_122 : memref<100000x32xf32, #tpu.memory_space<hbm>>) target(%dma_start3A_116 : memref<128x32xf32, #tpu.memory_space<vmem>>) offsets(%dma_start3A_119 : memref<128xi32, #tpu.memory_space<vmem>>) semaphore(%arg11 : memref<!tpu.dma_semaphore, #tpu.memory_space<semaphore_mem>>)
      %dma_start3A_123 = arith.constant 5 : i32
      %dma_start3A_124 = arith.constant 640 : i32
      %dma_start3A_125 = arith.constant 0 : i32
      %dma_start3A_126 = tpu.memref_slice %arg10[%dma_start3A_124, %dma_start3A_125] : memref<1024x32xf32, #tpu.memory_space<vmem>> -> memref<128x32xf32, #tpu.memory_space<vmem>>
      %dma_start3A_127 = arith.constant 0 : i32
      %dma_start3A_128 = tpu.memref_slice %arg8[%dma_start3A_123, %dma_start3A_127] : memref<8x128xi32, #tpu.memory_space<vmem>> -> memref<1x128xi32, #tpu.memory_space<vmem>>
      %dma_start3A_129 = tpu.memref_squeeze %dma_start3A_128 : memref<1x128xi32, #tpu.memory_space<vmem>> -> memref<128xi32, #tpu.memory_space<vmem>>
      %dma_start3A_130 = arith.constant 0 : i32
      %dma_start3A_131 = arith.constant 0 : i32
      %dma_start3A_132 = tpu.memref_slice %arg2[%dma_start3A_130, %dma_start3A_131] : memref<100000x32xf32, #tpu.memory_space<hbm>> -> memref<100000x32xf32, #tpu.memory_space<hbm>>
      tpu.enqueue_indirect_dma source(%dma_start3A_132 : memref<100000x32xf32, #tpu.memory_space<hbm>>) target(%dma_start3A_126 : memref<128x32xf32, #tpu.memory_space<vmem>>) offsets(%dma_start3A_129 : memref<128xi32, #tpu.memory_space<vmem>>) semaphore(%arg11 : memref<!tpu.dma_semaphore, #tpu.memory_space<semaphore_mem>>)
      %dma_start3A_133 = arith.constant 6 : i32
      %dma_start3A_134 = arith.constant 768 : i32
      %dma_start3A_135 = arith.constant 0 : i32
      %dma_start3A_136 = tpu.memref_slice %arg9[%dma_start3A_134, %dma_start3A_135] : memref<1024x32xf32, #tpu.memory_space<vmem>> -> memref<128x32xf32, #tpu.memory_space<vmem>>
      %dma_start3A_137 = arith.constant 0 : i32
      %dma_start3A_138 = tpu.memref_slice %arg7[%dma_start3A_133, %dma_start3A_137] : memref<8x128xi32, #tpu.memory_space<vmem>> -> memref<1x128xi32, #tpu.memory_space<vmem>>
      %dma_start3A_139 = tpu.memref_squeeze %dma_start3A_138 : memref<1x128xi32, #tpu.memory_space<vmem>> -> memref<128xi32, #tpu.memory_space<vmem>>
      %dma_start3A_140 = arith.constant 0 : i32
      %dma_start3A_141 = arith.constant 0 : i32
      %dma_start3A_142 = tpu.memref_slice %arg2[%dma_start3A_140, %dma_start3A_141] : memref<100000x32xf32, #tpu.memory_space<hbm>> -> memref<100000x32xf32, #tpu.memory_space<hbm>>
      tpu.enqueue_indirect_dma source(%dma_start3A_142 : memref<100000x32xf32, #tpu.memory_space<hbm>>) target(%dma_start3A_136 : memref<128x32xf32, #tpu.memory_space<vmem>>) offsets(%dma_start3A_139 : memref<128xi32, #tpu.memory_space<vmem>>) semaphore(%arg11 : memref<!tpu.dma_semaphore, #tpu.memory_space<semaphore_mem>>)
      %dma_start3A_143 = arith.constant 6 : i32
      %dma_start3A_144 = arith.constant 768 : i32
      %dma_start3A_145 = arith.constant 0 : i32
      %dma_start3A_146 = tpu.memref_slice %arg10[%dma_start3A_144, %dma_start3A_145] : memref<1024x32xf32, #tpu.memory_space<vmem>> -> memref<128x32xf32, #tpu.memory_space<vmem>>
      %dma_start3A_147 = arith.constant 0 : i32
      %dma_start3A_148 = tpu.memref_slice %arg8[%dma_start3A_143, %dma_start3A_147] : memref<8x128xi32, #tpu.memory_space<vmem>> -> memref<1x128xi32, #tpu.memory_space<vmem>>
      %dma_start3A_149 = tpu.memref_squeeze %dma_start3A_148 : memref<1x128xi32, #tpu.memory_space<vmem>> -> memref<128xi32, #tpu.memory_space<vmem>>
      %dma_start3A_150 = arith.constant 0 : i32
      %dma_start3A_151 = arith.constant 0 : i32
      %dma_start3A_152 = tpu.memref_slice %arg2[%dma_start3A_150, %dma_start3A_151] : memref<100000x32xf32, #tpu.memory_space<hbm>> -> memref<100000x32xf32, #tpu.memory_space<hbm>>
      tpu.enqueue_indirect_dma source(%dma_start3A_152 : memref<100000x32xf32, #tpu.memory_space<hbm>>) target(%dma_start3A_146 : memref<128x32xf32, #tpu.memory_space<vmem>>) offsets(%dma_start3A_149 : memref<128xi32, #tpu.memory_space<vmem>>) semaphore(%arg11 : memref<!tpu.dma_semaphore, #tpu.memory_space<semaphore_mem>>)
      %dma_start3A_153 = arith.constant 7 : i32
      %dma_start3A_154 = arith.constant 896 : i32
      %dma_start3A_155 = arith.constant 0 : i32
      %dma_start3A_156 = tpu.memref_slice %arg9[%dma_start3A_154, %dma_start3A_155] : memref<1024x32xf32, #tpu.memory_space<vmem>> -> memref<128x32xf32, #tpu.memory_space<vmem>>
      %dma_start3A_157 = arith.constant 0 : i32
      %dma_start3A_158 = tpu.memref_slice %arg7[%dma_start3A_153, %dma_start3A_157] : memref<8x128xi32, #tpu.memory_space<vmem>> -> memref<1x128xi32, #tpu.memory_space<vmem>>
      %dma_start3A_159 = tpu.memref_squeeze %dma_start3A_158 : memref<1x128xi32, #tpu.memory_space<vmem>> -> memref<128xi32, #tpu.memory_space<vmem>>
      %dma_start3A_160 = arith.constant 0 : i32
      %dma_start3A_161 = arith.constant 0 : i32
      %dma_start3A_162 = tpu.memref_slice %arg2[%dma_start3A_160, %dma_start3A_161] : memref<100000x32xf32, #tpu.memory_space<hbm>> -> memref<100000x32xf32, #tpu.memory_space<hbm>>
      tpu.enqueue_indirect_dma source(%dma_start3A_162 : memref<100000x32xf32, #tpu.memory_space<hbm>>) target(%dma_start3A_156 : memref<128x32xf32, #tpu.memory_space<vmem>>) offsets(%dma_start3A_159 : memref<128xi32, #tpu.memory_space<vmem>>) semaphore(%arg11 : memref<!tpu.dma_semaphore, #tpu.memory_space<semaphore_mem>>)
      %dma_start3A_163 = arith.constant 7 : i32
      %dma_start3A_164 = arith.constant 896 : i32
      %dma_start3A_165 = arith.constant 0 : i32
      %dma_start3A_166 = tpu.memref_slice %arg10[%dma_start3A_164, %dma_start3A_165] : memref<1024x32xf32, #tpu.memory_space<vmem>> -> memref<128x32xf32, #tpu.memory_space<vmem>>
      %dma_start3A_167 = arith.constant 0 : i32
      %dma_start3A_168 = tpu.memref_slice %arg8[%dma_start3A_163, %dma_start3A_167] : memref<8x128xi32, #tpu.memory_space<vmem>> -> memref<1x128xi32, #tpu.memory_space<vmem>>
      %dma_start3A_169 = tpu.memref_squeeze %dma_start3A_168 : memref<1x128xi32, #tpu.memory_space<vmem>> -> memref<128xi32, #tpu.memory_space<vmem>>
      %dma_start3A_170 = arith.constant 0 : i32
      %dma_start3A_171 = arith.constant 0 : i32
      %dma_start3A_172 = tpu.memref_slice %arg2[%dma_start3A_170, %dma_start3A_171] : memref<100000x32xf32, #tpu.memory_space<hbm>> -> memref<100000x32xf32, #tpu.memory_space<hbm>>
      tpu.enqueue_indirect_dma source(%dma_start3A_172 : memref<100000x32xf32, #tpu.memory_space<hbm>>) target(%dma_start3A_166 : memref<128x32xf32, #tpu.memory_space<vmem>>) offsets(%dma_start3A_169 : memref<128xi32, #tpu.memory_space<vmem>>) semaphore(%arg11 : memref<!tpu.dma_semaphore, #tpu.memory_space<semaphore_mem>>)
      %dma_wait3A = arith.constant 0 : i32
      %dma_wait3A_173 = arith.constant 0 : i32
      %dma_wait3A_174 = arith.constant 0 : i32
      %dma_wait3A_175 = tpu.memref_slice %arg9[%dma_wait3A_173, %dma_wait3A_174] : memref<1024x32xf32, #tpu.memory_space<vmem>> -> memref<128x32xf32, #tpu.memory_space<vmem>>
      %dma_wait3A_176 = arith.constant 0 : i32
      %dma_wait3A_177 = tpu.memref_slice %arg7[%dma_wait3A, %dma_wait3A_176] : memref<8x128xi32, #tpu.memory_space<vmem>> -> memref<1x128xi32, #tpu.memory_space<vmem>>
      %dma_wait3A_178 = tpu.memref_squeeze %dma_wait3A_177 : memref<1x128xi32, #tpu.memory_space<vmem>> -> memref<128xi32, #tpu.memory_space<vmem>>
      %dma_wait3A_179 = arith.constant 0 : i32
      %dma_wait3A_180 = arith.constant 0 : i32
      %dma_wait3A_181 = tpu.memref_slice %arg2[%dma_wait3A_179, %dma_wait3A_180] : memref<100000x32xf32, #tpu.memory_space<hbm>> -> memref<100000x32xf32, #tpu.memory_space<hbm>>
      tpu.wait_indirect_dma semaphore(%arg11 : memref<!tpu.dma_semaphore, #tpu.memory_space<semaphore_mem>>) src(%dma_wait3A_181 : memref<100000x32xf32, #tpu.memory_space<hbm>>) dst(%dma_wait3A_175 : memref<128x32xf32, #tpu.memory_space<vmem>>)
      %dma_wait3A_182 = arith.constant 0 : i32
      %dma_wait3A_183 = arith.constant 0 : i32
      %dma_wait3A_184 = arith.constant 0 : i32
      %dma_wait3A_185 = tpu.memref_slice %arg10[%dma_wait3A_183, %dma_wait3A_184] : memref<1024x32xf32, #tpu.memory_space<vmem>> -> memref<128x32xf32, #tpu.memory_space<vmem>>
      %dma_wait3A_186 = arith.constant 0 : i32
      %dma_wait3A_187 = tpu.memref_slice %arg8[%dma_wait3A_182, %dma_wait3A_186] : memref<8x128xi32, #tpu.memory_space<vmem>> -> memref<1x128xi32, #tpu.memory_space<vmem>>
      %dma_wait3A_188 = tpu.memref_squeeze %dma_wait3A_187 : memref<1x128xi32, #tpu.memory_space<vmem>> -> memref<128xi32, #tpu.memory_space<vmem>>
      %dma_wait3A_189 = arith.constant 0 : i32
      %dma_wait3A_190 = arith.constant 0 : i32
      %dma_wait3A_191 = tpu.memref_slice %arg2[%dma_wait3A_189, %dma_wait3A_190] : memref<100000x32xf32, #tpu.memory_space<hbm>> -> memref<100000x32xf32, #tpu.memory_space<hbm>>
      tpu.wait_indirect_dma semaphore(%arg11 : memref<!tpu.dma_semaphore, #tpu.memory_space<semaphore_mem>>) src(%dma_wait3A_191 : memref<100000x32xf32, #tpu.memory_space<hbm>>) dst(%dma_wait3A_185 : memref<128x32xf32, #tpu.memory_space<vmem>>)
      %dma_wait3A_192 = arith.constant 1 : i32
      %dma_wait3A_193 = arith.constant 128 : i32
      %dma_wait3A_194 = arith.constant 0 : i32
      %dma_wait3A_195 = tpu.memref_slice %arg9[%dma_wait3A_193, %dma_wait3A_194] : memref<1024x32xf32, #tpu.memory_space<vmem>> -> memref<128x32xf32, #tpu.memory_space<vmem>>
      %dma_wait3A_196 = arith.constant 0 : i32
      %dma_wait3A_197 = tpu.memref_slice %arg7[%dma_wait3A_192, %dma_wait3A_196] : memref<8x128xi32, #tpu.memory_space<vmem>> -> memref<1x128xi32, #tpu.memory_space<vmem>>
      %dma_wait3A_198 = tpu.memref_squeeze %dma_wait3A_197 : memref<1x128xi32, #tpu.memory_space<vmem>> -> memref<128xi32, #tpu.memory_space<vmem>>
      %dma_wait3A_199 = arith.constant 0 : i32
      %dma_wait3A_200 = arith.constant 0 : i32
      %dma_wait3A_201 = tpu.memref_slice %arg2[%dma_wait3A_199, %dma_wait3A_200] : memref<100000x32xf32, #tpu.memory_space<hbm>> -> memref<100000x32xf32, #tpu.memory_space<hbm>>
      tpu.wait_indirect_dma semaphore(%arg11 : memref<!tpu.dma_semaphore, #tpu.memory_space<semaphore_mem>>) src(%dma_wait3A_201 : memref<100000x32xf32, #tpu.memory_space<hbm>>) dst(%dma_wait3A_195 : memref<128x32xf32, #tpu.memory_space<vmem>>)
      %dma_wait3A_202 = arith.constant 1 : i32
      %dma_wait3A_203 = arith.constant 128 : i32
      %dma_wait3A_204 = arith.constant 0 : i32
      %dma_wait3A_205 = tpu.memref_slice %arg10[%dma_wait3A_203, %dma_wait3A_204] : memref<1024x32xf32, #tpu.memory_space<vmem>> -> memref<128x32xf32, #tpu.memory_space<vmem>>
      %dma_wait3A_206 = arith.constant 0 : i32
      %dma_wait3A_207 = tpu.memref_slice %arg8[%dma_wait3A_202, %dma_wait3A_206] : memref<8x128xi32, #tpu.memory_space<vmem>> -> memref<1x128xi32, #tpu.memory_space<vmem>>
      %dma_wait3A_208 = tpu.memref_squeeze %dma_wait3A_207 : memref<1x128xi32, #tpu.memory_space<vmem>> -> memref<128xi32, #tpu.memory_space<vmem>>
      %dma_wait3A_209 = arith.constant 0 : i32
      %dma_wait3A_210 = arith.constant 0 : i32
      %dma_wait3A_211 = tpu.memref_slice %arg2[%dma_wait3A_209, %dma_wait3A_210] : memref<100000x32xf32, #tpu.memory_space<hbm>> -> memref<100000x32xf32, #tpu.memory_space<hbm>>
      tpu.wait_indirect_dma semaphore(%arg11 : memref<!tpu.dma_semaphore, #tpu.memory_space<semaphore_mem>>) src(%dma_wait3A_211 : memref<100000x32xf32, #tpu.memory_space<hbm>>) dst(%dma_wait3A_205 : memref<128x32xf32, #tpu.memory_space<vmem>>)
      %dma_wait3A_212 = arith.constant 2 : i32
      %dma_wait3A_213 = arith.constant 256 : i32
      %dma_wait3A_214 = arith.constant 0 : i32
      %dma_wait3A_215 = tpu.memref_slice %arg9[%dma_wait3A_213, %dma_wait3A_214] : memref<1024x32xf32, #tpu.memory_space<vmem>> -> memref<128x32xf32, #tpu.memory_space<vmem>>
      %dma_wait3A_216 = arith.constant 0 : i32
      %dma_wait3A_217 = tpu.memref_slice %arg7[%dma_wait3A_212, %dma_wait3A_216] : memref<8x128xi32, #tpu.memory_space<vmem>> -> memref<1x128xi32, #tpu.memory_space<vmem>>
      %dma_wait3A_218 = tpu.memref_squeeze %dma_wait3A_217 : memref<1x128xi32, #tpu.memory_space<vmem>> -> memref<128xi32, #tpu.memory_space<vmem>>
      %dma_wait3A_219 = arith.constant 0 : i32
      %dma_wait3A_220 = arith.constant 0 : i32
      %dma_wait3A_221 = tpu.memref_slice %arg2[%dma_wait3A_219, %dma_wait3A_220] : memref<100000x32xf32, #tpu.memory_space<hbm>> -> memref<100000x32xf32, #tpu.memory_space<hbm>>
      tpu.wait_indirect_dma semaphore(%arg11 : memref<!tpu.dma_semaphore, #tpu.memory_space<semaphore_mem>>) src(%dma_wait3A_221 : memref<100000x32xf32, #tpu.memory_space<hbm>>) dst(%dma_wait3A_215 : memref<128x32xf32, #tpu.memory_space<vmem>>)
      %dma_wait3A_222 = arith.constant 2 : i32
      %dma_wait3A_223 = arith.constant 256 : i32
      %dma_wait3A_224 = arith.constant 0 : i32
      %dma_wait3A_225 = tpu.memref_slice %arg10[%dma_wait3A_223, %dma_wait3A_224] : memref<1024x32xf32, #tpu.memory_space<vmem>> -> memref<128x32xf32, #tpu.memory_space<vmem>>
      %dma_wait3A_226 = arith.constant 0 : i32
      %dma_wait3A_227 = tpu.memref_slice %arg8[%dma_wait3A_222, %dma_wait3A_226] : memref<8x128xi32, #tpu.memory_space<vmem>> -> memref<1x128xi32, #tpu.memory_space<vmem>>
      %dma_wait3A_228 = tpu.memref_squeeze %dma_wait3A_227 : memref<1x128xi32, #tpu.memory_space<vmem>> -> memref<128xi32, #tpu.memory_space<vmem>>
      %dma_wait3A_229 = arith.constant 0 : i32
      %dma_wait3A_230 = arith.constant 0 : i32
      %dma_wait3A_231 = tpu.memref_slice %arg2[%dma_wait3A_229, %dma_wait3A_230] : memref<100000x32xf32, #tpu.memory_space<hbm>> -> memref<100000x32xf32, #tpu.memory_space<hbm>>
      tpu.wait_indirect_dma semaphore(%arg11 : memref<!tpu.dma_semaphore, #tpu.memory_space<semaphore_mem>>) src(%dma_wait3A_231 : memref<100000x32xf32, #tpu.memory_space<hbm>>) dst(%dma_wait3A_225 : memref<128x32xf32, #tpu.memory_space<vmem>>)
      %dma_wait3A_232 = arith.constant 3 : i32
      %dma_wait3A_233 = arith.constant 384 : i32
      %dma_wait3A_234 = arith.constant 0 : i32
      %dma_wait3A_235 = tpu.memref_slice %arg9[%dma_wait3A_233, %dma_wait3A_234] : memref<1024x32xf32, #tpu.memory_space<vmem>> -> memref<128x32xf32, #tpu.memory_space<vmem>>
      %dma_wait3A_236 = arith.constant 0 : i32
      %dma_wait3A_237 = tpu.memref_slice %arg7[%dma_wait3A_232, %dma_wait3A_236] : memref<8x128xi32, #tpu.memory_space<vmem>> -> memref<1x128xi32, #tpu.memory_space<vmem>>
      %dma_wait3A_238 = tpu.memref_squeeze %dma_wait3A_237 : memref<1x128xi32, #tpu.memory_space<vmem>> -> memref<128xi32, #tpu.memory_space<vmem>>
      %dma_wait3A_239 = arith.constant 0 : i32
      %dma_wait3A_240 = arith.constant 0 : i32
      %dma_wait3A_241 = tpu.memref_slice %arg2[%dma_wait3A_239, %dma_wait3A_240] : memref<100000x32xf32, #tpu.memory_space<hbm>> -> memref<100000x32xf32, #tpu.memory_space<hbm>>
      tpu.wait_indirect_dma semaphore(%arg11 : memref<!tpu.dma_semaphore, #tpu.memory_space<semaphore_mem>>) src(%dma_wait3A_241 : memref<100000x32xf32, #tpu.memory_space<hbm>>) dst(%dma_wait3A_235 : memref<128x32xf32, #tpu.memory_space<vmem>>)
      %dma_wait3A_242 = arith.constant 3 : i32
      %dma_wait3A_243 = arith.constant 384 : i32
      %dma_wait3A_244 = arith.constant 0 : i32
      %dma_wait3A_245 = tpu.memref_slice %arg10[%dma_wait3A_243, %dma_wait3A_244] : memref<1024x32xf32, #tpu.memory_space<vmem>> -> memref<128x32xf32, #tpu.memory_space<vmem>>
      %dma_wait3A_246 = arith.constant 0 : i32
      %dma_wait3A_247 = tpu.memref_slice %arg8[%dma_wait3A_242, %dma_wait3A_246] : memref<8x128xi32, #tpu.memory_space<vmem>> -> memref<1x128xi32, #tpu.memory_space<vmem>>
      %dma_wait3A_248 = tpu.memref_squeeze %dma_wait3A_247 : memref<1x128xi32, #tpu.memory_space<vmem>> -> memref<128xi32, #tpu.memory_space<vmem>>
      %dma_wait3A_249 = arith.constant 0 : i32
      %dma_wait3A_250 = arith.constant 0 : i32
      %dma_wait3A_251 = tpu.memref_slice %arg2[%dma_wait3A_249, %dma_wait3A_250] : memref<100000x32xf32, #tpu.memory_space<hbm>> -> memref<100000x32xf32, #tpu.memory_space<hbm>>
      tpu.wait_indirect_dma semaphore(%arg11 : memref<!tpu.dma_semaphore, #tpu.memory_space<semaphore_mem>>) src(%dma_wait3A_251 : memref<100000x32xf32, #tpu.memory_space<hbm>>) dst(%dma_wait3A_245 : memref<128x32xf32, #tpu.memory_space<vmem>>)
      %dma_wait3A_252 = arith.constant 4 : i32
      %dma_wait3A_253 = arith.constant 512 : i32
      %dma_wait3A_254 = arith.constant 0 : i32
      %dma_wait3A_255 = tpu.memref_slice %arg9[%dma_wait3A_253, %dma_wait3A_254] : memref<1024x32xf32, #tpu.memory_space<vmem>> -> memref<128x32xf32, #tpu.memory_space<vmem>>
      %dma_wait3A_256 = arith.constant 0 : i32
      %dma_wait3A_257 = tpu.memref_slice %arg7[%dma_wait3A_252, %dma_wait3A_256] : memref<8x128xi32, #tpu.memory_space<vmem>> -> memref<1x128xi32, #tpu.memory_space<vmem>>
      %dma_wait3A_258 = tpu.memref_squeeze %dma_wait3A_257 : memref<1x128xi32, #tpu.memory_space<vmem>> -> memref<128xi32, #tpu.memory_space<vmem>>
      %dma_wait3A_259 = arith.constant 0 : i32
      %dma_wait3A_260 = arith.constant 0 : i32
      %dma_wait3A_261 = tpu.memref_slice %arg2[%dma_wait3A_259, %dma_wait3A_260] : memref<100000x32xf32, #tpu.memory_space<hbm>> -> memref<100000x32xf32, #tpu.memory_space<hbm>>
      tpu.wait_indirect_dma semaphore(%arg11 : memref<!tpu.dma_semaphore, #tpu.memory_space<semaphore_mem>>) src(%dma_wait3A_261 : memref<100000x32xf32, #tpu.memory_space<hbm>>) dst(%dma_wait3A_255 : memref<128x32xf32, #tpu.memory_space<vmem>>)
      %dma_wait3A_262 = arith.constant 4 : i32
      %dma_wait3A_263 = arith.constant 512 : i32
      %dma_wait3A_264 = arith.constant 0 : i32
      %dma_wait3A_265 = tpu.memref_slice %arg10[%dma_wait3A_263, %dma_wait3A_264] : memref<1024x32xf32, #tpu.memory_space<vmem>> -> memref<128x32xf32, #tpu.memory_space<vmem>>
      %dma_wait3A_266 = arith.constant 0 : i32
      %dma_wait3A_267 = tpu.memref_slice %arg8[%dma_wait3A_262, %dma_wait3A_266] : memref<8x128xi32, #tpu.memory_space<vmem>> -> memref<1x128xi32, #tpu.memory_space<vmem>>
      %dma_wait3A_268 = tpu.memref_squeeze %dma_wait3A_267 : memref<1x128xi32, #tpu.memory_space<vmem>> -> memref<128xi32, #tpu.memory_space<vmem>>
      %dma_wait3A_269 = arith.constant 0 : i32
      %dma_wait3A_270 = arith.constant 0 : i32
      %dma_wait3A_271 = tpu.memref_slice %arg2[%dma_wait3A_269, %dma_wait3A_270] : memref<100000x32xf32, #tpu.memory_space<hbm>> -> memref<100000x32xf32, #tpu.memory_space<hbm>>
      tpu.wait_indirect_dma semaphore(%arg11 : memref<!tpu.dma_semaphore, #tpu.memory_space<semaphore_mem>>) src(%dma_wait3A_271 : memref<100000x32xf32, #tpu.memory_space<hbm>>) dst(%dma_wait3A_265 : memref<128x32xf32, #tpu.memory_space<vmem>>)
      %dma_wait3A_272 = arith.constant 5 : i32
      %dma_wait3A_273 = arith.constant 640 : i32
      %dma_wait3A_274 = arith.constant 0 : i32
      %dma_wait3A_275 = tpu.memref_slice %arg9[%dma_wait3A_273, %dma_wait3A_274] : memref<1024x32xf32, #tpu.memory_space<vmem>> -> memref<128x32xf32, #tpu.memory_space<vmem>>
      %dma_wait3A_276 = arith.constant 0 : i32
      %dma_wait3A_277 = tpu.memref_slice %arg7[%dma_wait3A_272, %dma_wait3A_276] : memref<8x128xi32, #tpu.memory_space<vmem>> -> memref<1x128xi32, #tpu.memory_space<vmem>>
      %dma_wait3A_278 = tpu.memref_squeeze %dma_wait3A_277 : memref<1x128xi32, #tpu.memory_space<vmem>> -> memref<128xi32, #tpu.memory_space<vmem>>
      %dma_wait3A_279 = arith.constant 0 : i32
      %dma_wait3A_280 = arith.constant 0 : i32
      %dma_wait3A_281 = tpu.memref_slice %arg2[%dma_wait3A_279, %dma_wait3A_280] : memref<100000x32xf32, #tpu.memory_space<hbm>> -> memref<100000x32xf32, #tpu.memory_space<hbm>>
      tpu.wait_indirect_dma semaphore(%arg11 : memref<!tpu.dma_semaphore, #tpu.memory_space<semaphore_mem>>) src(%dma_wait3A_281 : memref<100000x32xf32, #tpu.memory_space<hbm>>) dst(%dma_wait3A_275 : memref<128x32xf32, #tpu.memory_space<vmem>>)
      %dma_wait3A_282 = arith.constant 5 : i32
      %dma_wait3A_283 = arith.constant 640 : i32
      %dma_wait3A_284 = arith.constant 0 : i32
      %dma_wait3A_285 = tpu.memref_slice %arg10[%dma_wait3A_283, %dma_wait3A_284] : memref<1024x32xf32, #tpu.memory_space<vmem>> -> memref<128x32xf32, #tpu.memory_space<vmem>>
      %dma_wait3A_286 = arith.constant 0 : i32
      %dma_wait3A_287 = tpu.memref_slice %arg8[%dma_wait3A_282, %dma_wait3A_286] : memref<8x128xi32, #tpu.memory_space<vmem>> -> memref<1x128xi32, #tpu.memory_space<vmem>>
      %dma_wait3A_288 = tpu.memref_squeeze %dma_wait3A_287 : memref<1x128xi32, #tpu.memory_space<vmem>> -> memref<128xi32, #tpu.memory_space<vmem>>
      %dma_wait3A_289 = arith.constant 0 : i32
      %dma_wait3A_290 = arith.constant 0 : i32
      %dma_wait3A_291 = tpu.memref_slice %arg2[%dma_wait3A_289, %dma_wait3A_290] : memref<100000x32xf32, #tpu.memory_space<hbm>> -> memref<100000x32xf32, #tpu.memory_space<hbm>>
      tpu.wait_indirect_dma semaphore(%arg11 : memref<!tpu.dma_semaphore, #tpu.memory_space<semaphore_mem>>) src(%dma_wait3A_291 : memref<100000x32xf32, #tpu.memory_space<hbm>>) dst(%dma_wait3A_285 : memref<128x32xf32, #tpu.memory_space<vmem>>)
      %dma_wait3A_292 = arith.constant 6 : i32
      %dma_wait3A_293 = arith.constant 768 : i32
      %dma_wait3A_294 = arith.constant 0 : i32
      %dma_wait3A_295 = tpu.memref_slice %arg9[%dma_wait3A_293, %dma_wait3A_294] : memref<1024x32xf32, #tpu.memory_space<vmem>> -> memref<128x32xf32, #tpu.memory_space<vmem>>
      %dma_wait3A_296 = arith.constant 0 : i32
      %dma_wait3A_297 = tpu.memref_slice %arg7[%dma_wait3A_292, %dma_wait3A_296] : memref<8x128xi32, #tpu.memory_space<vmem>> -> memref<1x128xi32, #tpu.memory_space<vmem>>
      %dma_wait3A_298 = tpu.memref_squeeze %dma_wait3A_297 : memref<1x128xi32, #tpu.memory_space<vmem>> -> memref<128xi32, #tpu.memory_space<vmem>>
      %dma_wait3A_299 = arith.constant 0 : i32
      %dma_wait3A_300 = arith.constant 0 : i32
      %dma_wait3A_301 = tpu.memref_slice %arg2[%dma_wait3A_299, %dma_wait3A_300] : memref<100000x32xf32, #tpu.memory_space<hbm>> -> memref<100000x32xf32, #tpu.memory_space<hbm>>
      tpu.wait_indirect_dma semaphore(%arg11 : memref<!tpu.dma_semaphore, #tpu.memory_space<semaphore_mem>>) src(%dma_wait3A_301 : memref<100000x32xf32, #tpu.memory_space<hbm>>) dst(%dma_wait3A_295 : memref<128x32xf32, #tpu.memory_space<vmem>>)
      %dma_wait3A_302 = arith.constant 6 : i32
      %dma_wait3A_303 = arith.constant 768 : i32
      %dma_wait3A_304 = arith.constant 0 : i32
      %dma_wait3A_305 = tpu.memref_slice %arg10[%dma_wait3A_303, %dma_wait3A_304] : memref<1024x32xf32, #tpu.memory_space<vmem>> -> memref<128x32xf32, #tpu.memory_space<vmem>>
      %dma_wait3A_306 = arith.constant 0 : i32
      %dma_wait3A_307 = tpu.memref_slice %arg8[%dma_wait3A_302, %dma_wait3A_306] : memref<8x128xi32, #tpu.memory_space<vmem>> -> memref<1x128xi32, #tpu.memory_space<vmem>>
      %dma_wait3A_308 = tpu.memref_squeeze %dma_wait3A_307 : memref<1x128xi32, #tpu.memory_space<vmem>> -> memref<128xi32, #tpu.memory_space<vmem>>
      %dma_wait3A_309 = arith.constant 0 : i32
      %dma_wait3A_310 = arith.constant 0 : i32
      %dma_wait3A_311 = tpu.memref_slice %arg2[%dma_wait3A_309, %dma_wait3A_310] : memref<100000x32xf32, #tpu.memory_space<hbm>> -> memref<100000x32xf32, #tpu.memory_space<hbm>>
      tpu.wait_indirect_dma semaphore(%arg11 : memref<!tpu.dma_semaphore, #tpu.memory_space<semaphore_mem>>) src(%dma_wait3A_311 : memref<100000x32xf32, #tpu.memory_space<hbm>>) dst(%dma_wait3A_305 : memref<128x32xf32, #tpu.memory_space<vmem>>)
      %dma_wait3A_312 = arith.constant 7 : i32
      %dma_wait3A_313 = arith.constant 896 : i32
      %dma_wait3A_314 = arith.constant 0 : i32
      %dma_wait3A_315 = tpu.memref_slice %arg9[%dma_wait3A_313, %dma_wait3A_314] : memref<1024x32xf32, #tpu.memory_space<vmem>> -> memref<128x32xf32, #tpu.memory_space<vmem>>
      %dma_wait3A_316 = arith.constant 0 : i32
      %dma_wait3A_317 = tpu.memref_slice %arg7[%dma_wait3A_312, %dma_wait3A_316] : memref<8x128xi32, #tpu.memory_space<vmem>> -> memref<1x128xi32, #tpu.memory_space<vmem>>
      %dma_wait3A_318 = tpu.memref_squeeze %dma_wait3A_317 : memref<1x128xi32, #tpu.memory_space<vmem>> -> memref<128xi32, #tpu.memory_space<vmem>>
      %dma_wait3A_319 = arith.constant 0 : i32
      %dma_wait3A_320 = arith.constant 0 : i32
      %dma_wait3A_321 = tpu.memref_slice %arg2[%dma_wait3A_319, %dma_wait3A_320] : memref<100000x32xf32, #tpu.memory_space<hbm>> -> memref<100000x32xf32, #tpu.memory_space<hbm>>
      tpu.wait_indirect_dma semaphore(%arg11 : memref<!tpu.dma_semaphore, #tpu.memory_space<semaphore_mem>>) src(%dma_wait3A_321 : memref<100000x32xf32, #tpu.memory_space<hbm>>) dst(%dma_wait3A_315 : memref<128x32xf32, #tpu.memory_space<vmem>>)
      %dma_wait3A_322 = arith.constant 7 : i32
      %dma_wait3A_323 = arith.constant 896 : i32
      %dma_wait3A_324 = arith.constant 0 : i32
      %dma_wait3A_325 = tpu.memref_slice %arg10[%dma_wait3A_323, %dma_wait3A_324] : memref<1024x32xf32, #tpu.memory_space<vmem>> -> memref<128x32xf32, #tpu.memory_space<vmem>>
      %dma_wait3A_326 = arith.constant 0 : i32
      %dma_wait3A_327 = tpu.memref_slice %arg8[%dma_wait3A_322, %dma_wait3A_326] : memref<8x128xi32, #tpu.memory_space<vmem>> -> memref<1x128xi32, #tpu.memory_space<vmem>>
      %dma_wait3A_328 = tpu.memref_squeeze %dma_wait3A_327 : memref<1x128xi32, #tpu.memory_space<vmem>> -> memref<128xi32, #tpu.memory_space<vmem>>
      %dma_wait3A_329 = arith.constant 0 : i32
      %dma_wait3A_330 = arith.constant 0 : i32
      %dma_wait3A_331 = tpu.memref_slice %arg2[%dma_wait3A_329, %dma_wait3A_330] : memref<100000x32xf32, #tpu.memory_space<hbm>> -> memref<100000x32xf32, #tpu.memory_space<hbm>>
      tpu.wait_indirect_dma semaphore(%arg11 : memref<!tpu.dma_semaphore, #tpu.memory_space<semaphore_mem>>) src(%dma_wait3A_331 : memref<100000x32xf32, #tpu.memory_space<hbm>>) dst(%dma_wait3A_325 : memref<128x32xf32, #tpu.memory_space<vmem>>)
      %mul3A_332 = arith.constant 1024 : i32
      %mul3A_333 = arith.muli %scan3A_10, %mul3A_332 : i32
      %add3A_334 = arith.addi %mul3A_4, %mul3A_333 : i32
      "tpu.region"() ({
        %run_scoped3A = tpu.sem_alloc : memref<!tpu.dma_semaphore, #tpu.memory_space<semaphore_mem>>
        %dma_start3A_335 = arith.constant 0 : i32
        %dma_start3A_336 = tpu.memref_slice %arg5[%add3A_334, %dma_start3A_335] : memref<1605632x32xf32, #tpu.memory_space<hbm>> -> memref<1024x32xf32, #tpu.memory_space<hbm>>
        %dma_start3A_337 = arith.constant 0 : i32
        %dma_start3A_338 = tpu.memref_slice %arg5[%add3A_334, %dma_start3A_337] : memref<1605632x32xf32, #tpu.memory_space<hbm>> -> memref<1024x32xf32, #tpu.memory_space<hbm>>
        tpu.enqueue_dma source(%arg9 : memref<1024x32xf32, #tpu.memory_space<vmem>>) target(%dma_start3A_338 : memref<1024x32xf32, #tpu.memory_space<hbm>>) target_semaphore(%run_scoped3A : memref<!tpu.dma_semaphore, #tpu.memory_space<semaphore_mem>>)
        %dma_wait3A_339 = arith.constant 0 : i32
        %dma_wait3A_340 = tpu.memref_slice %arg5[%add3A_334, %dma_wait3A_339] : memref<1605632x32xf32, #tpu.memory_space<hbm>> -> memref<1024x32xf32, #tpu.memory_space<hbm>>
        %dma_wait3A_341 = arith.constant 0 : i32
        %dma_wait3A_342 = tpu.memref_slice %arg5[%add3A_334, %dma_wait3A_341] : memref<1605632x32xf32, #tpu.memory_space<hbm>> -> memref<1024x32xf32, #tpu.memory_space<hbm>>
        tpu.wait_dma2 semaphore(%run_scoped3A : memref<!tpu.dma_semaphore, #tpu.memory_space<semaphore_mem>>) src(%arg9 : memref<1024x32xf32, #tpu.memory_space<vmem>>) dst(%dma_wait3A_342 : memref<1024x32xf32, #tpu.memory_space<hbm>>)
        tpu.yield
      }) : () -> ()
      "tpu.region"() ({
        %run_scoped3A = tpu.sem_alloc : memref<!tpu.dma_semaphore, #tpu.memory_space<semaphore_mem>>
        %dma_start3A_335 = arith.constant 0 : i32
        %dma_start3A_336 = tpu.memref_slice %arg6[%add3A_334, %dma_start3A_335] : memref<1605632x32xf32, #tpu.memory_space<hbm>> -> memref<1024x32xf32, #tpu.memory_space<hbm>>
        %dma_start3A_337 = arith.constant 0 : i32
        %dma_start3A_338 = tpu.memref_slice %arg6[%add3A_334, %dma_start3A_337] : memref<1605632x32xf32, #tpu.memory_space<hbm>> -> memref<1024x32xf32, #tpu.memory_space<hbm>>
        tpu.enqueue_dma source(%arg10 : memref<1024x32xf32, #tpu.memory_space<vmem>>) target(%dma_start3A_338 : memref<1024x32xf32, #tpu.memory_space<hbm>>) target_semaphore(%run_scoped3A : memref<!tpu.dma_semaphore, #tpu.memory_space<semaphore_mem>>)
        %dma_wait3A_339 = arith.constant 0 : i32
        %dma_wait3A_340 = tpu.memref_slice %arg6[%add3A_334, %dma_wait3A_339] : memref<1605632x32xf32, #tpu.memory_space<hbm>> -> memref<1024x32xf32, #tpu.memory_space<hbm>>
        %dma_wait3A_341 = arith.constant 0 : i32
        %dma_wait3A_342 = tpu.memref_slice %arg6[%add3A_334, %dma_wait3A_341] : memref<1605632x32xf32, #tpu.memory_space<hbm>> -> memref<1024x32xf32, #tpu.memory_space<hbm>>
        tpu.wait_dma2 semaphore(%run_scoped3A : memref<!tpu.dma_semaphore, #tpu.memory_space<semaphore_mem>>) src(%arg10 : memref<1024x32xf32, #tpu.memory_space<vmem>>) dst(%dma_wait3A_342 : memref<1024x32xf32, #tpu.memory_space<hbm>>)
        tpu.yield
      }) : () -> ()
    }
    %scan3A_9 = arith.constant 49 : i32
    return
  }
}

module attributes {stable_mosaic.version = 14 : i64} {
  func.func @_tbl_body(%arg0: i32, %arg1: memref<1000x16xf32, #tpu.memory_space<vmem>>, %arg2: memref<1000x8xf32, #tpu.memory_space<vmem>>, %arg3: memref<1000x2xf32, #tpu.memory_space<vmem>>, %arg4: memref<1000x1xf32, #tpu.memory_space<vmem>>, %arg5: memref<1000x32xf32, #tpu.memory_space<vmem>>) attributes {dimension_semantics = [#tpu.dimension_semantics<arbitrary>], iteration_bounds = array<i64: 100>, scalar_prefetch = 0 : i64, scratch_operands = 0 : i64, tpu.core_type = #tpu.core_type<tc>, window_params = [{transform_indices = @transform_0, window_bounds = array<i64: 1000, 16>}, {transform_indices = @transform_1, window_bounds = array<i64: 1000, 8>}, {transform_indices = @transform_2, window_bounds = array<i64: 1000, 2>}, {transform_indices = @transform_3, window_bounds = array<i64: 1000, 1>}, {transform_indices = @transform_4, window_bounds = array<i64: 1000, 32>}]} {
    %get3A = arith.constant 0 : index
    %get3A_0 = arith.constant 0 : index
    %get3A_1 = vector.load %arg4[%get3A, %get3A_0] : memref<1000x1xf32, #tpu.memory_space<vmem>>, vector<1000x1xf32>
    %mul3A = arith.constant 2.000000e+00 : f32
    %mul3A_2 = vector.broadcast %mul3A : f32 to vector<1000x1xf32>
    %mul3A_3 = arith.mulf %mul3A_2, %get3A_1 : vector<1000x1xf32>
    %get3A_4 = arith.constant 0 : index
    %get3A_5 = arith.constant 0 : index
    %get3A_6 = vector.load %arg1[%get3A_4, %get3A_5] : memref<1000x16xf32, #tpu.memory_space<vmem>>, vector<1000x16xf32>
    %get3A_7 = arith.constant 0 : index
    %get3A_8 = arith.constant 0 : index
    %get3A_9 = vector.load %arg2[%get3A_7, %get3A_8] : memref<1000x8xf32, #tpu.memory_space<vmem>>, vector<1000x8xf32>
    %get3A_10 = arith.constant 0 : index
    %get3A_11 = arith.constant 0 : index
    %get3A_12 = vector.load %arg3[%get3A_10, %get3A_11] : memref<1000x2xf32, #tpu.memory_space<vmem>>, vector<1000x2xf32>
    %cos3A = math.cos %mul3A_3 : vector<1000x1xf32>
    %sin3A = math.sin %mul3A_3 : vector<1000x1xf32>
    %broadcast_in_dim3A = arith.constant 0.000000e+00 : f32
    %broadcast_in_dim3A_13 = vector.broadcast %broadcast_in_dim3A : f32 to vector<1000x4xf32>
    %concatenate3A = tpu.concatenate %get3A_6, %get3A_9, %get3A_12, %cos3A, %sin3A, %broadcast_in_dim3A_13 in 1 : vector<1000x16xf32>, vector<1000x8xf32>, vector<1000x2xf32>, vector<1000x1xf32>, vector<1000x1xf32>, vector<1000x4xf32> -> vector<1000x32xf32>
    %swap3A = arith.constant 0 : index
    %swap3A_14 = arith.constant 0 : index
    %swap3A_15 = vector.load %arg5[%swap3A, %swap3A_14] : memref<1000x32xf32, #tpu.memory_space<vmem>>, vector<1000x32xf32>
    tpu.vector_store %arg5[%swap3A, %swap3A_14], %concatenate3A {strides = array<i32>} : memref<1000x32xf32, #tpu.memory_space<vmem>>, vector<1000x32xf32>,
    return
  }
  func.func @transform_0(%arg0: i32) -> (i32, i32) {
    %c0_i32 = arith.constant 0 : i32
    %c0_i32_0 = arith.constant 0 : i32
    return %arg0, %c0_i32 : i32, i32
  }
  func.func @transform_1(%arg0: i32) -> (i32, i32) {
    %c0_i32 = arith.constant 0 : i32
    %c0_i32_0 = arith.constant 0 : i32
    return %arg0, %c0_i32 : i32, i32
  }
  func.func @transform_2(%arg0: i32) -> (i32, i32) {
    %c0_i32 = arith.constant 0 : i32
    %c0_i32_0 = arith.constant 0 : i32
    return %arg0, %c0_i32 : i32, i32
  }
  func.func @transform_3(%arg0: i32) -> (i32, i32) {
    %c0_i32 = arith.constant 0 : i32
    %c0_i32_0 = arith.constant 0 : i32
    return %arg0, %c0_i32 : i32, i32
  }
  func.func @transform_4(%arg0: i32) -> (i32, i32) {
    %c0_i32 = arith.constant 0 : i32
    %c0_i32_0 = arith.constant 0 : i32
    return %arg0, %c0_i32 : i32, i32
  }
}

module attributes {stable_mosaic.version = 14 : i64} {
  func.func @_mlp_body(%arg0: i32, %arg1: memref<2048x32xf32, #tpu.memory_space<vmem>>, %arg2: memref<2048x32xf32, #tpu.memory_space<vmem>>, %arg3: memref<96x32xf32, #tpu.memory_space<vmem>>, %arg4: memref<96x32xf32, #tpu.memory_space<vmem>>, %arg5: memref<32x128xf32, #tpu.memory_space<vmem>>, %arg6: memref<8x32xf32, #tpu.memory_space<vmem>>, %arg7: memref<32x32xf32, #tpu.memory_space<vmem>>, %arg8: memref<2048x32xf32, #tpu.memory_space<vmem>>) attributes {dimension_semantics = [#tpu.dimension_semantics<arbitrary>], iteration_bounds = array<i64: 784>, scalar_prefetch = 0 : i64, scratch_operands = 0 : i64, tpu.core_type = #tpu.core_type<tc>, window_params = [{transform_indices = @transform_0, window_bounds = array<i64: 2048, 32>}, {transform_indices = @transform_1, window_bounds = array<i64: 2048, 32>}, {pipeline_mode = #tpu.pipeline_mode<synchronous>, transform_indices = @transform_2, window_bounds = array<i64: 96, 32>}, {pipeline_mode = #tpu.pipeline_mode<synchronous>, transform_indices = @transform_3, window_bounds = array<i64: 96, 32>}, {pipeline_mode = #tpu.pipeline_mode<synchronous>, transform_indices = @transform_4, window_bounds = array<i64: 32, 128>}, {pipeline_mode = #tpu.pipeline_mode<synchronous>, transform_indices = @transform_5, window_bounds = array<i64: 8, 32>}, {pipeline_mode = #tpu.pipeline_mode<synchronous>, transform_indices = @transform_6, window_bounds = array<i64: 32, 32>}, {transform_indices = @transform_7, window_bounds = array<i64: 2048, 32>}]} {
    %get3A = arith.constant 0 : index
    %get3A_0 = arith.constant 0 : index
    %get3A_1 = vector.load %arg1[%get3A, %get3A_0] : memref<2048x32xf32, #tpu.memory_space<vmem>>, vector<2048x32xf32>
    %transpose3A = tpu.transpose %get3A_1, [1, 0] : vector<2048x32xf32> -> vector<32x2048xf32>
    %get3A_2 = arith.constant 0 : index
    %get3A_3 = arith.constant 0 : index
    %get3A_4 = vector.load %arg2[%get3A_2, %get3A_3] : memref<2048x32xf32, #tpu.memory_space<vmem>>, vector<2048x32xf32>
    %transpose3A_5 = tpu.transpose %get3A_4, [1, 0] : vector<2048x32xf32> -> vector<32x2048xf32>
    %get3A_6 = arith.constant 0 : index
    %get3A_7 = arith.constant 0 : index
    %get3A_8 = vector.load %arg3[%get3A_6, %get3A_7] : memref<96x32xf32, #tpu.memory_space<vmem>>, vector<96x32xf32>
    %dot_general3A = arith.constant dense<0.000000e+00> : vector<96x2048xf32>
    %dot_general3A_9 = tpu.matmul %get3A_8, %transpose3A, %dot_general3A {dimension_numbers = #tpu.dot_dimension_numbers<[1], [0], [0], [1], [0, 0, 1, 1], [], []>, transpose_lhs_hint = false} : vector<96x32xf32>, vector<32x2048xf32>, vector<96x2048xf32> -> vector<96x2048xf32>
    %get3A_10 = arith.constant 0 : index
    %get3A_11 = arith.constant 0 : index
    %get3A_12 = vector.load %arg4[%get3A_10, %get3A_11] : memref<96x32xf32, #tpu.memory_space<vmem>>, vector<96x32xf32>
    %dot_general3A_13 = arith.constant dense<0.000000e+00> : vector<96x2048xf32>
    %dot_general3A_14 = tpu.matmul %get3A_12, %transpose3A_5, %dot_general3A_13 {dimension_numbers = #tpu.dot_dimension_numbers<[1], [0], [0], [1], [0, 0, 1, 1], [], []>, transpose_lhs_hint = false} : vector<96x32xf32>, vector<32x2048xf32>, vector<96x2048xf32> -> vector<96x2048xf32>
    %add3A = arith.addf %dot_general3A_9, %dot_general3A_14 : vector<96x2048xf32>
    %slice3A = vector.extract_strided_slice %transpose3A {offsets = [24, 0], sizes = [1, 2048], strides = [1, 1]} : vector<32x2048xf32> to vector<1x2048xf32>
    %slice3A_15 = vector.extract_strided_slice %transpose3A_5 {offsets = [24, 0], sizes = [1, 2048], strides = [1, 1]} : vector<32x2048xf32> to vector<1x2048xf32>
    %sub3A = arith.subf %slice3A, %slice3A_15 : vector<1x2048xf32>
    %slice3A_16 = vector.extract_strided_slice %transpose3A {offsets = [25, 0], sizes = [1, 2048], strides = [1, 1]} : vector<32x2048xf32> to vector<1x2048xf32>
    %slice3A_17 = vector.extract_strided_slice %transpose3A_5 {offsets = [25, 0], sizes = [1, 2048], strides = [1, 1]} : vector<32x2048xf32> to vector<1x2048xf32>
    %sub3A_18 = arith.subf %slice3A_16, %slice3A_17 : vector<1x2048xf32>
    %slice3A_19 = vector.extract_strided_slice %transpose3A {offsets = [26, 0], sizes = [1, 2048], strides = [1, 1]} : vector<32x2048xf32> to vector<1x2048xf32>
    %slice3A_20 = vector.extract_strided_slice %transpose3A {offsets = [27, 0], sizes = [1, 2048], strides = [1, 1]} : vector<32x2048xf32> to vector<1x2048xf32>
    %slice3A_21 = vector.extract_strided_slice %transpose3A_5 {offsets = [26, 0], sizes = [1, 2048], strides = [1, 1]} : vector<32x2048xf32> to vector<1x2048xf32>
    %slice3A_22 = vector.extract_strided_slice %transpose3A_5 {offsets = [27, 0], sizes = [1, 2048], strides = [1, 1]} : vector<32x2048xf32> to vector<1x2048xf32>
    %mul3A = arith.mulf %sub3A, %sub3A : vector<1x2048xf32>
    %mul3A_23 = arith.mulf %sub3A_18, %sub3A_18 : vector<1x2048xf32>
    %add3A_24 = arith.addf %mul3A, %mul3A_23 : vector<1x2048xf32>
    %sqrt3A = math.sqrt %add3A_24 : vector<1x2048xf32>
    %add3A_25 = arith.constant 9.99999997E-7 : f32
    %add3A_26 = vector.broadcast %add3A_25 : f32 to vector<1x2048xf32>
    %add3A_27 = arith.addf %sqrt3A, %add3A_26 : vector<1x2048xf32>
    %gt3A = arith.constant 0.000000e+00 : f32
    %gt3A_28 = vector.broadcast %gt3A : f32 to vector<1x2048xf32>
    %gt3A_29 = arith.cmpf ogt, %add3A_24, %gt3A_28 : vector<1x2048xf32>
    %jit3A = arith.constant 1.000000e+00 : f32
    %broadcast_in_dim3A = vector.broadcast %jit3A : f32 to vector<1x2048xf32>
    %select_n3A = arith.select %gt3A_29, %add3A_24, %broadcast_in_dim3A : vector<1x2048xi1>, vector<1x2048xf32>
    %div3A = arith.constant 1.000000e+00 : f32
    %div3A_30 = vector.broadcast %div3A : f32 to vector<1x2048xf32>
    %div3A_31 = arith.divf %div3A_30, %select_n3A : vector<1x2048xf32>
    %jit3A_32 = arith.constant 0.000000e+00 : f32
    %broadcast_in_dim3A_33 = vector.broadcast %jit3A_32 : f32 to vector<1x2048xf32>
    %select_n3A_34 = arith.select %gt3A_29, %div3A_31, %broadcast_in_dim3A_33 : vector<1x2048xi1>, vector<1x2048xf32>
    %mul3A_35 = arith.mulf %sub3A, %sub3A : vector<1x2048xf32>
    %mul3A_36 = arith.mulf %sub3A_18, %sub3A_18 : vector<1x2048xf32>
    %sub3A_37 = arith.subf %mul3A_35, %mul3A_36 : vector<1x2048xf32>
    %mul3A_38 = arith.mulf %sub3A_37, %select_n3A_34 : vector<1x2048xf32>
    %jit3A_39 = arith.constant 1.000000e+00 : f32
    %broadcast_in_dim3A_40 = vector.broadcast %jit3A_39 : f32 to vector<1x2048xf32>
    %select_n3A_41 = arith.select %gt3A_29, %mul3A_38, %broadcast_in_dim3A_40 : vector<1x2048xi1>, vector<1x2048xf32>
    %mul3A_42 = arith.constant 2.000000e+00 : f32
    %mul3A_43 = vector.broadcast %mul3A_42 : f32 to vector<1x2048xf32>
    %mul3A_44 = arith.mulf %mul3A_43, %sub3A : vector<1x2048xf32>
    %mul3A_45 = arith.mulf %mul3A_44, %sub3A_18 : vector<1x2048xf32>
    %mul3A_46 = arith.mulf %mul3A_45, %select_n3A_34 : vector<1x2048xf32>
    %jit3A_47 = arith.constant 0.000000e+00 : f32
    %broadcast_in_dim3A_48 = vector.broadcast %jit3A_47 : f32 to vector<1x2048xf32>
    %select_n3A_49 = arith.select %gt3A_29, %mul3A_46, %broadcast_in_dim3A_48 : vector<1x2048xi1>, vector<1x2048xf32>
    %mul3A_50 = arith.mulf %slice3A_19, %slice3A_21 : vector<1x2048xf32>
    %mul3A_51 = arith.mulf %slice3A_20, %slice3A_22 : vector<1x2048xf32>
    %add3A_52 = arith.addf %mul3A_50, %mul3A_51 : vector<1x2048xf32>
    %mul3A_53 = arith.mulf %slice3A_20, %slice3A_21 : vector<1x2048xf32>
    %mul3A_54 = arith.mulf %slice3A_19, %slice3A_22 : vector<1x2048xf32>
    %sub3A_55 = arith.subf %mul3A_53, %mul3A_54 : vector<1x2048xf32>
    %mul3A_56 = arith.mulf %select_n3A_41, %slice3A_21 : vector<1x2048xf32>
    %mul3A_57 = arith.mulf %select_n3A_49, %slice3A_22 : vector<1x2048xf32>
    %add3A_58 = arith.addf %mul3A_56, %mul3A_57 : vector<1x2048xf32>
    %mul3A_59 = arith.mulf %select_n3A_49, %slice3A_21 : vector<1x2048xf32>
    %mul3A_60 = arith.mulf %select_n3A_41, %slice3A_22 : vector<1x2048xf32>
    %sub3A_61 = arith.subf %mul3A_59, %mul3A_60 : vector<1x2048xf32>
    %get3A_62 = arith.constant 0 : index
    %get3A_63 = arith.constant 0 : index
    %get3A_64 = vector.load %arg5[%get3A_62, %get3A_63] : memref<32x128xf32, #tpu.memory_space<vmem>>, vector<32x128xf32>
    %slice3A_65 = vector.extract_strided_slice %add3A {offsets = [0, 0], sizes = [32, 2048], strides = [1, 1]} : vector<96x2048xf32> to vector<32x2048xf32>
    %slice3A_66 = vector.extract_strided_slice %add3A {offsets = [32, 0], sizes = [32, 2048], strides = [1, 1]} : vector<96x2048xf32> to vector<32x2048xf32>
    %mul3A_67 = vector.broadcast %add3A_52 : vector<1x2048xf32> to vector<32x2048xf32>
    %mul3A_68 = arith.mulf %mul3A_67, %slice3A_66 : vector<32x2048xf32>
    %add3A_69 = arith.addf %slice3A_65, %mul3A_68 : vector<32x2048xf32>
    %slice3A_70 = vector.extract_strided_slice %add3A {offsets = [64, 0], sizes = [32, 2048], strides = [1, 1]} : vector<96x2048xf32> to vector<32x2048xf32>
    %mul3A_71 = vector.broadcast %sub3A_55 : vector<1x2048xf32> to vector<32x2048xf32>
    %mul3A_72 = arith.mulf %mul3A_71, %slice3A_70 : vector<32x2048xf32>
    %add3A_73 = arith.addf %add3A_69, %mul3A_72 : vector<32x2048xf32>
    %slice3A_74 = vector.extract_strided_slice %get3A_64 {offsets = [0, 0], sizes = [32, 1], strides = [1, 1]} : vector<32x128xf32> to vector<32x1xf32>
    %mul3A_75 = vector.broadcast %add3A_27 : vector<1x2048xf32> to vector<32x2048xf32>
    %mul3A_76 = vector.broadcast %slice3A_74 : vector<32x1xf32> to vector<32x2048xf32>
    %mul3A_77 = arith.mulf %mul3A_75, %mul3A_76 : vector<32x2048xf32>
    %add3A_78 = arith.addf %add3A_73, %mul3A_77 : vector<32x2048xf32>
    %slice3A_79 = vector.extract_strided_slice %get3A_64 {offsets = [0, 1], sizes = [32, 1], strides = [1, 1]} : vector<32x128xf32> to vector<32x1xf32>
    %mul3A_80 = vector.broadcast %add3A_58 : vector<1x2048xf32> to vector<32x2048xf32>
    %mul3A_81 = vector.broadcast %slice3A_79 : vector<32x1xf32> to vector<32x2048xf32>
    %mul3A_82 = arith.mulf %mul3A_80, %mul3A_81 : vector<32x2048xf32>
    %add3A_83 = arith.addf %add3A_78, %mul3A_82 : vector<32x2048xf32>
    %slice3A_84 = vector.extract_strided_slice %get3A_64 {offsets = [0, 2], sizes = [32, 1], strides = [1, 1]} : vector<32x128xf32> to vector<32x1xf32>
    %mul3A_85 = vector.broadcast %sub3A_61 : vector<1x2048xf32> to vector<32x2048xf32>
    %mul3A_86 = vector.broadcast %slice3A_84 : vector<32x1xf32> to vector<32x2048xf32>
    %mul3A_87 = arith.mulf %mul3A_85, %mul3A_86 : vector<32x2048xf32>
    %add3A_88 = arith.addf %add3A_83, %mul3A_87 : vector<32x2048xf32>
    %slice3A_89 = vector.extract_strided_slice %get3A_64 {offsets = [0, 3], sizes = [32, 1], strides = [1, 1]} : vector<32x128xf32> to vector<32x1xf32>
    %add3A_90 = vector.broadcast %slice3A_89 : vector<32x1xf32> to vector<32x2048xf32>
    %add3A_91 = arith.addf %add3A_88, %add3A_90 : vector<32x2048xf32>
    %logistic3A = arith.negf %add3A_91 : vector<32x2048xf32>
    %logistic3A_92 = math.exp %logistic3A : vector<32x2048xf32>
    %logistic3A_93 = arith.constant 1.000000e+00 : f32
    %logistic3A_94 = vector.broadcast %logistic3A_93 : f32 to vector<32x2048xf32>
    %logistic3A_95 = arith.addf %logistic3A_94, %logistic3A_92 : vector<32x2048xf32>
    %logistic3A_96 = arith.divf %logistic3A_94, %logistic3A_95 : vector<32x2048xf32>
    %mul3A_97 = arith.mulf %add3A_91, %logistic3A_96 : vector<32x2048xf32>
    %get3A_98 = arith.constant 0 : index
    %get3A_99 = arith.constant 0 : index
    %get3A_100 = vector.load %arg7[%get3A_98, %get3A_99] : memref<32x32xf32, #tpu.memory_space<vmem>>, vector<32x32xf32>
    %dot_general3A_101 = arith.constant dense<0.000000e+00> : vector<2048x32xf32>
    %dot_general3A_102 = tpu.matmul %mul3A_97, %get3A_100, %dot_general3A_101 {dimension_numbers = #tpu.dot_dimension_numbers<[0], [0], [1], [1], [0, 1, 1, 1], [], []>, transpose_lhs_hint = false} : vector<32x2048xf32>, vector<32x32xf32>, vector<2048x32xf32> -> vector<2048x32xf32>
    %get3A_103 = arith.constant 0 : index
    %get3A_104 = arith.constant 0 : index
    %get3A_105 = vector.load %arg6[%get3A_103, %get3A_104] : memref<8x32xf32, #tpu.memory_space<vmem>>, vector<1x32xf32>
    %add3A_106 = vector.broadcast %get3A_105 : vector<1x32xf32> to vector<2048x32xf32>
    %add3A_107 = arith.addf %dot_general3A_102, %add3A_106 : vector<2048x32xf32>
    %swap3A = arith.constant 0 : index
    %swap3A_108 = arith.constant 0 : index
    %swap3A_109 = vector.load %arg8[%swap3A, %swap3A_108] : memref<2048x32xf32, #tpu.memory_space<vmem>>, vector<2048x32xf32>
    tpu.vector_store %arg8[%swap3A, %swap3A_108], %add3A_107 {strides = array<i32>} : memref<2048x32xf32, #tpu.memory_space<vmem>>, vector<2048x32xf32>,
    return
  }
  func.func @transform_0(%arg0: i32) -> (i32, i32) {
    %c0_i32 = arith.constant 0 : i32
    %c0_i32_0 = arith.constant 0 : i32
    return %arg0, %c0_i32 : i32, i32
  }
  func.func @transform_1(%arg0: i32) -> (i32, i32) {
    %c0_i32 = arith.constant 0 : i32
    %c0_i32_0 = arith.constant 0 : i32
    return %arg0, %c0_i32 : i32, i32
  }
  func.func @transform_2(%arg0: i32) -> (i32, i32) {
    %c0_i32 = arith.constant 0 : i32
    %c0_i32_0 = arith.constant 0 : i32
    %c0_i32_1 = arith.constant 0 : i32
    return %c0_i32, %c0_i32_0 : i32, i32
  }
  func.func @transform_3(%arg0: i32) -> (i32, i32) {
    %c0_i32 = arith.constant 0 : i32
    %c0_i32_0 = arith.constant 0 : i32
    %c0_i32_1 = arith.constant 0 : i32
    return %c0_i32, %c0_i32_0 : i32, i32
  }
  func.func @transform_4(%arg0: i32) -> (i32, i32) {
    %c0_i32 = arith.constant 0 : i32
    %c0_i32_0 = arith.constant 0 : i32
    %c0_i32_1 = arith.constant 0 : i32
    return %c0_i32, %c0_i32_0 : i32, i32
  }
  func.func @transform_5(%arg0: i32) -> (i32, i32) {
    %c0_i32 = arith.constant 0 : i32
    %c0_i32_0 = arith.constant 0 : i32
    %c0_i32_1 = arith.constant 0 : i32
    return %c0_i32, %c0_i32_0 : i32, i32
  }
  func.func @transform_6(%arg0: i32) -> (i32, i32) {
    %c0_i32 = arith.constant 0 : i32
    %c0_i32_0 = arith.constant 0 : i32
    %c0_i32_1 = arith.constant 0 : i32
    return %c0_i32, %c0_i32_0 : i32, i32
  }
  func.func @transform_7(%arg0: i32) -> (i32, i32) {
    %c0_i32 = arith.constant 0 : i32
    %c0_i32_0 = arith.constant 0 : i32
    return %arg0, %c0_i32 : i32, i32
  }
}

</mosaic_0001>

<sc_bundles>
// kernel: kernel.12.cloned.1.call-start
scs
__scs_entry_jumppad:
0x0: {  	(pc) =	sbr.rel $0x88, $3  }
0x1: {  	(tag) =	ssettag $0x0;
	lr =	simm.s32 $0x1  }
0x2: {  	[smem:$0x3F98] =	sst lr;
	_ =	strace $0xD0000000  }
0x3: {  	_ = 	snop  }
0x4: {  	_ = 	snop  }
0x5: {  	_ = 	snop  }
0x6: {  	_ = 	snop  }
0x7: {  	_ = 	snop  }
__scs_overlays_trampoline_lowered:
0x8: {  	[smem:$0x3FA7] =	sst s0  }
0x9: {  	[smem:$0x3FA8] =	sst s1  }
0xa: {  	[smem:$0x3FA9] =	sst s2  }
0xb: {  	[smem:$0x3FAA] =	sst s3  }
0xc: {  	[smem:$0x3FAB] =	sst s4  }
0xd: {  	[smem:$0x3FAC] =	sst s5  }
0xe: {  	[smem:$0x3FAD] =	sst s6  }
0xf: {  	[smem:$0x3FAE] =	sst s7  }
0x10: {  	[smem:$0x3FAF] =	sst s8  }
0x11: {  	[smem:$0x3FB0] =	sst s9;
	s0 =	simm.s32 @!p0 $0x0  }
0x12: {  	s1 =	sld [smem:$0x3F96];
	s0 =	simm.s32 @p0 $0x1  }
0x13: {  	[smem:$0x3FB1] =	sst s0;
	s0 =	simm.s32 @!p1 $0x0  }
0x14: {  	s2 =	sld [smem:$0x3F95];
	s0 =	simm.s32 @p1 $0x1  }
0x15: {  	[smem:$0x3FB2] =	sst s0;
	s0 =	simm.s32 @!p2 $0x0  }
0x16: {  	s3 =	sld [smem:$0x3FDB];
	s0 =	simm.s32 @p2 $0x1  }
0x17: {  	s4 =	simm.s32 $0x1BF5;
	[smem:$0x3FB4] =	sst s0  }
0x18: {  	s0 =	sld [smem:$0x3F97];
	_ =	swait.ge [sflag:s4], $0x0  }
0x19: {  	s7 =	sld [smem:$0x3F98]  }
0x1a: {  	s8 =	sadd.s32 $0xFFFFE003, lr  }
0x1b: {  	s9 =	sadd.s32 $0xFFFFFEF7, lr;
	s5 =	simm.s32 $0xFFFFFFFF;
	p2 =	slt.u32 s8, $0xFFFFF086  }
0x1c: {  	p1 =	slt.u32 s9, $0xF7A;
	s5 =	simm.s32 @!p2 $0x0  }
0x1d: {  	s5 =	simm.s32 @p1 $0x1;
	p0 =	seq.s32 s7, s2  }
0x1e: {  	s7 =	smul.u32 @!p0 $0xF7A, s2;
	p2 =	seq.s32 @!p0 s5, $0x0  }
0x1f: {  	s9 =	smul.u32 $0xF7A, s1;
	s8 =	simm.s32 @!p0 $0x1BF5;
	p2 =	por !p2, p0  }
0x20: {  	[sflag:s8] =	ssyncset.s32 @!p0 $0xFFFFF086;
	s6 =	sadd.s32 @!p0 s3, s7;
	s7 =	simm.s32 @!p0 $0x108  }
0x21: {  	s3 =	sadd.s32 s3, s9;
	s6 =	sadd.s32 @!p0 $0x88, s6;
	s7 =	simm.s32 @p2 $0x1082  }
0x22: {  	[simem:s7], [sflag:s8] =	dma.local @!p0 [hbm:s6], $0xF7A  }
0x23: {  	s9 =	sor.u32 $0xD0000000, s2;
	s6 =	simm.s32 $0x108;
	_ =	swait.ge @!p0 [sflag:s8], $0x0  }
0x24: {  	s3 =	sadd.s32 $0x88, s3;
	s6 =	simm.s32 @!p1 $0x1082;
	[sflag:s4] =	ssyncset.s32 $0xFFFFF086  }
0x25: {  	[simem:s6], [sflag:s4] =	dma.local [hbm:s3], $0xF7A  }
0x26: {  	[smem:$0x3F98] =	sst s1;
	(tag) =	ssettag s2;
	_ =	strace s9  }
0x27: {  	s1 =	sld [smem:$0x3FA8]  }
0x28: {  	s2 =	sld [smem:$0x3FA9]  }
0x29: {  	s4 =	sld [smem:$0x3FAB]  }
0x2a: {  	p0 =	seq.s32 s5, $0x0;
	s5 =	sld [smem:$0x3FAC]  }
0x2b: {  	s6 =	sld [smem:$0x3FAD]  }
0x2c: {  	s7 =	sld [smem:$0x3FAE]  }
0x2d: {  	s3 =	simm.s32 $0x108;
	s8 =	sld [smem:$0x3FAF]  }
0x2e: {  	s3 =	simm.s32 @!p0 $0x1082;
	s9 =	sld [smem:$0x3FB0]  }
0x2f: {  	lr =	sadd.s32 s0, s3;
	s0 =	sld [smem:$0x3FA7]  }
0x30: {  	s3 =	sld [smem:$0x3FAA]  }
0x31: {  	[smem:$0x3FB3] =	sst s10  }
0x32: {  	s10 =	sld [smem:$0x3FB1];
	_ =	sdelay $0x3  }
0x33: {  	p0 =	seq.s32 s10, $0x1;
	s10 =	sld [smem:$0x3FB3];
	_ =	sdelay $0x3  }
0x34: {  	[smem:$0x3FB3] =	sst s10  }
0x35: {  	s10 =	sld [smem:$0x3FB2];
	_ =	sdelay $0x3  }
0x36: {  	p1 =	seq.s32 s10, $0x1;
	s10 =	sld [smem:$0x3FB3];
	_ =	sdelay $0x3  }
0x37: {  	[smem:$0x3FB3] =	sst s10  }
0x38: {  	s10 =	sld [smem:$0x3FB4]  }
0x39: {  	_ = 	snop;
	(pc) =	sbr.ind lr, $3  }
0x3a: {  	_ = 	snop  }
0x3b: {  	_ = 	snop  }
0x3c: {  	p2 =	seq.s32 s10, $0x1;
	s10 =	sld [smem:$0x3FB3]  }
0x3d: {  	_ =	shalt  }
0x3e: {  	_ =	shalt  }
0x3f: {  	_ =	shalt  }
0x40: {  	_ =	shalt  }
0x41: {  	_ =	shalt  }
0x42: {  	_ =	shalt  }
0x43: {  	_ =	shalt  }
0x44: {  	_ =	shalt  }
0x45: {  	_ =	shalt  }
0x46: {  	_ =	shalt  }
0x47: {  	_ =	shalt  }
0x48: {  	_ =	shalt  }
0x49: {  	_ =	shalt  }
0x4a: {  	_ =	shalt  }
0x4b: {  	_ =	shalt  }
0x4c: {  	_ =	shalt  }
0x4d: {  	_ =	shalt  }
0x4e: {  	_ =	shalt  }
0x4f: {  	_ =	shalt  }
0x50: {  	_ =	shalt  }
0x51: {  	_ =	shalt  }
0x52: {  	_ =	shalt  }
0x53: {  	_ =	shalt  }
0x54: {  	_ =	shalt  }
0x55: {  	_ =	shalt  }
0x56: {  	_ =	shalt  }
0x57: {  	_ =	shalt  }
0x58: {  	_ =	shalt  }
0x59: {  	_ =	shalt  }
0x5a: {  	_ =	shalt  }
0x5b: {  	_ =	shalt  }
0x5c: {  	_ =	shalt  }
0x5d: {  	_ =	shalt  }
0x5e: {  	_ =	shalt  }
0x5f: {  	_ =	shalt  }
0x60: {  	_ =	shalt  }
0x61: {  	_ =	shalt  }
0x62: {  	_ =	shalt  }
0x63: {  	_ =	shalt  }
0x64: {  	_ =	shalt  }
0x65: {  	_ =	shalt  }
0x66: {  	_ =	shalt  }
0x67: {  	_ =	shalt  }
0x68: {  	_ =	shalt  }
0x69: {  	_ =	shalt  }
0x6a: {  	_ =	shalt  }
0x6b: {  	_ =	shalt  }
0x6c: {  	_ =	shalt  }
0x6d: {  	_ =	shalt  }
0x6e: {  	_ =	shalt  }
0x6f: {  	_ =	shalt  }
0x70: {  	_ =	shalt  }
0x71: {  	_ =	shalt  }
0x72: {  	_ =	shalt  }
0x73: {  	_ =	shalt  }
0x74: {  	_ =	shalt  }
0x75: {  	_ =	shalt  }
0x76: {  	_ =	shalt  }
0x77: {  	_ =	shalt  }
0x78: {  	_ =	shalt  }
0x79: {  	_ =	shalt  }
0x7a: {  	_ =	shalt  }
0x7b: {  	_ =	shalt  }
0x7c: {  	_ =	shalt  }
0x7d: {  	_ =	shalt  }
0x7e: {  	_ =	shalt  }
0x7f: {  	_ =	shalt  }
0x80: {  	_ =	shalt  }
0x81: {  	_ =	shalt  }
0x82: {  	_ =	shalt  }
0x83: {  	_ =	shalt  }
0x84: {  	_ =	shalt  }
0x85: {  	_ =	shalt  }
0x86: {  	_ =	shalt  }
0x87: {  	_ =	shalt  }
.Lfunc_end0:
.L_simem_size_0:
called_computation.1_lowered:
.L_overlay_start_0:
0x88: {  	s2 =	sld [smem:$0x3FD9]  }
0x89: {  	s3 =	sld [smem:$0x3FFE];
	_ =	sdelay $0x1  }
0x8a: {  	s1 =	srdreg.scid  }
0x8b: {  	s0 =	sand.u32 $0x1, s1  }
0x8c: {  	s17 =	sshll.u32 s0, $0xA;
	s2 =	sadd.s32 s3, s2  }
0x8d: {  	s2 =	sadd.s32 s2, s17  }
0x8e: {  	[smem:$0x3FBF] =	sst s2  }
0x8f: {  	_ = 	snop  }
0x90: {  	(tm) =	ssettm $0x1  }
0x91: {  	s18 =	sld [smem:$0x3FFB];
	_ =	sdelay $0x3  }
0x92: {  	_ =	strace s18  }
0x93: {  	s2 =	sld [smem:$0x3FFC];
	_ =	sdelay $0x3  }
0x94: {  	_ =	strace s2  }
0x95: {  	s2 =	sld [smem:$0x3FFD];
	_ =	sdelay $0x3  }
0x96: {  	_ =	strace s2  }
0x97: {  	_ =	strace $0x8FFFFFFF  }
0x98: {  	s19 =	sld [smem:$0x3FDB];
	_ =	sdelay $0x1  }
0x99: {  	s20 =	simm.s32 $_scs_section_size  }
0x9a: {  	s4 =	simm.s32 $_size__tile_overlayer_lowered;
	s5 =	simm.s32 $_tile_overlayer_lowered  }
0x9b: {  	s6 =	simm.s32 $0x1BFF;
	s21 =	sshll.u32 s5, $0x1;
	s3 =	sadd.s32 s20, s19  }
0x9c: {  	s22 =	simm.s32 $0x0;
	s4 =	sshll.u32 s4, $0x1;
	s5 =	sadd.s32 s21, s3  }
0x9d: {  	[timem:s22], [sflag:s6] =	dma.local [hbm:s5], s4  }
0x9e: {  	_ =	swait.ge [sflag:s6], s4  }
0x9f: {  	s4 =	ssub.s32 $0x0, s4;
	[sflag:s6] =	ssyncset.done $0x0  }
0xa0: {  	[sflag:s6] =	ssyncadd.s32 s4;
	_ =	sdelay $0x1  }
0xa1: {  	s23 =	simm.s32 $0x1B8B  }
0xa2: {  	_ =	swait.ge [sflag:s23], $0x1  }
0xa3: {  	[sflag:s23] =	ssyncset.done $0x0  }
0xa4: {  	[sflag:s23] =	ssyncadd.s32 $0xFFFFFFFF  }
0xa5: {  	s4 =	sld [smem:$0x0]  }
0xa6: {  	s5 =	sand.u32 $0xFFFFFFFE, s1  }
0xa7: {  	p0 =	sne.s32 s1, s5  }
0xa8: {  	s5 =	sshll.u32 @p0 s5, $0xE  }
0xa9: {  	s5 =	sadd.s32 @p0 $0x11B8D, s5;
	s6 =	sshll.u32 @p0 s4, $0x11  }
0xaa: {  	s5 =	sor.u32 @p0 s6, s5  }
0xab: {  	[sflag:s5] =	ssyncadd.remote.s32 @p0 $0x1;
	_ =	sdelay $0x1  }
0xac: {  	s5 =	simm.s32 @p0 $0x1B8D  }
0xad: {  	_ =	swait.eq @p0 [sflag:s5], $0x1  }
0xae: {  	[sflag:s5] =	ssyncadd.s32 @p0 $0xFFFFFFFF  }
0xaf: {  	s6 =	sshll.u32 @!p0 s1, $0xE  }
0xb0: {  	s6 =	sor.u32 @!p0 $0x4000, s6;
	s5 =	simm.s32 @!p0 $0x1B8D  }
0xb1: {  	s4 =	sshll.u32 @!p0 s4, $0x11;
	s6 =	sadd.s32 @!p0 $0x11B8D, s6;
	_ =	swait.eq @!p0 [sflag:s5], $0x1  }
0xb2: {  	s4 =	sor.u32 @!p0 s4, s6;
	[sflag:s5] =	ssyncadd.s32 @!p0 $0xFFFFFFFF  }
0xb3: {  	s25 =	simm.s32 $0x1B8E;
	s24 =	sld [smem:$0x3FFE];
	[sflag:s4] =	ssyncadd.remote.s32 @!p0 $0x1  }
0xb4: {  	s26 =	simm.s32 $execute0_lowered;
	[smem:$0x3FD2] =	sst s25  }
0xb5: {  	s5 =	sshll.u32 s26, $0x1;
	_ =	strace $0x80000049;
	[dreg:$0x1] =	wrdreg $0xFFFFFFFF  }
0xb6: {  	s28 =	simm.s32 $_size_execute0_lowered;
	s3 =	sadd.s32 s3, s5;
	[dreg:$0x0] =	wrdreg $0x0  }
0xb7: {  	s5 =	sshll.u32 s28, $0x1;
	[dreg:$0x2] =	wrdreg s3  }
0xb8: {  	[dreg:$0x3] =	wrdreg s5  }
0xb9: {  	[dreg:$0x4] =	wrdreg $0xC0  }
0xba: {  	_ =	task [dreg:s22], $0x5FFFF  }
0xbb: {  	[dreg:$0x1] =	wrdreg $0xFFFFFFFF  }
0xbc: {  	[dreg:$0x0] =	wrdreg $0x60  }
0xbd: {  	[dreg:$0x2] =	wrdreg s24  }
0xbe: {  	[dreg:$0x3] =	wrdreg $0x9  }
0xbf: {  	_ =	task.clear_ibuf [dreg:s22], $0x4FFFF;
	_ =	strace $0x90000049  }
0xc0: {  	s29 =	simm.s32 $0x9;
	_ =	strace $0x8000004B  }
0xc1: {  	_ =	swait.ge [sflag:s29], $0x1  }
0xc2: {  	[sflag:s29] =	ssyncadd.s32 $0xFFFFFFFF  }
0xc3: {  	_ =	strace $0x9000004B  }
0xc4: {  	_ =	sfence  }
0xc5: {  	s30 =	sld [smem:$0x0];
	_ =	sdelay $0x2  }
0xc6: {  	s31 =	sshll.u32 s1, $0xD;
	s1 =	sshrl.u32 s1, $0x2  }
0xc7: {  	s4 =	sand.u32 $0x4000, s31;
	s1 =	sadd.s32 s1, s30  }
0xc8: {  	s0 =	sor.u32 s4, s0;
	s1 =	sshll.u32 s1, $0x11  }
0xc9: {  	s0 =	sor.u32 s1, s0  }
0xca: {  	s0 =	sadd.s32 $0x8F2B, s0  }
0xcb: {  	[sflag:s0] =	ssyncadd.remote.s32 $0x1  }
0xcc: {  	_ =	sfence.sel $0xFFFF  }
0xcd: {  	[dreg:$0x0] =	wrdreg $0xFFFFFFFF;
	(pc) =	sbr.abs _section_cstart, $3  }
0xce: {  	[dreg:$0x1] =	wrdreg $0xFFFFFFFF  }
0xcf: {  	_ =	task.clear_ibuf [dreg:s22], $0x2FFFF;
	_ =	strace $0x9FFFFFFF  }
0xd0: {  	(tm) =	ssettm $0x7FFFFFFF  }
0xd1: {  	_ =	shalt  }
tec
execute0_lowered:
.L_overlay_start_1:
0x0: {  	(tag) =	ssettag $0x1  }
0x1: {  	s0 =	srdreg.scid  }
0x2: {  	s5 =	stileid.u32;
	s4 =	rddreg [dreg:$0x0]  }
0x3: {  	s2 =	simm.s32 $0x0;
	s15 =	simm.s32 $0x1800;
	s16 =	simm.s32 $0x480  }
0x4: {  	s18 =	simm.s32 $0x9800;
	s19 =	simm.s32 $0x100;
	[smem:$0x7FF] =	sst s2  }
0x5: {  	s20 =	simm.s32 $0x2800;
	_ =	strace $0x8000004A;
	[dreg:$0x4] =	wrdreg s15  }
0x6: {  	s22 =	simm.s32 $0x500;
	s24 =	simm.s32 $0xA800;
	[dreg:$0x5] =	wrdreg s16  }
0x7: {  	s7 =	simm.s32 $0x2;
	s25 =	simm.s32 $0x180;
	[dreg:$0x6] =	wrdreg s18  }
0x8: {  	s8 =	simm.s32 $0x400;
	s26 =	simm.s32 $0x3800;
	[dreg:$0x7] =	wrdreg s19  }
0x9: {  	s9 =	simm.s32 $0x80;
	s29 =	simm.s32 $0x580;
	[dreg:$0x8] =	wrdreg s20  }
0xa: {  	s10 =	simm.s32 $0x800;
	s30 =	simm.s32 $0xB800;
	[dreg:$0x9] =	wrdreg s22  }
0xb: {  	s11 =	simm.s32 $0x8800;
	s31 =	simm.s32 $0x200;
	[dreg:$0xa] =	wrdreg s24  }
0xc: {  	s12 =	simm.s32 $0xC800;
	s1 =	smul.u32 $0x18800, s5;
	[dreg:$0xb] =	wrdreg s25  }
0xd: {  	s0 =	sand.u32 $0x1, s0;
	s5 =	smul.u32 $0x310000, s5;
	[dreg:$0xc] =	wrdreg s26  }
0xe: {  	s13 =	simm.s32 $0x280;
	s3 =	smul.u32 $0xC400, s0;
	[dreg:$0xd] =	wrdreg s29  }
0xf: {  	s28 =	simm.s32 $0x1;
	s6 =	smul.u32 $0x188000, s0;
	[dreg:$0xe] =	wrdreg s30  }
0x10: {  	s0 =	ssub.s32 $0x2, s0;
	[dreg:$0xf] =	wrdreg s31;
	s16 =	simm.s32 $0x5800  }
0x11: {  	s18 =	simm.s32 $0xD800;
	s19 =	simm.s32 $0x300;
	s20 =	simm.s32 $0x6800  }
0x12: {  	s22 =	simm.s32 $0xE800;
	s24 =	simm.s32 $0x7800;
	s25 =	simm.s32 $0x780  }
0x13: {  	s26 =	simm.s32 $0xF800;
	s17 =	sshrl.u32 s0, $0x1;
	s1 =	sadd.s32 s3, s1  }
0x14: {  	s15 =	simm.s32 $0x4800;
	s0 =	ssub.s32 s0, s17;
	s1 =	sshrl.u32 s1, $0x3  }
0x15: {  	s5 =	sadd.s32 s6, s5;
	s0 =	smax.u32 s0, $0x1;
	s1 =	sadd.s32 s1, s4  }
0x16: {  	s5 =	sshrl.u32 s5, $0x3;
	[dreg:$0x10] =	wrdreg s0;
	s14 =	sadd.s32 $0xD0C200, s1  }
0x17: {  	s5 =	sadd.s32 s5, s4;
	s1 =	sadd.s32 $0xD3D200, s1;
	[dreg:$0x2] =	wrdreg s14  }
0x18: {  	s3 =	sadd.s32 $0x6A600, s4;
	s21 =	sadd.s32 $0xE31A00, s5;
	[dreg:$0x3] =	wrdreg s1  }
0x19: {  	s17 =	simm.s32 $0x680;
	s23 =	sadd.s32 $0x1451A00, s5;
	[dreg:$0x11] =	wrdreg s21  }
0x1a: {  	s4 =	simm.s32 $0x600;
	s5 =	simm.s32 $0x0;
	[dreg:$0x12] =	wrdreg s23  }
0x1b: {  	s1 =	simm.s32 $0x4800;
	s21 =	simm.s32 $0x700;
	s23 =	simm.s32 $0x380  }
.LBB2_1:
0x1c: {  	s14 =	rddreg [dreg:$0x3]  }
0x1d: {  	[dreg:$0x13] =	wrdreg s5;
	s5 =	sadd.s32 $0x0, s14  }
0x1e: {  	[tilespmem:s2], [sflag:$0x2] =	stream.linear.gather [hbm4b:s5+s2], $0x400, $0x38;
	[tilespmem:$0x10800] =	vst v63  }
0x1f: {  	_ =	swait.ge [sflag:s7], $0x400  }
0x20: {  	s29 =	rddreg [dreg:$0x2];
	[sflag:s7] =	ssyncset.done $0x0  }
0x21: {  	[sflag:s7] =	ssyncadd.s32 $0xFFFFFC00;
	s5 =	sadd.s32 $0x0, s29  }
0x22: {  	[tilespmem:s8], [sflag:$0x2] =	stream.linear.gather [hbm4b:s5+s2], $0x400, $0x38;
	[tilespmem:$0x10800] =	vst v63  }
0x23: {  	_ =	swait.ge [sflag:s7], $0x400  }
0x24: {  	s0 =	rddreg [dreg:$0x4]  }
0x25: {  	s6 =	rddreg [dreg:$0x6]  }
0x26: {  	[sflag:s7] =	ssyncset.done $0x0;
	s30 =	rddreg [dreg:$0x8]  }
0x27: {  	s31 =	rddreg [dreg:$0x5];
	[sflag:s7] =	ssyncadd.s32 $0xFFFFFC00  }
0x28: {  	[tilespmem:s10], [sflag:$0x1] =	stream.indirect.gather [hbm4b:s3+s9], $0x20, s2, s9, $0xb8;
	[tilespmem:$0x10800] =	vst v63  }
0x29: {  	s14 =	rddreg [dreg:$0x7]  }
0x2a: {  	[tilespmem:s11], [sflag:$0x1] =	stream.indirect.gather [hbm4b:s3+s9], $0x20, s8, s9, $0xb8;
	[tilespmem:$0x10800] =	vst v63  }
0x2b: {  	s29 =	rddreg [dreg:$0xa]  }
0x2c: {  	[tilespmem:s0], [sflag:$0x1] =	stream.indirect.gather [hbm4b:s3+s9], $0x20, s9, s9, $0xb8;
	[tilespmem:$0x10800] =	vst v63  }
0x2d: {  	s0 =	rddreg [dreg:$0xc]  }
0x2e: {  	[tilespmem:s6], [sflag:$0x1] =	stream.indirect.gather [hbm4b:s3+s9], $0x20, s31, s9, $0xb8;
	[tilespmem:$0x10800] =	vst v63  }
0x2f: {  	s31 =	rddreg [dreg:$0x9]  }
0x30: {  	[tilespmem:s30], [sflag:$0x1] =	stream.indirect.gather [hbm4b:s3+s9], $0x20, s14, s9, $0xb8;
	[tilespmem:$0x10800] =	vst v63  }
0x31: {  	s30 =	rddreg [dreg:$0xb]  }
0x32: {  	[tilespmem:s29], [sflag:$0x1] =	stream.indirect.gather [hbm4b:s3+s9], $0x20, s31, s9, $0xb8;
	[tilespmem:$0x10800] =	vst v63  }
0x33: {  	s14 =	rddreg [dreg:$0xe]  }
0x34: {  	[tilespmem:s0], [sflag:$0x1] =	stream.indirect.gather [hbm4b:s3+s9], $0x20, s30, s9, $0xb8;
	[tilespmem:$0x10800] =	vst v63  }
0x35: {  	s31 =	rddreg [dreg:$0xd]  }
0x36: {  	[tilespmem:s14], [sflag:$0x1] =	stream.indirect.gather [hbm4b:s3+s9], $0x20, s31, s9, $0xb8;
	[tilespmem:$0x10800] =	vst v63  }
0x37: {  	s29 =	rddreg [dreg:$0xf]  }
0x38: {  	[tilespmem:s1], [sflag:$0x1] =	stream.indirect.gather [hbm4b:s3+s9], $0x20, s29, s9, $0xb8;
	[tilespmem:$0x10800] =	vst v63  }
0x39: {  	_ = 	snop  }
0x3a: {  	[tilespmem:s12], [sflag:$0x1] =	stream.indirect.gather [hbm4b:s3+s9], $0x20, s4, s9, $0xb8;
	[tilespmem:$0x10800] =	vst v63  }
0x3b: {  	_ = 	snop  }
0x3c: {  	[tilespmem:s16], [sflag:$0x1] =	stream.indirect.gather [hbm4b:s3+s9], $0x20, s13, s9, $0xb8;
	[tilespmem:$0x10800] =	vst v63  }
0x3d: {  	_ = 	snop  }
0x3e: {  	[tilespmem:s18], [sflag:$0x1] =	stream.indirect.gather [hbm4b:s3+s9], $0x20, s17, s9, $0xb8;
	[tilespmem:$0x10800] =	vst v63  }
0x3f: {  	_ = 	snop  }
0x40: {  	[tilespmem:s20], [sflag:$0x1] =	stream.indirect.gather [hbm4b:s3+s9], $0x20, s19, s9, $0xb8;
	[tilespmem:$0x10800] =	vst v63  }
0x41: {  	_ = 	snop  }
0x42: {  	[tilespmem:s22], [sflag:$0x1] =	stream.indirect.gather [hbm4b:s3+s9], $0x20, s21, s9, $0xb8;
	[tilespmem:$0x10800] =	vst v63  }
0x43: {  	_ = 	snop  }
0x44: {  	[tilespmem:s24], [sflag:$0x1] =	stream.indirect.gather [hbm4b:s3+s9], $0x20, s23, s9, $0xb8;
	[tilespmem:$0x10800] =	vst v63  }
0x45: {  	_ = 	snop  }
0x46: {  	[tilespmem:s26], [sflag:$0x1] =	stream.indirect.gather [hbm4b:s3+s9], $0x20, s25, s9, $0xb8;
	[tilespmem:$0x10800] =	vst v63  }
0x47: {  	_ =	swait.ge [sflag:s28], $0x1000  }
0x48: {  	[sflag:s28] =	ssyncset.done $0x0  }
0x49: {  	[sflag:s28] =	ssyncadd.s32 $0xFFFFF000  }
0x4a: {  	_ =	swait.ge [sflag:s28], $0x1000  }
0x4b: {  	[sflag:s28] =	ssyncset.done $0x0  }
0x4c: {  	[sflag:s28] =	ssyncadd.s32 $0xFFFFF000  }
0x4d: {  	_ =	swait.ge [sflag:s28], $0x1000  }
0x4e: {  	[sflag:s28] =	ssyncset.done $0x0  }
0x4f: {  	[sflag:s28] =	ssyncadd.s32 $0xFFFFF000  }
0x50: {  	_ =	swait.ge [sflag:s28], $0x1000  }
0x51: {  	[sflag:s28] =	ssyncset.done $0x0  }
0x52: {  	[sflag:s28] =	ssyncadd.s32 $0xFFFFF000  }
0x53: {  	_ =	swait.ge [sflag:s28], $0x1000  }
0x54: {  	[sflag:s28] =	ssyncset.done $0x0  }
0x55: {  	[sflag:s28] =	ssyncadd.s32 $0xFFFFF000  }
0x56: {  	_ =	swait.ge [sflag:s28], $0x1000  }
0x57: {  	[sflag:s28] =	ssyncset.done $0x0  }
0x58: {  	[sflag:s28] =	ssyncadd.s32 $0xFFFFF000  }
0x59: {  	_ =	swait.ge [sflag:s28], $0x1000  }
0x5a: {  	[sflag:s28] =	ssyncset.done $0x0  }
0x5b: {  	[sflag:s28] =	ssyncadd.s32 $0xFFFFF000  }
0x5c: {  	_ =	swait.ge [sflag:s28], $0x1000  }
0x5d: {  	[sflag:s28] =	ssyncset.done $0x0  }
0x5e: {  	[sflag:s28] =	ssyncadd.s32 $0xFFFFF000  }
0x5f: {  	_ =	swait.ge [sflag:s28], $0x1000  }
0x60: {  	[sflag:s28] =	ssyncset.done $0x0  }
0x61: {  	[sflag:s28] =	ssyncadd.s32 $0xFFFFF000  }
0x62: {  	_ =	swait.ge [sflag:s28], $0x1000  }
0x63: {  	[sflag:s28] =	ssyncset.done $0x0  }
0x64: {  	[sflag:s28] =	ssyncadd.s32 $0xFFFFF000  }
0x65: {  	_ =	swait.ge [sflag:s28], $0x1000  }
0x66: {  	[sflag:s28] =	ssyncset.done $0x0  }
0x67: {  	[sflag:s28] =	ssyncadd.s32 $0xFFFFF000  }
0x68: {  	_ =	swait.ge [sflag:s28], $0x1000  }
0x69: {  	[sflag:s28] =	ssyncset.done $0x0  }
0x6a: {  	[sflag:s28] =	ssyncadd.s32 $0xFFFFF000  }
0x6b: {  	_ =	swait.ge [sflag:s28], $0x1000  }
0x6c: {  	[sflag:s28] =	ssyncset.done $0x0  }
0x6d: {  	[sflag:s28] =	ssyncadd.s32 $0xFFFFF000  }
0x6e: {  	_ =	swait.ge [sflag:s28], $0x1000  }
0x6f: {  	[sflag:s28] =	ssyncset.done $0x0  }
0x70: {  	[sflag:s28] =	ssyncadd.s32 $0xFFFFF000  }
0x71: {  	_ =	swait.ge [sflag:s28], $0x1000  }
0x72: {  	[sflag:s28] =	ssyncset.done $0x0  }
0x73: {  	[sflag:s28] =	ssyncadd.s32 $0xFFFFF000  }
0x74: {  	_ =	swait.ge [sflag:s28], $0x1000  }
0x75: {  	[sflag:s28] =	ssyncset.done $0x0  }
0x76: {  	s6 =	rddreg [dreg:$0x12];
	[sflag:s28] =	ssyncadd.s32 $0xFFFFF000  }
0x77: {  	[hbm4b:s6+s2] =	stream.linear.scatter [tilespmem:s10], [sflag:$0x2], $0x8000, $0x38;
	[tilespmem:$0x10800] =	vst v63  }
0x78: {  	_ =	swait.ge [sflag:s7], $0x8000  }
0x79: {  	s5 =	rddreg [dreg:$0x11]  }
0x7a: {  	s30 =	simm.s32 $0x80;
	[sflag:s7] =	ssyncset.done $0x0;
	s31 =	smov.u32 s5  }
.LBB2_2:
0x7b: {  	[sflag:s7] =	ssyncadd.s32 $0xFFFF8000  }
0x7c: {  	[hbm4b:s5+s2] =	stream.linear.scatter [tilespmem:s11], [sflag:$0x2], $0x8000, $0x38;
	[tilespmem:$0x10800] =	vst v63  }
0x7d: {  	_ =	swait.ge [sflag:s7], $0x8000  }
0x7e: {  	s4 =	smov.u32 s30;
	s0 =	rddreg [dreg:$0x3];
	[sflag:s7] =	ssyncset.done $0x0  }
0x7f: {  	[sflag:s7] =	ssyncadd.s32 $0xFFFF8000;
	s0 =	sadd.s32 s4, s0  }
0x80: {  	[tilespmem:s2], [sflag:$0x2] =	stream.linear.gather [hbm4b:s0+s2], $0x400, $0x38;
	[tilespmem:$0x10800] =	vst v63  }
0x81: {  	_ =	swait.ge [sflag:s7], $0x400  }
0x82: {  	s14 =	rddreg [dreg:$0x2];
	[sflag:s7] =	ssyncset.done $0x0  }
0x83: {  	[sflag:s7] =	ssyncadd.s32 $0xFFFFFC00;
	s0 =	sadd.s32 s4, s14  }
0x84: {  	[tilespmem:s8], [sflag:$0x2] =	stream.linear.gather [hbm4b:s0+s2], $0x400, $0x38;
	[tilespmem:$0x10800] =	vst v63  }
0x85: {  	_ =	swait.ge [sflag:s7], $0x400  }
0x86: {  	s0 =	rddreg [dreg:$0xe]  }
0x87: {  	s4 =	rddreg [dreg:$0xc]  }
0x88: {  	s1 =	rddreg [dreg:$0x4];
	[sflag:s7] =	ssyncset.done $0x0  }
0x89: {  	s29 =	rddreg [dreg:$0x6];
	[sflag:s7] =	ssyncadd.s32 $0xFFFFFC00  }
0x8a: {  	[tilespmem:s10], [sflag:$0x1] =	stream.indirect.gather [hbm4b:s3+s9], $0x20, s2, s9, $0xb8;
	[tilespmem:$0x10800] =	vst v63  }
0x8b: {  	s12 =	rddreg [dreg:$0x8]  }
0x8c: {  	[tilespmem:s11], [sflag:$0x1] =	stream.indirect.gather [hbm4b:s3+s9], $0x20, s8, s9, $0xb8;
	[tilespmem:$0x10800] =	vst v63  }
0x8d: {  	s13 =	rddreg [dreg:$0xa]  }
0x8e: {  	[tilespmem:s1], [sflag:$0x1] =	stream.indirect.gather [hbm4b:s3+s9], $0x20, s9, s9, $0xb8;
	[tilespmem:$0x10800] =	vst v63  }
0x8f: {  	s14 =	rddreg [dreg:$0x5]  }
0x90: {  	[tilespmem:s29], [sflag:$0x1] =	stream.indirect.gather [hbm4b:s3+s9], $0x20, s14, s9, $0xb8;
	[tilespmem:$0x10800] =	vst v63  }
0x91: {  	s1 =	rddreg [dreg:$0x7]  }
0x92: {  	[tilespmem:s12], [sflag:$0x1] =	stream.indirect.gather [hbm4b:s3+s9], $0x20, s1, s9, $0xb8;
	[tilespmem:$0x10800] =	vst v63  }
0x93: {  	s29 =	rddreg [dreg:$0x9]  }
0x94: {  	[tilespmem:s13], [sflag:$0x1] =	stream.indirect.gather [hbm4b:s3+s9], $0x20, s29, s9, $0xb8;
	[tilespmem:$0x10800] =	vst v63  }
0x95: {  	s12 =	rddreg [dreg:$0xb]  }
0x96: {  	[tilespmem:s4], [sflag:$0x1] =	stream.indirect.gather [hbm4b:s3+s9], $0x20, s12, s9, $0xb8;
	[tilespmem:$0x10800] =	vst v63  }
0x97: {  	s14 =	rddreg [dreg:$0xd]  }
0x98: {  	[tilespmem:s0], [sflag:$0x1] =	stream.indirect.gather [hbm4b:s3+s9], $0x20, s14, s9, $0xb8;
	[tilespmem:$0x10800] =	vst v63  }
0x99: {  	s29 =	rddreg [dreg:$0xf]  }
0x9a: {  	[tilespmem:s15], [sflag:$0x1] =	stream.indirect.gather [hbm4b:s3+s9], $0x20, s29, s9, $0xb8;
	[tilespmem:$0x10800] =	vst v63  }
0x9b: {  	s4 =	simm.s32 $0x600;
	s12 =	simm.s32 $0xC800  }
0x9c: {  	[tilespmem:s12], [sflag:$0x1] =	stream.indirect.gather [hbm4b:s3+s9], $0x20, s4, s9, $0xb8;
	[tilespmem:$0x10800] =	vst v63  }
0x9d: {  	s13 =	simm.s32 $0x280  }
0x9e: {  	[tilespmem:s16], [sflag:$0x1] =	stream.indirect.gather [hbm4b:s3+s9], $0x20, s13, s9, $0xb8;
	[tilespmem:$0x10800] =	vst v63  }
0x9f: {  	_ = 	snop  }
0xa0: {  	[tilespmem:s18], [sflag:$0x1] =	stream.indirect.gather [hbm4b:s3+s9], $0x20, s17, s9, $0xb8;
	[tilespmem:$0x10800] =	vst v63  }
0xa1: {  	_ = 	snop  }
0xa2: {  	[tilespmem:s20], [sflag:$0x1] =	stream.indirect.gather [hbm4b:s3+s9], $0x20, s19, s9, $0xb8;
	[tilespmem:$0x10800] =	vst v63  }
0xa3: {  	_ = 	snop  }
0xa4: {  	[tilespmem:s22], [sflag:$0x1] =	stream.indirect.gather [hbm4b:s3+s9], $0x20, s21, s9, $0xb8;
	[tilespmem:$0x10800] =	vst v63  }
0xa5: {  	_ = 	snop  }
0xa6: {  	[tilespmem:s24], [sflag:$0x1] =	stream.indirect.gather [hbm4b:s3+s9], $0x20, s23, s9, $0xb8;
	[tilespmem:$0x10800] =	vst v63  }
0xa7: {  	_ = 	snop  }
0xa8: {  	[tilespmem:s26], [sflag:$0x1] =	stream.indirect.gather [hbm4b:s3+s9], $0x20, s25, s9, $0xb8;
	[tilespmem:$0x10800] =	vst v63  }
0xa9: {  	_ =	swait.ge [sflag:s28], $0x1000  }
0xaa: {  	[sflag:s28] =	ssyncset.done $0x0  }
0xab: {  	[sflag:s28] =	ssyncadd.s32 $0xFFFFF000  }
0xac: {  	_ =	swait.ge [sflag:s28], $0x1000  }
0xad: {  	[sflag:s28] =	ssyncset.done $0x0  }
0xae: {  	[sflag:s28] =	ssyncadd.s32 $0xFFFFF000  }
0xaf: {  	_ =	swait.ge [sflag:s28], $0x1000  }
0xb0: {  	[sflag:s28] =	ssyncset.done $0x0  }
0xb1: {  	[sflag:s28] =	ssyncadd.s32 $0xFFFFF000  }
0xb2: {  	_ =	swait.ge [sflag:s28], $0x1000  }
0xb3: {  	[sflag:s28] =	ssyncset.done $0x0  }
0xb4: {  	[sflag:s28] =	ssyncadd.s32 $0xFFFFF000  }
0xb5: {  	_ =	swait.ge [sflag:s28], $0x1000  }
0xb6: {  	[sflag:s28] =	ssyncset.done $0x0  }
0xb7: {  	[sflag:s28] =	ssyncadd.s32 $0xFFFFF000  }
0xb8: {  	_ =	swait.ge [sflag:s28], $0x1000  }
0xb9: {  	[sflag:s28] =	ssyncset.done $0x0  }
0xba: {  	[sflag:s28] =	ssyncadd.s32 $0xFFFFF000  }
0xbb: {  	_ =	swait.ge [sflag:s28], $0x1000  }
0xbc: {  	[sflag:s28] =	ssyncset.done $0x0  }
0xbd: {  	[sflag:s28] =	ssyncadd.s32 $0xFFFFF000  }
0xbe: {  	_ =	swait.ge [sflag:s28], $0x1000  }
0xbf: {  	[sflag:s28] =	ssyncset.done $0x0  }
0xc0: {  	[sflag:s28] =	ssyncadd.s32 $0xFFFFF000  }
0xc1: {  	_ =	swait.ge [sflag:s28], $0x1000  }
0xc2: {  	[sflag:s28] =	ssyncset.done $0x0  }
0xc3: {  	[sflag:s28] =	ssyncadd.s32 $0xFFFFF000  }
0xc4: {  	_ =	swait.ge [sflag:s28], $0x1000  }
0xc5: {  	[sflag:s28] =	ssyncset.done $0x0  }
0xc6: {  	[sflag:s28] =	ssyncadd.s32 $0xFFFFF000  }
0xc7: {  	_ =	swait.ge [sflag:s28], $0x1000  }
0xc8: {  	[sflag:s28] =	ssyncset.done $0x0  }
0xc9: {  	[sflag:s28] =	ssyncadd.s32 $0xFFFFF000  }
0xca: {  	_ =	swait.ge [sflag:s28], $0x1000  }
0xcb: {  	[sflag:s28] =	ssyncset.done $0x0  }
0xcc: {  	[sflag:s28] =	ssyncadd.s32 $0xFFFFF000  }
0xcd: {  	_ =	swait.ge [sflag:s28], $0x1000  }
0xce: {  	[sflag:s28] =	ssyncset.done $0x0  }
0xcf: {  	[sflag:s28] =	ssyncadd.s32 $0xFFFFF000  }
0xd0: {  	_ =	swait.ge [sflag:s28], $0x1000  }
0xd1: {  	[sflag:s28] =	ssyncset.done $0x0  }
0xd2: {  	[sflag:s28] =	ssyncadd.s32 $0xFFFFF000  }
0xd3: {  	_ =	swait.ge [sflag:s28], $0x1000  }
0xd4: {  	[sflag:s28] =	ssyncset.done $0x0  }
0xd5: {  	[sflag:s28] =	ssyncadd.s32 $0xFFFFF000  }
0xd6: {  	p0 =	sne.s32 s30, $0x1800;
	_ =	swait.ge [sflag:s28], $0x1000  }
.Ltmp0:
0xd7: {  	[sflag:s28] =	ssyncset.done $0x0;
	(pc) =	sbr.rel @p0 .LBB2_2-.Ltmp0, $4  }
0xd8: {  	s6 =	sadd.s32 $0x1000, s6;
	[sflag:s28] =	ssyncadd.s32 $0xFFFFF000  }
0xd9: {  	[hbm4b:s6+s2] =	stream.linear.scatter [tilespmem:s10], [sflag:$0x2], $0x8000, $0x38;
	[tilespmem:$0x10800] =	vst v63  }
0xda: {  	s31 =	sadd.s32 $0x1000, s31;
	s30 =	sadd.s32 $0x80, s30;
	_ =	swait.ge [sflag:s7], $0x8000  }
0xdb: {  	s5 =	smov.u32 s31;
	s1 =	simm.s32 $0x4800;
	[sflag:s7] =	ssyncset.done $0x0  }
0xdc: {  	[sflag:s7] =	ssyncadd.s32 $0xFFFF8000  }
0xdd: {  	[hbm4b:s5+s2] =	stream.linear.scatter [tilespmem:s11], [sflag:$0x2], $0x8000, $0x38;
	[tilespmem:$0x10800] =	vst v63  }
0xde: {  	_ =	swait.ge [sflag:s7], $0x8000  }
0xdf: {  	s31 =	rddreg [dreg:$0x13]  }
0xe0: {  	s0 =	rddreg [dreg:$0x10];
	s5 =	sadd.s32 $0x1, s31  }
0xe1: {  	p0 =	sne.s32 s5, s0  }
.Ltmp1:
0xe2: {  	_ = 	snop;
	(pc) =	sbr.rel @p0 .LBB2_1-.Ltmp1, $3  }
0xe3: {  	_ =	sdelay $0x1  }
0xe4: {  	[sflag:s7] =	ssyncset.done $0x0  }
0xe5: {  	[sflag:s7] =	ssyncadd.s32 $0xFFFF8000  }
0xe6: {  	_ =	sfence.sel $0x180000  }
0xe7: {  	[bflag:$0x0] =	sbarrier.arrive $0xFFFF  }
0xe8: {  	_ =	strace $0x9000004A  }
0xe9: {  	s0 =	stileid.u32;
	[bflag:$0x2] =	sbarrier.arrive $0xFFFF  }
0xea: {  	p0 =	sne.s32 s0, $0x0;
	s0 =	rddreg [dreg:$0x1]  }
0xeb: {  	s0 =	sadd.s32 @!p0 $0x100000, s0  }
0xec: {  	[sflag:s0] =	ssyncadd.tile.s32 @!p0 $0x1;
	_ =	shalt  }
.Lfunc_end2:
_tile_overlayer_lowered:
.L_overlay_start_2:
0xed: {  	(tag) =	ssettag $0x2  }
0xee: {  	s0 =	rddreg [dreg:$0x0];
	s2 =	stileid.u32  }
0xef: {  	s1 =	rddreg [dreg:$0x1];
	p0 =	sne.s32 s2, $0x0  }
0xf0: {  	s3 =	rddreg [dreg:$0x2];
	[bflag:$0x3] =	sbarrier.arrive $0xFFFF;
	s2 =	simm.s32 @!p0 $0x1C02  }
0xf1: {  	[timem:s3], [sflag:s2] =	dma.local @!p0 [hbm:s0], s1  }
0xf2: {  	s0 =	simm.s32 @!p0 $0x2  }
0xf3: {  	_ =	swait.ge @!p0 [sflag:s0], s1  }
0xf4: {  	s1 =	ssub.s32 @!p0 $0x0, s1;
	[sflag:s0] =	ssyncset.done @!p0 $0x0  }
0xf5: {  	[sflag:s0] =	ssyncadd.s32 @!p0 s1  }
0xf6: {  	[bflag:$0x3] =	sbarrier.arrive $0xFFFF  }
0xf7: {  	_ =	shalt  }

// kernel: kernel.15.cloned.1.call-start
scs
__scs_entry_jumppad:
0x0: {  	(pc) =	sbr.rel $0x88, $3  }
0x1: {  	(tag) =	ssettag $0x0;
	lr =	simm.s32 $0x1  }
0x2: {  	[smem:$0x3F98] =	sst lr;
	_ =	strace $0xD0000000  }
0x3: {  	_ = 	snop  }
0x4: {  	_ = 	snop  }
0x5: {  	_ = 	snop  }
0x6: {  	_ = 	snop  }
0x7: {  	_ = 	snop  }
__scs_overlays_trampoline_lowered:
0x8: {  	[smem:$0x3FA7] =	sst s0  }
0x9: {  	[smem:$0x3FA8] =	sst s1  }
0xa: {  	[smem:$0x3FA9] =	sst s2  }
0xb: {  	[smem:$0x3FAA] =	sst s3  }
0xc: {  	[smem:$0x3FAB] =	sst s4  }
0xd: {  	[smem:$0x3FAC] =	sst s5  }
0xe: {  	[smem:$0x3FAD] =	sst s6  }
0xf: {  	[smem:$0x3FAE] =	sst s7  }
0x10: {  	[smem:$0x3FAF] =	sst s8  }
0x11: {  	[smem:$0x3FB0] =	sst s9;
	s0 =	simm.s32 @!p0 $0x0  }
0x12: {  	s1 =	sld [smem:$0x3F96];
	s0 =	simm.s32 @p0 $0x1  }
0x13: {  	[smem:$0x3FB1] =	sst s0;
	s0 =	simm.s32 @!p1 $0x0  }
0x14: {  	s2 =	sld [smem:$0x3F95];
	s0 =	simm.s32 @p1 $0x1  }
0x15: {  	[smem:$0x3FB2] =	sst s0;
	s0 =	simm.s32 @!p2 $0x0  }
0x16: {  	s3 =	sld [smem:$0x3FDB];
	s0 =	simm.s32 @p2 $0x1  }
0x17: {  	s4 =	simm.s32 $0x1BF5;
	[smem:$0x3FB4] =	sst s0  }
0x18: {  	s0 =	sld [smem:$0x3F97];
	_ =	swait.ge [sflag:s4], $0x0  }
0x19: {  	s7 =	sld [smem:$0x3F98]  }
0x1a: {  	s8 =	sadd.s32 $0xFFFFE003, lr  }
0x1b: {  	s9 =	sadd.s32 $0xFFFFFEF7, lr;
	s5 =	simm.s32 $0xFFFFFFFF;
	p2 =	slt.u32 s8, $0xFFFFF086  }
0x1c: {  	p1 =	slt.u32 s9, $0xF7A;
	s5 =	simm.s32 @!p2 $0x0  }
0x1d: {  	s5 =	simm.s32 @p1 $0x1;
	p0 =	seq.s32 s7, s2  }
0x1e: {  	s7 =	smul.u32 @!p0 $0xF7A, s2;
	p2 =	seq.s32 @!p0 s5, $0x0  }
0x1f: {  	s9 =	smul.u32 $0xF7A, s1;
	s8 =	simm.s32 @!p0 $0x1BF5;
	p2 =	por !p2, p0  }
0x20: {  	[sflag:s8] =	ssyncset.s32 @!p0 $0xFFFFF086;
	s6 =	sadd.s32 @!p0 s3, s7;
	s7 =	simm.s32 @!p0 $0x108  }
0x21: {  	s3 =	sadd.s32 s3, s9;
	s6 =	sadd.s32 @!p0 $0x88, s6;
	s7 =	simm.s32 @p2 $0x1082  }
0x22: {  	[simem:s7], [sflag:s8] =	dma.local @!p0 [hbm:s6], $0xF7A  }
0x23: {  	s9 =	sor.u32 $0xD0000000, s2;
	s6 =	simm.s32 $0x108;
	_ =	swait.ge @!p0 [sflag:s8], $0x0  }
0x24: {  	s3 =	sadd.s32 $0x88, s3;
	s6 =	simm.s32 @!p1 $0x1082;
	[sflag:s4] =	ssyncset.s32 $0xFFFFF086  }
0x25: {  	[simem:s6], [sflag:s4] =	dma.local [hbm:s3], $0xF7A  }
0x26: {  	[smem:$0x3F98] =	sst s1;
	(tag) =	ssettag s2;
	_ =	strace s9  }
0x27: {  	s1 =	sld [smem:$0x3FA8]  }
0x28: {  	s2 =	sld [smem:$0x3FA9]  }
0x29: {  	s4 =	sld [smem:$0x3FAB]  }
0x2a: {  	p0 =	seq.s32 s5, $0x0;
	s5 =	sld [smem:$0x3FAC]  }
0x2b: {  	s6 =	sld [smem:$0x3FAD]  }
0x2c: {  	s7 =	sld [smem:$0x3FAE]  }
0x2d: {  	s3 =	simm.s32 $0x108;
	s8 =	sld [smem:$0x3FAF]  }
0x2e: {  	s3 =	simm.s32 @!p0 $0x1082;
	s9 =	sld [smem:$0x3FB0]  }
0x2f: {  	lr =	sadd.s32 s0, s3;
	s0 =	sld [smem:$0x3FA7]  }
0x30: {  	s3 =	sld [smem:$0x3FAA]  }
0x31: {  	[smem:$0x3FB3] =	sst s10  }
0x32: {  	s10 =	sld [smem:$0x3FB1];
	_ =	sdelay $0x3  }
0x33: {  	p0 =	seq.s32 s10, $0x1;
	s10 =	sld [smem:$0x3FB3];
	_ =	sdelay $0x3  }
0x34: {  	[smem:$0x3FB3] =	sst s10  }
0x35: {  	s10 =	sld [smem:$0x3FB2];
	_ =	sdelay $0x3  }
0x36: {  	p1 =	seq.s32 s10, $0x1;
	s10 =	sld [smem:$0x3FB3];
	_ =	sdelay $0x3  }
0x37: {  	[smem:$0x3FB3] =	sst s10  }
0x38: {  	s10 =	sld [smem:$0x3FB4]  }
0x39: {  	_ = 	snop;
	(pc) =	sbr.ind lr, $3  }
0x3a: {  	_ = 	snop  }
0x3b: {  	_ = 	snop  }
0x3c: {  	p2 =	seq.s32 s10, $0x1;
	s10 =	sld [smem:$0x3FB3]  }
0x3d: {  	_ =	shalt  }
0x3e: {  	_ =	shalt  }
0x3f: {  	_ =	shalt  }
0x40: {  	_ =	shalt  }
0x41: {  	_ =	shalt  }
0x42: {  	_ =	shalt  }
0x43: {  	_ =	shalt  }
0x44: {  	_ =	shalt  }
0x45: {  	_ =	shalt  }
0x46: {  	_ =	shalt  }
0x47: {  	_ =	shalt  }
0x48: {  	_ =	shalt  }
0x49: {  	_ =	shalt  }
0x4a: {  	_ =	shalt  }
0x4b: {  	_ =	shalt  }
0x4c: {  	_ =	shalt  }
0x4d: {  	_ =	shalt  }
0x4e: {  	_ =	shalt  }
0x4f: {  	_ =	shalt  }
0x50: {  	_ =	shalt  }
0x51: {  	_ =	shalt  }
0x52: {  	_ =	shalt  }
0x53: {  	_ =	shalt  }
0x54: {  	_ =	shalt  }
0x55: {  	_ =	shalt  }
0x56: {  	_ =	shalt  }
0x57: {  	_ =	shalt  }
0x58: {  	_ =	shalt  }
0x59: {  	_ =	shalt  }
0x5a: {  	_ =	shalt  }
0x5b: {  	_ =	shalt  }
0x5c: {  	_ =	shalt  }
0x5d: {  	_ =	shalt  }
0x5e: {  	_ =	shalt  }
0x5f: {  	_ =	shalt  }
0x60: {  	_ =	shalt  }
0x61: {  	_ =	shalt  }
0x62: {  	_ =	shalt  }
0x63: {  	_ =	shalt  }
0x64: {  	_ =	shalt  }
0x65: {  	_ =	shalt  }
0x66: {  	_ =	shalt  }
0x67: {  	_ =	shalt  }
0x68: {  	_ =	shalt  }
0x69: {  	_ =	shalt  }
0x6a: {  	_ =	shalt  }
0x6b: {  	_ =	shalt  }
0x6c: {  	_ =	shalt  }
0x6d: {  	_ =	shalt  }
0x6e: {  	_ =	shalt  }
0x6f: {  	_ =	shalt  }
0x70: {  	_ =	shalt  }
0x71: {  	_ =	shalt  }
0x72: {  	_ =	shalt  }
0x73: {  	_ =	shalt  }
0x74: {  	_ =	shalt  }
0x75: {  	_ =	shalt  }
0x76: {  	_ =	shalt  }
0x77: {  	_ =	shalt  }
0x78: {  	_ =	shalt  }
0x79: {  	_ =	shalt  }
0x7a: {  	_ =	shalt  }
0x7b: {  	_ =	shalt  }
0x7c: {  	_ =	shalt  }
0x7d: {  	_ =	shalt  }
0x7e: {  	_ =	shalt  }
0x7f: {  	_ =	shalt  }
0x80: {  	_ =	shalt  }
0x81: {  	_ =	shalt  }
0x82: {  	_ =	shalt  }
0x83: {  	_ =	shalt  }
0x84: {  	_ =	shalt  }
0x85: {  	_ =	shalt  }
0x86: {  	_ =	shalt  }
0x87: {  	_ =	shalt  }
.Lfunc_end0:
.L_simem_size_0:
called_computation.2_lowered:
.L_overlay_start_0:
0x88: {  	s2 =	sld [smem:$0x3FD9]  }
0x89: {  	s3 =	sld [smem:$0x3FFE];
	_ =	sdelay $0x1  }
0x8a: {  	s1 =	srdreg.scid  }
0x8b: {  	s0 =	sand.u32 $0x1, s1  }
0x8c: {  	s17 =	sshll.u32 s0, $0xA;
	s2 =	sadd.s32 s3, s2  }
0x8d: {  	s2 =	sadd.s32 s2, s17  }
0x8e: {  	[smem:$0x3FBF] =	sst s2  }
0x8f: {  	_ = 	snop  }
0x90: {  	(tm) =	ssettm $0x1  }
0x91: {  	s18 =	sld [smem:$0x3FFB];
	_ =	sdelay $0x3  }
0x92: {  	_ =	strace s18  }
0x93: {  	s2 =	sld [smem:$0x3FFC];
	_ =	sdelay $0x3  }
0x94: {  	_ =	strace s2  }
0x95: {  	s2 =	sld [smem:$0x3FFD];
	_ =	sdelay $0x3  }
0x96: {  	_ =	strace s2  }
0x97: {  	_ =	strace $0x8FFFFFFF  }
0x98: {  	s19 =	sld [smem:$0x3FDB];
	_ =	sdelay $0x1  }
0x99: {  	s20 =	simm.s32 $_scs_section_size  }
0x9a: {  	s4 =	simm.s32 $_size__tile_overlayer_lowered;
	s5 =	simm.s32 $_tile_overlayer_lowered  }
0x9b: {  	s6 =	simm.s32 $0x1BFF;
	s21 =	sshll.u32 s5, $0x1;
	s3 =	sadd.s32 s20, s19  }
0x9c: {  	s22 =	simm.s32 $0x0;
	s4 =	sshll.u32 s4, $0x1;
	s5 =	sadd.s32 s21, s3  }
0x9d: {  	[timem:s22], [sflag:s6] =	dma.local [hbm:s5], s4  }
0x9e: {  	_ =	swait.ge [sflag:s6], s4  }
0x9f: {  	s4 =	ssub.s32 $0x0, s4;
	[sflag:s6] =	ssyncset.done $0x0  }
0xa0: {  	[sflag:s6] =	ssyncadd.s32 s4;
	_ =	sdelay $0x1  }
0xa1: {  	s23 =	simm.s32 $0x1B8B  }
0xa2: {  	_ =	swait.ge [sflag:s23], $0x1  }
0xa3: {  	[sflag:s23] =	ssyncset.done $0x0  }
0xa4: {  	[sflag:s23] =	ssyncadd.s32 $0xFFFFFFFF  }
0xa5: {  	s4 =	sld [smem:$0x0]  }
0xa6: {  	s5 =	sand.u32 $0xFFFFFFFE, s1  }
0xa7: {  	p0 =	sne.s32 s1, s5  }
0xa8: {  	s5 =	sshll.u32 @p0 s5, $0xE  }
0xa9: {  	s5 =	sadd.s32 @p0 $0x11B8D, s5;
	s6 =	sshll.u32 @p0 s4, $0x11  }
0xaa: {  	s5 =	sor.u32 @p0 s6, s5  }
0xab: {  	[sflag:s5] =	ssyncadd.remote.s32 @p0 $0x1;
	_ =	sdelay $0x1  }
0xac: {  	s5 =	simm.s32 @p0 $0x1B8D  }
0xad: {  	_ =	swait.eq @p0 [sflag:s5], $0x1  }
0xae: {  	[sflag:s5] =	ssyncadd.s32 @p0 $0xFFFFFFFF  }
0xaf: {  	s6 =	sshll.u32 @!p0 s1, $0xE  }
0xb0: {  	s6 =	sor.u32 @!p0 $0x4000, s6;
	s5 =	simm.s32 @!p0 $0x1B8D  }
0xb1: {  	s4 =	sshll.u32 @!p0 s4, $0x11;
	s6 =	sadd.s32 @!p0 $0x11B8D, s6;
	_ =	swait.eq @!p0 [sflag:s5], $0x1  }
0xb2: {  	s4 =	sor.u32 @!p0 s4, s6;
	[sflag:s5] =	ssyncadd.s32 @!p0 $0xFFFFFFFF  }
0xb3: {  	s25 =	simm.s32 $0x1B8E;
	s24 =	sld [smem:$0x3FFE];
	[sflag:s4] =	ssyncadd.remote.s32 @!p0 $0x1  }
0xb4: {  	s26 =	simm.s32 $execute0_lowered;
	[smem:$0x3FD2] =	sst s25  }
0xb5: {  	s5 =	sshll.u32 s26, $0x1;
	_ =	strace $0x8000004C;
	[dreg:$0x1] =	wrdreg $0xFFFFFFFF  }
0xb6: {  	s28 =	simm.s32 $_size_execute0_lowered;
	s3 =	sadd.s32 s3, s5;
	[dreg:$0x0] =	wrdreg $0x0  }
0xb7: {  	s5 =	sshll.u32 s28, $0x1;
	[dreg:$0x2] =	wrdreg s3  }
0xb8: {  	[dreg:$0x3] =	wrdreg s5  }
0xb9: {  	[dreg:$0x4] =	wrdreg $0xC0  }
0xba: {  	_ =	task [dreg:s22], $0x5FFFF  }
0xbb: {  	[dreg:$0x1] =	wrdreg $0xFFFFFFFF  }
0xbc: {  	[dreg:$0x0] =	wrdreg $0x60  }
0xbd: {  	[dreg:$0x2] =	wrdreg s24  }
0xbe: {  	[dreg:$0x3] =	wrdreg $0x44000  }
0xbf: {  	[dreg:$0x4] =	wrdreg $0xA  }
0xc0: {  	_ =	task.clear_ibuf [dreg:s22], $0x5FFFF;
	_ =	strace $0x9000004C  }
0xc1: {  	s29 =	simm.s32 $0xA;
	_ =	strace $0x8000004E  }
0xc2: {  	_ =	swait.ge [sflag:s29], $0x1  }
0xc3: {  	[sflag:s29] =	ssyncadd.s32 $0xFFFFFFFF  }
0xc4: {  	_ =	strace $0x9000004E  }
0xc5: {  	_ =	sfence  }
0xc6: {  	s30 =	sld [smem:$0x0];
	_ =	sdelay $0x2  }
0xc7: {  	s31 =	sshll.u32 s1, $0xD;
	s1 =	sshrl.u32 s1, $0x2  }
0xc8: {  	s4 =	sand.u32 $0x4000, s31;
	s1 =	sadd.s32 s1, s30  }
0xc9: {  	s0 =	sor.u32 s4, s0;
	s1 =	sshll.u32 s1, $0x11  }
0xca: {  	s0 =	sor.u32 s1, s0  }
0xcb: {  	s0 =	sadd.s32 $0x8F2B, s0  }
0xcc: {  	[sflag:s0] =	ssyncadd.remote.s32 $0x1  }
0xcd: {  	_ =	sfence.sel $0xFFFF  }
0xce: {  	[dreg:$0x0] =	wrdreg $0xFFFFFFFF;
	(pc) =	sbr.abs _section_cstart, $3  }
0xcf: {  	[dreg:$0x1] =	wrdreg $0xFFFFFFFF  }
0xd0: {  	_ =	task.clear_ibuf [dreg:s22], $0x2FFFF;
	_ =	strace $0x9FFFFFFF  }
0xd1: {  	(tm) =	ssettm $0x7FFFFFFF  }
tec
execute0_lowered:
.L_overlay_start_1:
0x0: {  	(tag) =	ssettag $0x1  }
0x1: {  	s0 =	stileid.u32;
	s4 =	rddreg [dreg:$0x0]  }
0x2: {  	s1 =	srdreg.scid;
	s2 =	rddreg [dreg:$0x1]  }
0x3: {  	s3 =	simm.s32 $0x0;
	s14 =	simm.s32 $0x100;
	s15 =	simm.s32 $0x2400  }
0x4: {  	s16 =	simm.s32 $0x1;
	s17 =	simm.s32 $0x80;
	s5 =	smul.u32 $0x62000, s0  }
0x5: {  	s18 =	simm.s32 $0x200;
	s19 =	simm.s32 $0x280;
	s7 =	smul.u32 $0xC38, s0  }
0x6: {  	s20 =	simm.s32 $0x1400;
	s21 =	simm.s32 $0x3;
	s24 =	smul.u32 $0x61C00, s0  }
0x7: {  	s22 =	simm.s32 $0x2;
	s28 =	simm.s32 $0x0;
	s30 =	smul.u32 $0x18800, s0  }
0x8: {  	s6 =	sand.u32 $0x1, s1;
	[smem:$0x7FF] =	sst s3;
	s13 =	smul.u32 $0x3100, s0  }
0x9: {  	s10 =	sadd.s32 $0x39600, s4;
	s31 =	sshll.u32 s0, $0x6;
	s25 =	smul.u32 $0xC380, s6  }
0xa: {  	_ =	strace $0x8000004D;
	s6 =	ssub.s32 $0x2, s6;
	s8 =	sadd.s32 s5, s4  }
0xb: {  	s26 =	sshrl.u32 s6, $0x1;
	s29 =	sshrl.u32 s24, $0x2;
	s24 =	simm.s32 $0x380  }
0xc: {  	s23 =	sadd.s32 s7, s25;
	s11 =	ssub.s32 s6, s26;
	s12 =	sadd.s32 s29, s2  }
0xd: {  	s6 =	sshrl.u32 s30, $0x3;
	s7 =	sadd.s32 $0xCC200, s8;
	s26 =	sadd.s32 $0xC380, s25  }
0xe: {  	v0 =	vmov s25;
	s25 =	simm.s32 $0x3400;
	s5 =	sshll.u32 s23, $0x2;
	s6 =	sadd.s32 s10, s6  }
0xf: {  	s10 =	sadd.s32 s13, s10;
	s13 =	simm.s32 $0x400;
	s23 =	simm.s32 $0x300  }
0x10: {  	v1 =	vmov s26;
	s26 =	simm.s32 $0x4;
	s9 =	sadd.s32 s5, s4;
	s5 =	sor.u32 $0x1C05, s31  }
0x11: {  	s10 =	sadd.s32 $0x40, s10;
	s4 =	sadd.s32 $0x1A71A00, s9;
	s8 =	sadd.s32 $0x6EC200, s9  }
0x12: {  	s9 =	smax.u32 s11, $0x1;
	s11 =	sshrl.u32 s12, $0x3;
	s12 =	simm.s32 $0x5  }
.LBB2_1:
0x13: {  	[spmem:s11], [sflag:s5] =	dma.local [hbm:s4], $0x30E0  }
0x14: {  	_ =	swait.ge [sflag:s12], $0x30E0  }
0x15: {  	[sflag:s12] =	ssyncset.done $0x0  }
0x16: {  	[sflag:s12] =	ssyncadd.s32 $0xFFFFCF20  }
0x17: {  	[bflag:$0x0] =	sbarrier.arrive $0xFFFF  }
0x18: {  	[tilespmem:s3], [sflag:$0x1] =	stream.linear.gather [hbm4b:s6+s3], $0x100, $0x38;
	[tilespmem:$0x1CB10] =	vst v63  }
0x19: {  	s29 =	smov.u32 s10;
	s30 =	simm.s32 $0x0  }
0x1a: {  	[tilespmem:s13], [sflag:$0x1] =	stream.linear.gather [hbm4b:s7+s3], $0x2000, $0x38;
	[tilespmem:$0x1CB10] =	vst v63  }
.LBB2_2:
0x1b: {  	s31 =	sadd.s32 $0xFFFFFFE0, s29;
	s1 =	sadd.s32 s30, s7  }
0x1c: {  	[tilespmem:s14], [sflag:$0x2] =	stream.linear.gather [hbm4b:s31+s3], $0x100, $0x38;
	[tilespmem:$0x1CB10] =	vst v63  }
0x1d: {  	s31 =	sadd.s32 $0x400, s1  }
0x1e: {  	[tilespmem:s15], [sflag:$0x2] =	stream.linear.gather [hbm4b:s31+s3], $0x2000, $0x38;
	[tilespmem:$0x1CB10] =	vst v63  }
0x1f: {  	_ =	swait.ge [sflag:s16], $0x100  }
0x20: {  	[sflag:s16] =	ssyncset.done $0x0  }
0x21: {  	[sflag:s16] =	ssyncadd.s32 $0xFFFFFF00  }
0x22: {  	_ =	swait.ge [sflag:s16], $0x2000  }
0x23: {  	[sflag:s16] =	ssyncset.done $0x0  }
0x24: {  	[sflag:s16] =	ssyncadd.s32 $0xFFFFE000  }
0x25: {  	v2 =	vld [tilespmem:$0x0]  }
0x26: {  	v3 =	vld [tilespmem:$0x10]  }
0x27: {  	v4 =	vld [tilespmem:$0x20]  }
0x28: {  	v5 =	vld [tilespmem:$0x30]  }
0x29: {  	v6 =	vld [tilespmem:$0x40]  }
0x2a: {  	v7 =	vld [tilespmem:$0x50]  }
0x2b: {  	v10 =	vld [tilespmem:$0x80]  }
0x2c: {  	v11 =	vld [tilespmem:$0x90]  }
0x2d: {  	v12 =	vld [tilespmem:$0xA0];
	vm0 =	vge.s32 v2, v0  }
0x2e: {  	v37 =	vld [tilespmem:$0xB0];
	vm1 =	vlt.s32 v2, v1;
	vm2 =	vge.s32 v3, v0;
	vm3 =	vlt.s32 v3, v1  }
0x2f: {  	v39 =	vld [tilespmem:$0xC0];
	v2 =	vsub.s32 v2, v0;
	v3 =	vsub.s32 v3, v0;
	vm15 =	vge.s32 v4, v0  }
0x30: {  	vm6 =	vlt.s32 v4, v1;
	v4 =	vsub.s32 v4, v0;
	vm8 =	vge.s32 v5, v0  }
0x31: {  	v8 =	vld [tilespmem:$0x60];
	vm9 =	vlt.s32 v5, v1;
	v5 =	vsub.s32 v5, v0;
	vm11 =	vge.s32 v6, v0  }
0x32: {  	v9 =	vld [tilespmem:$0x70];
	vm12 =	vlt.s32 v6, v1;
	vm13 =	vge.s32 v7, v0;
	v6 =	vsub.s32 v6, v0  }
0x33: {  	v38 =	vsub.s32 v10, v0;
	v40 =	vsub.s32 v11, v0;
	vm4 =	vge.s32 v12, v0  }
0x34: {  	vm5 =	vlt.s32 v12, v1;
	v43 =	vsub.s32 v37, v0;
	v45 =	vsub.s32 v39, v0  }
0x35: {  	vm0 =	vmand vm0, vm1;
	vm14 =	vmand vm2, vm3;
	vm7 =	vmand vm15, vm6  }
0x36: {  	vm10 =	vmand vm8, vm9;
	vm15 =	vge.s32 v8, v0;
	vm6 =	vlt.s32 v8, v1  }
0x37: {  	vm8 =	vlt.s32 v9, v1;
	v8 =	vsub.s32 v8, v0;
	v2 =	vnsel vm0, $0xC380, v2  }
0x38: {  	v3 =	vnsel vm14, $0xC380, v3;
	v4 =	vnsel vm7, $0xC380, v4;
	v5 =	vnsel vm10, $0xC380, v5  }
0x39: {  	vm0 =	vmand vm11, vm12;
	vm14 =	vlt.s32 v7, v1;
	v7 =	vsub.s32 v7, v0  }
0x3a: {  	v41 =	vld [tilespmem:$0xD0];
	vm7 =	vge.s32 v9, v0;
	vm10 =	vge.s32 v10, v0;
	vm11 =	vlt.s32 v10, v1;
	[tilespmem:$0x200] =	vst v2  }
0x3b: {  	vm1 =	vmand vm13, vm14;
	v6 =	vnsel vm0, $0xC380, v6;
	vm0 =	vmand vm15, vm6;
	[tilespmem:$0x210] =	vst v3  }
0x3c: {  	vm9 =	vmand vm7, vm8;
	v2 =	vsub.s32 v9, v0;
	vm12 =	vmand vm10, vm11;
	[tilespmem:$0x220] =	vst v4  }
0x3d: {  	vm13 =	vge.s32 v11, v0;
	vm14 =	vlt.s32 v11, v1;
	[tilespmem:$0x230] =	vst v5;
	vm6 =	vge.s32 v37, v0  }
0x3e: {  	v42 =	vld [tilespmem:$0xE0];
	vm7 =	vlt.s32 v37, v1;
	vm8 =	vge.s32 v39, v0;
	v7 =	vnsel vm1, $0xC380, v7;
	[tilespmem:$0x240] =	vst v6  }
0x3f: {  	v44 =	vld [tilespmem:$0xF0];
	vm10 =	vge.s32 v41, v0;
	vm11 =	vlt.s32 v41, v1;
	v3 =	vnsel vm0, $0xC380, v8;
	[tilespmem:$0x250] =	vst v7  }
0x40: {  	v2 =	vnsel vm9, $0xC380, v2;
	v4 =	vnsel vm12, $0xC380, v38;
	vm15 =	vmand vm13, vm14;
	[tilespmem:$0x260] =	vst v3  }
0x41: {  	vm0 =	vmand vm4, vm5;
	vm1 =	vmand vm6, vm7;
	vm9 =	vlt.s32 v39, v1;
	[tilespmem:$0x270] =	vst v2  }
0x42: {  	vm12 =	vmand vm10, vm11;
	v5 =	vnsel vm15, $0xC380, v40;
	v3 =	vsub.s32 v12, v0;
	[tilespmem:$0x280] =	vst v4  }
0x43: {  	vm13 =	vge.s32 v42, v0;
	vm14 =	vlt.s32 v42, v1;
	v2 =	vnsel vm0, $0xC380, v3;
	[tilespmem:$0x290] =	vst v5  }
0x44: {  	vm4 =	vge.s32 v44, v0;
	v3 =	vnsel vm1, $0xC380, v43;
	vm0 =	vmand vm8, vm9;
	[tilespmem:$0x2A0] =	vst v2  }
0x45: {  	vm5 =	vlt.s32 v44, v1;
	v2 =	vsub.s32 v41, v0;
	[tilespmem:$0x2B0] =	vst v3;
	v3 =	vnsel vm0, $0xC380, v45  }
0x46: {  	vm15 =	vmand vm13, vm14;
	v2 =	vnsel vm12, $0xC380, v2;
	[tilespmem:$0x2C0] =	vst v3;
	v3 =	vsub.s32 v42, v0  }
0x47: {  	vm6 =	vmand vm4, vm5;
	[tilespmem:$0x2D0] =	vst v2;
	v2 =	vnsel vm15, $0xC380, v3;
	v3 =	vsub.s32 v44, v0  }
0x48: {  	[tilespmem:$0x2E0] =	vst v2;
	v2 =	vnsel vm6, $0xC380, v3  }
0x49: {  	[tilespmem:$0x2F0] =	vst v2  }
0x4a: {  	[spmem:s2] =	stream.indirect.scatter.add.f32 [tilespmem:s13], [sflag:$0x3], $0x20, s18, s17, $0xb8;
	[tilespmem:$0x1CB10] =	vst v63  }
0x4b: {  	_ = 	snop  }
0x4c: {  	[spmem:s2] =	stream.indirect.scatter.add.f32 [tilespmem:s20], [sflag:$0x3], $0x20, s19, s17, $0xb8;
	[tilespmem:$0x1CB10] =	vst v63  }
0x4d: {  	_ =	swait.ge [sflag:s21], $0x1000  }
0x4e: {  	[sflag:s21] =	ssyncset.done $0x0  }
0x4f: {  	[sflag:s21] =	ssyncadd.s32 $0xFFFFF000  }
0x50: {  	_ =	swait.ge [sflag:s21], $0x1000  }
0x51: {  	p0 =	seq.s32 s30, $0x61800;
	[sflag:s21] =	ssyncset.done $0x0  }
0x52: {  	s1 =	sadd.s32 @!p0 s30, s7;
	s31 =	simm.s32 @!p0 $0x0;
	[sflag:s21] =	ssyncadd.s32 $0xFFFFF000  }
0x53: {  	[tilespmem:s31], [sflag:$0x1] =	stream.linear.gather @!p0 [hbm4b:s29+s31], $0x100, $0x38;
	[tilespmem:$0x1CB10] =	vst v63  }
0x54: {  	s0 =	simm.s32 @!p0 $0x400;
	s1 =	sadd.s32 @!p0 $0x800, s1  }
0x55: {  	[tilespmem:s0], [sflag:$0x1] =	stream.linear.gather @!p0 [hbm4b:s1+s31], $0x2000, $0x38;
	[tilespmem:$0x1CB10] =	vst v63  }
0x56: {  	_ =	swait.ge [sflag:s22], $0x100  }
0x57: {  	[sflag:s22] =	ssyncset.done $0x0  }
0x58: {  	[sflag:s22] =	ssyncadd.s32 $0xFFFFFF00  }
0x59: {  	_ =	swait.ge [sflag:s22], $0x2000  }
0x5a: {  	[sflag:s22] =	ssyncset.done $0x0  }
0x5b: {  	[sflag:s22] =	ssyncadd.s32 $0xFFFFE000  }
0x5c: {  	v2 =	vld [tilespmem:$0x100]  }
0x5d: {  	v3 =	vld [tilespmem:$0x110]  }
0x5e: {  	v46 =	vld [tilespmem:$0x120]  }
0x5f: {  	v47 =	vld [tilespmem:$0x130]  }
0x60: {  	v48 =	vld [tilespmem:$0x140]  }
0x61: {  	v49 =	vld [tilespmem:$0x150]  }
0x62: {  	v50 =	vld [tilespmem:$0x160]  }
0x63: {  	v52 =	vld [tilespmem:$0x180]  }
0x64: {  	v53 =	vld [tilespmem:$0x190];
	vm7 =	vge.s32 v2, v0  }
0x65: {  	v55 =	vld [tilespmem:$0x1B0];
	vm8 =	vlt.s32 v2, v1;
	vm9 =	vge.s32 v3, v0;
	vm10 =	vlt.s32 v3, v1  }
0x66: {  	v57 =	vld [tilespmem:$0x1C0];
	v2 =	vsub.s32 v2, v0;
	v3 =	vsub.s32 v3, v0;
	vm12 =	vge.s32 v46, v0  }
0x67: {  	vm13 =	vlt.s32 v46, v1;
	v4 =	vsub.s32 v46, v0;
	vm15 =	vge.s32 v47, v0  }
0x68: {  	vm4 =	vlt.s32 v47, v1;
	v5 =	vsub.s32 v47, v0;
	vm6 =	vge.s32 v48, v0  }
0x69: {  	v51 =	vld [tilespmem:$0x170];
	v6 =	vsub.s32 v48, v0;
	v7 =	vsub.s32 v49, v0;
	v8 =	vsub.s32 v50, v0  }
0x6a: {  	v56 =	vsub.s32 v52, v0;
	v58 =	vsub.s32 v53, v0;
	v61 =	vsub.s32 v55, v0  }
0x6b: {  	v63 =	vsub.s32 v57, v0;
	vm0 =	vmand vm7, vm8;
	vm11 =	vmand vm9, vm10  }
0x6c: {  	vm14 =	vmand vm12, vm13;
	vm5 =	vmand vm15, vm4;
	vm7 =	vlt.s32 v48, v1  }
0x6d: {  	v54 =	vld [tilespmem:$0x1A0];
	vm8 =	vge.s32 v49, v0;
	vm9 =	vlt.s32 v49, v1;
	vm10 =	vge.s32 v50, v0  }
0x6e: {  	vm12 =	vge.s32 v51, v0;
	vm13 =	vlt.s32 v51, v1;
	vm15 =	vge.s32 v52, v0  }
0x6f: {  	v2 =	vnsel vm0, $0xC380, v2;
	v3 =	vnsel vm11, $0xC380, v3;
	v4 =	vnsel vm14, $0xC380, v4  }
0x70: {  	v5 =	vnsel vm5, $0xC380, v5;
	vm0 =	vmand vm6, vm7;
	vm1 =	vmand vm8, vm9  }
0x71: {  	v59 =	vld [tilespmem:$0x1D0];
	vm11 =	vlt.s32 v50, v1;
	vm14 =	vmand vm12, vm13;
	vm6 =	vlt.s32 v52, v1;
	[tilespmem:$0x300] =	vst v2  }
0x72: {  	vm8 =	vge.s32 v53, v0;
	vm9 =	vlt.s32 v53, v1;
	vm12 =	vlt.s32 v54, v1;
	[tilespmem:$0x310] =	vst v3  }
0x73: {  	vm13 =	vge.s32 v55, v0;
	v6 =	vnsel vm0, $0xC380, v6;
	v7 =	vnsel vm1, $0xC380, v7;
	[tilespmem:$0x320] =	vst v4  }
0x74: {  	v60 =	vld [tilespmem:$0x1E0];
	vm0 =	vmand vm10, vm11;
	v2 =	vsub.s32 v51, v0;
	vm7 =	vmand vm15, vm6;
	[tilespmem:$0x330] =	vst v5  }
0x75: {  	vm10 =	vmand vm8, vm9;
	vm11 =	vge.s32 v54, v0;
	vm15 =	vge.s32 v57, v0;
	[tilespmem:$0x340] =	vst v6  }
0x76: {  	vm6 =	vlt.s32 v57, v1;
	vm8 =	vlt.s32 v59, v1;
	v3 =	vnsel vm0, $0xC380, v8;
	[tilespmem:$0x350] =	vst v7  }
0x77: {  	v62 =	vld [tilespmem:$0x1F0];
	v2 =	vnsel vm14, $0xC380, v2;
	v4 =	vnsel vm7, $0xC380, v56;
	v5 =	vnsel vm10, $0xC380, v58;
	[tilespmem:$0x360] =	vst v3  }
0x78: {  	vm0 =	vmand vm11, vm12;
	vm14 =	vlt.s32 v55, v1;
	vm7 =	vge.s32 v59, v0;
	[tilespmem:$0x370] =	vst v2  }
0x79: {  	vm10 =	vge.s32 v60, v0;
	vm11 =	vlt.s32 v60, v1;
	v3 =	vsub.s32 v54, v0;
	[tilespmem:$0x380] =	vst v4  }
0x7a: {  	vm1 =	vmand vm13, vm14;
	[tilespmem:$0x390] =	vst v5;
	vm9 =	vmand vm7, vm8;
	v2 =	vnsel vm0, $0xC380, v3  }
0x7b: {  	vm12 =	vmand vm10, vm11;
	v3 =	vnsel vm1, $0xC380, v61;
	vm0 =	vmand vm15, vm6;
	[tilespmem:$0x3A0] =	vst v2  }
0x7c: {  	vm13 =	vge.s32 v62, v0;
	v2 =	vsub.s32 v59, v0;
	v4 =	vnsel vm0, $0xC380, v63;
	[tilespmem:$0x3B0] =	vst v3  }
0x7d: {  	vm14 =	vlt.s32 v62, v1;
	v3 =	vsub.s32 v60, v0;
	v2 =	vnsel vm9, $0xC380, v2;
	[tilespmem:$0x3C0] =	vst v4  }
0x7e: {  	vm15 =	vmand vm13, vm14;
	v3 =	vnsel vm12, $0xC380, v3;
	[tilespmem:$0x3D0] =	vst v2;
	v2 =	vsub.s32 v62, v0  }
0x7f: {  	[tilespmem:$0x3E0] =	vst v3;
	v2 =	vnsel vm15, $0xC380, v2  }
0x80: {  	[tilespmem:$0x3F0] =	vst v2  }
0x81: {  	[spmem:s2] =	stream.indirect.scatter.add.f32 [tilespmem:s15], [sflag:$0x4], $0x20, s23, s17, $0xb8;
	[tilespmem:$0x1CB10] =	vst v63  }
0x82: {  	s30 =	sadd.s32 $0x800, s30  }
0x83: {  	[spmem:s2] =	stream.indirect.scatter.add.f32 [tilespmem:s25], [sflag:$0x4], $0x20, s24, s17, $0xb8;
	[tilespmem:$0x1CB10] =	vst v63  }
0x84: {  	p0 =	sne.s32 s30, $0x62000;
	_ =	swait.ge [sflag:s26], $0x1000  }
.Ltmp0:
0x85: {  	[sflag:s26] =	ssyncset.done $0x0;
	(pc) =	sbr.rel @p0 .LBB2_2-.Ltmp0, $4  }
0x86: {  	[sflag:s26] =	ssyncadd.s32 $0xFFFFF000  }
0x87: {  	_ =	swait.ge [sflag:s26], $0x1000  }
0x88: {  	[sflag:s26] =	ssyncset.done $0x0  }
0x89: {  	s29 =	sadd.s32 $0x40, s29;
	[sflag:s26] =	ssyncadd.s32 $0xFFFFF000  }
0x8a: {  	s28 =	sadd.s32 $0x1, s28  }
0x8b: {  	p0 =	sne.s32 s28, s9  }
.Ltmp1:
0x8c: {  	[bflag:$0x0] =	sbarrier.arrive $0xFFFF;
	(pc) =	sbr.rel @p0 .LBB2_1-.Ltmp1, $4  }
0x8d: {  	[hbm:s8], [sflag:s5] =	dma.local [spmem:s11], $0x30E0  }
0x8e: {  	_ =	swait.ge [sflag:s12], $0x30E0  }
0x8f: {  	[sflag:s12] =	ssyncset.done $0x0  }
0x90: {  	[sflag:s12] =	ssyncadd.s32 $0xFFFFCF20  }
0x91: {  	_ =	sfence.sel $0x180000  }
0x92: {  	[bflag:$0x0] =	sbarrier.arrive $0xFFFF  }
0x93: {  	_ =	strace $0x9000004D  }
0x94: {  	s0 =	stileid.u32;
	[bflag:$0x2] =	sbarrier.arrive $0xFFFF  }
0x95: {  	p0 =	sne.s32 s0, $0x0;
	s0 =	rddreg [dreg:$0x2]  }
0x96: {  	s0 =	sadd.s32 @!p0 $0x100000, s0  }
0x97: {  	[sflag:s0] =	ssyncadd.tile.s32 @!p0 $0x1;
	_ =	shalt  }
.Lfunc_end2:
_tile_overlayer_lowered:
.L_overlay_start_2:
0x98: {  	(tag) =	ssettag $0x2  }
0x99: {  	s0 =	rddreg [dreg:$0x0];
	s2 =	stileid.u32  }
0x9a: {  	s1 =	rddreg [dreg:$0x1];
	p0 =	sne.s32 s2, $0x0  }
0x9b: {  	s3 =	rddreg [dreg:$0x2];
	[bflag:$0x3] =	sbarrier.arrive $0xFFFF;
	s2 =	simm.s32 @!p0 $0x1C05  }
0x9c: {  	[timem:s3], [sflag:s2] =	dma.local @!p0 [hbm:s0], s1  }
0x9d: {  	s0 =	simm.s32 @!p0 $0x5  }
0x9e: {  	_ =	swait.ge @!p0 [sflag:s0], s1  }
0x9f: {  	s1 =	ssub.s32 @!p0 $0x0, s1;
	[sflag:s0] =	ssyncset.done @!p0 $0x0  }
0xa0: {  	[sflag:s0] =	ssyncadd.s32 @!p0 s1  }
0xa1: {  	[bflag:$0x3] =	sbarrier.arrive $0xFFFF  }
0xa2: {  	_ =	shalt  }

// kernel: kernel.18.cloned.1.call-start
scs
__scs_entry_jumppad:
0x0: {  	(pc) =	sbr.rel $0x88, $3  }
0x1: {  	(tag) =	ssettag $0x0;
	lr =	simm.s32 $0x1  }
0x2: {  	[smem:$0x3F98] =	sst lr;
	_ =	strace $0xD0000000  }
0x3: {  	_ = 	snop  }
0x4: {  	_ = 	snop  }
0x5: {  	_ = 	snop  }
0x6: {  	_ = 	snop  }
0x7: {  	_ = 	snop  }
__scs_overlays_trampoline_lowered:
0x8: {  	[smem:$0x3FA7] =	sst s0  }
0x9: {  	[smem:$0x3FA8] =	sst s1  }
0xa: {  	[smem:$0x3FA9] =	sst s2  }
0xb: {  	[smem:$0x3FAA] =	sst s3  }
0xc: {  	[smem:$0x3FAB] =	sst s4  }
0xd: {  	[smem:$0x3FAC] =	sst s5  }
0xe: {  	[smem:$0x3FAD] =	sst s6  }
0xf: {  	[smem:$0x3FAE] =	sst s7  }
0x10: {  	[smem:$0x3FAF] =	sst s8  }
0x11: {  	[smem:$0x3FB0] =	sst s9;
	s0 =	simm.s32 @!p0 $0x0  }
0x12: {  	s1 =	sld [smem:$0x3F96];
	s0 =	simm.s32 @p0 $0x1  }
0x13: {  	[smem:$0x3FB1] =	sst s0;
	s0 =	simm.s32 @!p1 $0x0  }
0x14: {  	s2 =	sld [smem:$0x3F95];
	s0 =	simm.s32 @p1 $0x1  }
0x15: {  	[smem:$0x3FB2] =	sst s0;
	s0 =	simm.s32 @!p2 $0x0  }
0x16: {  	s3 =	sld [smem:$0x3FDB];
	s0 =	simm.s32 @p2 $0x1  }
0x17: {  	s4 =	simm.s32 $0x1BF5;
	[smem:$0x3FB4] =	sst s0  }
0x18: {  	s0 =	sld [smem:$0x3F97];
	_ =	swait.ge [sflag:s4], $0x0  }
0x19: {  	s7 =	sld [smem:$0x3F98]  }
0x1a: {  	s8 =	sadd.s32 $0xFFFFE003, lr  }
0x1b: {  	s9 =	sadd.s32 $0xFFFFFEF7, lr;
	s5 =	simm.s32 $0xFFFFFFFF;
	p2 =	slt.u32 s8, $0xFFFFF086  }
0x1c: {  	p1 =	slt.u32 s9, $0xF7A;
	s5 =	simm.s32 @!p2 $0x0  }
0x1d: {  	s5 =	simm.s32 @p1 $0x1;
	p0 =	seq.s32 s7, s2  }
0x1e: {  	s7 =	smul.u32 @!p0 $0xF7A, s2;
	p2 =	seq.s32 @!p0 s5, $0x0  }
0x1f: {  	s9 =	smul.u32 $0xF7A, s1;
	s8 =	simm.s32 @!p0 $0x1BF5;
	p2 =	por !p2, p0  }
0x20: {  	[sflag:s8] =	ssyncset.s32 @!p0 $0xFFFFF086;
	s6 =	sadd.s32 @!p0 s3, s7;
	s7 =	simm.s32 @!p0 $0x108  }
0x21: {  	s3 =	sadd.s32 s3, s9;
	s6 =	sadd.s32 @!p0 $0x88, s6;
	s7 =	simm.s32 @p2 $0x1082  }
0x22: {  	[simem:s7], [sflag:s8] =	dma.local @!p0 [hbm:s6], $0xF7A  }
0x23: {  	s9 =	sor.u32 $0xD0000000, s2;
	s6 =	simm.s32 $0x108;
	_ =	swait.ge @!p0 [sflag:s8], $0x0  }
0x24: {  	s3 =	sadd.s32 $0x88, s3;
	s6 =	simm.s32 @!p1 $0x1082;
	[sflag:s4] =	ssyncset.s32 $0xFFFFF086  }
0x25: {  	[simem:s6], [sflag:s4] =	dma.local [hbm:s3], $0xF7A  }
0x26: {  	[smem:$0x3F98] =	sst s1;
	(tag) =	ssettag s2;
	_ =	strace s9  }
0x27: {  	s1 =	sld [smem:$0x3FA8]  }
0x28: {  	s2 =	sld [smem:$0x3FA9]  }
0x29: {  	s4 =	sld [smem:$0x3FAB]  }
0x2a: {  	p0 =	seq.s32 s5, $0x0;
	s5 =	sld [smem:$0x3FAC]  }
0x2b: {  	s6 =	sld [smem:$0x3FAD]  }
0x2c: {  	s7 =	sld [smem:$0x3FAE]  }
0x2d: {  	s3 =	simm.s32 $0x108;
	s8 =	sld [smem:$0x3FAF]  }
0x2e: {  	s3 =	simm.s32 @!p0 $0x1082;
	s9 =	sld [smem:$0x3FB0]  }
0x2f: {  	lr =	sadd.s32 s0, s3;
	s0 =	sld [smem:$0x3FA7]  }
0x30: {  	s3 =	sld [smem:$0x3FAA]  }
0x31: {  	[smem:$0x3FB3] =	sst s10  }
0x32: {  	s10 =	sld [smem:$0x3FB1];
	_ =	sdelay $0x3  }
0x33: {  	p0 =	seq.s32 s10, $0x1;
	s10 =	sld [smem:$0x3FB3];
	_ =	sdelay $0x3  }
0x34: {  	[smem:$0x3FB3] =	sst s10  }
0x35: {  	s10 =	sld [smem:$0x3FB2];
	_ =	sdelay $0x3  }
0x36: {  	p1 =	seq.s32 s10, $0x1;
	s10 =	sld [smem:$0x3FB3];
	_ =	sdelay $0x3  }
0x37: {  	[smem:$0x3FB3] =	sst s10  }
0x38: {  	s10 =	sld [smem:$0x3FB4]  }
0x39: {  	_ = 	snop;
	(pc) =	sbr.ind lr, $3  }
0x3a: {  	_ = 	snop  }
0x3b: {  	_ = 	snop  }
0x3c: {  	p2 =	seq.s32 s10, $0x1;
	s10 =	sld [smem:$0x3FB3]  }
0x3d: {  	_ =	shalt  }
0x3e: {  	_ =	shalt  }
0x3f: {  	_ =	shalt  }
0x40: {  	_ =	shalt  }
0x41: {  	_ =	shalt  }
0x42: {  	_ =	shalt  }
0x43: {  	_ =	shalt  }
0x44: {  	_ =	shalt  }
0x45: {  	_ =	shalt  }
0x46: {  	_ =	shalt  }
0x47: {  	_ =	shalt  }
0x48: {  	_ =	shalt  }
0x49: {  	_ =	shalt  }
0x4a: {  	_ =	shalt  }
0x4b: {  	_ =	shalt  }
0x4c: {  	_ =	shalt  }
0x4d: {  	_ =	shalt  }
0x4e: {  	_ =	shalt  }
0x4f: {  	_ =	shalt  }
0x50: {  	_ =	shalt  }
0x51: {  	_ =	shalt  }
0x52: {  	_ =	shalt  }
0x53: {  	_ =	shalt  }
0x54: {  	_ =	shalt  }
0x55: {  	_ =	shalt  }
0x56: {  	_ =	shalt  }
0x57: {  	_ =	shalt  }
0x58: {  	_ =	shalt  }
0x59: {  	_ =	shalt  }
0x5a: {  	_ =	shalt  }
0x5b: {  	_ =	shalt  }
0x5c: {  	_ =	shalt  }
0x5d: {  	_ =	shalt  }
0x5e: {  	_ =	shalt  }
0x5f: {  	_ =	shalt  }
0x60: {  	_ =	shalt  }
0x61: {  	_ =	shalt  }
0x62: {  	_ =	shalt  }
0x63: {  	_ =	shalt  }
0x64: {  	_ =	shalt  }
0x65: {  	_ =	shalt  }
0x66: {  	_ =	shalt  }
0x67: {  	_ =	shalt  }
0x68: {  	_ =	shalt  }
0x69: {  	_ =	shalt  }
0x6a: {  	_ =	shalt  }
0x6b: {  	_ =	shalt  }
0x6c: {  	_ =	shalt  }
0x6d: {  	_ =	shalt  }
0x6e: {  	_ =	shalt  }
0x6f: {  	_ =	shalt  }
0x70: {  	_ =	shalt  }
0x71: {  	_ =	shalt  }
0x72: {  	_ =	shalt  }
0x73: {  	_ =	shalt  }
0x74: {  	_ =	shalt  }
0x75: {  	_ =	shalt  }
0x76: {  	_ =	shalt  }
0x77: {  	_ =	shalt  }
0x78: {  	_ =	shalt  }
0x79: {  	_ =	shalt  }
0x7a: {  	_ =	shalt  }
0x7b: {  	_ =	shalt  }
0x7c: {  	_ =	shalt  }
0x7d: {  	_ =	shalt  }
0x7e: {  	_ =	shalt  }
0x7f: {  	_ =	shalt  }
0x80: {  	_ =	shalt  }
0x81: {  	_ =	shalt  }
0x82: {  	_ =	shalt  }
0x83: {  	_ =	shalt  }
0x84: {  	_ =	shalt  }
0x85: {  	_ =	shalt  }
0x86: {  	_ =	shalt  }
0x87: {  	_ =	shalt  }
.Lfunc_end0:
.L_simem_size_0:
called_computation.3_lowered:
.L_overlay_start_0:
0x88: {  	s2 =	sld [smem:$0x3FD9]  }
0x89: {  	s3 =	sld [smem:$0x3FFE];
	_ =	sdelay $0x1  }
0x8a: {  	s1 =	srdreg.scid  }
0x8b: {  	s0 =	sand.u32 $0x1, s1  }
0x8c: {  	s16 =	sshll.u32 s0, $0xA;
	s2 =	sadd.s32 s3, s2  }
0x8d: {  	s2 =	sadd.s32 s2, s16  }
0x8e: {  	[smem:$0x3FBF] =	sst s2  }
0x8f: {  	_ = 	snop  }
0x90: {  	(tm) =	ssettm $0x1  }
0x91: {  	s17 =	sld [smem:$0x3FFB];
	_ =	sdelay $0x3  }
0x92: {  	_ =	strace s17  }
0x93: {  	s2 =	sld [smem:$0x3FFC];
	_ =	sdelay $0x3  }
0x94: {  	_ =	strace s2  }
0x95: {  	s2 =	sld [smem:$0x3FFD];
	_ =	sdelay $0x3  }
0x96: {  	_ =	strace s2  }
0x97: {  	_ =	strace $0x8FFFFFFF  }
0x98: {  	s18 =	sld [smem:$0x3FDB];
	_ =	sdelay $0x1  }
0x99: {  	s19 =	simm.s32 $_scs_section_size  }
0x9a: {  	s4 =	simm.s32 $_size__tile_overlayer_lowered;
	s5 =	simm.s32 $_tile_overlayer_lowered  }
0x9b: {  	s22 =	simm.s32 $0x1BFF;
	s21 =	sshll.u32 s5, $0x1;
	s2 =	sadd.s32 s19, s18  }
0x9c: {  	s6 =	simm.s32 $0x0;
	s20 =	sshll.u32 s4, $0x1;
	s4 =	sadd.s32 s21, s2  }
0x9d: {  	[timem:s6], [sflag:s22] =	dma.local [hbm:s4], s20  }
0x9e: {  	_ =	swait.ge [sflag:s22], s20  }
0x9f: {  	s3 =	ssub.s32 $0x0, s20;
	[sflag:s22] =	ssyncset.done $0x0  }
0xa0: {  	[sflag:s22] =	ssyncadd.s32 s3;
	_ =	sdelay $0x1  }
0xa1: {  	s23 =	simm.s32 $0x1B8B  }
0xa2: {  	_ =	swait.ge [sflag:s23], $0x1  }
0xa3: {  	[sflag:s23] =	ssyncset.done $0x0  }
0xa4: {  	s25 =	simm.s32 $0x1B8E;
	s24 =	sld [smem:$0x3FFE];
	[sflag:s23] =	ssyncadd.s32 $0xFFFFFFFF  }
0xa5: {  	s26 =	simm.s32 $execute0_lowered;
	[smem:$0x3FD2] =	sst s25  }
0xa6: {  	s4 =	sshll.u32 s26, $0x1;
	_ =	strace $0x8000004F;
	[dreg:$0x1] =	wrdreg $0xFFFFFFFF  }
0xa7: {  	s28 =	simm.s32 $_size_execute0_lowered;
	s2 =	sadd.s32 s2, s4;
	[dreg:$0x0] =	wrdreg $0x0  }
0xa8: {  	s4 =	sshll.u32 s28, $0x1;
	[dreg:$0x2] =	wrdreg s2  }
0xa9: {  	[dreg:$0x3] =	wrdreg s4  }
0xaa: {  	[dreg:$0x4] =	wrdreg $0xC0  }
0xab: {  	_ =	task [dreg:s6], $0x5FFFF  }
0xac: {  	[dreg:$0x1] =	wrdreg $0xFFFFFFFF  }
0xad: {  	[dreg:$0x0] =	wrdreg $0x60  }
0xae: {  	[dreg:$0x2] =	wrdreg s24  }
0xaf: {  	[dreg:$0x3] =	wrdreg $0x44000  }
0xb0: {  	[dreg:$0x4] =	wrdreg $0x9  }
0xb1: {  	_ =	task.clear_ibuf [dreg:s6], $0x5FFFF;
	_ =	strace $0x9000004F  }
0xb2: {  	s29 =	simm.s32 $0x9;
	_ =	strace $0x80000051  }
0xb3: {  	_ =	swait.ge [sflag:s29], $0x1  }
0xb4: {  	[sflag:s29] =	ssyncadd.s32 $0xFFFFFFFF  }
0xb5: {  	_ =	strace $0x90000051  }
0xb6: {  	_ =	sfence  }
0xb7: {  	s30 =	sld [smem:$0x0];
	_ =	sdelay $0x2  }
0xb8: {  	s31 =	sshll.u32 s1, $0xD;
	s1 =	sshrl.u32 s1, $0x2  }
0xb9: {  	s3 =	sand.u32 $0x4000, s31;
	s1 =	sadd.s32 s1, s30  }
0xba: {  	s0 =	sor.u32 s3, s0;
	s1 =	sshll.u32 s1, $0x11  }
0xbb: {  	s0 =	sor.u32 s1, s0  }
0xbc: {  	s0 =	sadd.s32 $0x8F2B, s0  }
0xbd: {  	[sflag:s0] =	ssyncadd.remote.s32 $0x1  }
0xbe: {  	_ =	sfence.sel $0xFFFF  }
0xbf: {  	[dreg:$0x0] =	wrdreg $0xFFFFFFFF;
	(pc) =	sbr.abs _section_cstart, $3  }
0xc0: {  	[dreg:$0x1] =	wrdreg $0xFFFFFFFF  }
0xc1: {  	_ =	task.clear_ibuf [dreg:s6], $0x2FFFF;
	_ =	strace $0x9FFFFFFF  }
0xc2: {  	(tm) =	ssettm $0x7FFFFFFF  }
0xc3: {  	_ =	shalt  }
tec
execute0_lowered:
.L_overlay_start_1:
0x0: {  	(tag) =	ssettag $0x1  }
0x1: {  	s0 =	stileid.u32;
	s4 =	rddreg [dreg:$0x0]  }
0x2: {  	s1 =	srdreg.scid;
	s2 =	rddreg [dreg:$0x1]  }
0x3: {  	s3 =	simm.s32 $0x0;
	s14 =	simm.s32 $0x100;
	s15 =	simm.s32 $0x2400  }
0x4: {  	s16 =	simm.s32 $0x1;
	s17 =	simm.s32 $0x80;
	s5 =	smul.u32 $0x62000, s0  }
0x5: {  	s18 =	simm.s32 $0x200;
	s19 =	simm.s32 $0x280;
	s7 =	smul.u32 $0xC38, s0  }
0x6: {  	s20 =	simm.s32 $0x1400;
	s21 =	simm.s32 $0x3;
	s24 =	smul.u32 $0x61C00, s0  }
0x7: {  	s22 =	simm.s32 $0x2;
	s28 =	simm.s32 $0x0;
	s30 =	smul.u32 $0x18800, s0  }
0x8: {  	s6 =	sand.u32 $0x1, s1;
	[smem:$0x7FF] =	sst s3;
	s13 =	smul.u32 $0x3100, s0  }
0x9: {  	s10 =	sadd.s32 $0x8600, s4;
	s31 =	sshll.u32 s0, $0x6;
	s25 =	smul.u32 $0xC380, s6  }
0xa: {  	_ =	strace $0x80000050;
	s6 =	ssub.s32 $0x2, s6;
	s8 =	sadd.s32 s5, s4  }
0xb: {  	s26 =	sshrl.u32 s6, $0x1;
	s29 =	sshrl.u32 s24, $0x2;
	s24 =	simm.s32 $0x380  }
0xc: {  	s23 =	sadd.s32 s7, s25;
	s11 =	ssub.s32 s6, s26;
	s12 =	sadd.s32 s29, s2  }
0xd: {  	s6 =	sshrl.u32 s30, $0x3;
	s7 =	sadd.s32 $0x74DE00, s8;
	s26 =	sadd.s32 $0xC380, s25  }
0xe: {  	v0 =	vmov s25;
	s25 =	simm.s32 $0x3400;
	s5 =	sshll.u32 s23, $0x2;
	s6 =	sadd.s32 s10, s6  }
0xf: {  	s10 =	sadd.s32 s13, s10;
	s13 =	simm.s32 $0x400;
	s23 =	simm.s32 $0x300  }
0x10: {  	v1 =	vmov s26;
	s26 =	simm.s32 $0x4;
	s9 =	sadd.s32 s5, s4;
	s5 =	sor.u32 $0x1C05, s31  }
0x11: {  	s10 =	sadd.s32 $0x40, s10;
	s4 =	sadd.s32 $0x6EC200, s9;
	s8 =	sadd.s32 $0x39600, s9  }
0x12: {  	s9 =	smax.u32 s11, $0x1;
	s11 =	sshrl.u32 s12, $0x3;
	s12 =	simm.s32 $0x5  }
.LBB2_1:
0x13: {  	[spmem:s11], [sflag:s5] =	dma.local [hbm:s4], $0x30E0  }
0x14: {  	_ =	swait.ge [sflag:s12], $0x30E0  }
0x15: {  	[sflag:s12] =	ssyncset.done $0x0  }
0x16: {  	[sflag:s12] =	ssyncadd.s32 $0xFFFFCF20  }
0x17: {  	[bflag:$0x0] =	sbarrier.arrive $0xFFFF  }
0x18: {  	[tilespmem:s3], [sflag:$0x1] =	stream.linear.gather [hbm4b:s6+s3], $0x100, $0x38;
	[tilespmem:$0x1CB10] =	vst v63  }
0x19: {  	s29 =	smov.u32 s10;
	s30 =	simm.s32 $0x0  }
0x1a: {  	[tilespmem:s13], [sflag:$0x1] =	stream.linear.gather [hbm4b:s7+s3], $0x2000, $0x38;
	[tilespmem:$0x1CB10] =	vst v63  }
.LBB2_2:
0x1b: {  	s31 =	sadd.s32 $0xFFFFFFE0, s29;
	s1 =	sadd.s32 s30, s7  }
0x1c: {  	[tilespmem:s14], [sflag:$0x2] =	stream.linear.gather [hbm4b:s31+s3], $0x100, $0x38;
	[tilespmem:$0x1CB10] =	vst v63  }
0x1d: {  	s31 =	sadd.s32 $0x400, s1  }
0x1e: {  	[tilespmem:s15], [sflag:$0x2] =	stream.linear.gather [hbm4b:s31+s3], $0x2000, $0x38;
	[tilespmem:$0x1CB10] =	vst v63  }
0x1f: {  	_ =	swait.ge [sflag:s16], $0x100  }
0x20: {  	[sflag:s16] =	ssyncset.done $0x0  }
0x21: {  	[sflag:s16] =	ssyncadd.s32 $0xFFFFFF00  }
0x22: {  	_ =	swait.ge [sflag:s16], $0x2000  }
0x23: {  	[sflag:s16] =	ssyncset.done $0x0  }
0x24: {  	[sflag:s16] =	ssyncadd.s32 $0xFFFFE000  }
0x25: {  	v2 =	vld [tilespmem:$0x0]  }
0x26: {  	v3 =	vld [tilespmem:$0x10]  }
0x27: {  	v4 =	vld [tilespmem:$0x20]  }
0x28: {  	v5 =	vld [tilespmem:$0x30]  }
0x29: {  	v6 =	vld [tilespmem:$0x40]  }
0x2a: {  	v7 =	vld [tilespmem:$0x50]  }
0x2b: {  	v10 =	vld [tilespmem:$0x80]  }
0x2c: {  	v11 =	vld [tilespmem:$0x90]  }
0x2d: {  	v12 =	vld [tilespmem:$0xA0];
	vm0 =	vge.s32 v2, v0  }
0x2e: {  	v37 =	vld [tilespmem:$0xB0];
	vm1 =	vlt.s32 v2, v1;
	vm2 =	vge.s32 v3, v0;
	vm3 =	vlt.s32 v3, v1  }
0x2f: {  	v39 =	vld [tilespmem:$0xC0];
	v2 =	vsub.s32 v2, v0;
	v3 =	vsub.s32 v3, v0;
	vm15 =	vge.s32 v4, v0  }
0x30: {  	vm6 =	vlt.s32 v4, v1;
	v4 =	vsub.s32 v4, v0;
	vm8 =	vge.s32 v5, v0  }
0x31: {  	v8 =	vld [tilespmem:$0x60];
	vm9 =	vlt.s32 v5, v1;
	v5 =	vsub.s32 v5, v0;
	vm11 =	vge.s32 v6, v0  }
0x32: {  	v9 =	vld [tilespmem:$0x70];
	vm12 =	vlt.s32 v6, v1;
	vm13 =	vge.s32 v7, v0;
	v6 =	vsub.s32 v6, v0  }
0x33: {  	v38 =	vsub.s32 v10, v0;
	v40 =	vsub.s32 v11, v0;
	vm4 =	vge.s32 v12, v0  }
0x34: {  	vm5 =	vlt.s32 v12, v1;
	v43 =	vsub.s32 v37, v0;
	v45 =	vsub.s32 v39, v0  }
0x35: {  	vm0 =	vmand vm0, vm1;
	vm14 =	vmand vm2, vm3;
	vm7 =	vmand vm15, vm6  }
0x36: {  	vm10 =	vmand vm8, vm9;
	vm15 =	vge.s32 v8, v0;
	vm6 =	vlt.s32 v8, v1  }
0x37: {  	vm8 =	vlt.s32 v9, v1;
	v8 =	vsub.s32 v8, v0;
	v2 =	vnsel vm0, $0xC380, v2  }
0x38: {  	v3 =	vnsel vm14, $0xC380, v3;
	v4 =	vnsel vm7, $0xC380, v4;
	v5 =	vnsel vm10, $0xC380, v5  }
0x39: {  	vm0 =	vmand vm11, vm12;
	vm14 =	vlt.s32 v7, v1;
	v7 =	vsub.s32 v7, v0  }
0x3a: {  	v41 =	vld [tilespmem:$0xD0];
	vm7 =	vge.s32 v9, v0;
	vm10 =	vge.s32 v10, v0;
	vm11 =	vlt.s32 v10, v1;
	[tilespmem:$0x200] =	vst v2  }
0x3b: {  	vm1 =	vmand vm13, vm14;
	v6 =	vnsel vm0, $0xC380, v6;
	vm0 =	vmand vm15, vm6;
	[tilespmem:$0x210] =	vst v3  }
0x3c: {  	vm9 =	vmand vm7, vm8;
	v2 =	vsub.s32 v9, v0;
	vm12 =	vmand vm10, vm11;
	[tilespmem:$0x220] =	vst v4  }
0x3d: {  	vm13 =	vge.s32 v11, v0;
	vm14 =	vlt.s32 v11, v1;
	[tilespmem:$0x230] =	vst v5;
	vm6 =	vge.s32 v37, v0  }
0x3e: {  	v42 =	vld [tilespmem:$0xE0];
	vm7 =	vlt.s32 v37, v1;
	vm8 =	vge.s32 v39, v0;
	v7 =	vnsel vm1, $0xC380, v7;
	[tilespmem:$0x240] =	vst v6  }
0x3f: {  	v44 =	vld [tilespmem:$0xF0];
	vm10 =	vge.s32 v41, v0;
	vm11 =	vlt.s32 v41, v1;
	v3 =	vnsel vm0, $0xC380, v8;
	[tilespmem:$0x250] =	vst v7  }
0x40: {  	v2 =	vnsel vm9, $0xC380, v2;
	v4 =	vnsel vm12, $0xC380, v38;
	vm15 =	vmand vm13, vm14;
	[tilespmem:$0x260] =	vst v3  }
0x41: {  	vm0 =	vmand vm4, vm5;
	vm1 =	vmand vm6, vm7;
	vm9 =	vlt.s32 v39, v1;
	[tilespmem:$0x270] =	vst v2  }
0x42: {  	vm12 =	vmand vm10, vm11;
	v5 =	vnsel vm15, $0xC380, v40;
	v3 =	vsub.s32 v12, v0;
	[tilespmem:$0x280] =	vst v4  }
0x43: {  	vm13 =	vge.s32 v42, v0;
	vm14 =	vlt.s32 v42, v1;
	v2 =	vnsel vm0, $0xC380, v3;
	[tilespmem:$0x290] =	vst v5  }
0x44: {  	vm4 =	vge.s32 v44, v0;
	v3 =	vnsel vm1, $0xC380, v43;
	vm0 =	vmand vm8, vm9;
	[tilespmem:$0x2A0] =	vst v2  }
0x45: {  	vm5 =	vlt.s32 v44, v1;
	v2 =	vsub.s32 v41, v0;
	[tilespmem:$0x2B0] =	vst v3;
	v3 =	vnsel vm0, $0xC380, v45  }
0x46: {  	vm15 =	vmand vm13, vm14;
	v2 =	vnsel vm12, $0xC380, v2;
	[tilespmem:$0x2C0] =	vst v3;
	v3 =	vsub.s32 v42, v0  }
0x47: {  	vm6 =	vmand vm4, vm5;
	[tilespmem:$0x2D0] =	vst v2;
	v2 =	vnsel vm15, $0xC380, v3;
	v3 =	vsub.s32 v44, v0  }
0x48: {  	[tilespmem:$0x2E0] =	vst v2;
	v2 =	vnsel vm6, $0xC380, v3  }
0x49: {  	[tilespmem:$0x2F0] =	vst v2  }
0x4a: {  	[spmem:s2] =	stream.indirect.scatter.add.f32 [tilespmem:s13], [sflag:$0x3], $0x20, s18, s17, $0xb8;
	[tilespmem:$0x1CB10] =	vst v63  }
0x4b: {  	_ = 	snop  }
0x4c: {  	[spmem:s2] =	stream.indirect.scatter.add.f32 [tilespmem:s20], [sflag:$0x3], $0x20, s19, s17, $0xb8;
	[tilespmem:$0x1CB10] =	vst v63  }
0x4d: {  	_ =	swait.ge [sflag:s21], $0x1000  }
0x4e: {  	[sflag:s21] =	ssyncset.done $0x0  }
0x4f: {  	[sflag:s21] =	ssyncadd.s32 $0xFFFFF000  }
0x50: {  	_ =	swait.ge [sflag:s21], $0x1000  }
0x51: {  	p0 =	seq.s32 s30, $0x61800;
	[sflag:s21] =	ssyncset.done $0x0  }
0x52: {  	s1 =	sadd.s32 @!p0 s30, s7;
	s31 =	simm.s32 @!p0 $0x0;
	[sflag:s21] =	ssyncadd.s32 $0xFFFFF000  }
0x53: {  	[tilespmem:s31], [sflag:$0x1] =	stream.linear.gather @!p0 [hbm4b:s29+s31], $0x100, $0x38;
	[tilespmem:$0x1CB10] =	vst v63  }
0x54: {  	s0 =	simm.s32 @!p0 $0x400;
	s1 =	sadd.s32 @!p0 $0x800, s1  }
0x55: {  	[tilespmem:s0], [sflag:$0x1] =	stream.linear.gather @!p0 [hbm4b:s1+s31], $0x2000, $0x38;
	[tilespmem:$0x1CB10] =	vst v63  }
0x56: {  	_ =	swait.ge [sflag:s22], $0x100  }
0x57: {  	[sflag:s22] =	ssyncset.done $0x0  }
0x58: {  	[sflag:s22] =	ssyncadd.s32 $0xFFFFFF00  }
0x59: {  	_ =	swait.ge [sflag:s22], $0x2000  }
0x5a: {  	[sflag:s22] =	ssyncset.done $0x0  }
0x5b: {  	[sflag:s22] =	ssyncadd.s32 $0xFFFFE000  }
0x5c: {  	v2 =	vld [tilespmem:$0x100]  }
0x5d: {  	v3 =	vld [tilespmem:$0x110]  }
0x5e: {  	v46 =	vld [tilespmem:$0x120]  }
0x5f: {  	v47 =	vld [tilespmem:$0x130]  }
0x60: {  	v48 =	vld [tilespmem:$0x140]  }
0x61: {  	v49 =	vld [tilespmem:$0x150]  }
0x62: {  	v50 =	vld [tilespmem:$0x160]  }
0x63: {  	v52 =	vld [tilespmem:$0x180]  }
0x64: {  	v53 =	vld [tilespmem:$0x190];
	vm7 =	vge.s32 v2, v0  }
0x65: {  	v55 =	vld [tilespmem:$0x1B0];
	vm8 =	vlt.s32 v2, v1;
	vm9 =	vge.s32 v3, v0;
	vm10 =	vlt.s32 v3, v1  }
0x66: {  	v57 =	vld [tilespmem:$0x1C0];
	v2 =	vsub.s32 v2, v0;
	v3 =	vsub.s32 v3, v0;
	vm12 =	vge.s32 v46, v0  }
0x67: {  	vm13 =	vlt.s32 v46, v1;
	v4 =	vsub.s32 v46, v0;
	vm15 =	vge.s32 v47, v0  }
0x68: {  	vm4 =	vlt.s32 v47, v1;
	v5 =	vsub.s32 v47, v0;
	vm6 =	vge.s32 v48, v0  }
0x69: {  	v51 =	vld [tilespmem:$0x170];
	v6 =	vsub.s32 v48, v0;
	v7 =	vsub.s32 v49, v0;
	v8 =	vsub.s32 v50, v0  }
0x6a: {  	v56 =	vsub.s32 v52, v0;
	v58 =	vsub.s32 v53, v0;
	v61 =	vsub.s32 v55, v0  }
0x6b: {  	v63 =	vsub.s32 v57, v0;
	vm0 =	vmand vm7, vm8;
	vm11 =	vmand vm9, vm10  }
0x6c: {  	vm14 =	vmand vm12, vm13;
	vm5 =	vmand vm15, vm4;
	vm7 =	vlt.s32 v48, v1  }
0x6d: {  	v54 =	vld [tilespmem:$0x1A0];
	vm8 =	vge.s32 v49, v0;
	vm9 =	vlt.s32 v49, v1;
	vm10 =	vge.s32 v50, v0  }
0x6e: {  	vm12 =	vge.s32 v51, v0;
	vm13 =	vlt.s32 v51, v1;
	vm15 =	vge.s32 v52, v0  }
0x6f: {  	v2 =	vnsel vm0, $0xC380, v2;
	v3 =	vnsel vm11, $0xC380, v3;
	v4 =	vnsel vm14, $0xC380, v4  }
0x70: {  	v5 =	vnsel vm5, $0xC380, v5;
	vm0 =	vmand vm6, vm7;
	vm1 =	vmand vm8, vm9  }
0x71: {  	v59 =	vld [tilespmem:$0x1D0];
	vm11 =	vlt.s32 v50, v1;
	vm14 =	vmand vm12, vm13;
	vm6 =	vlt.s32 v52, v1;
	[tilespmem:$0x300] =	vst v2  }
0x72: {  	vm8 =	vge.s32 v53, v0;
	vm9 =	vlt.s32 v53, v1;
	vm12 =	vlt.s32 v54, v1;
	[tilespmem:$0x310] =	vst v3  }
0x73: {  	vm13 =	vge.s32 v55, v0;
	v6 =	vnsel vm0, $0xC380, v6;
	v7 =	vnsel vm1, $0xC380, v7;
	[tilespmem:$0x320] =	vst v4  }
0x74: {  	v60 =	vld [tilespmem:$0x1E0];
	vm0 =	vmand vm10, vm11;
	v2 =	vsub.s32 v51, v0;
	vm7 =	vmand vm15, vm6;
	[tilespmem:$0x330] =	vst v5  }
0x75: {  	vm10 =	vmand vm8, vm9;
	vm11 =	vge.s32 v54, v0;
	vm15 =	vge.s32 v57, v0;
	[tilespmem:$0x340] =	vst v6  }
0x76: {  	vm6 =	vlt.s32 v57, v1;
	vm8 =	vlt.s32 v59, v1;
	v3 =	vnsel vm0, $0xC380, v8;
	[tilespmem:$0x350] =	vst v7  }
0x77: {  	v62 =	vld [tilespmem:$0x1F0];
	v2 =	vnsel vm14, $0xC380, v2;
	v4 =	vnsel vm7, $0xC380, v56;
	v5 =	vnsel vm10, $0xC380, v58;
	[tilespmem:$0x360] =	vst v3  }
0x78: {  	vm0 =	vmand vm11, vm12;
	vm14 =	vlt.s32 v55, v1;
	vm7 =	vge.s32 v59, v0;
	[tilespmem:$0x370] =	vst v2  }
0x79: {  	vm10 =	vge.s32 v60, v0;
	vm11 =	vlt.s32 v60, v1;
	v3 =	vsub.s32 v54, v0;
	[tilespmem:$0x380] =	vst v4  }
0x7a: {  	vm1 =	vmand vm13, vm14;
	[tilespmem:$0x390] =	vst v5;
	vm9 =	vmand vm7, vm8;
	v2 =	vnsel vm0, $0xC380, v3  }
0x7b: {  	vm12 =	vmand vm10, vm11;
	v3 =	vnsel vm1, $0xC380, v61;
	vm0 =	vmand vm15, vm6;
	[tilespmem:$0x3A0] =	vst v2  }
0x7c: {  	vm13 =	vge.s32 v62, v0;
	v2 =	vsub.s32 v59, v0;
	v4 =	vnsel vm0, $0xC380, v63;
	[tilespmem:$0x3B0] =	vst v3  }
0x7d: {  	vm14 =	vlt.s32 v62, v1;
	v3 =	vsub.s32 v60, v0;
	v2 =	vnsel vm9, $0xC380, v2;
	[tilespmem:$0x3C0] =	vst v4  }
0x7e: {  	vm15 =	vmand vm13, vm14;
	v3 =	vnsel vm12, $0xC380, v3;
	[tilespmem:$0x3D0] =	vst v2;
	v2 =	vsub.s32 v62, v0  }
0x7f: {  	[tilespmem:$0x3E0] =	vst v3;
	v2 =	vnsel vm15, $0xC380, v2  }
0x80: {  	[tilespmem:$0x3F0] =	vst v2  }
0x81: {  	[spmem:s2] =	stream.indirect.scatter.add.f32 [tilespmem:s15], [sflag:$0x4], $0x20, s23, s17, $0xb8;
	[tilespmem:$0x1CB10] =	vst v63  }
0x82: {  	s30 =	sadd.s32 $0x800, s30  }
0x83: {  	[spmem:s2] =	stream.indirect.scatter.add.f32 [tilespmem:s25], [sflag:$0x4], $0x20, s24, s17, $0xb8;
	[tilespmem:$0x1CB10] =	vst v63  }
0x84: {  	p0 =	sne.s32 s30, $0x62000;
	_ =	swait.ge [sflag:s26], $0x1000  }
.Ltmp0:
0x85: {  	[sflag:s26] =	ssyncset.done $0x0;
	(pc) =	sbr.rel @p0 .LBB2_2-.Ltmp0, $4  }
0x86: {  	[sflag:s26] =	ssyncadd.s32 $0xFFFFF000  }
0x87: {  	_ =	swait.ge [sflag:s26], $0x1000  }
0x88: {  	[sflag:s26] =	ssyncset.done $0x0  }
0x89: {  	s29 =	sadd.s32 $0x40, s29;
	[sflag:s26] =	ssyncadd.s32 $0xFFFFF000  }
0x8a: {  	s28 =	sadd.s32 $0x1, s28  }
0x8b: {  	p0 =	sne.s32 s28, s9  }
.Ltmp1:
0x8c: {  	[bflag:$0x0] =	sbarrier.arrive $0xFFFF;
	(pc) =	sbr.rel @p0 .LBB2_1-.Ltmp1, $4  }
0x8d: {  	[hbm:s8], [sflag:s5] =	dma.local [spmem:s11], $0x30E0  }
0x8e: {  	_ =	swait.ge [sflag:s12], $0x30E0  }
0x8f: {  	[sflag:s12] =	ssyncset.done $0x0  }
0x90: {  	[sflag:s12] =	ssyncadd.s32 $0xFFFFCF20  }
0x91: {  	_ =	sfence.sel $0x180000  }
0x92: {  	[bflag:$0x0] =	sbarrier.arrive $0xFFFF  }
0x93: {  	_ =	strace $0x90000050  }
0x94: {  	s0 =	stileid.u32;
	[bflag:$0x2] =	sbarrier.arrive $0xFFFF  }
0x95: {  	p0 =	sne.s32 s0, $0x0;
	s0 =	rddreg [dreg:$0x2]  }
0x96: {  	s0 =	sadd.s32 @!p0 $0x100000, s0  }
0x97: {  	[sflag:s0] =	ssyncadd.tile.s32 @!p0 $0x1;
	_ =	shalt  }
.Lfunc_end2:
_tile_overlayer_lowered:
.L_overlay_start_2:
0x98: {  	(tag) =	ssettag $0x2  }
0x99: {  	s0 =	rddreg [dreg:$0x0];
	s2 =	stileid.u32  }
0x9a: {  	s1 =	rddreg [dreg:$0x1];
	p0 =	sne.s32 s2, $0x0  }
0x9b: {  	s3 =	rddreg [dreg:$0x2];
	[bflag:$0x3] =	sbarrier.arrive $0xFFFF;
	s2 =	simm.s32 @!p0 $0x1C05  }
0x9c: {  	[timem:s3], [sflag:s2] =	dma.local @!p0 [hbm:s0], s1  }
0x9d: {  	s0 =	simm.s32 @!p0 $0x5  }
0x9e: {  	_ =	swait.ge @!p0 [sflag:s0], s1  }
0x9f: {  	s1 =	ssub.s32 @!p0 $0x0, s1;
	[sflag:s0] =	ssyncset.done @!p0 $0x0  }
0xa0: {  	[sflag:s0] =	ssyncadd.s32 @!p0 s1  }
0xa1: {  	[bflag:$0x3] =	sbarrier.arrive $0xFFFF  }
0xa2: {  	_ =	shalt  }

// kernel: kernel.9.cloned.1.call-start
scs
__scs_entry_jumppad:
0x0: {  	(pc) =	sbr.rel $0x88, $3  }
0x1: {  	(tag) =	ssettag $0x0;
	lr =	simm.s32 $0x1  }
0x2: {  	[smem:$0x3F98] =	sst lr;
	_ =	strace $0xD0000000  }
0x3: {  	_ = 	snop  }
0x4: {  	_ = 	snop  }
0x5: {  	_ = 	snop  }
0x6: {  	_ = 	snop  }
0x7: {  	_ = 	snop  }
__scs_overlays_trampoline_lowered:
0x8: {  	[smem:$0x3FA7] =	sst s0  }
0x9: {  	[smem:$0x3FA8] =	sst s1  }
0xa: {  	[smem:$0x3FA9] =	sst s2  }
0xb: {  	[smem:$0x3FAA] =	sst s3  }
0xc: {  	[smem:$0x3FAB] =	sst s4  }
0xd: {  	[smem:$0x3FAC] =	sst s5  }
0xe: {  	[smem:$0x3FAD] =	sst s6  }
0xf: {  	[smem:$0x3FAE] =	sst s7  }
0x10: {  	[smem:$0x3FAF] =	sst s8  }
0x11: {  	[smem:$0x3FB0] =	sst s9;
	s0 =	simm.s32 @!p0 $0x0  }
0x12: {  	s1 =	sld [smem:$0x3F96];
	s0 =	simm.s32 @p0 $0x1  }
0x13: {  	[smem:$0x3FB1] =	sst s0;
	s0 =	simm.s32 @!p1 $0x0  }
0x14: {  	s2 =	sld [smem:$0x3F95];
	s0 =	simm.s32 @p1 $0x1  }
0x15: {  	[smem:$0x3FB2] =	sst s0;
	s0 =	simm.s32 @!p2 $0x0  }
0x16: {  	s3 =	sld [smem:$0x3FDB];
	s0 =	simm.s32 @p2 $0x1  }
0x17: {  	s4 =	simm.s32 $0x1BF5;
	[smem:$0x3FB4] =	sst s0  }
0x18: {  	s0 =	sld [smem:$0x3F97];
	_ =	swait.ge [sflag:s4], $0x0  }
0x19: {  	s7 =	sld [smem:$0x3F98]  }
0x1a: {  	s8 =	sadd.s32 $0xFFFFE003, lr  }
0x1b: {  	s9 =	sadd.s32 $0xFFFFFEF7, lr;
	s5 =	simm.s32 $0xFFFFFFFF;
	p2 =	slt.u32 s8, $0xFFFFF086  }
0x1c: {  	p1 =	slt.u32 s9, $0xF7A;
	s5 =	simm.s32 @!p2 $0x0  }
0x1d: {  	s5 =	simm.s32 @p1 $0x1;
	p0 =	seq.s32 s7, s2  }
0x1e: {  	s7 =	smul.u32 @!p0 $0xF7A, s2;
	p2 =	seq.s32 @!p0 s5, $0x0  }
0x1f: {  	s9 =	smul.u32 $0xF7A, s1;
	s8 =	simm.s32 @!p0 $0x1BF5;
	p2 =	por !p2, p0  }
0x20: {  	[sflag:s8] =	ssyncset.s32 @!p0 $0xFFFFF086;
	s6 =	sadd.s32 @!p0 s3, s7;
	s7 =	simm.s32 @!p0 $0x108  }
0x21: {  	s3 =	sadd.s32 s3, s9;
	s6 =	sadd.s32 @!p0 $0x88, s6;
	s7 =	simm.s32 @p2 $0x1082  }
0x22: {  	[simem:s7], [sflag:s8] =	dma.local @!p0 [hbm:s6], $0xF7A  }
0x23: {  	s9 =	sor.u32 $0xD0000000, s2;
	s6 =	simm.s32 $0x108;
	_ =	swait.ge @!p0 [sflag:s8], $0x0  }
0x24: {  	s3 =	sadd.s32 $0x88, s3;
	s6 =	simm.s32 @!p1 $0x1082;
	[sflag:s4] =	ssyncset.s32 $0xFFFFF086  }
0x25: {  	[simem:s6], [sflag:s4] =	dma.local [hbm:s3], $0xF7A  }
0x26: {  	[smem:$0x3F98] =	sst s1;
	(tag) =	ssettag s2;
	_ =	strace s9  }
0x27: {  	s1 =	sld [smem:$0x3FA8]  }
0x28: {  	s2 =	sld [smem:$0x3FA9]  }
0x29: {  	s4 =	sld [smem:$0x3FAB]  }
0x2a: {  	p0 =	seq.s32 s5, $0x0;
	s5 =	sld [smem:$0x3FAC]  }
0x2b: {  	s6 =	sld [smem:$0x3FAD]  }
0x2c: {  	s7 =	sld [smem:$0x3FAE]  }
0x2d: {  	s3 =	simm.s32 $0x108;
	s8 =	sld [smem:$0x3FAF]  }
0x2e: {  	s3 =	simm.s32 @!p0 $0x1082;
	s9 =	sld [smem:$0x3FB0]  }
0x2f: {  	lr =	sadd.s32 s0, s3;
	s0 =	sld [smem:$0x3FA7]  }
0x30: {  	s3 =	sld [smem:$0x3FAA]  }
0x31: {  	[smem:$0x3FB3] =	sst s10  }
0x32: {  	s10 =	sld [smem:$0x3FB1];
	_ =	sdelay $0x3  }
0x33: {  	p0 =	seq.s32 s10, $0x1;
	s10 =	sld [smem:$0x3FB3];
	_ =	sdelay $0x3  }
0x34: {  	[smem:$0x3FB3] =	sst s10  }
0x35: {  	s10 =	sld [smem:$0x3FB2];
	_ =	sdelay $0x3  }
0x36: {  	p1 =	seq.s32 s10, $0x1;
	s10 =	sld [smem:$0x3FB3];
	_ =	sdelay $0x3  }
0x37: {  	[smem:$0x3FB3] =	sst s10  }
0x38: {  	s10 =	sld [smem:$0x3FB4]  }
0x39: {  	_ = 	snop;
	(pc) =	sbr.ind lr, $3  }
0x3a: {  	_ = 	snop  }
0x3b: {  	_ = 	snop  }
0x3c: {  	p2 =	seq.s32 s10, $0x1;
	s10 =	sld [smem:$0x3FB3]  }
0x3d: {  	_ =	shalt  }
0x3e: {  	_ =	shalt  }
0x3f: {  	_ =	shalt  }
0x40: {  	_ =	shalt  }
0x41: {  	_ =	shalt  }
0x42: {  	_ =	shalt  }
0x43: {  	_ =	shalt  }
0x44: {  	_ =	shalt  }
0x45: {  	_ =	shalt  }
0x46: {  	_ =	shalt  }
0x47: {  	_ =	shalt  }
0x48: {  	_ =	shalt  }
0x49: {  	_ =	shalt  }
0x4a: {  	_ =	shalt  }
0x4b: {  	_ =	shalt  }
0x4c: {  	_ =	shalt  }
0x4d: {  	_ =	shalt  }
0x4e: {  	_ =	shalt  }
0x4f: {  	_ =	shalt  }
0x50: {  	_ =	shalt  }
0x51: {  	_ =	shalt  }
0x52: {  	_ =	shalt  }
0x53: {  	_ =	shalt  }
0x54: {  	_ =	shalt  }
0x55: {  	_ =	shalt  }
0x56: {  	_ =	shalt  }
0x57: {  	_ =	shalt  }
0x58: {  	_ =	shalt  }
0x59: {  	_ =	shalt  }
0x5a: {  	_ =	shalt  }
0x5b: {  	_ =	shalt  }
0x5c: {  	_ =	shalt  }
0x5d: {  	_ =	shalt  }
0x5e: {  	_ =	shalt  }
0x5f: {  	_ =	shalt  }
0x60: {  	_ =	shalt  }
0x61: {  	_ =	shalt  }
0x62: {  	_ =	shalt  }
0x63: {  	_ =	shalt  }
0x64: {  	_ =	shalt  }
0x65: {  	_ =	shalt  }
0x66: {  	_ =	shalt  }
0x67: {  	_ =	shalt  }
0x68: {  	_ =	shalt  }
0x69: {  	_ =	shalt  }
0x6a: {  	_ =	shalt  }
0x6b: {  	_ =	shalt  }
0x6c: {  	_ =	shalt  }
0x6d: {  	_ =	shalt  }
0x6e: {  	_ =	shalt  }
0x6f: {  	_ =	shalt  }
0x70: {  	_ =	shalt  }
0x71: {  	_ =	shalt  }
0x72: {  	_ =	shalt  }
0x73: {  	_ =	shalt  }
0x74: {  	_ =	shalt  }
0x75: {  	_ =	shalt  }
0x76: {  	_ =	shalt  }
0x77: {  	_ =	shalt  }
0x78: {  	_ =	shalt  }
0x79: {  	_ =	shalt  }
0x7a: {  	_ =	shalt  }
0x7b: {  	_ =	shalt  }
0x7c: {  	_ =	shalt  }
0x7d: {  	_ =	shalt  }
0x7e: {  	_ =	shalt  }
0x7f: {  	_ =	shalt  }
0x80: {  	_ =	shalt  }
0x81: {  	_ =	shalt  }
0x82: {  	_ =	shalt  }
0x83: {  	_ =	shalt  }
0x84: {  	_ =	shalt  }
0x85: {  	_ =	shalt  }
0x86: {  	_ =	shalt  }
0x87: {  	_ =	shalt  }
.Lfunc_end0:
.L_simem_size_0:
called_computation_lowered:
.L_overlay_start_0:
0x88: {  	s2 =	sld [smem:$0x3FD9]  }
0x89: {  	s3 =	sld [smem:$0x3FFE];
	_ =	sdelay $0x1  }
0x8a: {  	s1 =	srdreg.scid  }
0x8b: {  	s0 =	sand.u32 $0x1, s1  }
0x8c: {  	s16 =	sshll.u32 s0, $0xA;
	s2 =	sadd.s32 s3, s2  }
0x8d: {  	s2 =	sadd.s32 s2, s16  }
0x8e: {  	[smem:$0x3FBF] =	sst s2  }
0x8f: {  	_ = 	snop  }
0x90: {  	(tm) =	ssettm $0x1  }
0x91: {  	s17 =	sld [smem:$0x3FFB];
	_ =	sdelay $0x3  }
0x92: {  	_ =	strace s17  }
0x93: {  	s2 =	sld [smem:$0x3FFC];
	_ =	sdelay $0x3  }
0x94: {  	_ =	strace s2  }
0x95: {  	s2 =	sld [smem:$0x3FFD];
	_ =	sdelay $0x3  }
0x96: {  	_ =	strace s2  }
0x97: {  	_ =	strace $0x8FFFFFFF  }
0x98: {  	s18 =	sld [smem:$0x3FDB];
	_ =	sdelay $0x1  }
0x99: {  	s19 =	simm.s32 $_scs_section_size  }
0x9a: {  	s4 =	simm.s32 $_size__tile_overlayer_lowered;
	s5 =	simm.s32 $_tile_overlayer_lowered  }
0x9b: {  	s22 =	simm.s32 $0x1BFF;
	s21 =	sshll.u32 s5, $0x1;
	s2 =	sadd.s32 s19, s18  }
0x9c: {  	s6 =	simm.s32 $0x0;
	s20 =	sshll.u32 s4, $0x1;
	s4 =	sadd.s32 s21, s2  }
0x9d: {  	[timem:s6], [sflag:s22] =	dma.local [hbm:s4], s20  }
0x9e: {  	_ =	swait.ge [sflag:s22], s20  }
0x9f: {  	s3 =	ssub.s32 $0x0, s20;
	[sflag:s22] =	ssyncset.done $0x0  }
0xa0: {  	[sflag:s22] =	ssyncadd.s32 s3;
	_ =	sdelay $0x1  }
0xa1: {  	s23 =	simm.s32 $0x1B8B  }
0xa2: {  	_ =	swait.ge [sflag:s23], $0x1  }
0xa3: {  	[sflag:s23] =	ssyncset.done $0x0  }
0xa4: {  	s25 =	simm.s32 $0x1B8E;
	s24 =	sld [smem:$0x3FFE];
	[sflag:s23] =	ssyncadd.s32 $0xFFFFFFFF  }
0xa5: {  	s26 =	simm.s32 $execute0_lowered;
	[smem:$0x3FD2] =	sst s25  }
0xa6: {  	s4 =	sshll.u32 s26, $0x1;
	_ =	strace $0x80000046;
	[dreg:$0x1] =	wrdreg $0xFFFFFFFF  }
0xa7: {  	s28 =	simm.s32 $_size_execute0_lowered;
	s2 =	sadd.s32 s2, s4;
	[dreg:$0x0] =	wrdreg $0x0  }
0xa8: {  	s4 =	sshll.u32 s28, $0x1;
	[dreg:$0x2] =	wrdreg s2  }
0xa9: {  	[dreg:$0x3] =	wrdreg s4  }
0xaa: {  	[dreg:$0x4] =	wrdreg $0xC0  }
0xab: {  	_ =	task [dreg:s6], $0x5FFFF  }
0xac: {  	[dreg:$0x1] =	wrdreg $0xFFFFFFFF  }
0xad: {  	[dreg:$0x0] =	wrdreg $0x60  }
0xae: {  	[dreg:$0x2] =	wrdreg s24  }
0xaf: {  	[dreg:$0x3] =	wrdreg $0xA  }
0xb0: {  	_ =	task.clear_ibuf [dreg:s6], $0x4FFFF;
	_ =	strace $0x90000046  }
0xb1: {  	s29 =	simm.s32 $0xA;
	_ =	strace $0x80000048  }
0xb2: {  	_ =	swait.ge [sflag:s29], $0x1  }
0xb3: {  	[sflag:s29] =	ssyncadd.s32 $0xFFFFFFFF  }
0xb4: {  	_ =	strace $0x90000048  }
0xb5: {  	_ =	sfence  }
0xb6: {  	s30 =	sld [smem:$0x0];
	_ =	sdelay $0x2  }
0xb7: {  	s31 =	sshll.u32 s1, $0xD;
	s1 =	sshrl.u32 s1, $0x2  }
0xb8: {  	s3 =	sand.u32 $0x4000, s31;
	s1 =	sadd.s32 s1, s30  }
0xb9: {  	s0 =	sor.u32 s3, s0;
	s1 =	sshll.u32 s1, $0x11  }
0xba: {  	s0 =	sor.u32 s1, s0  }
0xbb: {  	s0 =	sadd.s32 $0x8F2B, s0  }
0xbc: {  	[sflag:s0] =	ssyncadd.remote.s32 $0x1  }
0xbd: {  	_ =	sfence.sel $0xFFFF  }
0xbe: {  	[dreg:$0x0] =	wrdreg $0xFFFFFFFF;
	(pc) =	sbr.abs _section_cstart, $3  }
0xbf: {  	[dreg:$0x1] =	wrdreg $0xFFFFFFFF  }
0xc0: {  	_ =	task.clear_ibuf [dreg:s6], $0x2FFFF;
	_ =	strace $0x9FFFFFFF  }
0xc1: {  	(tm) =	ssettm $0x7FFFFFFF  }
tec
execute0_lowered:
.L_overlay_start_1:
0x0: {  	(tag) =	ssettag $0x1  }
0x1: {  	s0 =	srdreg.scid  }
0x2: {  	s5 =	stileid.u32;
	s4 =	rddreg [dreg:$0x0]  }
0x3: {  	s2 =	simm.s32 $0x0;
	s15 =	simm.s32 $0x1800;
	s16 =	simm.s32 $0x480  }
0x4: {  	s18 =	simm.s32 $0x9800;
	s19 =	simm.s32 $0x100;
	[smem:$0x7FF] =	sst s2  }
0x5: {  	s20 =	simm.s32 $0x2800;
	_ =	strace $0x80000047;
	[dreg:$0x4] =	wrdreg s15  }
0x6: {  	s22 =	simm.s32 $0x500;
	s24 =	simm.s32 $0xA800;
	[dreg:$0x5] =	wrdreg s16  }
0x7: {  	s7 =	simm.s32 $0x2;
	s25 =	simm.s32 $0x180;
	[dreg:$0x6] =	wrdreg s18  }
0x8: {  	s8 =	simm.s32 $0x400;
	s26 =	simm.s32 $0x3800;
	[dreg:$0x7] =	wrdreg s19  }
0x9: {  	s9 =	simm.s32 $0x80;
	s29 =	simm.s32 $0x580;
	[dreg:$0x8] =	wrdreg s20  }
0xa: {  	s10 =	simm.s32 $0x800;
	s30 =	simm.s32 $0xB800;
	[dreg:$0x9] =	wrdreg s22  }
0xb: {  	s11 =	simm.s32 $0x8800;
	s31 =	simm.s32 $0x200;
	[dreg:$0xa] =	wrdreg s24  }
0xc: {  	s12 =	simm.s32 $0xC800;
	s1 =	smul.u32 $0x18800, s5;
	[dreg:$0xb] =	wrdreg s25  }
0xd: {  	s0 =	sand.u32 $0x1, s0;
	s5 =	smul.u32 $0x310000, s5;
	[dreg:$0xc] =	wrdreg s26  }
0xe: {  	s13 =	simm.s32 $0x280;
	s3 =	smul.u32 $0xC400, s0;
	[dreg:$0xd] =	wrdreg s29  }
0xf: {  	s28 =	simm.s32 $0x1;
	s6 =	smul.u32 $0x188000, s0;
	[dreg:$0xe] =	wrdreg s30  }
0x10: {  	s0 =	ssub.s32 $0x2, s0;
	[dreg:$0xf] =	wrdreg s31;
	s16 =	simm.s32 $0x5800  }
0x11: {  	s18 =	simm.s32 $0xD800;
	s19 =	simm.s32 $0x300;
	s20 =	simm.s32 $0x6800  }
0x12: {  	s22 =	simm.s32 $0xE800;
	s24 =	simm.s32 $0x7800;
	s25 =	simm.s32 $0x780  }
0x13: {  	s26 =	simm.s32 $0xF800;
	s17 =	sshrl.u32 s0, $0x1;
	s1 =	sadd.s32 s3, s1  }
0x14: {  	s15 =	simm.s32 $0x4800;
	s0 =	ssub.s32 s0, s17;
	s1 =	sshrl.u32 s1, $0x3  }
0x15: {  	s5 =	sadd.s32 s6, s5;
	s0 =	smax.u32 s0, $0x1;
	s1 =	sadd.s32 s1, s4  }
0x16: {  	s5 =	sshrl.u32 s5, $0x3;
	[dreg:$0x10] =	wrdreg s0;
	s14 =	sadd.s32 $0x39600, s1  }
0x17: {  	s5 =	sadd.s32 s5, s4;
	s1 =	sadd.s32 $0x8600, s1;
	[dreg:$0x2] =	wrdreg s14  }
0x18: {  	s3 =	sadd.s32 $0x6A600, s4;
	s21 =	sadd.s32 $0xCC200, s5;
	[dreg:$0x3] =	wrdreg s1  }
0x19: {  	s17 =	simm.s32 $0x680;
	s23 =	sadd.s32 $0x6EC200, s5;
	[dreg:$0x11] =	wrdreg s21  }
0x1a: {  	s4 =	simm.s32 $0x600;
	s5 =	simm.s32 $0x0;
	[dreg:$0x12] =	wrdreg s23  }
0x1b: {  	s1 =	simm.s32 $0x4800;
	s21 =	simm.s32 $0x700;
	s23 =	simm.s32 $0x380  }
.LBB2_1:
0x1c: {  	s14 =	rddreg [dreg:$0x3]  }
0x1d: {  	[dreg:$0x13] =	wrdreg s5;
	s5 =	sadd.s32 $0x0, s14  }
0x1e: {  	[tilespmem:s2], [sflag:$0x2] =	stream.linear.gather [hbm4b:s5+s2], $0x400, $0x38;
	[tilespmem:$0x10800] =	vst v63  }
0x1f: {  	_ =	swait.ge [sflag:s7], $0x400  }
0x20: {  	s29 =	rddreg [dreg:$0x2];
	[sflag:s7] =	ssyncset.done $0x0  }
0x21: {  	[sflag:s7] =	ssyncadd.s32 $0xFFFFFC00;
	s5 =	sadd.s32 $0x0, s29  }
0x22: {  	[tilespmem:s8], [sflag:$0x2] =	stream.linear.gather [hbm4b:s5+s2], $0x400, $0x38;
	[tilespmem:$0x10800] =	vst v63  }
0x23: {  	_ =	swait.ge [sflag:s7], $0x400  }
0x24: {  	s0 =	rddreg [dreg:$0x4]  }
0x25: {  	s6 =	rddreg [dreg:$0x6]  }
0x26: {  	[sflag:s7] =	ssyncset.done $0x0;
	s30 =	rddreg [dreg:$0x8]  }
0x27: {  	s31 =	rddreg [dreg:$0x5];
	[sflag:s7] =	ssyncadd.s32 $0xFFFFFC00  }
0x28: {  	[tilespmem:s10], [sflag:$0x1] =	stream.indirect.gather [hbm4b:s3+s9], $0x20, s2, s9, $0xb8;
	[tilespmem:$0x10800] =	vst v63  }
0x29: {  	s14 =	rddreg [dreg:$0x7]  }
0x2a: {  	[tilespmem:s11], [sflag:$0x1] =	stream.indirect.gather [hbm4b:s3+s9], $0x20, s8, s9, $0xb8;
	[tilespmem:$0x10800] =	vst v63  }
0x2b: {  	s29 =	rddreg [dreg:$0xa]  }
0x2c: {  	[tilespmem:s0], [sflag:$0x1] =	stream.indirect.gather [hbm4b:s3+s9], $0x20, s9, s9, $0xb8;
	[tilespmem:$0x10800] =	vst v63  }
0x2d: {  	s0 =	rddreg [dreg:$0xc]  }
0x2e: {  	[tilespmem:s6], [sflag:$0x1] =	stream.indirect.gather [hbm4b:s3+s9], $0x20, s31, s9, $0xb8;
	[tilespmem:$0x10800] =	vst v63  }
0x2f: {  	s31 =	rddreg [dreg:$0x9]  }
0x30: {  	[tilespmem:s30], [sflag:$0x1] =	stream.indirect.gather [hbm4b:s3+s9], $0x20, s14, s9, $0xb8;
	[tilespmem:$0x10800] =	vst v63  }
0x31: {  	s30 =	rddreg [dreg:$0xb]  }
0x32: {  	[tilespmem:s29], [sflag:$0x1] =	stream.indirect.gather [hbm4b:s3+s9], $0x20, s31, s9, $0xb8;
	[tilespmem:$0x10800] =	vst v63  }
0x33: {  	s14 =	rddreg [dreg:$0xe]  }
0x34: {  	[tilespmem:s0], [sflag:$0x1] =	stream.indirect.gather [hbm4b:s3+s9], $0x20, s30, s9, $0xb8;
	[tilespmem:$0x10800] =	vst v63  }
0x35: {  	s31 =	rddreg [dreg:$0xd]  }
0x36: {  	[tilespmem:s14], [sflag:$0x1] =	stream.indirect.gather [hbm4b:s3+s9], $0x20, s31, s9, $0xb8;
	[tilespmem:$0x10800] =	vst v63  }
0x37: {  	s29 =	rddreg [dreg:$0xf]  }
0x38: {  	[tilespmem:s1], [sflag:$0x1] =	stream.indirect.gather [hbm4b:s3+s9], $0x20, s29, s9, $0xb8;
	[tilespmem:$0x10800] =	vst v63  }
0x39: {  	_ = 	snop  }
0x3a: {  	[tilespmem:s12], [sflag:$0x1] =	stream.indirect.gather [hbm4b:s3+s9], $0x20, s4, s9, $0xb8;
	[tilespmem:$0x10800] =	vst v63  }
0x3b: {  	_ = 	snop  }
0x3c: {  	[tilespmem:s16], [sflag:$0x1] =	stream.indirect.gather [hbm4b:s3+s9], $0x20, s13, s9, $0xb8;
	[tilespmem:$0x10800] =	vst v63  }
0x3d: {  	_ = 	snop  }
0x3e: {  	[tilespmem:s18], [sflag:$0x1] =	stream.indirect.gather [hbm4b:s3+s9], $0x20, s17, s9, $0xb8;
	[tilespmem:$0x10800] =	vst v63  }
0x3f: {  	_ = 	snop  }
0x40: {  	[tilespmem:s20], [sflag:$0x1] =	stream.indirect.gather [hbm4b:s3+s9], $0x20, s19, s9, $0xb8;
	[tilespmem:$0x10800] =	vst v63  }
0x41: {  	_ = 	snop  }
0x42: {  	[tilespmem:s22], [sflag:$0x1] =	stream.indirect.gather [hbm4b:s3+s9], $0x20, s21, s9, $0xb8;
	[tilespmem:$0x10800] =	vst v63  }
0x43: {  	_ = 	snop  }
0x44: {  	[tilespmem:s24], [sflag:$0x1] =	stream.indirect.gather [hbm4b:s3+s9], $0x20, s23, s9, $0xb8;
	[tilespmem:$0x10800] =	vst v63  }
0x45: {  	_ = 	snop  }
0x46: {  	[tilespmem:s26], [sflag:$0x1] =	stream.indirect.gather [hbm4b:s3+s9], $0x20, s25, s9, $0xb8;
	[tilespmem:$0x10800] =	vst v63  }
0x47: {  	_ =	swait.ge [sflag:s28], $0x1000  }
0x48: {  	[sflag:s28] =	ssyncset.done $0x0  }
0x49: {  	[sflag:s28] =	ssyncadd.s32 $0xFFFFF000  }
0x4a: {  	_ =	swait.ge [sflag:s28], $0x1000  }
0x4b: {  	[sflag:s28] =	ssyncset.done $0x0  }
0x4c: {  	[sflag:s28] =	ssyncadd.s32 $0xFFFFF000  }
0x4d: {  	_ =	swait.ge [sflag:s28], $0x1000  }
0x4e: {  	[sflag:s28] =	ssyncset.done $0x0  }
0x4f: {  	[sflag:s28] =	ssyncadd.s32 $0xFFFFF000  }
0x50: {  	_ =	swait.ge [sflag:s28], $0x1000  }
0x51: {  	[sflag:s28] =	ssyncset.done $0x0  }
0x52: {  	[sflag:s28] =	ssyncadd.s32 $0xFFFFF000  }
0x53: {  	_ =	swait.ge [sflag:s28], $0x1000  }
0x54: {  	[sflag:s28] =	ssyncset.done $0x0  }
0x55: {  	[sflag:s28] =	ssyncadd.s32 $0xFFFFF000  }
0x56: {  	_ =	swait.ge [sflag:s28], $0x1000  }
0x57: {  	[sflag:s28] =	ssyncset.done $0x0  }
0x58: {  	[sflag:s28] =	ssyncadd.s32 $0xFFFFF000  }
0x59: {  	_ =	swait.ge [sflag:s28], $0x1000  }
0x5a: {  	[sflag:s28] =	ssyncset.done $0x0  }
0x5b: {  	[sflag:s28] =	ssyncadd.s32 $0xFFFFF000  }
0x5c: {  	_ =	swait.ge [sflag:s28], $0x1000  }
0x5d: {  	[sflag:s28] =	ssyncset.done $0x0  }
0x5e: {  	[sflag:s28] =	ssyncadd.s32 $0xFFFFF000  }
0x5f: {  	_ =	swait.ge [sflag:s28], $0x1000  }
0x60: {  	[sflag:s28] =	ssyncset.done $0x0  }
0x61: {  	[sflag:s28] =	ssyncadd.s32 $0xFFFFF000  }
0x62: {  	_ =	swait.ge [sflag:s28], $0x1000  }
0x63: {  	[sflag:s28] =	ssyncset.done $0x0  }
0x64: {  	[sflag:s28] =	ssyncadd.s32 $0xFFFFF000  }
0x65: {  	_ =	swait.ge [sflag:s28], $0x1000  }
0x66: {  	[sflag:s28] =	ssyncset.done $0x0  }
0x67: {  	[sflag:s28] =	ssyncadd.s32 $0xFFFFF000  }
0x68: {  	_ =	swait.ge [sflag:s28], $0x1000  }
0x69: {  	[sflag:s28] =	ssyncset.done $0x0  }
0x6a: {  	[sflag:s28] =	ssyncadd.s32 $0xFFFFF000  }
0x6b: {  	_ =	swait.ge [sflag:s28], $0x1000  }
0x6c: {  	[sflag:s28] =	ssyncset.done $0x0  }
0x6d: {  	[sflag:s28] =	ssyncadd.s32 $0xFFFFF000  }
0x6e: {  	_ =	swait.ge [sflag:s28], $0x1000  }
0x6f: {  	[sflag:s28] =	ssyncset.done $0x0  }
0x70: {  	[sflag:s28] =	ssyncadd.s32 $0xFFFFF000  }
0x71: {  	_ =	swait.ge [sflag:s28], $0x1000  }
0x72: {  	[sflag:s28] =	ssyncset.done $0x0  }
0x73: {  	[sflag:s28] =	ssyncadd.s32 $0xFFFFF000  }
0x74: {  	_ =	swait.ge [sflag:s28], $0x1000  }
0x75: {  	[sflag:s28] =	ssyncset.done $0x0  }
0x76: {  	s6 =	rddreg [dreg:$0x12];
	[sflag:s28] =	ssyncadd.s32 $0xFFFFF000  }
0x77: {  	[hbm4b:s6+s2] =	stream.linear.scatter [tilespmem:s10], [sflag:$0x2], $0x8000, $0x38;
	[tilespmem:$0x10800] =	vst v63  }
0x78: {  	_ =	swait.ge [sflag:s7], $0x8000  }
0x79: {  	s5 =	rddreg [dreg:$0x11]  }
0x7a: {  	s30 =	simm.s32 $0x80;
	[sflag:s7] =	ssyncset.done $0x0;
	s31 =	smov.u32 s5  }
.LBB2_2:
0x7b: {  	[sflag:s7] =	ssyncadd.s32 $0xFFFF8000  }
0x7c: {  	[hbm4b:s5+s2] =	stream.linear.scatter [tilespmem:s11], [sflag:$0x2], $0x8000, $0x38;
	[tilespmem:$0x10800] =	vst v63  }
0x7d: {  	_ =	swait.ge [sflag:s7], $0x8000  }
0x7e: {  	s4 =	smov.u32 s30;
	s0 =	rddreg [dreg:$0x3];
	[sflag:s7] =	ssyncset.done $0x0  }
0x7f: {  	[sflag:s7] =	ssyncadd.s32 $0xFFFF8000;
	s0 =	sadd.s32 s4, s0  }
0x80: {  	[tilespmem:s2], [sflag:$0x2] =	stream.linear.gather [hbm4b:s0+s2], $0x400, $0x38;
	[tilespmem:$0x10800] =	vst v63  }
0x81: {  	_ =	swait.ge [sflag:s7], $0x400  }
0x82: {  	s14 =	rddreg [dreg:$0x2];
	[sflag:s7] =	ssyncset.done $0x0  }
0x83: {  	[sflag:s7] =	ssyncadd.s32 $0xFFFFFC00;
	s0 =	sadd.s32 s4, s14  }
0x84: {  	[tilespmem:s8], [sflag:$0x2] =	stream.linear.gather [hbm4b:s0+s2], $0x400, $0x38;
	[tilespmem:$0x10800] =	vst v63  }
0x85: {  	_ =	swait.ge [sflag:s7], $0x400  }
0x86: {  	s0 =	rddreg [dreg:$0xe]  }
0x87: {  	s4 =	rddreg [dreg:$0xc]  }
0x88: {  	s1 =	rddreg [dreg:$0x4];
	[sflag:s7] =	ssyncset.done $0x0  }
0x89: {  	s29 =	rddreg [dreg:$0x6];
	[sflag:s7] =	ssyncadd.s32 $0xFFFFFC00  }
0x8a: {  	[tilespmem:s10], [sflag:$0x1] =	stream.indirect.gather [hbm4b:s3+s9], $0x20, s2, s9, $0xb8;
	[tilespmem:$0x10800] =	vst v63  }
0x8b: {  	s12 =	rddreg [dreg:$0x8]  }
0x8c: {  	[tilespmem:s11], [sflag:$0x1] =	stream.indirect.gather [hbm4b:s3+s9], $0x20, s8, s9, $0xb8;
	[tilespmem:$0x10800] =	vst v63  }
0x8d: {  	s13 =	rddreg [dreg:$0xa]  }
0x8e: {  	[tilespmem:s1], [sflag:$0x1] =	stream.indirect.gather [hbm4b:s3+s9], $0x20, s9, s9, $0xb8;
	[tilespmem:$0x10800] =	vst v63  }
0x8f: {  	s14 =	rddreg [dreg:$0x5]  }
0x90: {  	[tilespmem:s29], [sflag:$0x1] =	stream.indirect.gather [hbm4b:s3+s9], $0x20, s14, s9, $0xb8;
	[tilespmem:$0x10800] =	vst v63  }
0x91: {  	s1 =	rddreg [dreg:$0x7]  }
0x92: {  	[tilespmem:s12], [sflag:$0x1] =	stream.indirect.gather [hbm4b:s3+s9], $0x20, s1, s9, $0xb8;
	[tilespmem:$0x10800] =	vst v63  }
0x93: {  	s29 =	rddreg [dreg:$0x9]  }
0x94: {  	[tilespmem:s13], [sflag:$0x1] =	stream.indirect.gather [hbm4b:s3+s9], $0x20, s29, s9, $0xb8;
	[tilespmem:$0x10800] =	vst v63  }
0x95: {  	s12 =	rddreg [dreg:$0xb]  }
0x96: {  	[tilespmem:s4], [sflag:$0x1] =	stream.indirect.gather [hbm4b:s3+s9], $0x20, s12, s9, $0xb8;
	[tilespmem:$0x10800] =	vst v63  }
0x97: {  	s14 =	rddreg [dreg:$0xd]  }
0x98: {  	[tilespmem:s0], [sflag:$0x1] =	stream.indirect.gather [hbm4b:s3+s9], $0x20, s14, s9, $0xb8;
	[tilespmem:$0x10800] =	vst v63  }
0x99: {  	s29 =	rddreg [dreg:$0xf]  }
0x9a: {  	[tilespmem:s15], [sflag:$0x1] =	stream.indirect.gather [hbm4b:s3+s9], $0x20, s29, s9, $0xb8;
	[tilespmem:$0x10800] =	vst v63  }
0x9b: {  	s4 =	simm.s32 $0x600;
	s12 =	simm.s32 $0xC800  }
0x9c: {  	[tilespmem:s12], [sflag:$0x1] =	stream.indirect.gather [hbm4b:s3+s9], $0x20, s4, s9, $0xb8;
	[tilespmem:$0x10800] =	vst v63  }
0x9d: {  	s13 =	simm.s32 $0x280  }
0x9e: {  	[tilespmem:s16], [sflag:$0x1] =	stream.indirect.gather [hbm4b:s3+s9], $0x20, s13, s9, $0xb8;
	[tilespmem:$0x10800] =	vst v63  }
0x9f: {  	_ = 	snop  }
0xa0: {  	[tilespmem:s18], [sflag:$0x1] =	stream.indirect.gather [hbm4b:s3+s9], $0x20, s17, s9, $0xb8;
	[tilespmem:$0x10800] =	vst v63  }
0xa1: {  	_ = 	snop  }
0xa2: {  	[tilespmem:s20], [sflag:$0x1] =	stream.indirect.gather [hbm4b:s3+s9], $0x20, s19, s9, $0xb8;
	[tilespmem:$0x10800] =	vst v63  }
0xa3: {  	_ = 	snop  }
0xa4: {  	[tilespmem:s22], [sflag:$0x1] =	stream.indirect.gather [hbm4b:s3+s9], $0x20, s21, s9, $0xb8;
	[tilespmem:$0x10800] =	vst v63  }
0xa5: {  	_ = 	snop  }
0xa6: {  	[tilespmem:s24], [sflag:$0x1] =	stream.indirect.gather [hbm4b:s3+s9], $0x20, s23, s9, $0xb8;
	[tilespmem:$0x10800] =	vst v63  }
0xa7: {  	_ = 	snop  }
0xa8: {  	[tilespmem:s26], [sflag:$0x1] =	stream.indirect.gather [hbm4b:s3+s9], $0x20, s25, s9, $0xb8;
	[tilespmem:$0x10800] =	vst v63  }
0xa9: {  	_ =	swait.ge [sflag:s28], $0x1000  }
0xaa: {  	[sflag:s28] =	ssyncset.done $0x0  }
0xab: {  	[sflag:s28] =	ssyncadd.s32 $0xFFFFF000  }
0xac: {  	_ =	swait.ge [sflag:s28], $0x1000  }
0xad: {  	[sflag:s28] =	ssyncset.done $0x0  }
0xae: {  	[sflag:s28] =	ssyncadd.s32 $0xFFFFF000  }
0xaf: {  	_ =	swait.ge [sflag:s28], $0x1000  }
0xb0: {  	[sflag:s28] =	ssyncset.done $0x0  }
0xb1: {  	[sflag:s28] =	ssyncadd.s32 $0xFFFFF000  }
0xb2: {  	_ =	swait.ge [sflag:s28], $0x1000  }
0xb3: {  	[sflag:s28] =	ssyncset.done $0x0  }
0xb4: {  	[sflag:s28] =	ssyncadd.s32 $0xFFFFF000  }
0xb5: {  	_ =	swait.ge [sflag:s28], $0x1000  }
0xb6: {  	[sflag:s28] =	ssyncset.done $0x0  }
0xb7: {  	[sflag:s28] =	ssyncadd.s32 $0xFFFFF000  }
0xb8: {  	_ =	swait.ge [sflag:s28], $0x1000  }
0xb9: {  	[sflag:s28] =	ssyncset.done $0x0  }
0xba: {  	[sflag:s28] =	ssyncadd.s32 $0xFFFFF000  }
0xbb: {  	_ =	swait.ge [sflag:s28], $0x1000  }
0xbc: {  	[sflag:s28] =	ssyncset.done $0x0  }
0xbd: {  	[sflag:s28] =	ssyncadd.s32 $0xFFFFF000  }
0xbe: {  	_ =	swait.ge [sflag:s28], $0x1000  }
0xbf: {  	[sflag:s28] =	ssyncset.done $0x0  }
0xc0: {  	[sflag:s28] =	ssyncadd.s32 $0xFFFFF000  }
0xc1: {  	_ =	swait.ge [sflag:s28], $0x1000  }
0xc2: {  	[sflag:s28] =	ssyncset.done $0x0  }
0xc3: {  	[sflag:s28] =	ssyncadd.s32 $0xFFFFF000  }
0xc4: {  	_ =	swait.ge [sflag:s28], $0x1000  }
0xc5: {  	[sflag:s28] =	ssyncset.done $0x0  }
0xc6: {  	[sflag:s28] =	ssyncadd.s32 $0xFFFFF000  }
0xc7: {  	_ =	swait.ge [sflag:s28], $0x1000  }
0xc8: {  	[sflag:s28] =	ssyncset.done $0x0  }
0xc9: {  	[sflag:s28] =	ssyncadd.s32 $0xFFFFF000  }
0xca: {  	_ =	swait.ge [sflag:s28], $0x1000  }
0xcb: {  	[sflag:s28] =	ssyncset.done $0x0  }
0xcc: {  	[sflag:s28] =	ssyncadd.s32 $0xFFFFF000  }
0xcd: {  	_ =	swait.ge [sflag:s28], $0x1000  }
0xce: {  	[sflag:s28] =	ssyncset.done $0x0  }
0xcf: {  	[sflag:s28] =	ssyncadd.s32 $0xFFFFF000  }
0xd0: {  	_ =	swait.ge [sflag:s28], $0x1000  }
0xd1: {  	[sflag:s28] =	ssyncset.done $0x0  }
0xd2: {  	[sflag:s28] =	ssyncadd.s32 $0xFFFFF000  }
0xd3: {  	_ =	swait.ge [sflag:s28], $0x1000  }
0xd4: {  	[sflag:s28] =	ssyncset.done $0x0  }
0xd5: {  	[sflag:s28] =	ssyncadd.s32 $0xFFFFF000  }
0xd6: {  	p0 =	sne.s32 s30, $0x1800;
	_ =	swait.ge [sflag:s28], $0x1000  }
.Ltmp0:
0xd7: {  	[sflag:s28] =	ssyncset.done $0x0;
	(pc) =	sbr.rel @p0 .LBB2_2-.Ltmp0, $4  }
0xd8: {  	s6 =	sadd.s32 $0x1000, s6;
	[sflag:s28] =	ssyncadd.s32 $0xFFFFF000  }
0xd9: {  	[hbm4b:s6+s2] =	stream.linear.scatter [tilespmem:s10], [sflag:$0x2], $0x8000, $0x38;
	[tilespmem:$0x10800] =	vst v63  }
0xda: {  	s31 =	sadd.s32 $0x1000, s31;
	s30 =	sadd.s32 $0x80, s30;
	_ =	swait.ge [sflag:s7], $0x8000  }
0xdb: {  	s5 =	smov.u32 s31;
	s1 =	simm.s32 $0x4800;
	[sflag:s7] =	ssyncset.done $0x0  }
0xdc: {  	[sflag:s7] =	ssyncadd.s32 $0xFFFF8000  }
0xdd: {  	[hbm4b:s5+s2] =	stream.linear.scatter [tilespmem:s11], [sflag:$0x2], $0x8000, $0x38;
	[tilespmem:$0x10800] =	vst v63  }
0xde: {  	_ =	swait.ge [sflag:s7], $0x8000  }
0xdf: {  	s31 =	rddreg [dreg:$0x13]  }
0xe0: {  	s0 =	rddreg [dreg:$0x10];
	s5 =	sadd.s32 $0x1, s31  }
0xe1: {  	p0 =	sne.s32 s5, s0  }
.Ltmp1:
0xe2: {  	_ = 	snop;
	(pc) =	sbr.rel @p0 .LBB2_1-.Ltmp1, $3  }
0xe3: {  	_ =	sdelay $0x1  }
0xe4: {  	[sflag:s7] =	ssyncset.done $0x0  }
0xe5: {  	[sflag:s7] =	ssyncadd.s32 $0xFFFF8000  }
0xe6: {  	_ =	sfence.sel $0x180000  }
0xe7: {  	[bflag:$0x0] =	sbarrier.arrive $0xFFFF  }
0xe8: {  	_ =	strace $0x90000047  }
0xe9: {  	s0 =	stileid.u32;
	[bflag:$0x2] =	sbarrier.arrive $0xFFFF  }
0xea: {  	p0 =	sne.s32 s0, $0x0;
	s0 =	rddreg [dreg:$0x1]  }
0xeb: {  	s0 =	sadd.s32 @!p0 $0x100000, s0  }
0xec: {  	[sflag:s0] =	ssyncadd.tile.s32 @!p0 $0x1;
	_ =	shalt  }
.Lfunc_end2:
_tile_overlayer_lowered:
.L_overlay_start_2:
0xed: {  	(tag) =	ssettag $0x2  }
0xee: {  	s0 =	rddreg [dreg:$0x0];
	s2 =	stileid.u32  }
0xef: {  	s1 =	rddreg [dreg:$0x1];
	p0 =	sne.s32 s2, $0x0  }
0xf0: {  	s3 =	rddreg [dreg:$0x2];
	[bflag:$0x3] =	sbarrier.arrive $0xFFFF;
	s2 =	simm.s32 @!p0 $0x1C02  }
0xf1: {  	[timem:s3], [sflag:s2] =	dma.local @!p0 [hbm:s0], s1  }
0xf2: {  	s0 =	simm.s32 @!p0 $0x2  }
0xf3: {  	_ =	swait.ge @!p0 [sflag:s0], s1  }
0xf4: {  	s1 =	ssub.s32 @!p0 $0x0, s1;
	[sflag:s0] =	ssyncset.done @!p0 $0x0  }
0xf5: {  	[sflag:s0] =	ssyncadd.s32 @!p0 s1  }
0xf6: {  	[bflag:$0x3] =	sbarrier.arrive $0xFFFF  }
0xf7: {  	_ =	shalt  }

</sc_bundles>
